<compile_context>
chip_gen: v7x
topology: tpu7x:2x2x1
jax: 0.10.2.dev20260603
libtpu: 0.0.44.dev20260713+nightly
codegen_flags: <defaults>
</compile_context>

<pallas_src>
import functools

import jax
import jax.numpy as jnp
from jax import lax
from jax.experimental import pallas as pl
from jax.experimental.pallas import tpu as pltpu
from jax.experimental.pallas import tpu_sc as plsc

_IGNORE = 255
_RATIO = 0.1
_THR = 0.5
_SHAPE = (16, 512, 512)
_N = 16 * 512 * 512

_NC = 2
_NS = 16
_L = 16
_NW = _NC * _NS
_NBAND = 1024
_BPW = _NBAND // _NW
_BVEC = 8 * 512 // _L
_NSTAT = 4
_B = 1024

_SC_BATCHES = 10
_TC_BATCHES = 16 - _SC_BATCHES
_BPW_SC = _SC_BATCHES * 64 // _NW
_CPW = _BPW_SC // 2
_CVEC = 16 * 512 // _L


def _mesh():
    return plsc.VectorSubcoreMesh(
        core_axis_name="c", subcore_axis_name="s", num_cores=_NC, num_subcores=_NS
    )


@functools.lru_cache(maxsize=None)
def _build_stats_sc():
    return pl.kernel(
        _stats_body,
        mesh=_mesh(),
        out_type=jax.ShapeDtypeStruct((_NW, _NSTAT * _L), jnp.float32),
        compiler_params=pltpu.CompilerParams(use_tc_tiling_on_sc=True),
        scratch_types=[
            pltpu.VMEM((4, 8, 512), jnp.float32),
            pltpu.VMEM((4, 8, 512), jnp.int32),
            pltpu.VMEM((_NSTAT * _L,), jnp.float32),
            pltpu.SemaphoreType.DMA,
            pltpu.SemaphoreType.DMA,
            pltpu.SemaphoreType.DMA,
            pltpu.SemaphoreType.DMA,
        ],
    )


def _stats_body(loss_hbm, so_hbm, out_hbm, lbuf, obuf, stage,
                sem0, sem1, sem2, sem3):
    wid = lax.axis_index("s") * _NC + lax.axis_index("c")
    zeros = jnp.zeros((_L,), jnp.float32)
    sems = (sem0, sem1, sem2, sem3)

    def chunk_slices(u):
        band = wid * _BPW_SC + u
        b = band // 64
        r0 = (band % 64) * 8
        return b, r0

    def start(u, slot):
        b, r0 = chunk_slices(u)
        pltpu.async_copy(loss_hbm.at[b, pl.ds(r0, 8), :], lbuf.at[slot], sems[slot])
        pltpu.async_copy(so_hbm.at[b, pl.ds(r0, 8), :], obuf.at[slot], sems[slot])

    def wait(u, slot):
        b, r0 = chunk_slices(u)
        pltpu.make_async_copy(loss_hbm.at[b, pl.ds(r0, 8), :], lbuf.at[slot], sems[slot]).wait()
        pltpu.make_async_copy(so_hbm.at[b, pl.ds(r0, 8), :], obuf.at[slot], sems[slot]).wait()

    def compute(slot, accs):
        def vec_body(i, a):
            h_cnt, h_sum, hs_cnt, hs_sum = a
            r = i // 32
            c = (i % 32) * _L
            ls = lbuf[slot, r, pl.ds(c, _L)]
            so = obuf[slot, r, pl.ds(c, _L)]
            one = jnp.ones((_L,), jnp.float32)
            zero = jnp.zeros((_L,), jnp.float32)
            so_f = so.astype(jnp.float32)
            hard = ls > _THR
            hard_f = jnp.where(hard, one, zero)
            hs_f = hard_f * so_f
            return (
                h_cnt + hard_f,
                h_sum + jnp.where(hard, ls, zero),
                hs_cnt + hs_f,
                hs_sum + hs_f * ls,
            )

        return lax.fori_loop(0, _BVEC, vec_body, accs, unroll=8)

    start(0, 0)
    start(1, 1)
    start(2, 2)

    def loop_body(jj, accs):
        u0 = 4 * jj
        for s in range(4):
            u = u0 + s
            wait(u, s)

            @pl.when(u + 3 < _BPW_SC)
            def _():
                start(u + 3, (s + 3) % 4)

            accs = compute(s, accs)

        return accs

    accs = lax.fori_loop(0, _BPW_SC // 4, loop_body, (zeros,) * _NSTAT)
    for i in range(_NSTAT):
        stage[pl.ds(i * _L, _L)] = accs[i]
    pltpu.sync_copy(stage, out_hbm.at[wid])


@functools.lru_cache(maxsize=None)
def _build_valid_tc():
    return pl.pallas_call(
        _valid_tc_body,
        out_shape=jax.ShapeDtypeStruct((1, 1), jnp.float32),
        out_specs=pl.BlockSpec(memory_space=pltpu.SMEM),
    )


def _valid_tc_body(seg_ref, out_ref):
    valid = seg_ref[...] != _IGNORE
    out_ref[0, 0] = jnp.sum(jnp.where(valid, jnp.float32(1.0), jnp.float32(0.0)))


@functools.lru_cache(maxsize=None)
def _build_stats_tc():
    return pl.pallas_call(
        _stats_tc_body,
        grid=(_TC_BATCHES,),
        in_specs=[
            pl.BlockSpec((1, 512, 512), lambda i: (_SC_BATCHES + i, 0, 0)),
            pl.BlockSpec((1, 512, 512), lambda i: (_SC_BATCHES + i, 0, 0)),
        ],
        out_shape=tuple(
            jax.ShapeDtypeStruct((1, 1), jnp.float32) for _ in range(_NSTAT)
        ),
        out_specs=tuple(
            pl.BlockSpec(memory_space=pltpu.SMEM) for _ in range(_NSTAT)
        ),
    )


def _stats_tc_body(loss_ref, so_ref, hc_o, hsum_o, hsc_o, hss_o):
    @pl.when(pl.program_id(0) == 0)
    def _():
        for o in (hc_o, hsum_o, hsc_o, hss_o):
            o[0, 0] = jnp.float32(0.0)

    ls = loss_ref[0]
    so_f = so_ref[0].astype(jnp.float32)
    hard = ls > _THR
    hard_f = jnp.where(hard, jnp.float32(1.0), jnp.float32(0.0))
    hs_f = hard_f * so_f
    hc_o[0, 0] += jnp.sum(hard_f)
    hsum_o[0, 0] += jnp.sum(jnp.where(hard, ls, jnp.float32(0.0)))
    hsc_o[0, 0] += jnp.sum(hs_f)
    hss_o[0, 0] += jnp.sum(hs_f * ls)


@functools.lru_cache(maxsize=None)
def _build_hist_sc():
    return pl.kernel(
        _hist_body,
        mesh=_mesh(),
        out_type=(
            jax.ShapeDtypeStruct((_NW, 2 * _B), jnp.float32),
            jax.ShapeDtypeStruct((_NW, 2 * _B), jnp.float32),
        ),
        compiler_params=pltpu.CompilerParams(
            needs_layout_passes=False, use_tc_tiling_on_sc=True
        ),
        scratch_types=[
            pltpu.VMEM((8, 512), jnp.float32),
            pltpu.VMEM((8, 512), jnp.int32),
            pltpu.VMEM((2 * _B,), jnp.float32),
            pltpu.VMEM((2 * _B,), jnp.float32),
        ],
    )


def _hist_body(loss_hbm, so_hbm, cnt_hbm, sum_hbm, lbuf, obuf, hcnt, hsum):
    wid = lax.axis_index("s") * _NC + lax.axis_index("c")
    zeros = jnp.zeros((_L,), jnp.float32)
    ones = jnp.ones((_L,), jnp.float32)

    def zero_body(i, c):
        hcnt[pl.ds(i * _L, _L)] = zeros
        hsum[pl.ds(i * _L, _L)] = zeros
        return c

    lax.fori_loop(0, 2 * _B // _L, zero_body, 0)

    def band_body(t, carry):
        band = wid * _BPW + t
        b = band // 64
        r0 = (band % 64) * 8
        pltpu.sync_copy(loss_hbm.at[b, pl.ds(r0, 8), :], lbuf)
        pltpu.sync_copy(so_hbm.at[b, pl.ds(r0, 8), :], obuf)

        def vec_body(i, cc):
            r = i // 32
            c = (i % 32) * _L
            ls = lbuf[r, pl.ds(c, _L)]
            so = obuf[r, pl.ds(c, _L)]
            g = jnp.clip(so, 0, 1)
            bn = jnp.clip((ls * jnp.float32(_B)).astype(jnp.int32), 0, _B - 1)
            idx = bn + g * _B
            plsc.addupdate_scatter(hcnt, [idx], ones)
            plsc.addupdate_scatter(hsum, [idx], ls)
            return cc

        return lax.fori_loop(0, _BVEC, vec_body, carry)

    lax.fori_loop(0, _BPW, band_body, 0)
    pltpu.sync_copy(hcnt, cnt_hbm.at[wid])
    pltpu.sync_copy(hsum, sum_hbm.at[wid])


def _topk_sum_from_hist(cnt, sm, k):
    c = cnt[::-1]
    s = sm[::-1]
    cum = jnp.cumsum(c)
    take = jnp.clip(k.astype(jnp.float32) - (cum - c), 0.0, c)
    return jnp.sum(take * (s / jnp.maximum(c, 1.0)))


def kernel(loss, labels_seg, labels_so):
    parts = _build_stats_sc()(loss, labels_so)
    n_valid = _build_valid_tc()(labels_seg)[0, 0]
    tc_parts = _build_stats_tc()(loss, labels_so)
    p = jnp.sum(parts.reshape(_NW, _NSTAT, _L), axis=(0, 2))
    h_cnt, h_sum, hs_cnt, hs_sum = (
        p[i] + tc_parts[i][0, 0] for i in range(_NSTAT)
    )

    n_min = (n_valid * jnp.float32(_RATIO)).astype(jnp.int32)
    cnt_s = hs_cnt.astype(jnp.int32)
    cnt_l = (h_cnt - hs_cnt).astype(jnp.int32)
    sum_s = hs_sum
    sum_l = h_sum - hs_sum
    need_s = cnt_s < n_min
    need_l = cnt_l < n_min

    def _fallback(_):
        hcnt, hsum = _build_hist_sc()(loss, labels_so)
        hc = jnp.sum(hcnt.reshape(_NW, 2, _B), axis=0)
        hs = jnp.sum(hsum.reshape(_NW, 2, _B), axis=0)
        numel_s_i = jnp.sum(hc[1]).astype(jnp.int32)
        numel_l_i = jnp.int32(_N) - numel_s_i
        k_s = jnp.where(need_s, jnp.minimum(numel_s_i, n_min), cnt_s)
        k_l = jnp.where(need_l, jnp.minimum(numel_l_i, n_min), cnt_l)
        s_s = jnp.where(need_s, _topk_sum_from_hist(hc[1], hs[1], k_s), sum_s)
        s_l = jnp.where(need_l, _topk_sum_from_hist(hc[0], hs[0], k_l), sum_l)
        return s_s, s_l, k_s, k_l

    def _easy(_):
        return sum_s, sum_l, cnt_s, cnt_l

    s_s, s_l, k_s, k_l = lax.cond(need_s | need_l, _fallback, _easy, None)
    return (s_s + s_l) / (k_s + k_l).astype(jnp.float32)

# --- scband reference (transcript-rebuilt; emitter-appended) ---
"""Pipeline reference for scband-soem-33990371180800 (READ-ONLY COPY).

The authoritative reference and input builder live on the scoring server;
editing this copy changes nothing except your own understanding.
"""

import jax, jax.numpy as jnp
import numpy as np

IGNORE_LABEL = 255
RATIO = 0.1
THRESHOLD = 0.5


def setup_inputs(seed: int = 0) -> dict:
    key = jax.random.key(seed)
    k1, k2, k3 = jax.random.split(key, 3)
    loss = jax.random.uniform(k1, (16, 512, 512), dtype=jnp.float32)
    labels_seg = jax.random.randint(k2, (16, 512, 512), 0, 256, dtype=jnp.int32)
    labels_so = jax.random.randint(k3, (16, 512, 512), 0, 2, dtype=jnp.int32)
    return {"loss": loss, "labels_seg": labels_seg, "labels_so": labels_so}


def _group_hard_sum(loss_flat, mask, n_min, thr):
    # Equivalent static-shape formulation of the torch branching logic:
    # the selected elements are always the top-k of the group, with
    # k = count(>thr) if count(>thr) >= n_min else min(numel, n_min).
    N = loss_flat.shape[0]
    neg = jnp.float32(-1e30)
    vals = jnp.where(mask, loss_flat, neg)
    sorted_desc = -jnp.sort(-vals)
    numel = jnp.sum(mask).astype(jnp.int32)
    count_hard = jnp.sum(mask & (loss_flat > thr)).astype(jnp.int32)
    k = jnp.where(count_hard >= n_min, count_hard, jnp.minimum(numel, n_min))
    take = jnp.arange(N, dtype=jnp.int32) < k
    s = jnp.sum(jnp.where(take, sorted_desc, jnp.float32(0.0)))
    return s, k


def reference(loss, labels_seg, labels_so):
    loss_flat = loss.reshape(-1)
    so_flat = labels_so.reshape(-1)
    valid = (labels_seg != IGNORE_LABEL)
    n_valid = jnp.sum(valid).astype(jnp.float32)
    n_min = (n_valid * jnp.float32(RATIO)).astype(jnp.int32)  # int() truncation
    s_s, k_s = _group_hard_sum(loss_flat, so_flat == 1, n_min, jnp.float32(THRESHOLD))
    s_l, k_l = _group_hard_sum(loss_flat, so_flat == 0, n_min, jnp.float32(THRESHOLD))
    loss_hard = (s_s + s_l) / (k_s + k_l).astype(jnp.float32)
    return loss_hard

if __name__ == "__main__":
    import jax
    _d = setup_inputs()
    print(jax.jit(kernel)(*tuple(_d.values())))

</pallas_src>

<mosaic_0001>
#map = affine_map<(d0, d1) -> (0, 0, 0)>
#map1 = affine_map<(d0, d1) -> (0, 0)>
module attributes {stable_mosaic.version = 14 : i64} {
  func.func @_hist_body(%arg0: i32, %arg1: i32, %arg2: memref<16x512x512xf32, #tpu.memory_space<hbm>>, %arg3: memref<16x512x512xi32, #tpu.memory_space<hbm>>, %arg4: memref<32x2048xf32, #tpu.memory_space<hbm>>, %arg5: memref<32x2048xf32, #tpu.memory_space<hbm>>, %arg6: memref<8x512xf32, #tpu.memory_space<vmem>>, %arg7: memref<8x512xi32, #tpu.memory_space<vmem>>, %arg8: memref<2048xf32, #tpu.memory_space<vmem>>, %arg9: memref<2048xf32, #tpu.memory_space<vmem>>) attributes {dimension_semantics = [#tpu.dimension_semantics<core_parallel>, #tpu.dimension_semantics<subcore_parallel>], iteration_bounds = array<i64: 2, 16>, scalar_prefetch = 0 : i64, scratch_operands = 4 : i64, tpu.core_type = #tpu.core_type<sc_vector_subcore>, window_params = [{transform_indices = #map}, {transform_indices = #map}, {transform_indices = #map1}, {transform_indices = #map1}]} {
    %mul3A = arith.constant 2 : i32
    %mul3A_0 = arith.muli %arg1, %mul3A : i32
    %add3A = arith.addi %mul3A_0, %arg0 : i32
    %broadcast_in_dim3A = arith.constant 0.000000e+00 : f32
    %broadcast_in_dim3A_1 = vector.broadcast %broadcast_in_dim3A : f32 to vector<16xf32>
    %broadcast_in_dim3A_2 = arith.constant 1.000000e+00 : f32
    %broadcast_in_dim3A_3 = vector.broadcast %broadcast_in_dim3A_2 : f32 to vector<16xf32>
    %scan3A = arith.constant 0 : i32
    %scan3A_4 = arith.constant 0 : i32
    %scan3A_5 = arith.constant 128 : i32
    %scan3A_6 = arith.addi %scan3A_4, %scan3A_5 : i32
    %scan3A_7 = arith.constant 1 : i32
    scf.for %scan3A_15 = %scan3A_4 to %scan3A_6 step %scan3A_7  : i32 {
      %mul3A_16 = arith.constant 16 : i32
      %mul3A_17 = arith.muli %scan3A_15, %mul3A_16 : i32
      %swap3A = arith.index_cast %mul3A_17 : i32 to index
      %swap3A_18 = tpu.vector_load %arg8[%swap3A] {strides = array<i32>} : memref<2048xf32, #tpu.memory_space<vmem>>, vector<16xf32>,
      tpu.vector_store %arg8[%swap3A], %broadcast_in_dim3A_1 {strides = array<i32>} : memref<2048xf32, #tpu.memory_space<vmem>>, vector<16xf32>,
      %mul3A_19 = arith.constant 16 : i32
      %mul3A_20 = arith.muli %scan3A_15, %mul3A_19 : i32
      %swap3A_21 = arith.index_cast %mul3A_20 : i32 to index
      %swap3A_22 = tpu.vector_load %arg9[%swap3A_21] {strides = array<i32>} : memref<2048xf32, #tpu.memory_space<vmem>>, vector<16xf32>,
      tpu.vector_store %arg9[%swap3A_21], %broadcast_in_dim3A_1 {strides = array<i32>} : memref<2048xf32, #tpu.memory_space<vmem>>, vector<16xf32>,
    }
    %scan3A_8 = arith.constant 128 : i32
    %scan3A_9 = arith.constant 0 : i32
    %scan3A_10 = arith.constant 0 : i32
    %scan3A_11 = arith.constant 32 : i32
    %scan3A_12 = arith.addi %scan3A_10, %scan3A_11 : i32
    %scan3A_13 = arith.constant 1 : i32
    scf.for %scan3A_15 = %scan3A_10 to %scan3A_12 step %scan3A_13  : i32 {
      %mul3A_16 = arith.constant 32 : i32
      %mul3A_17 = arith.muli %add3A, %mul3A_16 : i32
      %add3A_18 = arith.addi %mul3A_17, %scan3A_15 : i32
      %jit3A = arith.constant 64 : i32
      %div3A = arith.divsi %add3A_18, %jit3A : i32
      %sign3A = arith.constant 0 : i32
      %sign3A_19 = arith.cmpi sgt, %add3A_18, %sign3A : i32
      %sign3A_20 = arith.extui %sign3A_19 : i1 to i32
      %sign3A_21 = arith.constant 0 : i32
      %sign3A_22 = arith.cmpi slt, %add3A_18, %sign3A_21 : i32
      %sign3A_23 = arith.extui %sign3A_22 : i1 to i32
      %sign3A_24 = arith.subi %sign3A_20, %sign3A_23 : i32
      %sign3A_25 = arith.constant 0 : i32
      %sign3A_26 = arith.cmpi sgt, %jit3A, %sign3A_25 : i32
      %sign3A_27 = arith.extui %sign3A_26 : i1 to i32
      %sign3A_28 = arith.constant 0 : i32
      %sign3A_29 = arith.cmpi slt, %jit3A, %sign3A_28 : i32
      %sign3A_30 = arith.extui %sign3A_29 : i1 to i32
      %sign3A_31 = arith.subi %sign3A_27, %sign3A_30 : i32
      %ne3A = arith.cmpi ne, %sign3A_24, %sign3A_31 : i32
      %rem3A = arith.remsi %add3A_18, %jit3A : i32
      %ne3A_32 = arith.constant 0 : i32
      %ne3A_33 = arith.cmpi ne, %rem3A, %ne3A_32 : i32
      %and3A = arith.andi %ne3A, %ne3A_33 : i1
      %sub3A = arith.constant 1 : i32
      %sub3A_34 = arith.subi %div3A, %sub3A : i32
      %select_n3A = arith.select %and3A, %sub3A_34, %div3A : i32
      %jit3A_35 = arith.constant 64 : i32
      %eq3A = arith.constant 0 : i32
      %eq3A_36 = arith.cmpi eq, %jit3A_35, %eq3A : i32
      %jit3A_37 = arith.constant 1 : i32
      %select_n3A_38 = arith.select %eq3A_36, %jit3A_37, %jit3A_35 : i32
      %rem3A_39 = arith.remsi %add3A_18, %select_n3A_38 : i32
      %ne3A_40 = arith.constant 0 : i32
      %ne3A_41 = arith.cmpi ne, %rem3A_39, %ne3A_40 : i32
      %lt3A = arith.constant 0 : i32
      %lt3A_42 = arith.cmpi slt, %rem3A_39, %lt3A : i32
      %lt3A_43 = arith.constant 0 : i32
      %lt3A_44 = arith.cmpi slt, %select_n3A_38, %lt3A_43 : i32
      %ne3A_45 = arith.xori %lt3A_42, %lt3A_44 : i1
      %and3A_46 = arith.andi %ne3A_45, %ne3A_41 : i1
      %add3A_47 = arith.addi %rem3A_39, %select_n3A_38 : i32
      %select_n3A_48 = arith.select %and3A_46, %add3A_47, %rem3A_39 : i32
      %mul3A_49 = arith.constant 8 : i32
      %mul3A_50 = arith.muli %select_n3A_48, %mul3A_49 : i32
      "tpu.region"() ({
        %run_scoped3A = tpu.sem_alloc : memref<!tpu.dma_semaphore, #tpu.memory_space<semaphore_mem>>
        %dma_start3A = arith.constant 0 : i32
        %dma_start3A_56 = tpu.memref_slice %arg2[%select_n3A, %mul3A_50, %dma_start3A] : memref<16x512x512xf32, #tpu.memory_space<hbm>> -> memref<1x8x512xf32, #tpu.memory_space<hbm>>
        %dma_start3A_57 = tpu.memref_squeeze %dma_start3A_56 : memref<1x8x512xf32, #tpu.memory_space<hbm>> -> memref<8x512xf32, #tpu.memory_space<hbm>>
        %dma_start3A_58 = arith.constant 0 : i32
        %dma_start3A_59 = tpu.memref_slice %arg2[%select_n3A, %mul3A_50, %dma_start3A_58] : memref<16x512x512xf32, #tpu.memory_space<hbm>> -> memref<1x8x512xf32, #tpu.memory_space<hbm>>
        %dma_start3A_60 = tpu.memref_squeeze %dma_start3A_59 : memref<1x8x512xf32, #tpu.memory_space<hbm>> -> memref<8x512xf32, #tpu.memory_space<hbm>>
        tpu.enqueue_dma source(%dma_start3A_60 : memref<8x512xf32, #tpu.memory_space<hbm>>) target(%arg6 : memref<8x512xf32, #tpu.memory_space<vmem>>) target_semaphore(%run_scoped3A : memref<!tpu.dma_semaphore, #tpu.memory_space<semaphore_mem>>)
        %dma_wait3A = arith.constant 0 : i32
        %dma_wait3A_61 = tpu.memref_slice %arg2[%select_n3A, %mul3A_50, %dma_wait3A] : memref<16x512x512xf32, #tpu.memory_space<hbm>> -> memref<1x8x512xf32, #tpu.memory_space<hbm>>
        %dma_wait3A_62 = tpu.memref_squeeze %dma_wait3A_61 : memref<1x8x512xf32, #tpu.memory_space<hbm>> -> memref<8x512xf32, #tpu.memory_space<hbm>>
        %dma_wait3A_63 = arith.constant 0 : i32
        %dma_wait3A_64 = tpu.memref_slice %arg2[%select_n3A, %mul3A_50, %dma_wait3A_63] : memref<16x512x512xf32, #tpu.memory_space<hbm>> -> memref<1x8x512xf32, #tpu.memory_space<hbm>>
        %dma_wait3A_65 = tpu.memref_squeeze %dma_wait3A_64 : memref<1x8x512xf32, #tpu.memory_space<hbm>> -> memref<8x512xf32, #tpu.memory_space<hbm>>
        tpu.wait_dma2 semaphore(%run_scoped3A : memref<!tpu.dma_semaphore, #tpu.memory_space<semaphore_mem>>) src(%dma_wait3A_65 : memref<8x512xf32, #tpu.memory_space<hbm>>) dst(%arg6 : memref<8x512xf32, #tpu.memory_space<vmem>>)
        tpu.yield
      }) : () -> ()
      "tpu.region"() ({
        %run_scoped3A = tpu.sem_alloc : memref<!tpu.dma_semaphore, #tpu.memory_space<semaphore_mem>>
        %dma_start3A = arith.constant 0 : i32
        %dma_start3A_56 = tpu.memref_slice %arg3[%select_n3A, %mul3A_50, %dma_start3A] : memref<16x512x512xi32, #tpu.memory_space<hbm>> -> memref<1x8x512xi32, #tpu.memory_space<hbm>>
        %dma_start3A_57 = tpu.memref_squeeze %dma_start3A_56 : memref<1x8x512xi32, #tpu.memory_space<hbm>> -> memref<8x512xi32, #tpu.memory_space<hbm>>
        %dma_start3A_58 = arith.constant 0 : i32
        %dma_start3A_59 = tpu.memref_slice %arg3[%select_n3A, %mul3A_50, %dma_start3A_58] : memref<16x512x512xi32, #tpu.memory_space<hbm>> -> memref<1x8x512xi32, #tpu.memory_space<hbm>>
        %dma_start3A_60 = tpu.memref_squeeze %dma_start3A_59 : memref<1x8x512xi32, #tpu.memory_space<hbm>> -> memref<8x512xi32, #tpu.memory_space<hbm>>
        tpu.enqueue_dma source(%dma_start3A_60 : memref<8x512xi32, #tpu.memory_space<hbm>>) target(%arg7 : memref<8x512xi32, #tpu.memory_space<vmem>>) target_semaphore(%run_scoped3A : memref<!tpu.dma_semaphore, #tpu.memory_space<semaphore_mem>>)
        %dma_wait3A = arith.constant 0 : i32
        %dma_wait3A_61 = tpu.memref_slice %arg3[%select_n3A, %mul3A_50, %dma_wait3A] : memref<16x512x512xi32, #tpu.memory_space<hbm>> -> memref<1x8x512xi32, #tpu.memory_space<hbm>>
        %dma_wait3A_62 = tpu.memref_squeeze %dma_wait3A_61 : memref<1x8x512xi32, #tpu.memory_space<hbm>> -> memref<8x512xi32, #tpu.memory_space<hbm>>
        %dma_wait3A_63 = arith.constant 0 : i32
        %dma_wait3A_64 = tpu.memref_slice %arg3[%select_n3A, %mul3A_50, %dma_wait3A_63] : memref<16x512x512xi32, #tpu.memory_space<hbm>> -> memref<1x8x512xi32, #tpu.memory_space<hbm>>
        %dma_wait3A_65 = tpu.memref_squeeze %dma_wait3A_64 : memref<1x8x512xi32, #tpu.memory_space<hbm>> -> memref<8x512xi32, #tpu.memory_space<hbm>>
        tpu.wait_dma2 semaphore(%run_scoped3A : memref<!tpu.dma_semaphore, #tpu.memory_space<semaphore_mem>>) src(%dma_wait3A_65 : memref<8x512xi32, #tpu.memory_space<hbm>>) dst(%arg7 : memref<8x512xi32, #tpu.memory_space<vmem>>)
        tpu.yield
      }) : () -> ()
      %scan3A_51 = arith.constant 0 : i32
      %scan3A_52 = arith.constant 256 : i32
      %scan3A_53 = arith.addi %scan3A_51, %scan3A_52 : i32
      %scan3A_54 = arith.constant 1 : i32
      scf.for %scan3A_56 = %scan3A_51 to %scan3A_53 step %scan3A_54  : i32 {
        %jit3A_57 = arith.constant 32 : i32
        %div3A_58 = arith.divsi %scan3A_56, %jit3A_57 : i32
        %sign3A_59 = arith.constant 0 : i32
        %sign3A_60 = arith.cmpi sgt, %scan3A_56, %sign3A_59 : i32
        %sign3A_61 = arith.extui %sign3A_60 : i1 to i32
        %sign3A_62 = arith.constant 0 : i32
        %sign3A_63 = arith.cmpi slt, %scan3A_56, %sign3A_62 : i32
        %sign3A_64 = arith.extui %sign3A_63 : i1 to i32
        %sign3A_65 = arith.subi %sign3A_61, %sign3A_64 : i32
        %sign3A_66 = arith.constant 0 : i32
        %sign3A_67 = arith.cmpi sgt, %jit3A_57, %sign3A_66 : i32
        %sign3A_68 = arith.extui %sign3A_67 : i1 to i32
        %sign3A_69 = arith.constant 0 : i32
        %sign3A_70 = arith.cmpi slt, %jit3A_57, %sign3A_69 : i32
        %sign3A_71 = arith.extui %sign3A_70 : i1 to i32
        %sign3A_72 = arith.subi %sign3A_68, %sign3A_71 : i32
        %ne3A_73 = arith.cmpi ne, %sign3A_65, %sign3A_72 : i32
        %rem3A_74 = arith.remsi %scan3A_56, %jit3A_57 : i32
        %ne3A_75 = arith.constant 0 : i32
        %ne3A_76 = arith.cmpi ne, %rem3A_74, %ne3A_75 : i32
        %and3A_77 = arith.andi %ne3A_73, %ne3A_76 : i1
        %sub3A_78 = arith.constant 1 : i32
        %sub3A_79 = arith.subi %div3A_58, %sub3A_78 : i32
        %select_n3A_80 = arith.select %and3A_77, %sub3A_79, %div3A_58 : i32
        %jit3A_81 = arith.constant 32 : i32
        %eq3A_82 = arith.constant 0 : i32
        %eq3A_83 = arith.cmpi eq, %jit3A_81, %eq3A_82 : i32
        %jit3A_84 = arith.constant 1 : i32
        %select_n3A_85 = arith.select %eq3A_83, %jit3A_84, %jit3A_81 : i32
        %rem3A_86 = arith.remsi %scan3A_56, %select_n3A_85 : i32
        %ne3A_87 = arith.constant 0 : i32
        %ne3A_88 = arith.cmpi ne, %rem3A_86, %ne3A_87 : i32
        %lt3A_89 = arith.constant 0 : i32
        %lt3A_90 = arith.cmpi slt, %rem3A_86, %lt3A_89 : i32
        %lt3A_91 = arith.constant 0 : i32
        %lt3A_92 = arith.cmpi slt, %select_n3A_85, %lt3A_91 : i32
        %ne3A_93 = arith.xori %lt3A_90, %lt3A_92 : i1
        %and3A_94 = arith.andi %ne3A_93, %ne3A_88 : i1
        %add3A_95 = arith.addi %rem3A_86, %select_n3A_85 : i32
        %select_n3A_96 = arith.select %and3A_94, %add3A_95, %rem3A_86 : i32
        %mul3A_97 = arith.constant 16 : i32
        %mul3A_98 = arith.muli %select_n3A_96, %mul3A_97 : i32
        %get3A = arith.index_cast %select_n3A_80 : i32 to index
        %get3A_99 = arith.index_cast %mul3A_98 : i32 to index
        %get3A_100 = tpu.vector_load %arg6[%get3A, %get3A_99] {strides = array<i32>} : memref<8x512xf32, #tpu.memory_space<vmem>>, vector<16xf32>,
        %get3A_101 = arith.index_cast %select_n3A_80 : i32 to index
        %get3A_102 = arith.index_cast %mul3A_98 : i32 to index
        %get3A_103 = tpu.vector_load %arg7[%get3A_101, %get3A_102] {strides = array<i32>} : memref<8x512xi32, #tpu.memory_space<vmem>>, vector<16xi32>,
        %jit3A_104 = arith.constant 0 : i32
        %jit3A_105 = arith.constant 1 : i32
        %max3A = vector.broadcast %jit3A_104 : i32 to vector<16xi32>
        %max3A_106 = arith.maxsi %max3A, %get3A_103 : vector<16xi32>
        %min3A = vector.broadcast %jit3A_105 : i32 to vector<16xi32>
        %min3A_107 = arith.minsi %min3A, %max3A_106 : vector<16xi32>
        %mul3A_108 = arith.constant 1.024000e+03 : f32
        %mul3A_109 = vector.broadcast %mul3A_108 : f32 to vector<16xf32>
        %mul3A_110 = arith.mulf %get3A_100, %mul3A_109 : vector<16xf32>
        %convert_element_type3A = arith.fptosi %mul3A_110 : vector<16xf32> to vector<16xi32>
        %jit3A_111 = arith.constant 0 : i32
        %jit3A_112 = arith.constant 1023 : i32
        %max3A_113 = vector.broadcast %jit3A_111 : i32 to vector<16xi32>
        %max3A_114 = arith.maxsi %max3A_113, %convert_element_type3A : vector<16xi32>
        %min3A_115 = vector.broadcast %jit3A_112 : i32 to vector<16xi32>
        %min3A_116 = arith.minsi %min3A_115, %max3A_114 : vector<16xi32>
        %mul3A_117 = arith.constant 1024 : i32
        %mul3A_118 = vector.broadcast %mul3A_117 : i32 to vector<16xi32>
        %mul3A_119 = arith.muli %min3A_107, %mul3A_118 : vector<16xi32>
        %add3A_120 = arith.addi %min3A_116, %mul3A_119 : vector<16xi32>
        tpu.vector_store_idx %arg8[%add3A_120], %broadcast_in_dim3A_3 {add = true} : memref<2048xf32, #tpu.memory_space<vmem>>[vector<16xi32>], vector<16xf32>,
        tpu.vector_store_idx %arg9[%add3A_120], %get3A_100 {add = true} : memref<2048xf32, #tpu.memory_space<vmem>>[vector<16xi32>], vector<16xf32>,
      }
      %scan3A_55 = arith.constant 256 : i32
    }
    %scan3A_14 = arith.constant 32 : i32
    "tpu.region"() ({
      %run_scoped3A = tpu.sem_alloc : memref<!tpu.dma_semaphore, #tpu.memory_space<semaphore_mem>>
      %dma_start3A = arith.constant 0 : i32
      %dma_start3A_15 = tpu.memref_slice %arg4[%add3A, %dma_start3A] : memref<32x2048xf32, #tpu.memory_space<hbm>> -> memref<1x2048xf32, #tpu.memory_space<hbm>>
      %dma_start3A_16 = tpu.memref_squeeze %dma_start3A_15 : memref<1x2048xf32, #tpu.memory_space<hbm>> -> memref<2048xf32, #tpu.memory_space<hbm>>
      %dma_start3A_17 = arith.constant 0 : i32
      %dma_start3A_18 = tpu.memref_slice %arg4[%add3A, %dma_start3A_17] : memref<32x2048xf32, #tpu.memory_space<hbm>> -> memref<1x2048xf32, #tpu.memory_space<hbm>>
      %dma_start3A_19 = tpu.memref_squeeze %dma_start3A_18 : memref<1x2048xf32, #tpu.memory_space<hbm>> -> memref<2048xf32, #tpu.memory_space<hbm>>
      tpu.enqueue_dma source(%arg8 : memref<2048xf32, #tpu.memory_space<vmem>>) target(%dma_start3A_19 : memref<2048xf32, #tpu.memory_space<hbm>>) target_semaphore(%run_scoped3A : memref<!tpu.dma_semaphore, #tpu.memory_space<semaphore_mem>>)
      %dma_wait3A = arith.constant 0 : i32
      %dma_wait3A_20 = tpu.memref_slice %arg4[%add3A, %dma_wait3A] : memref<32x2048xf32, #tpu.memory_space<hbm>> -> memref<1x2048xf32, #tpu.memory_space<hbm>>
      %dma_wait3A_21 = tpu.memref_squeeze %dma_wait3A_20 : memref<1x2048xf32, #tpu.memory_space<hbm>> -> memref<2048xf32, #tpu.memory_space<hbm>>
      %dma_wait3A_22 = arith.constant 0 : i32
      %dma_wait3A_23 = tpu.memref_slice %arg4[%add3A, %dma_wait3A_22] : memref<32x2048xf32, #tpu.memory_space<hbm>> -> memref<1x2048xf32, #tpu.memory_space<hbm>>
      %dma_wait3A_24 = tpu.memref_squeeze %dma_wait3A_23 : memref<1x2048xf32, #tpu.memory_space<hbm>> -> memref<2048xf32, #tpu.memory_space<hbm>>
      tpu.wait_dma2 semaphore(%run_scoped3A : memref<!tpu.dma_semaphore, #tpu.memory_space<semaphore_mem>>) src(%arg8 : memref<2048xf32, #tpu.memory_space<vmem>>) dst(%dma_wait3A_24 : memref<2048xf32, #tpu.memory_space<hbm>>)
      tpu.yield
    }) : () -> ()
    "tpu.region"() ({
      %run_scoped3A = tpu.sem_alloc : memref<!tpu.dma_semaphore, #tpu.memory_space<semaphore_mem>>
      %dma_start3A = arith.constant 0 : i32
      %dma_start3A_15 = tpu.memref_slice %arg5[%add3A, %dma_start3A] : memref<32x2048xf32, #tpu.memory_space<hbm>> -> memref<1x2048xf32, #tpu.memory_space<hbm>>
      %dma_start3A_16 = tpu.memref_squeeze %dma_start3A_15 : memref<1x2048xf32, #tpu.memory_space<hbm>> -> memref<2048xf32, #tpu.memory_space<hbm>>
      %dma_start3A_17 = arith.constant 0 : i32
      %dma_start3A_18 = tpu.memref_slice %arg5[%add3A, %dma_start3A_17] : memref<32x2048xf32, #tpu.memory_space<hbm>> -> memref<1x2048xf32, #tpu.memory_space<hbm>>
      %dma_start3A_19 = tpu.memref_squeeze %dma_start3A_18 : memref<1x2048xf32, #tpu.memory_space<hbm>> -> memref<2048xf32, #tpu.memory_space<hbm>>
      tpu.enqueue_dma source(%arg9 : memref<2048xf32, #tpu.memory_space<vmem>>) target(%dma_start3A_19 : memref<2048xf32, #tpu.memory_space<hbm>>) target_semaphore(%run_scoped3A : memref<!tpu.dma_semaphore, #tpu.memory_space<semaphore_mem>>)
      %dma_wait3A = arith.constant 0 : i32
      %dma_wait3A_20 = tpu.memref_slice %arg5[%add3A, %dma_wait3A] : memref<32x2048xf32, #tpu.memory_space<hbm>> -> memref<1x2048xf32, #tpu.memory_space<hbm>>
      %dma_wait3A_21 = tpu.memref_squeeze %dma_wait3A_20 : memref<1x2048xf32, #tpu.memory_space<hbm>> -> memref<2048xf32, #tpu.memory_space<hbm>>
      %dma_wait3A_22 = arith.constant 0 : i32
      %dma_wait3A_23 = tpu.memref_slice %arg5[%add3A, %dma_wait3A_22] : memref<32x2048xf32, #tpu.memory_space<hbm>> -> memref<1x2048xf32, #tpu.memory_space<hbm>>
      %dma_wait3A_24 = tpu.memref_squeeze %dma_wait3A_23 : memref<1x2048xf32, #tpu.memory_space<hbm>> -> memref<2048xf32, #tpu.memory_space<hbm>>
      tpu.wait_dma2 semaphore(%run_scoped3A : memref<!tpu.dma_semaphore, #tpu.memory_space<semaphore_mem>>) src(%arg9 : memref<2048xf32, #tpu.memory_space<vmem>>) dst(%dma_wait3A_24 : memref<2048xf32, #tpu.memory_space<hbm>>)
      tpu.yield
    }) : () -> ()
    return
  }
}

#map = affine_map<(d0, d1) -> (0, 0, 0)>
#map1 = affine_map<(d0, d1) -> (0, 0)>
module attributes {stable_mosaic.version = 14 : i64} {
  func.func @_stats_body(%arg0: i32, %arg1: i32, %arg2: memref<16x512x512xf32, #tpu.memory_space<hbm>>, %arg3: memref<16x512x512xi32, #tpu.memory_space<hbm>>, %arg4: memref<32x64xf32, #tpu.memory_space<hbm>>, %arg5: memref<4x8x512xf32, #tpu.memory_space<vmem>>, %arg6: memref<4x8x512xi32, #tpu.memory_space<vmem>>, %arg7: memref<64xf32, #tpu.memory_space<vmem>>, %arg8: memref<!tpu.dma_semaphore, #tpu.memory_space<semaphore_mem>>, %arg9: memref<!tpu.dma_semaphore, #tpu.memory_space<semaphore_mem>>, %arg10: memref<!tpu.dma_semaphore, #tpu.memory_space<semaphore_mem>>, %arg11: memref<!tpu.dma_semaphore, #tpu.memory_space<semaphore_mem>>) attributes {dimension_semantics = [#tpu.dimension_semantics<core_parallel>, #tpu.dimension_semantics<subcore_parallel>], iteration_bounds = array<i64: 2, 16>, scalar_prefetch = 0 : i64, scratch_operands = 7 : i64, tpu.core_type = #tpu.core_type<sc_vector_subcore>, window_params = [{transform_indices = #map}, {transform_indices = #map}, {transform_indices = #map1}]} {
    %mul3A = arith.constant 2 : i32
    %mul3A_0 = arith.muli %arg1, %mul3A : i32
    %add3A = arith.addi %mul3A_0, %arg0 : i32
    %broadcast_in_dim3A = arith.constant 0.000000e+00 : f32
    %broadcast_in_dim3A_1 = vector.broadcast %broadcast_in_dim3A : f32 to vector<16xf32>
    %mul3A_2 = arith.constant 20 : i32
    %mul3A_3 = arith.muli %add3A, %mul3A_2 : i32
    %add3A_4 = arith.constant 0 : i32
    %add3A_5 = arith.addi %mul3A_3, %add3A_4 : i32
    %jit3A = arith.constant 64 : i32
    %div3A = arith.divsi %add3A_5, %jit3A : i32
    %sign3A = arith.constant 0 : i32
    %sign3A_6 = arith.cmpi sgt, %add3A_5, %sign3A : i32
    %sign3A_7 = arith.extui %sign3A_6 : i1 to i32
    %sign3A_8 = arith.constant 0 : i32
    %sign3A_9 = arith.cmpi slt, %add3A_5, %sign3A_8 : i32
    %sign3A_10 = arith.extui %sign3A_9 : i1 to i32
    %sign3A_11 = arith.subi %sign3A_7, %sign3A_10 : i32
    %sign3A_12 = arith.constant 0 : i32
    %sign3A_13 = arith.cmpi sgt, %jit3A, %sign3A_12 : i32
    %sign3A_14 = arith.extui %sign3A_13 : i1 to i32
    %sign3A_15 = arith.constant 0 : i32
    %sign3A_16 = arith.cmpi slt, %jit3A, %sign3A_15 : i32
    %sign3A_17 = arith.extui %sign3A_16 : i1 to i32
    %sign3A_18 = arith.subi %sign3A_14, %sign3A_17 : i32
    %ne3A = arith.cmpi ne, %sign3A_11, %sign3A_18 : i32
    %rem3A = arith.remsi %add3A_5, %jit3A : i32
    %ne3A_19 = arith.constant 0 : i32
    %ne3A_20 = arith.cmpi ne, %rem3A, %ne3A_19 : i32
    %and3A = arith.andi %ne3A, %ne3A_20 : i1
    %sub3A = arith.constant 1 : i32
    %sub3A_21 = arith.subi %div3A, %sub3A : i32
    %select_n3A = arith.select %and3A, %sub3A_21, %div3A : i32
    %jit3A_22 = arith.constant 64 : i32
    %eq3A = arith.constant 0 : i32
    %eq3A_23 = arith.cmpi eq, %jit3A_22, %eq3A : i32
    %jit3A_24 = arith.constant 1 : i32
    %select_n3A_25 = arith.select %eq3A_23, %jit3A_24, %jit3A_22 : i32
    %rem3A_26 = arith.remsi %add3A_5, %select_n3A_25 : i32
    %ne3A_27 = arith.constant 0 : i32
    %ne3A_28 = arith.cmpi ne, %rem3A_26, %ne3A_27 : i32
    %lt3A = arith.constant 0 : i32
    %lt3A_29 = arith.cmpi slt, %rem3A_26, %lt3A : i32
    %lt3A_30 = arith.constant 0 : i32
    %lt3A_31 = arith.cmpi slt, %select_n3A_25, %lt3A_30 : i32
    %ne3A_32 = arith.xori %lt3A_29, %lt3A_31 : i1
    %and3A_33 = arith.andi %ne3A_32, %ne3A_28 : i1
    %add3A_34 = arith.addi %rem3A_26, %select_n3A_25 : i32
    %select_n3A_35 = arith.select %and3A_33, %add3A_34, %rem3A_26 : i32
    %mul3A_36 = arith.constant 8 : i32
    %mul3A_37 = arith.muli %select_n3A_35, %mul3A_36 : i32
    %dma_start3A = arith.constant 0 : i32
    %dma_start3A_38 = arith.constant 0 : i32
    %dma_start3A_39 = arith.constant 0 : i32
    %dma_start3A_40 = tpu.memref_slice %arg5[%dma_start3A, %dma_start3A_38, %dma_start3A_39] : memref<4x8x512xf32, #tpu.memory_space<vmem>> -> memref<1x8x512xf32, #tpu.memory_space<vmem>>
    %dma_start3A_41 = tpu.memref_squeeze %dma_start3A_40 : memref<1x8x512xf32, #tpu.memory_space<vmem>> -> memref<8x512xf32, #tpu.memory_space<vmem>>
    %dma_start3A_42 = arith.constant 0 : i32
    %dma_start3A_43 = tpu.memref_slice %arg2[%select_n3A, %mul3A_37, %dma_start3A_42] : memref<16x512x512xf32, #tpu.memory_space<hbm>> -> memref<1x8x512xf32, #tpu.memory_space<hbm>>
    %dma_start3A_44 = tpu.memref_squeeze %dma_start3A_43 : memref<1x8x512xf32, #tpu.memory_space<hbm>> -> memref<8x512xf32, #tpu.memory_space<hbm>>
    %dma_start3A_45 = arith.constant 0 : i32
    %dma_start3A_46 = arith.constant 0 : i32
    %dma_start3A_47 = tpu.memref_slice %arg5[%dma_start3A, %dma_start3A_45, %dma_start3A_46] : memref<4x8x512xf32, #tpu.memory_space<vmem>> -> memref<1x8x512xf32, #tpu.memory_space<vmem>>
    %dma_start3A_48 = tpu.memref_squeeze %dma_start3A_47 : memref<1x8x512xf32, #tpu.memory_space<vmem>> -> memref<8x512xf32, #tpu.memory_space<vmem>>
    %dma_start3A_49 = arith.constant 0 : i32
    %dma_start3A_50 = tpu.memref_slice %arg2[%select_n3A, %mul3A_37, %dma_start3A_49] : memref<16x512x512xf32, #tpu.memory_space<hbm>> -> memref<1x8x512xf32, #tpu.memory_space<hbm>>
    %dma_start3A_51 = tpu.memref_squeeze %dma_start3A_50 : memref<1x8x512xf32, #tpu.memory_space<hbm>> -> memref<8x512xf32, #tpu.memory_space<hbm>>
    tpu.enqueue_dma source(%dma_start3A_51 : memref<8x512xf32, #tpu.memory_space<hbm>>) target(%dma_start3A_48 : memref<8x512xf32, #tpu.memory_space<vmem>>) target_semaphore(%arg8 : memref<!tpu.dma_semaphore, #tpu.memory_space<semaphore_mem>>)
    %dma_start3A_52 = arith.constant 0 : i32
    %dma_start3A_53 = arith.constant 0 : i32
    %dma_start3A_54 = arith.constant 0 : i32
    %dma_start3A_55 = tpu.memref_slice %arg6[%dma_start3A_52, %dma_start3A_53, %dma_start3A_54] : memref<4x8x512xi32, #tpu.memory_space<vmem>> -> memref<1x8x512xi32, #tpu.memory_space<vmem>>
    %dma_start3A_56 = tpu.memref_squeeze %dma_start3A_55 : memref<1x8x512xi32, #tpu.memory_space<vmem>> -> memref<8x512xi32, #tpu.memory_space<vmem>>
    %dma_start3A_57 = arith.constant 0 : i32
    %dma_start3A_58 = tpu.memref_slice %arg3[%select_n3A, %mul3A_37, %dma_start3A_57] : memref<16x512x512xi32, #tpu.memory_space<hbm>> -> memref<1x8x512xi32, #tpu.memory_space<hbm>>
    %dma_start3A_59 = tpu.memref_squeeze %dma_start3A_58 : memref<1x8x512xi32, #tpu.memory_space<hbm>> -> memref<8x512xi32, #tpu.memory_space<hbm>>
    %dma_start3A_60 = arith.constant 0 : i32
    %dma_start3A_61 = arith.constant 0 : i32
    %dma_start3A_62 = tpu.memref_slice %arg6[%dma_start3A_52, %dma_start3A_60, %dma_start3A_61] : memref<4x8x512xi32, #tpu.memory_space<vmem>> -> memref<1x8x512xi32, #tpu.memory_space<vmem>>
    %dma_start3A_63 = tpu.memref_squeeze %dma_start3A_62 : memref<1x8x512xi32, #tpu.memory_space<vmem>> -> memref<8x512xi32, #tpu.memory_space<vmem>>
    %dma_start3A_64 = arith.constant 0 : i32
    %dma_start3A_65 = tpu.memref_slice %arg3[%select_n3A, %mul3A_37, %dma_start3A_64] : memref<16x512x512xi32, #tpu.memory_space<hbm>> -> memref<1x8x512xi32, #tpu.memory_space<hbm>>
    %dma_start3A_66 = tpu.memref_squeeze %dma_start3A_65 : memref<1x8x512xi32, #tpu.memory_space<hbm>> -> memref<8x512xi32, #tpu.memory_space<hbm>>
    tpu.enqueue_dma source(%dma_start3A_66 : memref<8x512xi32, #tpu.memory_space<hbm>>) target(%dma_start3A_63 : memref<8x512xi32, #tpu.memory_space<vmem>>) target_semaphore(%arg8 : memref<!tpu.dma_semaphore, #tpu.memory_space<semaphore_mem>>)
    %mul3A_67 = arith.constant 20 : i32
    %mul3A_68 = arith.muli %add3A, %mul3A_67 : i32
    %add3A_69 = arith.constant 1 : i32
    %add3A_70 = arith.addi %mul3A_68, %add3A_69 : i32
    %jit3A_71 = arith.constant 64 : i32
    %div3A_72 = arith.divsi %add3A_70, %jit3A_71 : i32
    %sign3A_73 = arith.constant 0 : i32
    %sign3A_74 = arith.cmpi sgt, %add3A_70, %sign3A_73 : i32
    %sign3A_75 = arith.extui %sign3A_74 : i1 to i32
    %sign3A_76 = arith.constant 0 : i32
    %sign3A_77 = arith.cmpi slt, %add3A_70, %sign3A_76 : i32
    %sign3A_78 = arith.extui %sign3A_77 : i1 to i32
    %sign3A_79 = arith.subi %sign3A_75, %sign3A_78 : i32
    %sign3A_80 = arith.constant 0 : i32
    %sign3A_81 = arith.cmpi sgt, %jit3A_71, %sign3A_80 : i32
    %sign3A_82 = arith.extui %sign3A_81 : i1 to i32
    %sign3A_83 = arith.constant 0 : i32
    %sign3A_84 = arith.cmpi slt, %jit3A_71, %sign3A_83 : i32
    %sign3A_85 = arith.extui %sign3A_84 : i1 to i32
    %sign3A_86 = arith.subi %sign3A_82, %sign3A_85 : i32
    %ne3A_87 = arith.cmpi ne, %sign3A_79, %sign3A_86 : i32
    %rem3A_88 = arith.remsi %add3A_70, %jit3A_71 : i32
    %ne3A_89 = arith.constant 0 : i32
    %ne3A_90 = arith.cmpi ne, %rem3A_88, %ne3A_89 : i32
    %and3A_91 = arith.andi %ne3A_87, %ne3A_90 : i1
    %sub3A_92 = arith.constant 1 : i32
    %sub3A_93 = arith.subi %div3A_72, %sub3A_92 : i32
    %select_n3A_94 = arith.select %and3A_91, %sub3A_93, %div3A_72 : i32
    %jit3A_95 = arith.constant 64 : i32
    %eq3A_96 = arith.constant 0 : i32
    %eq3A_97 = arith.cmpi eq, %jit3A_95, %eq3A_96 : i32
    %jit3A_98 = arith.constant 1 : i32
    %select_n3A_99 = arith.select %eq3A_97, %jit3A_98, %jit3A_95 : i32
    %rem3A_100 = arith.remsi %add3A_70, %select_n3A_99 : i32
    %ne3A_101 = arith.constant 0 : i32
    %ne3A_102 = arith.cmpi ne, %rem3A_100, %ne3A_101 : i32
    %lt3A_103 = arith.constant 0 : i32
    %lt3A_104 = arith.cmpi slt, %rem3A_100, %lt3A_103 : i32
    %lt3A_105 = arith.constant 0 : i32
    %lt3A_106 = arith.cmpi slt, %select_n3A_99, %lt3A_105 : i32
    %ne3A_107 = arith.xori %lt3A_104, %lt3A_106 : i1
    %and3A_108 = arith.andi %ne3A_107, %ne3A_102 : i1
    %add3A_109 = arith.addi %rem3A_100, %select_n3A_99 : i32
    %select_n3A_110 = arith.select %and3A_108, %add3A_109, %rem3A_100 : i32
    %mul3A_111 = arith.constant 8 : i32
    %mul3A_112 = arith.muli %select_n3A_110, %mul3A_111 : i32
    %dma_start3A_113 = arith.constant 1 : i32
    %dma_start3A_114 = arith.constant 0 : i32
    %dma_start3A_115 = arith.constant 0 : i32
    %dma_start3A_116 = tpu.memref_slice %arg5[%dma_start3A_113, %dma_start3A_114, %dma_start3A_115] : memref<4x8x512xf32, #tpu.memory_space<vmem>> -> memref<1x8x512xf32, #tpu.memory_space<vmem>>
    %dma_start3A_117 = tpu.memref_squeeze %dma_start3A_116 : memref<1x8x512xf32, #tpu.memory_space<vmem>> -> memref<8x512xf32, #tpu.memory_space<vmem>>
    %dma_start3A_118 = arith.constant 0 : i32
    %dma_start3A_119 = tpu.memref_slice %arg2[%select_n3A_94, %mul3A_112, %dma_start3A_118] : memref<16x512x512xf32, #tpu.memory_space<hbm>> -> memref<1x8x512xf32, #tpu.memory_space<hbm>>
    %dma_start3A_120 = tpu.memref_squeeze %dma_start3A_119 : memref<1x8x512xf32, #tpu.memory_space<hbm>> -> memref<8x512xf32, #tpu.memory_space<hbm>>
    %dma_start3A_121 = arith.constant 0 : i32
    %dma_start3A_122 = arith.constant 0 : i32
    %dma_start3A_123 = tpu.memref_slice %arg5[%dma_start3A_113, %dma_start3A_121, %dma_start3A_122] : memref<4x8x512xf32, #tpu.memory_space<vmem>> -> memref<1x8x512xf32, #tpu.memory_space<vmem>>
    %dma_start3A_124 = tpu.memref_squeeze %dma_start3A_123 : memref<1x8x512xf32, #tpu.memory_space<vmem>> -> memref<8x512xf32, #tpu.memory_space<vmem>>
    %dma_start3A_125 = arith.constant 0 : i32
    %dma_start3A_126 = tpu.memref_slice %arg2[%select_n3A_94, %mul3A_112, %dma_start3A_125] : memref<16x512x512xf32, #tpu.memory_space<hbm>> -> memref<1x8x512xf32, #tpu.memory_space<hbm>>
    %dma_start3A_127 = tpu.memref_squeeze %dma_start3A_126 : memref<1x8x512xf32, #tpu.memory_space<hbm>> -> memref<8x512xf32, #tpu.memory_space<hbm>>
    tpu.enqueue_dma source(%dma_start3A_127 : memref<8x512xf32, #tpu.memory_space<hbm>>) target(%dma_start3A_124 : memref<8x512xf32, #tpu.memory_space<vmem>>) target_semaphore(%arg9 : memref<!tpu.dma_semaphore, #tpu.memory_space<semaphore_mem>>)
    %dma_start3A_128 = arith.constant 1 : i32
    %dma_start3A_129 = arith.constant 0 : i32
    %dma_start3A_130 = arith.constant 0 : i32
    %dma_start3A_131 = tpu.memref_slice %arg6[%dma_start3A_128, %dma_start3A_129, %dma_start3A_130] : memref<4x8x512xi32, #tpu.memory_space<vmem>> -> memref<1x8x512xi32, #tpu.memory_space<vmem>>
    %dma_start3A_132 = tpu.memref_squeeze %dma_start3A_131 : memref<1x8x512xi32, #tpu.memory_space<vmem>> -> memref<8x512xi32, #tpu.memory_space<vmem>>
    %dma_start3A_133 = arith.constant 0 : i32
    %dma_start3A_134 = tpu.memref_slice %arg3[%select_n3A_94, %mul3A_112, %dma_start3A_133] : memref<16x512x512xi32, #tpu.memory_space<hbm>> -> memref<1x8x512xi32, #tpu.memory_space<hbm>>
    %dma_start3A_135 = tpu.memref_squeeze %dma_start3A_134 : memref<1x8x512xi32, #tpu.memory_space<hbm>> -> memref<8x512xi32, #tpu.memory_space<hbm>>
    %dma_start3A_136 = arith.constant 0 : i32
    %dma_start3A_137 = arith.constant 0 : i32
    %dma_start3A_138 = tpu.memref_slice %arg6[%dma_start3A_128, %dma_start3A_136, %dma_start3A_137] : memref<4x8x512xi32, #tpu.memory_space<vmem>> -> memref<1x8x512xi32, #tpu.memory_space<vmem>>
    %dma_start3A_139 = tpu.memref_squeeze %dma_start3A_138 : memref<1x8x512xi32, #tpu.memory_space<vmem>> -> memref<8x512xi32, #tpu.memory_space<vmem>>
    %dma_start3A_140 = arith.constant 0 : i32
    %dma_start3A_141 = tpu.memref_slice %arg3[%select_n3A_94, %mul3A_112, %dma_start3A_140] : memref<16x512x512xi32, #tpu.memory_space<hbm>> -> memref<1x8x512xi32, #tpu.memory_space<hbm>>
    %dma_start3A_142 = tpu.memref_squeeze %dma_start3A_141 : memref<1x8x512xi32, #tpu.memory_space<hbm>> -> memref<8x512xi32, #tpu.memory_space<hbm>>
    tpu.enqueue_dma source(%dma_start3A_142 : memref<8x512xi32, #tpu.memory_space<hbm>>) target(%dma_start3A_139 : memref<8x512xi32, #tpu.memory_space<vmem>>) target_semaphore(%arg9 : memref<!tpu.dma_semaphore, #tpu.memory_space<semaphore_mem>>)
    %mul3A_143 = arith.constant 20 : i32
    %mul3A_144 = arith.muli %add3A, %mul3A_143 : i32
    %add3A_145 = arith.constant 2 : i32
    %add3A_146 = arith.addi %mul3A_144, %add3A_145 : i32
    %jit3A_147 = arith.constant 64 : i32
    %div3A_148 = arith.divsi %add3A_146, %jit3A_147 : i32
    %sign3A_149 = arith.constant 0 : i32
    %sign3A_150 = arith.cmpi sgt, %add3A_146, %sign3A_149 : i32
    %sign3A_151 = arith.extui %sign3A_150 : i1 to i32
    %sign3A_152 = arith.constant 0 : i32
    %sign3A_153 = arith.cmpi slt, %add3A_146, %sign3A_152 : i32
    %sign3A_154 = arith.extui %sign3A_153 : i1 to i32
    %sign3A_155 = arith.subi %sign3A_151, %sign3A_154 : i32
    %sign3A_156 = arith.constant 0 : i32
    %sign3A_157 = arith.cmpi sgt, %jit3A_147, %sign3A_156 : i32
    %sign3A_158 = arith.extui %sign3A_157 : i1 to i32
    %sign3A_159 = arith.constant 0 : i32
    %sign3A_160 = arith.cmpi slt, %jit3A_147, %sign3A_159 : i32
    %sign3A_161 = arith.extui %sign3A_160 : i1 to i32
    %sign3A_162 = arith.subi %sign3A_158, %sign3A_161 : i32
    %ne3A_163 = arith.cmpi ne, %sign3A_155, %sign3A_162 : i32
    %rem3A_164 = arith.remsi %add3A_146, %jit3A_147 : i32
    %ne3A_165 = arith.constant 0 : i32
    %ne3A_166 = arith.cmpi ne, %rem3A_164, %ne3A_165 : i32
    %and3A_167 = arith.andi %ne3A_163, %ne3A_166 : i1
    %sub3A_168 = arith.constant 1 : i32
    %sub3A_169 = arith.subi %div3A_148, %sub3A_168 : i32
    %select_n3A_170 = arith.select %and3A_167, %sub3A_169, %div3A_148 : i32
    %jit3A_171 = arith.constant 64 : i32
    %eq3A_172 = arith.constant 0 : i32
    %eq3A_173 = arith.cmpi eq, %jit3A_171, %eq3A_172 : i32
    %jit3A_174 = arith.constant 1 : i32
    %select_n3A_175 = arith.select %eq3A_173, %jit3A_174, %jit3A_171 : i32
    %rem3A_176 = arith.remsi %add3A_146, %select_n3A_175 : i32
    %ne3A_177 = arith.constant 0 : i32
    %ne3A_178 = arith.cmpi ne, %rem3A_176, %ne3A_177 : i32
    %lt3A_179 = arith.constant 0 : i32
    %lt3A_180 = arith.cmpi slt, %rem3A_176, %lt3A_179 : i32
    %lt3A_181 = arith.constant 0 : i32
    %lt3A_182 = arith.cmpi slt, %select_n3A_175, %lt3A_181 : i32
    %ne3A_183 = arith.xori %lt3A_180, %lt3A_182 : i1
    %and3A_184 = arith.andi %ne3A_183, %ne3A_178 : i1
    %add3A_185 = arith.addi %rem3A_176, %select_n3A_175 : i32
    %select_n3A_186 = arith.select %and3A_184, %add3A_185, %rem3A_176 : i32
    %mul3A_187 = arith.constant 8 : i32
    %mul3A_188 = arith.muli %select_n3A_186, %mul3A_187 : i32
    %dma_start3A_189 = arith.constant 2 : i32
    %dma_start3A_190 = arith.constant 0 : i32
    %dma_start3A_191 = arith.constant 0 : i32
    %dma_start3A_192 = tpu.memref_slice %arg5[%dma_start3A_189, %dma_start3A_190, %dma_start3A_191] : memref<4x8x512xf32, #tpu.memory_space<vmem>> -> memref<1x8x512xf32, #tpu.memory_space<vmem>>
    %dma_start3A_193 = tpu.memref_squeeze %dma_start3A_192 : memref<1x8x512xf32, #tpu.memory_space<vmem>> -> memref<8x512xf32, #tpu.memory_space<vmem>>
    %dma_start3A_194 = arith.constant 0 : i32
    %dma_start3A_195 = tpu.memref_slice %arg2[%select_n3A_170, %mul3A_188, %dma_start3A_194] : memref<16x512x512xf32, #tpu.memory_space<hbm>> -> memref<1x8x512xf32, #tpu.memory_space<hbm>>
    %dma_start3A_196 = tpu.memref_squeeze %dma_start3A_195 : memref<1x8x512xf32, #tpu.memory_space<hbm>> -> memref<8x512xf32, #tpu.memory_space<hbm>>
    %dma_start3A_197 = arith.constant 0 : i32
    %dma_start3A_198 = arith.constant 0 : i32
    %dma_start3A_199 = tpu.memref_slice %arg5[%dma_start3A_189, %dma_start3A_197, %dma_start3A_198] : memref<4x8x512xf32, #tpu.memory_space<vmem>> -> memref<1x8x512xf32, #tpu.memory_space<vmem>>
    %dma_start3A_200 = tpu.memref_squeeze %dma_start3A_199 : memref<1x8x512xf32, #tpu.memory_space<vmem>> -> memref<8x512xf32, #tpu.memory_space<vmem>>
    %dma_start3A_201 = arith.constant 0 : i32
    %dma_start3A_202 = tpu.memref_slice %arg2[%select_n3A_170, %mul3A_188, %dma_start3A_201] : memref<16x512x512xf32, #tpu.memory_space<hbm>> -> memref<1x8x512xf32, #tpu.memory_space<hbm>>
    %dma_start3A_203 = tpu.memref_squeeze %dma_start3A_202 : memref<1x8x512xf32, #tpu.memory_space<hbm>> -> memref<8x512xf32, #tpu.memory_space<hbm>>
    tpu.enqueue_dma source(%dma_start3A_203 : memref<8x512xf32, #tpu.memory_space<hbm>>) target(%dma_start3A_200 : memref<8x512xf32, #tpu.memory_space<vmem>>) target_semaphore(%arg10 : memref<!tpu.dma_semaphore, #tpu.memory_space<semaphore_mem>>)
    %dma_start3A_204 = arith.constant 2 : i32
    %dma_start3A_205 = arith.constant 0 : i32
    %dma_start3A_206 = arith.constant 0 : i32
    %dma_start3A_207 = tpu.memref_slice %arg6[%dma_start3A_204, %dma_start3A_205, %dma_start3A_206] : memref<4x8x512xi32, #tpu.memory_space<vmem>> -> memref<1x8x512xi32, #tpu.memory_space<vmem>>
    %dma_start3A_208 = tpu.memref_squeeze %dma_start3A_207 : memref<1x8x512xi32, #tpu.memory_space<vmem>> -> memref<8x512xi32, #tpu.memory_space<vmem>>
    %dma_start3A_209 = arith.constant 0 : i32
    %dma_start3A_210 = tpu.memref_slice %arg3[%select_n3A_170, %mul3A_188, %dma_start3A_209] : memref<16x512x512xi32, #tpu.memory_space<hbm>> -> memref<1x8x512xi32, #tpu.memory_space<hbm>>
    %dma_start3A_211 = tpu.memref_squeeze %dma_start3A_210 : memref<1x8x512xi32, #tpu.memory_space<hbm>> -> memref<8x512xi32, #tpu.memory_space<hbm>>
    %dma_start3A_212 = arith.constant 0 : i32
    %dma_start3A_213 = arith.constant 0 : i32
    %dma_start3A_214 = tpu.memref_slice %arg6[%dma_start3A_204, %dma_start3A_212, %dma_start3A_213] : memref<4x8x512xi32, #tpu.memory_space<vmem>> -> memref<1x8x512xi32, #tpu.memory_space<vmem>>
    %dma_start3A_215 = tpu.memref_squeeze %dma_start3A_214 : memref<1x8x512xi32, #tpu.memory_space<vmem>> -> memref<8x512xi32, #tpu.memory_space<vmem>>
    %dma_start3A_216 = arith.constant 0 : i32
    %dma_start3A_217 = tpu.memref_slice %arg3[%select_n3A_170, %mul3A_188, %dma_start3A_216] : memref<16x512x512xi32, #tpu.memory_space<hbm>> -> memref<1x8x512xi32, #tpu.memory_space<hbm>>
    %dma_start3A_218 = tpu.memref_squeeze %dma_start3A_217 : memref<1x8x512xi32, #tpu.memory_space<hbm>> -> memref<8x512xi32, #tpu.memory_space<hbm>>
    tpu.enqueue_dma source(%dma_start3A_218 : memref<8x512xi32, #tpu.memory_space<hbm>>) target(%dma_start3A_215 : memref<8x512xi32, #tpu.memory_space<vmem>>) target_semaphore(%arg10 : memref<!tpu.dma_semaphore, #tpu.memory_space<semaphore_mem>>)
    %scan3A = arith.constant 0 : i32
    %scan3A_219 = arith.constant 5 : i32
    %scan3A_220 = arith.addi %scan3A, %scan3A_219 : i32
    %scan3A_221 = arith.constant 1 : i32
    %scan3A_222:4 = scf.for %scan3A_239 = %scan3A to %scan3A_220 step %scan3A_221 iter_args(%scan3A_240 = %broadcast_in_dim3A_1, %scan3A_241 = %broadcast_in_dim3A_1, %scan3A_242 = %broadcast_in_dim3A_1, %scan3A_243 = %broadcast_in_dim3A_1) -> (vector<16xf32>, vector<16xf32>, vector<16xf32>, vector<16xf32>)  : i32 {
      %mul3A_244 = arith.constant 4 : i32
      %mul3A_245 = arith.muli %mul3A_244, %scan3A_239 : i32
      %add3A_246 = arith.constant 0 : i32
      %add3A_247 = arith.addi %mul3A_245, %add3A_246 : i32
      %mul3A_248 = arith.constant 20 : i32
      %mul3A_249 = arith.muli %add3A, %mul3A_248 : i32
      %add3A_250 = arith.addi %mul3A_249, %add3A_247 : i32
      %jit3A_251 = arith.constant 64 : i32
      %div3A_252 = arith.divsi %add3A_250, %jit3A_251 : i32
      %sign3A_253 = arith.constant 0 : i32
      %sign3A_254 = arith.cmpi sgt, %add3A_250, %sign3A_253 : i32
      %sign3A_255 = arith.extui %sign3A_254 : i1 to i32
      %sign3A_256 = arith.constant 0 : i32
      %sign3A_257 = arith.cmpi slt, %add3A_250, %sign3A_256 : i32
      %sign3A_258 = arith.extui %sign3A_257 : i1 to i32
      %sign3A_259 = arith.subi %sign3A_255, %sign3A_258 : i32
      %sign3A_260 = arith.constant 0 : i32
      %sign3A_261 = arith.cmpi sgt, %jit3A_251, %sign3A_260 : i32
      %sign3A_262 = arith.extui %sign3A_261 : i1 to i32
      %sign3A_263 = arith.constant 0 : i32
      %sign3A_264 = arith.cmpi slt, %jit3A_251, %sign3A_263 : i32
      %sign3A_265 = arith.extui %sign3A_264 : i1 to i32
      %sign3A_266 = arith.subi %sign3A_262, %sign3A_265 : i32
      %ne3A_267 = arith.cmpi ne, %sign3A_259, %sign3A_266 : i32
      %rem3A_268 = arith.remsi %add3A_250, %jit3A_251 : i32
      %ne3A_269 = arith.constant 0 : i32
      %ne3A_270 = arith.cmpi ne, %rem3A_268, %ne3A_269 : i32
      %and3A_271 = arith.andi %ne3A_267, %ne3A_270 : i1
      %sub3A_272 = arith.constant 1 : i32
      %sub3A_273 = arith.subi %div3A_252, %sub3A_272 : i32
      %select_n3A_274 = arith.select %and3A_271, %sub3A_273, %div3A_252 : i32
      %jit3A_275 = arith.constant 64 : i32
      %eq3A_276 = arith.constant 0 : i32
      %eq3A_277 = arith.cmpi eq, %jit3A_275, %eq3A_276 : i32
      %jit3A_278 = arith.constant 1 : i32
      %select_n3A_279 = arith.select %eq3A_277, %jit3A_278, %jit3A_275 : i32
      %rem3A_280 = arith.remsi %add3A_250, %select_n3A_279 : i32
      %ne3A_281 = arith.constant 0 : i32
      %ne3A_282 = arith.cmpi ne, %rem3A_280, %ne3A_281 : i32
      %lt3A_283 = arith.constant 0 : i32
      %lt3A_284 = arith.cmpi slt, %rem3A_280, %lt3A_283 : i32
      %lt3A_285 = arith.constant 0 : i32
      %lt3A_286 = arith.cmpi slt, %select_n3A_279, %lt3A_285 : i32
      %ne3A_287 = arith.xori %lt3A_284, %lt3A_286 : i1
      %and3A_288 = arith.andi %ne3A_287, %ne3A_282 : i1
      %add3A_289 = arith.addi %rem3A_280, %select_n3A_279 : i32
      %select_n3A_290 = arith.select %and3A_288, %add3A_289, %rem3A_280 : i32
      %mul3A_291 = arith.constant 8 : i32
      %mul3A_292 = arith.muli %select_n3A_290, %mul3A_291 : i32
      %dma_wait3A = arith.constant 0 : i32
      %dma_wait3A_293 = arith.constant 0 : i32
      %dma_wait3A_294 = arith.constant 0 : i32
      %dma_wait3A_295 = tpu.memref_slice %arg5[%dma_wait3A, %dma_wait3A_293, %dma_wait3A_294] : memref<4x8x512xf32, #tpu.memory_space<vmem>> -> memref<1x8x512xf32, #tpu.memory_space<vmem>>
      %dma_wait3A_296 = tpu.memref_squeeze %dma_wait3A_295 : memref<1x8x512xf32, #tpu.memory_space<vmem>> -> memref<8x512xf32, #tpu.memory_space<vmem>>
      %dma_wait3A_297 = arith.constant 0 : i32
      %dma_wait3A_298 = tpu.memref_slice %arg2[%select_n3A_274, %mul3A_292, %dma_wait3A_297] : memref<16x512x512xf32, #tpu.memory_space<hbm>> -> memref<1x8x512xf32, #tpu.memory_space<hbm>>
      %dma_wait3A_299 = tpu.memref_squeeze %dma_wait3A_298 : memref<1x8x512xf32, #tpu.memory_space<hbm>> -> memref<8x512xf32, #tpu.memory_space<hbm>>
      %dma_wait3A_300 = arith.constant 0 : i32
      %dma_wait3A_301 = arith.constant 0 : i32
      %dma_wait3A_302 = tpu.memref_slice %arg5[%dma_wait3A, %dma_wait3A_300, %dma_wait3A_301] : memref<4x8x512xf32, #tpu.memory_space<vmem>> -> memref<1x8x512xf32, #tpu.memory_space<vmem>>
      %dma_wait3A_303 = tpu.memref_squeeze %dma_wait3A_302 : memref<1x8x512xf32, #tpu.memory_space<vmem>> -> memref<8x512xf32, #tpu.memory_space<vmem>>
      %dma_wait3A_304 = arith.constant 0 : i32
      %dma_wait3A_305 = tpu.memref_slice %arg2[%select_n3A_274, %mul3A_292, %dma_wait3A_304] : memref<16x512x512xf32, #tpu.memory_space<hbm>> -> memref<1x8x512xf32, #tpu.memory_space<hbm>>
      %dma_wait3A_306 = tpu.memref_squeeze %dma_wait3A_305 : memref<1x8x512xf32, #tpu.memory_space<hbm>> -> memref<8x512xf32, #tpu.memory_space<hbm>>
      tpu.wait_dma2 semaphore(%arg8 : memref<!tpu.dma_semaphore, #tpu.memory_space<semaphore_mem>>) src(%dma_wait3A_306 : memref<8x512xf32, #tpu.memory_space<hbm>>) dst(%dma_wait3A_303 : memref<8x512xf32, #tpu.memory_space<vmem>>)
      %dma_wait3A_307 = arith.constant 0 : i32
      %dma_wait3A_308 = arith.constant 0 : i32
      %dma_wait3A_309 = arith.constant 0 : i32
      %dma_wait3A_310 = tpu.memref_slice %arg6[%dma_wait3A_307, %dma_wait3A_308, %dma_wait3A_309] : memref<4x8x512xi32, #tpu.memory_space<vmem>> -> memref<1x8x512xi32, #tpu.memory_space<vmem>>
      %dma_wait3A_311 = tpu.memref_squeeze %dma_wait3A_310 : memref<1x8x512xi32, #tpu.memory_space<vmem>> -> memref<8x512xi32, #tpu.memory_space<vmem>>
      %dma_wait3A_312 = arith.constant 0 : i32
      %dma_wait3A_313 = tpu.memref_slice %arg3[%select_n3A_274, %mul3A_292, %dma_wait3A_312] : memref<16x512x512xi32, #tpu.memory_space<hbm>> -> memref<1x8x512xi32, #tpu.memory_space<hbm>>
      %dma_wait3A_314 = tpu.memref_squeeze %dma_wait3A_313 : memref<1x8x512xi32, #tpu.memory_space<hbm>> -> memref<8x512xi32, #tpu.memory_space<hbm>>
      %dma_wait3A_315 = arith.constant 0 : i32
      %dma_wait3A_316 = arith.constant 0 : i32
      %dma_wait3A_317 = tpu.memref_slice %arg6[%dma_wait3A_307, %dma_wait3A_315, %dma_wait3A_316] : memref<4x8x512xi32, #tpu.memory_space<vmem>> -> memref<1x8x512xi32, #tpu.memory_space<vmem>>
      %dma_wait3A_318 = tpu.memref_squeeze %dma_wait3A_317 : memref<1x8x512xi32, #tpu.memory_space<vmem>> -> memref<8x512xi32, #tpu.memory_space<vmem>>
      %dma_wait3A_319 = arith.constant 0 : i32
      %dma_wait3A_320 = tpu.memref_slice %arg3[%select_n3A_274, %mul3A_292, %dma_wait3A_319] : memref<16x512x512xi32, #tpu.memory_space<hbm>> -> memref<1x8x512xi32, #tpu.memory_space<hbm>>
      %dma_wait3A_321 = tpu.memref_squeeze %dma_wait3A_320 : memref<1x8x512xi32, #tpu.memory_space<hbm>> -> memref<8x512xi32, #tpu.memory_space<hbm>>
      tpu.wait_dma2 semaphore(%arg8 : memref<!tpu.dma_semaphore, #tpu.memory_space<semaphore_mem>>) src(%dma_wait3A_321 : memref<8x512xi32, #tpu.memory_space<hbm>>) dst(%dma_wait3A_318 : memref<8x512xi32, #tpu.memory_space<vmem>>)
      %add3A_322 = arith.constant 3 : i32
      %add3A_323 = arith.addi %add3A_247, %add3A_322 : i32
      %lt3A_324 = arith.constant 20 : i32
      %lt3A_325 = arith.cmpi slt, %add3A_323, %lt3A_324 : i32
      %convert_element_type3A = arith.extui %lt3A_325 : i1 to i32
      %cond3A = arith.constant 0 : i32
      %cond3A_326 = arith.cmpi ne, %convert_element_type3A, %cond3A : i32
      scf.if %cond3A_326 {
        %add3A_603 = arith.constant 3 : i32
        %add3A_604 = arith.addi %add3A_247, %add3A_603 : i32
        %mul3A_605 = arith.constant 20 : i32
        %mul3A_606 = arith.muli %add3A, %mul3A_605 : i32
        %add3A_607 = arith.addi %mul3A_606, %add3A_604 : i32
        %jit3A_608 = arith.constant 64 : i32
        %div3A_609 = arith.divsi %add3A_607, %jit3A_608 : i32
        %sign3A_610 = arith.constant 0 : i32
        %sign3A_611 = arith.cmpi sgt, %add3A_607, %sign3A_610 : i32
        %sign3A_612 = arith.extui %sign3A_611 : i1 to i32
        %sign3A_613 = arith.constant 0 : i32
        %sign3A_614 = arith.cmpi slt, %add3A_607, %sign3A_613 : i32
        %sign3A_615 = arith.extui %sign3A_614 : i1 to i32
        %sign3A_616 = arith.subi %sign3A_612, %sign3A_615 : i32
        %sign3A_617 = arith.constant 0 : i32
        %sign3A_618 = arith.cmpi sgt, %jit3A_608, %sign3A_617 : i32
        %sign3A_619 = arith.extui %sign3A_618 : i1 to i32
        %sign3A_620 = arith.constant 0 : i32
        %sign3A_621 = arith.cmpi slt, %jit3A_608, %sign3A_620 : i32
        %sign3A_622 = arith.extui %sign3A_621 : i1 to i32
        %sign3A_623 = arith.subi %sign3A_619, %sign3A_622 : i32
        %ne3A_624 = arith.cmpi ne, %sign3A_616, %sign3A_623 : i32
        %rem3A_625 = arith.remsi %add3A_607, %jit3A_608 : i32
        %ne3A_626 = arith.constant 0 : i32
        %ne3A_627 = arith.cmpi ne, %rem3A_625, %ne3A_626 : i32
        %and3A_628 = arith.andi %ne3A_624, %ne3A_627 : i1
        %sub3A_629 = arith.constant 1 : i32
        %sub3A_630 = arith.subi %div3A_609, %sub3A_629 : i32
        %select_n3A_631 = arith.select %and3A_628, %sub3A_630, %div3A_609 : i32
        %jit3A_632 = arith.constant 64 : i32
        %eq3A_633 = arith.constant 0 : i32
        %eq3A_634 = arith.cmpi eq, %jit3A_632, %eq3A_633 : i32
        %jit3A_635 = arith.constant 1 : i32
        %select_n3A_636 = arith.select %eq3A_634, %jit3A_635, %jit3A_632 : i32
        %rem3A_637 = arith.remsi %add3A_607, %select_n3A_636 : i32
        %ne3A_638 = arith.constant 0 : i32
        %ne3A_639 = arith.cmpi ne, %rem3A_637, %ne3A_638 : i32
        %lt3A_640 = arith.constant 0 : i32
        %lt3A_641 = arith.cmpi slt, %rem3A_637, %lt3A_640 : i32
        %lt3A_642 = arith.constant 0 : i32
        %lt3A_643 = arith.cmpi slt, %select_n3A_636, %lt3A_642 : i32
        %ne3A_644 = arith.xori %lt3A_641, %lt3A_643 : i1
        %and3A_645 = arith.andi %ne3A_644, %ne3A_639 : i1
        %add3A_646 = arith.addi %rem3A_637, %select_n3A_636 : i32
        %select_n3A_647 = arith.select %and3A_645, %add3A_646, %rem3A_637 : i32
        %mul3A_648 = arith.constant 8 : i32
        %mul3A_649 = arith.muli %select_n3A_647, %mul3A_648 : i32
        %dma_start3A_650 = arith.constant 3 : i32
        %dma_start3A_651 = arith.constant 0 : i32
        %dma_start3A_652 = arith.constant 0 : i32
        %dma_start3A_653 = tpu.memref_slice %arg5[%dma_start3A_650, %dma_start3A_651, %dma_start3A_652] : memref<4x8x512xf32, #tpu.memory_space<vmem>> -> memref<1x8x512xf32, #tpu.memory_space<vmem>>
        %dma_start3A_654 = tpu.memref_squeeze %dma_start3A_653 : memref<1x8x512xf32, #tpu.memory_space<vmem>> -> memref<8x512xf32, #tpu.memory_space<vmem>>
        %dma_start3A_655 = arith.constant 0 : i32
        %dma_start3A_656 = tpu.memref_slice %arg2[%select_n3A_631, %mul3A_649, %dma_start3A_655] : memref<16x512x512xf32, #tpu.memory_space<hbm>> -> memref<1x8x512xf32, #tpu.memory_space<hbm>>
        %dma_start3A_657 = tpu.memref_squeeze %dma_start3A_656 : memref<1x8x512xf32, #tpu.memory_space<hbm>> -> memref<8x512xf32, #tpu.memory_space<hbm>>
        %dma_start3A_658 = arith.constant 0 : i32
        %dma_start3A_659 = arith.constant 0 : i32
        %dma_start3A_660 = tpu.memref_slice %arg5[%dma_start3A_650, %dma_start3A_658, %dma_start3A_659] : memref<4x8x512xf32, #tpu.memory_space<vmem>> -> memref<1x8x512xf32, #tpu.memory_space<vmem>>
        %dma_start3A_661 = tpu.memref_squeeze %dma_start3A_660 : memref<1x8x512xf32, #tpu.memory_space<vmem>> -> memref<8x512xf32, #tpu.memory_space<vmem>>
        %dma_start3A_662 = arith.constant 0 : i32
        %dma_start3A_663 = tpu.memref_slice %arg2[%select_n3A_631, %mul3A_649, %dma_start3A_662] : memref<16x512x512xf32, #tpu.memory_space<hbm>> -> memref<1x8x512xf32, #tpu.memory_space<hbm>>
        %dma_start3A_664 = tpu.memref_squeeze %dma_start3A_663 : memref<1x8x512xf32, #tpu.memory_space<hbm>> -> memref<8x512xf32, #tpu.memory_space<hbm>>
        tpu.enqueue_dma source(%dma_start3A_664 : memref<8x512xf32, #tpu.memory_space<hbm>>) target(%dma_start3A_661 : memref<8x512xf32, #tpu.memory_space<vmem>>) target_semaphore(%arg11 : memref<!tpu.dma_semaphore, #tpu.memory_space<semaphore_mem>>)
        %dma_start3A_665 = arith.constant 3 : i32
        %dma_start3A_666 = arith.constant 0 : i32
        %dma_start3A_667 = arith.constant 0 : i32
        %dma_start3A_668 = tpu.memref_slice %arg6[%dma_start3A_665, %dma_start3A_666, %dma_start3A_667] : memref<4x8x512xi32, #tpu.memory_space<vmem>> -> memref<1x8x512xi32, #tpu.memory_space<vmem>>
        %dma_start3A_669 = tpu.memref_squeeze %dma_start3A_668 : memref<1x8x512xi32, #tpu.memory_space<vmem>> -> memref<8x512xi32, #tpu.memory_space<vmem>>
        %dma_start3A_670 = arith.constant 0 : i32
        %dma_start3A_671 = tpu.memref_slice %arg3[%select_n3A_631, %mul3A_649, %dma_start3A_670] : memref<16x512x512xi32, #tpu.memory_space<hbm>> -> memref<1x8x512xi32, #tpu.memory_space<hbm>>
        %dma_start3A_672 = tpu.memref_squeeze %dma_start3A_671 : memref<1x8x512xi32, #tpu.memory_space<hbm>> -> memref<8x512xi32, #tpu.memory_space<hbm>>
        %dma_start3A_673 = arith.constant 0 : i32
        %dma_start3A_674 = arith.constant 0 : i32
        %dma_start3A_675 = tpu.memref_slice %arg6[%dma_start3A_665, %dma_start3A_673, %dma_start3A_674] : memref<4x8x512xi32, #tpu.memory_space<vmem>> -> memref<1x8x512xi32, #tpu.memory_space<vmem>>
        %dma_start3A_676 = tpu.memref_squeeze %dma_start3A_675 : memref<1x8x512xi32, #tpu.memory_space<vmem>> -> memref<8x512xi32, #tpu.memory_space<vmem>>
        %dma_start3A_677 = arith.constant 0 : i32
        %dma_start3A_678 = tpu.memref_slice %arg3[%select_n3A_631, %mul3A_649, %dma_start3A_677] : memref<16x512x512xi32, #tpu.memory_space<hbm>> -> memref<1x8x512xi32, #tpu.memory_space<hbm>>
        %dma_start3A_679 = tpu.memref_squeeze %dma_start3A_678 : memref<1x8x512xi32, #tpu.memory_space<hbm>> -> memref<8x512xi32, #tpu.memory_space<hbm>>
        tpu.enqueue_dma source(%dma_start3A_679 : memref<8x512xi32, #tpu.memory_space<hbm>>) target(%dma_start3A_676 : memref<8x512xi32, #tpu.memory_space<vmem>>) target_semaphore(%arg11 : memref<!tpu.dma_semaphore, #tpu.memory_space<semaphore_mem>>)
      } else {
      }
      %scan3A_327 = arith.constant 0 : i32
      %scan3A_328 = arith.constant 256 : i32
      %scan3A_329 = arith.addi %scan3A_327, %scan3A_328 : i32
      %scan3A_330 = arith.constant 8 : i32
      %scan3A_331:4 = scf.for %scan3A_603 = %scan3A_327 to %scan3A_329 step %scan3A_330 iter_args(%scan3A_604 = %scan3A_240, %scan3A_605 = %scan3A_241, %scan3A_606 = %scan3A_242, %scan3A_607 = %scan3A_243) -> (vector<16xf32>, vector<16xf32>, vector<16xf32>, vector<16xf32>)  : i32 {
        %jit3A_608 = arith.constant 32 : i32
        %div3A_609 = arith.divsi %scan3A_603, %jit3A_608 : i32
        %sign3A_610 = arith.constant 0 : i32
        %sign3A_611 = arith.cmpi sgt, %scan3A_603, %sign3A_610 : i32
        %sign3A_612 = arith.extui %sign3A_611 : i1 to i32
        %sign3A_613 = arith.constant 0 : i32
        %sign3A_614 = arith.cmpi slt, %scan3A_603, %sign3A_613 : i32
        %sign3A_615 = arith.extui %sign3A_614 : i1 to i32
        %sign3A_616 = arith.subi %sign3A_612, %sign3A_615 : i32
        %sign3A_617 = arith.constant 0 : i32
        %sign3A_618 = arith.cmpi sgt, %jit3A_608, %sign3A_617 : i32
        %sign3A_619 = arith.extui %sign3A_618 : i1 to i32
        %sign3A_620 = arith.constant 0 : i32
        %sign3A_621 = arith.cmpi slt, %jit3A_608, %sign3A_620 : i32
        %sign3A_622 = arith.extui %sign3A_621 : i1 to i32
        %sign3A_623 = arith.subi %sign3A_619, %sign3A_622 : i32
        %ne3A_624 = arith.cmpi ne, %sign3A_616, %sign3A_623 : i32
        %rem3A_625 = arith.remsi %scan3A_603, %jit3A_608 : i32
        %ne3A_626 = arith.constant 0 : i32
        %ne3A_627 = arith.cmpi ne, %rem3A_625, %ne3A_626 : i32
        %and3A_628 = arith.andi %ne3A_624, %ne3A_627 : i1
        %sub3A_629 = arith.constant 1 : i32
        %sub3A_630 = arith.subi %div3A_609, %sub3A_629 : i32
        %select_n3A_631 = arith.select %and3A_628, %sub3A_630, %div3A_609 : i32
        %jit3A_632 = arith.constant 32 : i32
        %eq3A_633 = arith.constant 0 : i32
        %eq3A_634 = arith.cmpi eq, %jit3A_632, %eq3A_633 : i32
        %jit3A_635 = arith.constant 1 : i32
        %select_n3A_636 = arith.select %eq3A_634, %jit3A_635, %jit3A_632 : i32
        %rem3A_637 = arith.remsi %scan3A_603, %select_n3A_636 : i32
        %ne3A_638 = arith.constant 0 : i32
        %ne3A_639 = arith.cmpi ne, %rem3A_637, %ne3A_638 : i32
        %lt3A_640 = arith.constant 0 : i32
        %lt3A_641 = arith.cmpi slt, %rem3A_637, %lt3A_640 : i32
        %lt3A_642 = arith.constant 0 : i32
        %lt3A_643 = arith.cmpi slt, %select_n3A_636, %lt3A_642 : i32
        %ne3A_644 = arith.xori %lt3A_641, %lt3A_643 : i1
        %and3A_645 = arith.andi %ne3A_644, %ne3A_639 : i1
        %add3A_646 = arith.addi %rem3A_637, %select_n3A_636 : i32
        %select_n3A_647 = arith.select %and3A_645, %add3A_646, %rem3A_637 : i32
        %mul3A_648 = arith.constant 16 : i32
        %mul3A_649 = arith.muli %select_n3A_647, %mul3A_648 : i32
        %get3A = arith.constant 0 : i32
        %get3A_650 = arith.index_cast %get3A : i32 to index
        %get3A_651 = arith.index_cast %select_n3A_631 : i32 to index
        %get3A_652 = arith.index_cast %mul3A_649 : i32 to index
        %get3A_653 = tpu.vector_load %arg5[%get3A_650, %get3A_651, %get3A_652] {strides = array<i32>} : memref<4x8x512xf32, #tpu.memory_space<vmem>>, vector<1x1x16xf32>,
        %get3A_654 = vector.shape_cast %get3A_653 : vector<1x1x16xf32> to vector<16xf32>
        %get3A_655 = arith.constant 0 : i32
        %get3A_656 = arith.index_cast %get3A_655 : i32 to index
        %get3A_657 = arith.index_cast %select_n3A_631 : i32 to index
        %get3A_658 = arith.index_cast %mul3A_649 : i32 to index
        %get3A_659 = tpu.vector_load %arg6[%get3A_656, %get3A_657, %get3A_658] {strides = array<i32>} : memref<4x8x512xi32, #tpu.memory_space<vmem>>, vector<1x1x16xi32>,
        %get3A_660 = vector.shape_cast %get3A_659 : vector<1x1x16xi32> to vector<16xi32>
        %broadcast_in_dim3A_661 = arith.constant 1.000000e+00 : f32
        %broadcast_in_dim3A_662 = vector.broadcast %broadcast_in_dim3A_661 : f32 to vector<16xf32>
        %broadcast_in_dim3A_663 = arith.constant 0.000000e+00 : f32
        %broadcast_in_dim3A_664 = vector.broadcast %broadcast_in_dim3A_663 : f32 to vector<16xf32>
        %convert_element_type3A_665 = arith.sitofp %get3A_660 : vector<16xi32> to vector<16xf32>
        %gt3A = arith.constant 5.000000e-01 : f32
        %gt3A_666 = vector.broadcast %gt3A : f32 to vector<16xf32>
        %gt3A_667 = arith.cmpf ogt, %get3A_654, %gt3A_666 : vector<16xf32>
        %select_n3A_668 = arith.select %gt3A_667, %broadcast_in_dim3A_662, %broadcast_in_dim3A_664 : vector<16xi1>, vector<16xf32>
        %mul3A_669 = arith.mulf %select_n3A_668, %convert_element_type3A_665 : vector<16xf32>
        %add3A_670 = arith.addf %scan3A_604, %select_n3A_668 : vector<16xf32>
        %select_n3A_671 = arith.select %gt3A_667, %get3A_654, %broadcast_in_dim3A_664 : vector<16xi1>, vector<16xf32>
        %add3A_672 = arith.addf %scan3A_605, %select_n3A_671 : vector<16xf32>
        %add3A_673 = arith.addf %scan3A_606, %mul3A_669 : vector<16xf32>
        %mul3A_674 = arith.mulf %mul3A_669, %get3A_654 : vector<16xf32>
        %add3A_675 = arith.addf %scan3A_607, %mul3A_674 : vector<16xf32>
        %scan3A_676 = arith.constant 1 : i32
        %scan3A_677 = arith.addi %scan3A_603, %scan3A_676 : i32
        %jit3A_678 = arith.constant 32 : i32
        %div3A_679 = arith.divsi %scan3A_677, %jit3A_678 : i32
        %sign3A_680 = arith.constant 0 : i32
        %sign3A_681 = arith.cmpi sgt, %scan3A_677, %sign3A_680 : i32
        %sign3A_682 = arith.extui %sign3A_681 : i1 to i32
        %sign3A_683 = arith.constant 0 : i32
        %sign3A_684 = arith.cmpi slt, %scan3A_677, %sign3A_683 : i32
        %sign3A_685 = arith.extui %sign3A_684 : i1 to i32
        %sign3A_686 = arith.subi %sign3A_682, %sign3A_685 : i32
        %sign3A_687 = arith.constant 0 : i32
        %sign3A_688 = arith.cmpi sgt, %jit3A_678, %sign3A_687 : i32
        %sign3A_689 = arith.extui %sign3A_688 : i1 to i32
        %sign3A_690 = arith.constant 0 : i32
        %sign3A_691 = arith.cmpi slt, %jit3A_678, %sign3A_690 : i32
        %sign3A_692 = arith.extui %sign3A_691 : i1 to i32
        %sign3A_693 = arith.subi %sign3A_689, %sign3A_692 : i32
        %ne3A_694 = arith.cmpi ne, %sign3A_686, %sign3A_693 : i32
        %rem3A_695 = arith.remsi %scan3A_677, %jit3A_678 : i32
        %ne3A_696 = arith.constant 0 : i32
        %ne3A_697 = arith.cmpi ne, %rem3A_695, %ne3A_696 : i32
        %and3A_698 = arith.andi %ne3A_694, %ne3A_697 : i1
        %sub3A_699 = arith.constant 1 : i32
        %sub3A_700 = arith.subi %div3A_679, %sub3A_699 : i32
        %select_n3A_701 = arith.select %and3A_698, %sub3A_700, %div3A_679 : i32
        %jit3A_702 = arith.constant 32 : i32
        %eq3A_703 = arith.constant 0 : i32
        %eq3A_704 = arith.cmpi eq, %jit3A_702, %eq3A_703 : i32
        %jit3A_705 = arith.constant 1 : i32
        %select_n3A_706 = arith.select %eq3A_704, %jit3A_705, %jit3A_702 : i32
        %rem3A_707 = arith.remsi %scan3A_677, %select_n3A_706 : i32
        %ne3A_708 = arith.constant 0 : i32
        %ne3A_709 = arith.cmpi ne, %rem3A_707, %ne3A_708 : i32
        %lt3A_710 = arith.constant 0 : i32
        %lt3A_711 = arith.cmpi slt, %rem3A_707, %lt3A_710 : i32
        %lt3A_712 = arith.constant 0 : i32
        %lt3A_713 = arith.cmpi slt, %select_n3A_706, %lt3A_712 : i32
        %ne3A_714 = arith.xori %lt3A_711, %lt3A_713 : i1
        %and3A_715 = arith.andi %ne3A_714, %ne3A_709 : i1
        %add3A_716 = arith.addi %rem3A_707, %select_n3A_706 : i32
        %select_n3A_717 = arith.select %and3A_715, %add3A_716, %rem3A_707 : i32
        %mul3A_718 = arith.constant 16 : i32
        %mul3A_719 = arith.muli %select_n3A_717, %mul3A_718 : i32
        %get3A_720 = arith.constant 0 : i32
        %get3A_721 = arith.index_cast %get3A_720 : i32 to index
        %get3A_722 = arith.index_cast %select_n3A_701 : i32 to index
        %get3A_723 = arith.index_cast %mul3A_719 : i32 to index
        %get3A_724 = tpu.vector_load %arg5[%get3A_721, %get3A_722, %get3A_723] {strides = array<i32>} : memref<4x8x512xf32, #tpu.memory_space<vmem>>, vector<1x1x16xf32>,
        %get3A_725 = vector.shape_cast %get3A_724 : vector<1x1x16xf32> to vector<16xf32>
        %get3A_726 = arith.constant 0 : i32
        %get3A_727 = arith.index_cast %get3A_726 : i32 to index
        %get3A_728 = arith.index_cast %select_n3A_701 : i32 to index
        %get3A_729 = arith.index_cast %mul3A_719 : i32 to index
        %get3A_730 = tpu.vector_load %arg6[%get3A_727, %get3A_728, %get3A_729] {strides = array<i32>} : memref<4x8x512xi32, #tpu.memory_space<vmem>>, vector<1x1x16xi32>,
        %get3A_731 = vector.shape_cast %get3A_730 : vector<1x1x16xi32> to vector<16xi32>
        %broadcast_in_dim3A_732 = arith.constant 1.000000e+00 : f32
        %broadcast_in_dim3A_733 = vector.broadcast %broadcast_in_dim3A_732 : f32 to vector<16xf32>
        %broadcast_in_dim3A_734 = arith.constant 0.000000e+00 : f32
        %broadcast_in_dim3A_735 = vector.broadcast %broadcast_in_dim3A_734 : f32 to vector<16xf32>
        %convert_element_type3A_736 = arith.sitofp %get3A_731 : vector<16xi32> to vector<16xf32>
        %gt3A_737 = arith.constant 5.000000e-01 : f32
        %gt3A_738 = vector.broadcast %gt3A_737 : f32 to vector<16xf32>
        %gt3A_739 = arith.cmpf ogt, %get3A_725, %gt3A_738 : vector<16xf32>
        %select_n3A_740 = arith.select %gt3A_739, %broadcast_in_dim3A_733, %broadcast_in_dim3A_735 : vector<16xi1>, vector<16xf32>
        %mul3A_741 = arith.mulf %select_n3A_740, %convert_element_type3A_736 : vector<16xf32>
        %add3A_742 = arith.addf %add3A_670, %select_n3A_740 : vector<16xf32>
        %select_n3A_743 = arith.select %gt3A_739, %get3A_725, %broadcast_in_dim3A_735 : vector<16xi1>, vector<16xf32>
        %add3A_744 = arith.addf %add3A_672, %select_n3A_743 : vector<16xf32>
        %add3A_745 = arith.addf %add3A_673, %mul3A_741 : vector<16xf32>
        %mul3A_746 = arith.mulf %mul3A_741, %get3A_725 : vector<16xf32>
        %add3A_747 = arith.addf %add3A_675, %mul3A_746 : vector<16xf32>
        %scan3A_748 = arith.constant 2 : i32
        %scan3A_749 = arith.addi %scan3A_603, %scan3A_748 : i32
        %jit3A_750 = arith.constant 32 : i32
        %div3A_751 = arith.divsi %scan3A_749, %jit3A_750 : i32
        %sign3A_752 = arith.constant 0 : i32
        %sign3A_753 = arith.cmpi sgt, %scan3A_749, %sign3A_752 : i32
        %sign3A_754 = arith.extui %sign3A_753 : i1 to i32
        %sign3A_755 = arith.constant 0 : i32
        %sign3A_756 = arith.cmpi slt, %scan3A_749, %sign3A_755 : i32
        %sign3A_757 = arith.extui %sign3A_756 : i1 to i32
        %sign3A_758 = arith.subi %sign3A_754, %sign3A_757 : i32
        %sign3A_759 = arith.constant 0 : i32
        %sign3A_760 = arith.cmpi sgt, %jit3A_750, %sign3A_759 : i32
        %sign3A_761 = arith.extui %sign3A_760 : i1 to i32
        %sign3A_762 = arith.constant 0 : i32
        %sign3A_763 = arith.cmpi slt, %jit3A_750, %sign3A_762 : i32
        %sign3A_764 = arith.extui %sign3A_763 : i1 to i32
        %sign3A_765 = arith.subi %sign3A_761, %sign3A_764 : i32
        %ne3A_766 = arith.cmpi ne, %sign3A_758, %sign3A_765 : i32
        %rem3A_767 = arith.remsi %scan3A_749, %jit3A_750 : i32
        %ne3A_768 = arith.constant 0 : i32
        %ne3A_769 = arith.cmpi ne, %rem3A_767, %ne3A_768 : i32
        %and3A_770 = arith.andi %ne3A_766, %ne3A_769 : i1
        %sub3A_771 = arith.constant 1 : i32
        %sub3A_772 = arith.subi %div3A_751, %sub3A_771 : i32
        %select_n3A_773 = arith.select %and3A_770, %sub3A_772, %div3A_751 : i32
        %jit3A_774 = arith.constant 32 : i32
        %eq3A_775 = arith.constant 0 : i32
        %eq3A_776 = arith.cmpi eq, %jit3A_774, %eq3A_775 : i32
        %jit3A_777 = arith.constant 1 : i32
        %select_n3A_778 = arith.select %eq3A_776, %jit3A_777, %jit3A_774 : i32
        %rem3A_779 = arith.remsi %scan3A_749, %select_n3A_778 : i32
        %ne3A_780 = arith.constant 0 : i32
        %ne3A_781 = arith.cmpi ne, %rem3A_779, %ne3A_780 : i32
        %lt3A_782 = arith.constant 0 : i32
        %lt3A_783 = arith.cmpi slt, %rem3A_779, %lt3A_782 : i32
        %lt3A_784 = arith.constant 0 : i32
        %lt3A_785 = arith.cmpi slt, %select_n3A_778, %lt3A_784 : i32
        %ne3A_786 = arith.xori %lt3A_783, %lt3A_785 : i1
        %and3A_787 = arith.andi %ne3A_786, %ne3A_781 : i1
        %add3A_788 = arith.addi %rem3A_779, %select_n3A_778 : i32
        %select_n3A_789 = arith.select %and3A_787, %add3A_788, %rem3A_779 : i32
        %mul3A_790 = arith.constant 16 : i32
        %mul3A_791 = arith.muli %select_n3A_789, %mul3A_790 : i32
        %get3A_792 = arith.constant 0 : i32
        %get3A_793 = arith.index_cast %get3A_792 : i32 to index
        %get3A_794 = arith.index_cast %select_n3A_773 : i32 to index
        %get3A_795 = arith.index_cast %mul3A_791 : i32 to index
        %get3A_796 = tpu.vector_load %arg5[%get3A_793, %get3A_794, %get3A_795] {strides = array<i32>} : memref<4x8x512xf32, #tpu.memory_space<vmem>>, vector<1x1x16xf32>,
        %get3A_797 = vector.shape_cast %get3A_796 : vector<1x1x16xf32> to vector<16xf32>
        %get3A_798 = arith.constant 0 : i32
        %get3A_799 = arith.index_cast %get3A_798 : i32 to index
        %get3A_800 = arith.index_cast %select_n3A_773 : i32 to index
        %get3A_801 = arith.index_cast %mul3A_791 : i32 to index
        %get3A_802 = tpu.vector_load %arg6[%get3A_799, %get3A_800, %get3A_801] {strides = array<i32>} : memref<4x8x512xi32, #tpu.memory_space<vmem>>, vector<1x1x16xi32>,
        %get3A_803 = vector.shape_cast %get3A_802 : vector<1x1x16xi32> to vector<16xi32>
        %broadcast_in_dim3A_804 = arith.constant 1.000000e+00 : f32
        %broadcast_in_dim3A_805 = vector.broadcast %broadcast_in_dim3A_804 : f32 to vector<16xf32>
        %broadcast_in_dim3A_806 = arith.constant 0.000000e+00 : f32
        %broadcast_in_dim3A_807 = vector.broadcast %broadcast_in_dim3A_806 : f32 to vector<16xf32>
        %convert_element_type3A_808 = arith.sitofp %get3A_803 : vector<16xi32> to vector<16xf32>
        %gt3A_809 = arith.constant 5.000000e-01 : f32
        %gt3A_810 = vector.broadcast %gt3A_809 : f32 to vector<16xf32>
        %gt3A_811 = arith.cmpf ogt, %get3A_797, %gt3A_810 : vector<16xf32>
        %select_n3A_812 = arith.select %gt3A_811, %broadcast_in_dim3A_805, %broadcast_in_dim3A_807 : vector<16xi1>, vector<16xf32>
        %mul3A_813 = arith.mulf %select_n3A_812, %convert_element_type3A_808 : vector<16xf32>
        %add3A_814 = arith.addf %add3A_742, %select_n3A_812 : vector<16xf32>
        %select_n3A_815 = arith.select %gt3A_811, %get3A_797, %broadcast_in_dim3A_807 : vector<16xi1>, vector<16xf32>
        %add3A_816 = arith.addf %add3A_744, %select_n3A_815 : vector<16xf32>
        %add3A_817 = arith.addf %add3A_745, %mul3A_813 : vector<16xf32>
        %mul3A_818 = arith.mulf %mul3A_813, %get3A_797 : vector<16xf32>
        %add3A_819 = arith.addf %add3A_747, %mul3A_818 : vector<16xf32>
        %scan3A_820 = arith.constant 3 : i32
        %scan3A_821 = arith.addi %scan3A_603, %scan3A_820 : i32
        %jit3A_822 = arith.constant 32 : i32
        %div3A_823 = arith.divsi %scan3A_821, %jit3A_822 : i32
        %sign3A_824 = arith.constant 0 : i32
        %sign3A_825 = arith.cmpi sgt, %scan3A_821, %sign3A_824 : i32
        %sign3A_826 = arith.extui %sign3A_825 : i1 to i32
        %sign3A_827 = arith.constant 0 : i32
        %sign3A_828 = arith.cmpi slt, %scan3A_821, %sign3A_827 : i32
        %sign3A_829 = arith.extui %sign3A_828 : i1 to i32
        %sign3A_830 = arith.subi %sign3A_826, %sign3A_829 : i32
        %sign3A_831 = arith.constant 0 : i32
        %sign3A_832 = arith.cmpi sgt, %jit3A_822, %sign3A_831 : i32
        %sign3A_833 = arith.extui %sign3A_832 : i1 to i32
        %sign3A_834 = arith.constant 0 : i32
        %sign3A_835 = arith.cmpi slt, %jit3A_822, %sign3A_834 : i32
        %sign3A_836 = arith.extui %sign3A_835 : i1 to i32
        %sign3A_837 = arith.subi %sign3A_833, %sign3A_836 : i32
        %ne3A_838 = arith.cmpi ne, %sign3A_830, %sign3A_837 : i32
        %rem3A_839 = arith.remsi %scan3A_821, %jit3A_822 : i32
        %ne3A_840 = arith.constant 0 : i32
        %ne3A_841 = arith.cmpi ne, %rem3A_839, %ne3A_840 : i32
        %and3A_842 = arith.andi %ne3A_838, %ne3A_841 : i1
        %sub3A_843 = arith.constant 1 : i32
        %sub3A_844 = arith.subi %div3A_823, %sub3A_843 : i32
        %select_n3A_845 = arith.select %and3A_842, %sub3A_844, %div3A_823 : i32
        %jit3A_846 = arith.constant 32 : i32
        %eq3A_847 = arith.constant 0 : i32
        %eq3A_848 = arith.cmpi eq, %jit3A_846, %eq3A_847 : i32
        %jit3A_849 = arith.constant 1 : i32
        %select_n3A_850 = arith.select %eq3A_848, %jit3A_849, %jit3A_846 : i32
        %rem3A_851 = arith.remsi %scan3A_821, %select_n3A_850 : i32
        %ne3A_852 = arith.constant 0 : i32
        %ne3A_853 = arith.cmpi ne, %rem3A_851, %ne3A_852 : i32
        %lt3A_854 = arith.constant 0 : i32
        %lt3A_855 = arith.cmpi slt, %rem3A_851, %lt3A_854 : i32
        %lt3A_856 = arith.constant 0 : i32
        %lt3A_857 = arith.cmpi slt, %select_n3A_850, %lt3A_856 : i32
        %ne3A_858 = arith.xori %lt3A_855, %lt3A_857 : i1
        %and3A_859 = arith.andi %ne3A_858, %ne3A_853 : i1
        %add3A_860 = arith.addi %rem3A_851, %select_n3A_850 : i32
        %select_n3A_861 = arith.select %and3A_859, %add3A_860, %rem3A_851 : i32
        %mul3A_862 = arith.constant 16 : i32
        %mul3A_863 = arith.muli %select_n3A_861, %mul3A_862 : i32
        %get3A_864 = arith.constant 0 : i32
        %get3A_865 = arith.index_cast %get3A_864 : i32 to index
        %get3A_866 = arith.index_cast %select_n3A_845 : i32 to index
        %get3A_867 = arith.index_cast %mul3A_863 : i32 to index
        %get3A_868 = tpu.vector_load %arg5[%get3A_865, %get3A_866, %get3A_867] {strides = array<i32>} : memref<4x8x512xf32, #tpu.memory_space<vmem>>, vector<1x1x16xf32>,
        %get3A_869 = vector.shape_cast %get3A_868 : vector<1x1x16xf32> to vector<16xf32>
        %get3A_870 = arith.constant 0 : i32
        %get3A_871 = arith.index_cast %get3A_870 : i32 to index
        %get3A_872 = arith.index_cast %select_n3A_845 : i32 to index
        %get3A_873 = arith.index_cast %mul3A_863 : i32 to index
        %get3A_874 = tpu.vector_load %arg6[%get3A_871, %get3A_872, %get3A_873] {strides = array<i32>} : memref<4x8x512xi32, #tpu.memory_space<vmem>>, vector<1x1x16xi32>,
        %get3A_875 = vector.shape_cast %get3A_874 : vector<1x1x16xi32> to vector<16xi32>
        %broadcast_in_dim3A_876 = arith.constant 1.000000e+00 : f32
        %broadcast_in_dim3A_877 = vector.broadcast %broadcast_in_dim3A_876 : f32 to vector<16xf32>
        %broadcast_in_dim3A_878 = arith.constant 0.000000e+00 : f32
        %broadcast_in_dim3A_879 = vector.broadcast %broadcast_in_dim3A_878 : f32 to vector<16xf32>
        %convert_element_type3A_880 = arith.sitofp %get3A_875 : vector<16xi32> to vector<16xf32>
        %gt3A_881 = arith.constant 5.000000e-01 : f32
        %gt3A_882 = vector.broadcast %gt3A_881 : f32 to vector<16xf32>
        %gt3A_883 = arith.cmpf ogt, %get3A_869, %gt3A_882 : vector<16xf32>
        %select_n3A_884 = arith.select %gt3A_883, %broadcast_in_dim3A_877, %broadcast_in_dim3A_879 : vector<16xi1>, vector<16xf32>
        %mul3A_885 = arith.mulf %select_n3A_884, %convert_element_type3A_880 : vector<16xf32>
        %add3A_886 = arith.addf %add3A_814, %select_n3A_884 : vector<16xf32>
        %select_n3A_887 = arith.select %gt3A_883, %get3A_869, %broadcast_in_dim3A_879 : vector<16xi1>, vector<16xf32>
        %add3A_888 = arith.addf %add3A_816, %select_n3A_887 : vector<16xf32>
        %add3A_889 = arith.addf %add3A_817, %mul3A_885 : vector<16xf32>
        %mul3A_890 = arith.mulf %mul3A_885, %get3A_869 : vector<16xf32>
        %add3A_891 = arith.addf %add3A_819, %mul3A_890 : vector<16xf32>
        %scan3A_892 = arith.constant 4 : i32
        %scan3A_893 = arith.addi %scan3A_603, %scan3A_892 : i32
        %jit3A_894 = arith.constant 32 : i32
        %div3A_895 = arith.divsi %scan3A_893, %jit3A_894 : i32
        %sign3A_896 = arith.constant 0 : i32
        %sign3A_897 = arith.cmpi sgt, %scan3A_893, %sign3A_896 : i32
        %sign3A_898 = arith.extui %sign3A_897 : i1 to i32
        %sign3A_899 = arith.constant 0 : i32
        %sign3A_900 = arith.cmpi slt, %scan3A_893, %sign3A_899 : i32
        %sign3A_901 = arith.extui %sign3A_900 : i1 to i32
        %sign3A_902 = arith.subi %sign3A_898, %sign3A_901 : i32
        %sign3A_903 = arith.constant 0 : i32
        %sign3A_904 = arith.cmpi sgt, %jit3A_894, %sign3A_903 : i32
        %sign3A_905 = arith.extui %sign3A_904 : i1 to i32
        %sign3A_906 = arith.constant 0 : i32
        %sign3A_907 = arith.cmpi slt, %jit3A_894, %sign3A_906 : i32
        %sign3A_908 = arith.extui %sign3A_907 : i1 to i32
        %sign3A_909 = arith.subi %sign3A_905, %sign3A_908 : i32
        %ne3A_910 = arith.cmpi ne, %sign3A_902, %sign3A_909 : i32
        %rem3A_911 = arith.remsi %scan3A_893, %jit3A_894 : i32
        %ne3A_912 = arith.constant 0 : i32
        %ne3A_913 = arith.cmpi ne, %rem3A_911, %ne3A_912 : i32
        %and3A_914 = arith.andi %ne3A_910, %ne3A_913 : i1
        %sub3A_915 = arith.constant 1 : i32
        %sub3A_916 = arith.subi %div3A_895, %sub3A_915 : i32
        %select_n3A_917 = arith.select %and3A_914, %sub3A_916, %div3A_895 : i32
        %jit3A_918 = arith.constant 32 : i32
        %eq3A_919 = arith.constant 0 : i32
        %eq3A_920 = arith.cmpi eq, %jit3A_918, %eq3A_919 : i32
        %jit3A_921 = arith.constant 1 : i32
        %select_n3A_922 = arith.select %eq3A_920, %jit3A_921, %jit3A_918 : i32
        %rem3A_923 = arith.remsi %scan3A_893, %select_n3A_922 : i32
        %ne3A_924 = arith.constant 0 : i32
        %ne3A_925 = arith.cmpi ne, %rem3A_923, %ne3A_924 : i32
        %lt3A_926 = arith.constant 0 : i32
        %lt3A_927 = arith.cmpi slt, %rem3A_923, %lt3A_926 : i32
        %lt3A_928 = arith.constant 0 : i32
        %lt3A_929 = arith.cmpi slt, %select_n3A_922, %lt3A_928 : i32
        %ne3A_930 = arith.xori %lt3A_927, %lt3A_929 : i1
        %and3A_931 = arith.andi %ne3A_930, %ne3A_925 : i1
        %add3A_932 = arith.addi %rem3A_923, %select_n3A_922 : i32
        %select_n3A_933 = arith.select %and3A_931, %add3A_932, %rem3A_923 : i32
        %mul3A_934 = arith.constant 16 : i32
        %mul3A_935 = arith.muli %select_n3A_933, %mul3A_934 : i32
        %get3A_936 = arith.constant 0 : i32
        %get3A_937 = arith.index_cast %get3A_936 : i32 to index
        %get3A_938 = arith.index_cast %select_n3A_917 : i32 to index
        %get3A_939 = arith.index_cast %mul3A_935 : i32 to index
        %get3A_940 = tpu.vector_load %arg5[%get3A_937, %get3A_938, %get3A_939] {strides = array<i32>} : memref<4x8x512xf32, #tpu.memory_space<vmem>>, vector<1x1x16xf32>,
        %get3A_941 = vector.shape_cast %get3A_940 : vector<1x1x16xf32> to vector<16xf32>
        %get3A_942 = arith.constant 0 : i32
        %get3A_943 = arith.index_cast %get3A_942 : i32 to index
        %get3A_944 = arith.index_cast %select_n3A_917 : i32 to index
        %get3A_945 = arith.index_cast %mul3A_935 : i32 to index
        %get3A_946 = tpu.vector_load %arg6[%get3A_943, %get3A_944, %get3A_945] {strides = array<i32>} : memref<4x8x512xi32, #tpu.memory_space<vmem>>, vector<1x1x16xi32>,
        %get3A_947 = vector.shape_cast %get3A_946 : vector<1x1x16xi32> to vector<16xi32>
        %broadcast_in_dim3A_948 = arith.constant 1.000000e+00 : f32
        %broadcast_in_dim3A_949 = vector.broadcast %broadcast_in_dim3A_948 : f32 to vector<16xf32>
        %broadcast_in_dim3A_950 = arith.constant 0.000000e+00 : f32
        %broadcast_in_dim3A_951 = vector.broadcast %broadcast_in_dim3A_950 : f32 to vector<16xf32>
        %convert_element_type3A_952 = arith.sitofp %get3A_947 : vector<16xi32> to vector<16xf32>
        %gt3A_953 = arith.constant 5.000000e-01 : f32
        %gt3A_954 = vector.broadcast %gt3A_953 : f32 to vector<16xf32>
        %gt3A_955 = arith.cmpf ogt, %get3A_941, %gt3A_954 : vector<16xf32>
        %select_n3A_956 = arith.select %gt3A_955, %broadcast_in_dim3A_949, %broadcast_in_dim3A_951 : vector<16xi1>, vector<16xf32>
        %mul3A_957 = arith.mulf %select_n3A_956, %convert_element_type3A_952 : vector<16xf32>
        %add3A_958 = arith.addf %add3A_886, %select_n3A_956 : vector<16xf32>
        %select_n3A_959 = arith.select %gt3A_955, %get3A_941, %broadcast_in_dim3A_951 : vector<16xi1>, vector<16xf32>
        %add3A_960 = arith.addf %add3A_888, %select_n3A_959 : vector<16xf32>
        %add3A_961 = arith.addf %add3A_889, %mul3A_957 : vector<16xf32>
        %mul3A_962 = arith.mulf %mul3A_957, %get3A_941 : vector<16xf32>
        %add3A_963 = arith.addf %add3A_891, %mul3A_962 : vector<16xf32>
        %scan3A_964 = arith.constant 5 : i32
        %scan3A_965 = arith.addi %scan3A_603, %scan3A_964 : i32
        %jit3A_966 = arith.constant 32 : i32
        %div3A_967 = arith.divsi %scan3A_965, %jit3A_966 : i32
        %sign3A_968 = arith.constant 0 : i32
        %sign3A_969 = arith.cmpi sgt, %scan3A_965, %sign3A_968 : i32
        %sign3A_970 = arith.extui %sign3A_969 : i1 to i32
        %sign3A_971 = arith.constant 0 : i32
        %sign3A_972 = arith.cmpi slt, %scan3A_965, %sign3A_971 : i32
        %sign3A_973 = arith.extui %sign3A_972 : i1 to i32
        %sign3A_974 = arith.subi %sign3A_970, %sign3A_973 : i32
        %sign3A_975 = arith.constant 0 : i32
        %sign3A_976 = arith.cmpi sgt, %jit3A_966, %sign3A_975 : i32
        %sign3A_977 = arith.extui %sign3A_976 : i1 to i32
        %sign3A_978 = arith.constant 0 : i32
        %sign3A_979 = arith.cmpi slt, %jit3A_966, %sign3A_978 : i32
        %sign3A_980 = arith.extui %sign3A_979 : i1 to i32
        %sign3A_981 = arith.subi %sign3A_977, %sign3A_980 : i32
        %ne3A_982 = arith.cmpi ne, %sign3A_974, %sign3A_981 : i32
        %rem3A_983 = arith.remsi %scan3A_965, %jit3A_966 : i32
        %ne3A_984 = arith.constant 0 : i32
        %ne3A_985 = arith.cmpi ne, %rem3A_983, %ne3A_984 : i32
        %and3A_986 = arith.andi %ne3A_982, %ne3A_985 : i1
        %sub3A_987 = arith.constant 1 : i32
        %sub3A_988 = arith.subi %div3A_967, %sub3A_987 : i32
        %select_n3A_989 = arith.select %and3A_986, %sub3A_988, %div3A_967 : i32
        %jit3A_990 = arith.constant 32 : i32
        %eq3A_991 = arith.constant 0 : i32
        %eq3A_992 = arith.cmpi eq, %jit3A_990, %eq3A_991 : i32
        %jit3A_993 = arith.constant 1 : i32
        %select_n3A_994 = arith.select %eq3A_992, %jit3A_993, %jit3A_990 : i32
        %rem3A_995 = arith.remsi %scan3A_965, %select_n3A_994 : i32
        %ne3A_996 = arith.constant 0 : i32
        %ne3A_997 = arith.cmpi ne, %rem3A_995, %ne3A_996 : i32
        %lt3A_998 = arith.constant 0 : i32
        %lt3A_999 = arith.cmpi slt, %rem3A_995, %lt3A_998 : i32
        %lt3A_1000 = arith.constant 0 : i32
        %lt3A_1001 = arith.cmpi slt, %select_n3A_994, %lt3A_1000 : i32
        %ne3A_1002 = arith.xori %lt3A_999, %lt3A_1001 : i1
        %and3A_1003 = arith.andi %ne3A_1002, %ne3A_997 : i1
        %add3A_1004 = arith.addi %rem3A_995, %select_n3A_994 : i32
        %select_n3A_1005 = arith.select %and3A_1003, %add3A_1004, %rem3A_995 : i32
        %mul3A_1006 = arith.constant 16 : i32
        %mul3A_1007 = arith.muli %select_n3A_1005, %mul3A_1006 : i32
        %get3A_1008 = arith.constant 0 : i32
        %get3A_1009 = arith.index_cast %get3A_1008 : i32 to index
        %get3A_1010 = arith.index_cast %select_n3A_989 : i32 to index
        %get3A_1011 = arith.index_cast %mul3A_1007 : i32 to index
        %get3A_1012 = tpu.vector_load %arg5[%get3A_1009, %get3A_1010, %get3A_1011] {strides = array<i32>} : memref<4x8x512xf32, #tpu.memory_space<vmem>>, vector<1x1x16xf32>,
        %get3A_1013 = vector.shape_cast %get3A_1012 : vector<1x1x16xf32> to vector<16xf32>
        %get3A_1014 = arith.constant 0 : i32
        %get3A_1015 = arith.index_cast %get3A_1014 : i32 to index
        %get3A_1016 = arith.index_cast %select_n3A_989 : i32 to index
        %get3A_1017 = arith.index_cast %mul3A_1007 : i32 to index
        %get3A_1018 = tpu.vector_load %arg6[%get3A_1015, %get3A_1016, %get3A_1017] {strides = array<i32>} : memref<4x8x512xi32, #tpu.memory_space<vmem>>, vector<1x1x16xi32>,
        %get3A_1019 = vector.shape_cast %get3A_1018 : vector<1x1x16xi32> to vector<16xi32>
        %broadcast_in_dim3A_1020 = arith.constant 1.000000e+00 : f32
        %broadcast_in_dim3A_1021 = vector.broadcast %broadcast_in_dim3A_1020 : f32 to vector<16xf32>
        %broadcast_in_dim3A_1022 = arith.constant 0.000000e+00 : f32
        %broadcast_in_dim3A_1023 = vector.broadcast %broadcast_in_dim3A_1022 : f32 to vector<16xf32>
        %convert_element_type3A_1024 = arith.sitofp %get3A_1019 : vector<16xi32> to vector<16xf32>
        %gt3A_1025 = arith.constant 5.000000e-01 : f32
        %gt3A_1026 = vector.broadcast %gt3A_1025 : f32 to vector<16xf32>
        %gt3A_1027 = arith.cmpf ogt, %get3A_1013, %gt3A_1026 : vector<16xf32>
        %select_n3A_1028 = arith.select %gt3A_1027, %broadcast_in_dim3A_1021, %broadcast_in_dim3A_1023 : vector<16xi1>, vector<16xf32>
        %mul3A_1029 = arith.mulf %select_n3A_1028, %convert_element_type3A_1024 : vector<16xf32>
        %add3A_1030 = arith.addf %add3A_958, %select_n3A_1028 : vector<16xf32>
        %select_n3A_1031 = arith.select %gt3A_1027, %get3A_1013, %broadcast_in_dim3A_1023 : vector<16xi1>, vector<16xf32>
        %add3A_1032 = arith.addf %add3A_960, %select_n3A_1031 : vector<16xf32>
        %add3A_1033 = arith.addf %add3A_961, %mul3A_1029 : vector<16xf32>
        %mul3A_1034 = arith.mulf %mul3A_1029, %get3A_1013 : vector<16xf32>
        %add3A_1035 = arith.addf %add3A_963, %mul3A_1034 : vector<16xf32>
        %scan3A_1036 = arith.constant 6 : i32
        %scan3A_1037 = arith.addi %scan3A_603, %scan3A_1036 : i32
        %jit3A_1038 = arith.constant 32 : i32
        %div3A_1039 = arith.divsi %scan3A_1037, %jit3A_1038 : i32
        %sign3A_1040 = arith.constant 0 : i32
        %sign3A_1041 = arith.cmpi sgt, %scan3A_1037, %sign3A_1040 : i32
        %sign3A_1042 = arith.extui %sign3A_1041 : i1 to i32
        %sign3A_1043 = arith.constant 0 : i32
        %sign3A_1044 = arith.cmpi slt, %scan3A_1037, %sign3A_1043 : i32
        %sign3A_1045 = arith.extui %sign3A_1044 : i1 to i32
        %sign3A_1046 = arith.subi %sign3A_1042, %sign3A_1045 : i32
        %sign3A_1047 = arith.constant 0 : i32
        %sign3A_1048 = arith.cmpi sgt, %jit3A_1038, %sign3A_1047 : i32
        %sign3A_1049 = arith.extui %sign3A_1048 : i1 to i32
        %sign3A_1050 = arith.constant 0 : i32
        %sign3A_1051 = arith.cmpi slt, %jit3A_1038, %sign3A_1050 : i32
        %sign3A_1052 = arith.extui %sign3A_1051 : i1 to i32
        %sign3A_1053 = arith.subi %sign3A_1049, %sign3A_1052 : i32
        %ne3A_1054 = arith.cmpi ne, %sign3A_1046, %sign3A_1053 : i32
        %rem3A_1055 = arith.remsi %scan3A_1037, %jit3A_1038 : i32
        %ne3A_1056 = arith.constant 0 : i32
        %ne3A_1057 = arith.cmpi ne, %rem3A_1055, %ne3A_1056 : i32
        %and3A_1058 = arith.andi %ne3A_1054, %ne3A_1057 : i1
        %sub3A_1059 = arith.constant 1 : i32
        %sub3A_1060 = arith.subi %div3A_1039, %sub3A_1059 : i32
        %select_n3A_1061 = arith.select %and3A_1058, %sub3A_1060, %div3A_1039 : i32
        %jit3A_1062 = arith.constant 32 : i32
        %eq3A_1063 = arith.constant 0 : i32
        %eq3A_1064 = arith.cmpi eq, %jit3A_1062, %eq3A_1063 : i32
        %jit3A_1065 = arith.constant 1 : i32
        %select_n3A_1066 = arith.select %eq3A_1064, %jit3A_1065, %jit3A_1062 : i32
        %rem3A_1067 = arith.remsi %scan3A_1037, %select_n3A_1066 : i32
        %ne3A_1068 = arith.constant 0 : i32
        %ne3A_1069 = arith.cmpi ne, %rem3A_1067, %ne3A_1068 : i32
        %lt3A_1070 = arith.constant 0 : i32
        %lt3A_1071 = arith.cmpi slt, %rem3A_1067, %lt3A_1070 : i32
        %lt3A_1072 = arith.constant 0 : i32
        %lt3A_1073 = arith.cmpi slt, %select_n3A_1066, %lt3A_1072 : i32
        %ne3A_1074 = arith.xori %lt3A_1071, %lt3A_1073 : i1
        %and3A_1075 = arith.andi %ne3A_1074, %ne3A_1069 : i1
        %add3A_1076 = arith.addi %rem3A_1067, %select_n3A_1066 : i32
        %select_n3A_1077 = arith.select %and3A_1075, %add3A_1076, %rem3A_1067 : i32
        %mul3A_1078 = arith.constant 16 : i32
        %mul3A_1079 = arith.muli %select_n3A_1077, %mul3A_1078 : i32
        %get3A_1080 = arith.constant 0 : i32
        %get3A_1081 = arith.index_cast %get3A_1080 : i32 to index
        %get3A_1082 = arith.index_cast %select_n3A_1061 : i32 to index
        %get3A_1083 = arith.index_cast %mul3A_1079 : i32 to index
        %get3A_1084 = tpu.vector_load %arg5[%get3A_1081, %get3A_1082, %get3A_1083] {strides = array<i32>} : memref<4x8x512xf32, #tpu.memory_space<vmem>>, vector<1x1x16xf32>,
        %get3A_1085 = vector.shape_cast %get3A_1084 : vector<1x1x16xf32> to vector<16xf32>
        %get3A_1086 = arith.constant 0 : i32
        %get3A_1087 = arith.index_cast %get3A_1086 : i32 to index
        %get3A_1088 = arith.index_cast %select_n3A_1061 : i32 to index
        %get3A_1089 = arith.index_cast %mul3A_1079 : i32 to index
        %get3A_1090 = tpu.vector_load %arg6[%get3A_1087, %get3A_1088, %get3A_1089] {strides = array<i32>} : memref<4x8x512xi32, #tpu.memory_space<vmem>>, vector<1x1x16xi32>,
        %get3A_1091 = vector.shape_cast %get3A_1090 : vector<1x1x16xi32> to vector<16xi32>
        %broadcast_in_dim3A_1092 = arith.constant 1.000000e+00 : f32
        %broadcast_in_dim3A_1093 = vector.broadcast %broadcast_in_dim3A_1092 : f32 to vector<16xf32>
        %broadcast_in_dim3A_1094 = arith.constant 0.000000e+00 : f32
        %broadcast_in_dim3A_1095 = vector.broadcast %broadcast_in_dim3A_1094 : f32 to vector<16xf32>
        %convert_element_type3A_1096 = arith.sitofp %get3A_1091 : vector<16xi32> to vector<16xf32>
        %gt3A_1097 = arith.constant 5.000000e-01 : f32
        %gt3A_1098 = vector.broadcast %gt3A_1097 : f32 to vector<16xf32>
        %gt3A_1099 = arith.cmpf ogt, %get3A_1085, %gt3A_1098 : vector<16xf32>
        %select_n3A_1100 = arith.select %gt3A_1099, %broadcast_in_dim3A_1093, %broadcast_in_dim3A_1095 : vector<16xi1>, vector<16xf32>
        %mul3A_1101 = arith.mulf %select_n3A_1100, %convert_element_type3A_1096 : vector<16xf32>
        %add3A_1102 = arith.addf %add3A_1030, %select_n3A_1100 : vector<16xf32>
        %select_n3A_1103 = arith.select %gt3A_1099, %get3A_1085, %broadcast_in_dim3A_1095 : vector<16xi1>, vector<16xf32>
        %add3A_1104 = arith.addf %add3A_1032, %select_n3A_1103 : vector<16xf32>
        %add3A_1105 = arith.addf %add3A_1033, %mul3A_1101 : vector<16xf32>
        %mul3A_1106 = arith.mulf %mul3A_1101, %get3A_1085 : vector<16xf32>
        %add3A_1107 = arith.addf %add3A_1035, %mul3A_1106 : vector<16xf32>
        %scan3A_1108 = arith.constant 7 : i32
        %scan3A_1109 = arith.addi %scan3A_603, %scan3A_1108 : i32
        %jit3A_1110 = arith.constant 32 : i32
        %div3A_1111 = arith.divsi %scan3A_1109, %jit3A_1110 : i32
        %sign3A_1112 = arith.constant 0 : i32
        %sign3A_1113 = arith.cmpi sgt, %scan3A_1109, %sign3A_1112 : i32
        %sign3A_1114 = arith.extui %sign3A_1113 : i1 to i32
        %sign3A_1115 = arith.constant 0 : i32
        %sign3A_1116 = arith.cmpi slt, %scan3A_1109, %sign3A_1115 : i32
        %sign3A_1117 = arith.extui %sign3A_1116 : i1 to i32
        %sign3A_1118 = arith.subi %sign3A_1114, %sign3A_1117 : i32
        %sign3A_1119 = arith.constant 0 : i32
        %sign3A_1120 = arith.cmpi sgt, %jit3A_1110, %sign3A_1119 : i32
        %sign3A_1121 = arith.extui %sign3A_1120 : i1 to i32
        %sign3A_1122 = arith.constant 0 : i32
        %sign3A_1123 = arith.cmpi slt, %jit3A_1110, %sign3A_1122 : i32
        %sign3A_1124 = arith.extui %sign3A_1123 : i1 to i32
        %sign3A_1125 = arith.subi %sign3A_1121, %sign3A_1124 : i32
        %ne3A_1126 = arith.cmpi ne, %sign3A_1118, %sign3A_1125 : i32
        %rem3A_1127 = arith.remsi %scan3A_1109, %jit3A_1110 : i32
        %ne3A_1128 = arith.constant 0 : i32
        %ne3A_1129 = arith.cmpi ne, %rem3A_1127, %ne3A_1128 : i32
        %and3A_1130 = arith.andi %ne3A_1126, %ne3A_1129 : i1
        %sub3A_1131 = arith.constant 1 : i32
        %sub3A_1132 = arith.subi %div3A_1111, %sub3A_1131 : i32
        %select_n3A_1133 = arith.select %and3A_1130, %sub3A_1132, %div3A_1111 : i32
        %jit3A_1134 = arith.constant 32 : i32
        %eq3A_1135 = arith.constant 0 : i32
        %eq3A_1136 = arith.cmpi eq, %jit3A_1134, %eq3A_1135 : i32
        %jit3A_1137 = arith.constant 1 : i32
        %select_n3A_1138 = arith.select %eq3A_1136, %jit3A_1137, %jit3A_1134 : i32
        %rem3A_1139 = arith.remsi %scan3A_1109, %select_n3A_1138 : i32
        %ne3A_1140 = arith.constant 0 : i32
        %ne3A_1141 = arith.cmpi ne, %rem3A_1139, %ne3A_1140 : i32
        %lt3A_1142 = arith.constant 0 : i32
        %lt3A_1143 = arith.cmpi slt, %rem3A_1139, %lt3A_1142 : i32
        %lt3A_1144 = arith.constant 0 : i32
        %lt3A_1145 = arith.cmpi slt, %select_n3A_1138, %lt3A_1144 : i32
        %ne3A_1146 = arith.xori %lt3A_1143, %lt3A_1145 : i1
        %and3A_1147 = arith.andi %ne3A_1146, %ne3A_1141 : i1
        %add3A_1148 = arith.addi %rem3A_1139, %select_n3A_1138 : i32
        %select_n3A_1149 = arith.select %and3A_1147, %add3A_1148, %rem3A_1139 : i32
        %mul3A_1150 = arith.constant 16 : i32
        %mul3A_1151 = arith.muli %select_n3A_1149, %mul3A_1150 : i32
        %get3A_1152 = arith.constant 0 : i32
        %get3A_1153 = arith.index_cast %get3A_1152 : i32 to index
        %get3A_1154 = arith.index_cast %select_n3A_1133 : i32 to index
        %get3A_1155 = arith.index_cast %mul3A_1151 : i32 to index
        %get3A_1156 = tpu.vector_load %arg5[%get3A_1153, %get3A_1154, %get3A_1155] {strides = array<i32>} : memref<4x8x512xf32, #tpu.memory_space<vmem>>, vector<1x1x16xf32>,
        %get3A_1157 = vector.shape_cast %get3A_1156 : vector<1x1x16xf32> to vector<16xf32>
        %get3A_1158 = arith.constant 0 : i32
        %get3A_1159 = arith.index_cast %get3A_1158 : i32 to index
        %get3A_1160 = arith.index_cast %select_n3A_1133 : i32 to index
        %get3A_1161 = arith.index_cast %mul3A_1151 : i32 to index
        %get3A_1162 = tpu.vector_load %arg6[%get3A_1159, %get3A_1160, %get3A_1161] {strides = array<i32>} : memref<4x8x512xi32, #tpu.memory_space<vmem>>, vector<1x1x16xi32>,
        %get3A_1163 = vector.shape_cast %get3A_1162 : vector<1x1x16xi32> to vector<16xi32>
        %broadcast_in_dim3A_1164 = arith.constant 1.000000e+00 : f32
        %broadcast_in_dim3A_1165 = vector.broadcast %broadcast_in_dim3A_1164 : f32 to vector<16xf32>
        %broadcast_in_dim3A_1166 = arith.constant 0.000000e+00 : f32
        %broadcast_in_dim3A_1167 = vector.broadcast %broadcast_in_dim3A_1166 : f32 to vector<16xf32>
        %convert_element_type3A_1168 = arith.sitofp %get3A_1163 : vector<16xi32> to vector<16xf32>
        %gt3A_1169 = arith.constant 5.000000e-01 : f32
        %gt3A_1170 = vector.broadcast %gt3A_1169 : f32 to vector<16xf32>
        %gt3A_1171 = arith.cmpf ogt, %get3A_1157, %gt3A_1170 : vector<16xf32>
        %select_n3A_1172 = arith.select %gt3A_1171, %broadcast_in_dim3A_1165, %broadcast_in_dim3A_1167 : vector<16xi1>, vector<16xf32>
        %mul3A_1173 = arith.mulf %select_n3A_1172, %convert_element_type3A_1168 : vector<16xf32>
        %add3A_1174 = arith.addf %add3A_1102, %select_n3A_1172 : vector<16xf32>
        %select_n3A_1175 = arith.select %gt3A_1171, %get3A_1157, %broadcast_in_dim3A_1167 : vector<16xi1>, vector<16xf32>
        %add3A_1176 = arith.addf %add3A_1104, %select_n3A_1175 : vector<16xf32>
        %add3A_1177 = arith.addf %add3A_1105, %mul3A_1173 : vector<16xf32>
        %mul3A_1178 = arith.mulf %mul3A_1173, %get3A_1157 : vector<16xf32>
        %add3A_1179 = arith.addf %add3A_1107, %mul3A_1178 : vector<16xf32>
        scf.yield %add3A_1174, %add3A_1176, %add3A_1177, %add3A_1179 : vector<16xf32>, vector<16xf32>, vector<16xf32>, vector<16xf32>
      }
      %scan3A_332 = arith.constant 256 : i32
      %add3A_333 = arith.constant 1 : i32
      %add3A_334 = arith.addi %mul3A_245, %add3A_333 : i32
      %mul3A_335 = arith.constant 20 : i32
      %mul3A_336 = arith.muli %add3A, %mul3A_335 : i32
      %add3A_337 = arith.addi %mul3A_336, %add3A_334 : i32
      %jit3A_338 = arith.constant 64 : i32
      %div3A_339 = arith.divsi %add3A_337, %jit3A_338 : i32
      %sign3A_340 = arith.constant 0 : i32
      %sign3A_341 = arith.cmpi sgt, %add3A_337, %sign3A_340 : i32
      %sign3A_342 = arith.extui %sign3A_341 : i1 to i32
      %sign3A_343 = arith.constant 0 : i32
      %sign3A_344 = arith.cmpi slt, %add3A_337, %sign3A_343 : i32
      %sign3A_345 = arith.extui %sign3A_344 : i1 to i32
      %sign3A_346 = arith.subi %sign3A_342, %sign3A_345 : i32
      %sign3A_347 = arith.constant 0 : i32
      %sign3A_348 = arith.cmpi sgt, %jit3A_338, %sign3A_347 : i32
      %sign3A_349 = arith.extui %sign3A_348 : i1 to i32
      %sign3A_350 = arith.constant 0 : i32
      %sign3A_351 = arith.cmpi slt, %jit3A_338, %sign3A_350 : i32
      %sign3A_352 = arith.extui %sign3A_351 : i1 to i32
      %sign3A_353 = arith.subi %sign3A_349, %sign3A_352 : i32
      %ne3A_354 = arith.cmpi ne, %sign3A_346, %sign3A_353 : i32
      %rem3A_355 = arith.remsi %add3A_337, %jit3A_338 : i32
      %ne3A_356 = arith.constant 0 : i32
      %ne3A_357 = arith.cmpi ne, %rem3A_355, %ne3A_356 : i32
      %and3A_358 = arith.andi %ne3A_354, %ne3A_357 : i1
      %sub3A_359 = arith.constant 1 : i32
      %sub3A_360 = arith.subi %div3A_339, %sub3A_359 : i32
      %select_n3A_361 = arith.select %and3A_358, %sub3A_360, %div3A_339 : i32
      %jit3A_362 = arith.constant 64 : i32
      %eq3A_363 = arith.constant 0 : i32
      %eq3A_364 = arith.cmpi eq, %jit3A_362, %eq3A_363 : i32
      %jit3A_365 = arith.constant 1 : i32
      %select_n3A_366 = arith.select %eq3A_364, %jit3A_365, %jit3A_362 : i32
      %rem3A_367 = arith.remsi %add3A_337, %select_n3A_366 : i32
      %ne3A_368 = arith.constant 0 : i32
      %ne3A_369 = arith.cmpi ne, %rem3A_367, %ne3A_368 : i32
      %lt3A_370 = arith.constant 0 : i32
      %lt3A_371 = arith.cmpi slt, %rem3A_367, %lt3A_370 : i32
      %lt3A_372 = arith.constant 0 : i32
      %lt3A_373 = arith.cmpi slt, %select_n3A_366, %lt3A_372 : i32
      %ne3A_374 = arith.xori %lt3A_371, %lt3A_373 : i1
      %and3A_375 = arith.andi %ne3A_374, %ne3A_369 : i1
      %add3A_376 = arith.addi %rem3A_367, %select_n3A_366 : i32
      %select_n3A_377 = arith.select %and3A_375, %add3A_376, %rem3A_367 : i32
      %mul3A_378 = arith.constant 8 : i32
      %mul3A_379 = arith.muli %select_n3A_377, %mul3A_378 : i32
      %dma_wait3A_380 = arith.constant 1 : i32
      %dma_wait3A_381 = arith.constant 0 : i32
      %dma_wait3A_382 = arith.constant 0 : i32
      %dma_wait3A_383 = tpu.memref_slice %arg5[%dma_wait3A_380, %dma_wait3A_381, %dma_wait3A_382] : memref<4x8x512xf32, #tpu.memory_space<vmem>> -> memref<1x8x512xf32, #tpu.memory_space<vmem>>
      %dma_wait3A_384 = tpu.memref_squeeze %dma_wait3A_383 : memref<1x8x512xf32, #tpu.memory_space<vmem>> -> memref<8x512xf32, #tpu.memory_space<vmem>>
      %dma_wait3A_385 = arith.constant 0 : i32
      %dma_wait3A_386 = tpu.memref_slice %arg2[%select_n3A_361, %mul3A_379, %dma_wait3A_385] : memref<16x512x512xf32, #tpu.memory_space<hbm>> -> memref<1x8x512xf32, #tpu.memory_space<hbm>>
      %dma_wait3A_387 = tpu.memref_squeeze %dma_wait3A_386 : memref<1x8x512xf32, #tpu.memory_space<hbm>> -> memref<8x512xf32, #tpu.memory_space<hbm>>
      %dma_wait3A_388 = arith.constant 0 : i32
      %dma_wait3A_389 = arith.constant 0 : i32
      %dma_wait3A_390 = tpu.memref_slice %arg5[%dma_wait3A_380, %dma_wait3A_388, %dma_wait3A_389] : memref<4x8x512xf32, #tpu.memory_space<vmem>> -> memref<1x8x512xf32, #tpu.memory_space<vmem>>
      %dma_wait3A_391 = tpu.memref_squeeze %dma_wait3A_390 : memref<1x8x512xf32, #tpu.memory_space<vmem>> -> memref<8x512xf32, #tpu.memory_space<vmem>>
      %dma_wait3A_392 = arith.constant 0 : i32
      %dma_wait3A_393 = tpu.memref_slice %arg2[%select_n3A_361, %mul3A_379, %dma_wait3A_392] : memref<16x512x512xf32, #tpu.memory_space<hbm>> -> memref<1x8x512xf32, #tpu.memory_space<hbm>>
      %dma_wait3A_394 = tpu.memref_squeeze %dma_wait3A_393 : memref<1x8x512xf32, #tpu.memory_space<hbm>> -> memref<8x512xf32, #tpu.memory_space<hbm>>
      tpu.wait_dma2 semaphore(%arg9 : memref<!tpu.dma_semaphore, #tpu.memory_space<semaphore_mem>>) src(%dma_wait3A_394 : memref<8x512xf32, #tpu.memory_space<hbm>>) dst(%dma_wait3A_391 : memref<8x512xf32, #tpu.memory_space<vmem>>)
      %dma_wait3A_395 = arith.constant 1 : i32
      %dma_wait3A_396 = arith.constant 0 : i32
      %dma_wait3A_397 = arith.constant 0 : i32
      %dma_wait3A_398 = tpu.memref_slice %arg6[%dma_wait3A_395, %dma_wait3A_396, %dma_wait3A_397] : memref<4x8x512xi32, #tpu.memory_space<vmem>> -> memref<1x8x512xi32, #tpu.memory_space<vmem>>
      %dma_wait3A_399 = tpu.memref_squeeze %dma_wait3A_398 : memref<1x8x512xi32, #tpu.memory_space<vmem>> -> memref<8x512xi32, #tpu.memory_space<vmem>>
      %dma_wait3A_400 = arith.constant 0 : i32
      %dma_wait3A_401 = tpu.memref_slice %arg3[%select_n3A_361, %mul3A_379, %dma_wait3A_400] : memref<16x512x512xi32, #tpu.memory_space<hbm>> -> memref<1x8x512xi32, #tpu.memory_space<hbm>>
      %dma_wait3A_402 = tpu.memref_squeeze %dma_wait3A_401 : memref<1x8x512xi32, #tpu.memory_space<hbm>> -> memref<8x512xi32, #tpu.memory_space<hbm>>
      %dma_wait3A_403 = arith.constant 0 : i32
      %dma_wait3A_404 = arith.constant 0 : i32
      %dma_wait3A_405 = tpu.memref_slice %arg6[%dma_wait3A_395, %dma_wait3A_403, %dma_wait3A_404] : memref<4x8x512xi32, #tpu.memory_space<vmem>> -> memref<1x8x512xi32, #tpu.memory_space<vmem>>
      %dma_wait3A_406 = tpu.memref_squeeze %dma_wait3A_405 : memref<1x8x512xi32, #tpu.memory_space<vmem>> -> memref<8x512xi32, #tpu.memory_space<vmem>>
      %dma_wait3A_407 = arith.constant 0 : i32
      %dma_wait3A_408 = tpu.memref_slice %arg3[%select_n3A_361, %mul3A_379, %dma_wait3A_407] : memref<16x512x512xi32, #tpu.memory_space<hbm>> -> memref<1x8x512xi32, #tpu.memory_space<hbm>>
      %dma_wait3A_409 = tpu.memref_squeeze %dma_wait3A_408 : memref<1x8x512xi32, #tpu.memory_space<hbm>> -> memref<8x512xi32, #tpu.memory_space<hbm>>
      tpu.wait_dma2 semaphore(%arg9 : memref<!tpu.dma_semaphore, #tpu.memory_space<semaphore_mem>>) src(%dma_wait3A_409 : memref<8x512xi32, #tpu.memory_space<hbm>>) dst(%dma_wait3A_406 : memref<8x512xi32, #tpu.memory_space<vmem>>)
      %add3A_410 = arith.constant 3 : i32
      %add3A_411 = arith.addi %add3A_334, %add3A_410 : i32
      %lt3A_412 = arith.constant 20 : i32
      %lt3A_413 = arith.cmpi slt, %add3A_411, %lt3A_412 : i32
      %convert_element_type3A_414 = arith.extui %lt3A_413 : i1 to i32
      %cond3A_415 = arith.constant 0 : i32
      %cond3A_416 = arith.cmpi ne, %convert_element_type3A_414, %cond3A_415 : i32
      scf.if %cond3A_416 {
        %add3A_603 = arith.constant 3 : i32
        %add3A_604 = arith.addi %add3A_334, %add3A_603 : i32
        %mul3A_605 = arith.constant 20 : i32
        %mul3A_606 = arith.muli %add3A, %mul3A_605 : i32
        %add3A_607 = arith.addi %mul3A_606, %add3A_604 : i32
        %jit3A_608 = arith.constant 64 : i32
        %div3A_609 = arith.divsi %add3A_607, %jit3A_608 : i32
        %sign3A_610 = arith.constant 0 : i32
        %sign3A_611 = arith.cmpi sgt, %add3A_607, %sign3A_610 : i32
        %sign3A_612 = arith.extui %sign3A_611 : i1 to i32
        %sign3A_613 = arith.constant 0 : i32
        %sign3A_614 = arith.cmpi slt, %add3A_607, %sign3A_613 : i32
        %sign3A_615 = arith.extui %sign3A_614 : i1 to i32
        %sign3A_616 = arith.subi %sign3A_612, %sign3A_615 : i32
        %sign3A_617 = arith.constant 0 : i32
        %sign3A_618 = arith.cmpi sgt, %jit3A_608, %sign3A_617 : i32
        %sign3A_619 = arith.extui %sign3A_618 : i1 to i32
        %sign3A_620 = arith.constant 0 : i32
        %sign3A_621 = arith.cmpi slt, %jit3A_608, %sign3A_620 : i32
        %sign3A_622 = arith.extui %sign3A_621 : i1 to i32
        %sign3A_623 = arith.subi %sign3A_619, %sign3A_622 : i32
        %ne3A_624 = arith.cmpi ne, %sign3A_616, %sign3A_623 : i32
        %rem3A_625 = arith.remsi %add3A_607, %jit3A_608 : i32
        %ne3A_626 = arith.constant 0 : i32
        %ne3A_627 = arith.cmpi ne, %rem3A_625, %ne3A_626 : i32
        %and3A_628 = arith.andi %ne3A_624, %ne3A_627 : i1
        %sub3A_629 = arith.constant 1 : i32
        %sub3A_630 = arith.subi %div3A_609, %sub3A_629 : i32
        %select_n3A_631 = arith.select %and3A_628, %sub3A_630, %div3A_609 : i32
        %jit3A_632 = arith.constant 64 : i32
        %eq3A_633 = arith.constant 0 : i32
        %eq3A_634 = arith.cmpi eq, %jit3A_632, %eq3A_633 : i32
        %jit3A_635 = arith.constant 1 : i32
        %select_n3A_636 = arith.select %eq3A_634, %jit3A_635, %jit3A_632 : i32
        %rem3A_637 = arith.remsi %add3A_607, %select_n3A_636 : i32
        %ne3A_638 = arith.constant 0 : i32
        %ne3A_639 = arith.cmpi ne, %rem3A_637, %ne3A_638 : i32
        %lt3A_640 = arith.constant 0 : i32
        %lt3A_641 = arith.cmpi slt, %rem3A_637, %lt3A_640 : i32
        %lt3A_642 = arith.constant 0 : i32
        %lt3A_643 = arith.cmpi slt, %select_n3A_636, %lt3A_642 : i32
        %ne3A_644 = arith.xori %lt3A_641, %lt3A_643 : i1
        %and3A_645 = arith.andi %ne3A_644, %ne3A_639 : i1
        %add3A_646 = arith.addi %rem3A_637, %select_n3A_636 : i32
        %select_n3A_647 = arith.select %and3A_645, %add3A_646, %rem3A_637 : i32
        %mul3A_648 = arith.constant 8 : i32
        %mul3A_649 = arith.muli %select_n3A_647, %mul3A_648 : i32
        %dma_start3A_650 = arith.constant 0 : i32
        %dma_start3A_651 = arith.constant 0 : i32
        %dma_start3A_652 = arith.constant 0 : i32
        %dma_start3A_653 = tpu.memref_slice %arg5[%dma_start3A_650, %dma_start3A_651, %dma_start3A_652] : memref<4x8x512xf32, #tpu.memory_space<vmem>> -> memref<1x8x512xf32, #tpu.memory_space<vmem>>
        %dma_start3A_654 = tpu.memref_squeeze %dma_start3A_653 : memref<1x8x512xf32, #tpu.memory_space<vmem>> -> memref<8x512xf32, #tpu.memory_space<vmem>>
        %dma_start3A_655 = arith.constant 0 : i32
        %dma_start3A_656 = tpu.memref_slice %arg2[%select_n3A_631, %mul3A_649, %dma_start3A_655] : memref<16x512x512xf32, #tpu.memory_space<hbm>> -> memref<1x8x512xf32, #tpu.memory_space<hbm>>
        %dma_start3A_657 = tpu.memref_squeeze %dma_start3A_656 : memref<1x8x512xf32, #tpu.memory_space<hbm>> -> memref<8x512xf32, #tpu.memory_space<hbm>>
        %dma_start3A_658 = arith.constant 0 : i32
        %dma_start3A_659 = arith.constant 0 : i32
        %dma_start3A_660 = tpu.memref_slice %arg5[%dma_start3A_650, %dma_start3A_658, %dma_start3A_659] : memref<4x8x512xf32, #tpu.memory_space<vmem>> -> memref<1x8x512xf32, #tpu.memory_space<vmem>>
        %dma_start3A_661 = tpu.memref_squeeze %dma_start3A_660 : memref<1x8x512xf32, #tpu.memory_space<vmem>> -> memref<8x512xf32, #tpu.memory_space<vmem>>
        %dma_start3A_662 = arith.constant 0 : i32
        %dma_start3A_663 = tpu.memref_slice %arg2[%select_n3A_631, %mul3A_649, %dma_start3A_662] : memref<16x512x512xf32, #tpu.memory_space<hbm>> -> memref<1x8x512xf32, #tpu.memory_space<hbm>>
        %dma_start3A_664 = tpu.memref_squeeze %dma_start3A_663 : memref<1x8x512xf32, #tpu.memory_space<hbm>> -> memref<8x512xf32, #tpu.memory_space<hbm>>
        tpu.enqueue_dma source(%dma_start3A_664 : memref<8x512xf32, #tpu.memory_space<hbm>>) target(%dma_start3A_661 : memref<8x512xf32, #tpu.memory_space<vmem>>) target_semaphore(%arg8 : memref<!tpu.dma_semaphore, #tpu.memory_space<semaphore_mem>>)
        %dma_start3A_665 = arith.constant 0 : i32
        %dma_start3A_666 = arith.constant 0 : i32
        %dma_start3A_667 = arith.constant 0 : i32
        %dma_start3A_668 = tpu.memref_slice %arg6[%dma_start3A_665, %dma_start3A_666, %dma_start3A_667] : memref<4x8x512xi32, #tpu.memory_space<vmem>> -> memref<1x8x512xi32, #tpu.memory_space<vmem>>
        %dma_start3A_669 = tpu.memref_squeeze %dma_start3A_668 : memref<1x8x512xi32, #tpu.memory_space<vmem>> -> memref<8x512xi32, #tpu.memory_space<vmem>>
        %dma_start3A_670 = arith.constant 0 : i32
        %dma_start3A_671 = tpu.memref_slice %arg3[%select_n3A_631, %mul3A_649, %dma_start3A_670] : memref<16x512x512xi32, #tpu.memory_space<hbm>> -> memref<1x8x512xi32, #tpu.memory_space<hbm>>
        %dma_start3A_672 = tpu.memref_squeeze %dma_start3A_671 : memref<1x8x512xi32, #tpu.memory_space<hbm>> -> memref<8x512xi32, #tpu.memory_space<hbm>>
        %dma_start3A_673 = arith.constant 0 : i32
        %dma_start3A_674 = arith.constant 0 : i32
        %dma_start3A_675 = tpu.memref_slice %arg6[%dma_start3A_665, %dma_start3A_673, %dma_start3A_674] : memref<4x8x512xi32, #tpu.memory_space<vmem>> -> memref<1x8x512xi32, #tpu.memory_space<vmem>>
        %dma_start3A_676 = tpu.memref_squeeze %dma_start3A_675 : memref<1x8x512xi32, #tpu.memory_space<vmem>> -> memref<8x512xi32, #tpu.memory_space<vmem>>
        %dma_start3A_677 = arith.constant 0 : i32
        %dma_start3A_678 = tpu.memref_slice %arg3[%select_n3A_631, %mul3A_649, %dma_start3A_677] : memref<16x512x512xi32, #tpu.memory_space<hbm>> -> memref<1x8x512xi32, #tpu.memory_space<hbm>>
        %dma_start3A_679 = tpu.memref_squeeze %dma_start3A_678 : memref<1x8x512xi32, #tpu.memory_space<hbm>> -> memref<8x512xi32, #tpu.memory_space<hbm>>
        tpu.enqueue_dma source(%dma_start3A_679 : memref<8x512xi32, #tpu.memory_space<hbm>>) target(%dma_start3A_676 : memref<8x512xi32, #tpu.memory_space<vmem>>) target_semaphore(%arg8 : memref<!tpu.dma_semaphore, #tpu.memory_space<semaphore_mem>>)
      } else {
      }
      %scan3A_417 = arith.constant 0 : i32
      %scan3A_418 = arith.constant 256 : i32
      %scan3A_419 = arith.addi %scan3A_417, %scan3A_418 : i32
      %scan3A_420 = arith.constant 8 : i32
      %scan3A_421:4 = scf.for %scan3A_603 = %scan3A_417 to %scan3A_419 step %scan3A_420 iter_args(%scan3A_604 = %scan3A_331#0, %scan3A_605 = %scan3A_331#1, %scan3A_606 = %scan3A_331#2, %scan3A_607 = %scan3A_331#3) -> (vector<16xf32>, vector<16xf32>, vector<16xf32>, vector<16xf32>)  : i32 {
        %jit3A_608 = arith.constant 32 : i32
        %div3A_609 = arith.divsi %scan3A_603, %jit3A_608 : i32
        %sign3A_610 = arith.constant 0 : i32
        %sign3A_611 = arith.cmpi sgt, %scan3A_603, %sign3A_610 : i32
        %sign3A_612 = arith.extui %sign3A_611 : i1 to i32
        %sign3A_613 = arith.constant 0 : i32
        %sign3A_614 = arith.cmpi slt, %scan3A_603, %sign3A_613 : i32
        %sign3A_615 = arith.extui %sign3A_614 : i1 to i32
        %sign3A_616 = arith.subi %sign3A_612, %sign3A_615 : i32
        %sign3A_617 = arith.constant 0 : i32
        %sign3A_618 = arith.cmpi sgt, %jit3A_608, %sign3A_617 : i32
        %sign3A_619 = arith.extui %sign3A_618 : i1 to i32
        %sign3A_620 = arith.constant 0 : i32
        %sign3A_621 = arith.cmpi slt, %jit3A_608, %sign3A_620 : i32
        %sign3A_622 = arith.extui %sign3A_621 : i1 to i32
        %sign3A_623 = arith.subi %sign3A_619, %sign3A_622 : i32
        %ne3A_624 = arith.cmpi ne, %sign3A_616, %sign3A_623 : i32
        %rem3A_625 = arith.remsi %scan3A_603, %jit3A_608 : i32
        %ne3A_626 = arith.constant 0 : i32
        %ne3A_627 = arith.cmpi ne, %rem3A_625, %ne3A_626 : i32
        %and3A_628 = arith.andi %ne3A_624, %ne3A_627 : i1
        %sub3A_629 = arith.constant 1 : i32
        %sub3A_630 = arith.subi %div3A_609, %sub3A_629 : i32
        %select_n3A_631 = arith.select %and3A_628, %sub3A_630, %div3A_609 : i32
        %jit3A_632 = arith.constant 32 : i32
        %eq3A_633 = arith.constant 0 : i32
        %eq3A_634 = arith.cmpi eq, %jit3A_632, %eq3A_633 : i32
        %jit3A_635 = arith.constant 1 : i32
        %select_n3A_636 = arith.select %eq3A_634, %jit3A_635, %jit3A_632 : i32
        %rem3A_637 = arith.remsi %scan3A_603, %select_n3A_636 : i32
        %ne3A_638 = arith.constant 0 : i32
        %ne3A_639 = arith.cmpi ne, %rem3A_637, %ne3A_638 : i32
        %lt3A_640 = arith.constant 0 : i32
        %lt3A_641 = arith.cmpi slt, %rem3A_637, %lt3A_640 : i32
        %lt3A_642 = arith.constant 0 : i32
        %lt3A_643 = arith.cmpi slt, %select_n3A_636, %lt3A_642 : i32
        %ne3A_644 = arith.xori %lt3A_641, %lt3A_643 : i1
        %and3A_645 = arith.andi %ne3A_644, %ne3A_639 : i1
        %add3A_646 = arith.addi %rem3A_637, %select_n3A_636 : i32
        %select_n3A_647 = arith.select %and3A_645, %add3A_646, %rem3A_637 : i32
        %mul3A_648 = arith.constant 16 : i32
        %mul3A_649 = arith.muli %select_n3A_647, %mul3A_648 : i32
        %get3A = arith.constant 1 : i32
        %get3A_650 = arith.index_cast %get3A : i32 to index
        %get3A_651 = arith.index_cast %select_n3A_631 : i32 to index
        %get3A_652 = arith.index_cast %mul3A_649 : i32 to index
        %get3A_653 = tpu.vector_load %arg5[%get3A_650, %get3A_651, %get3A_652] {strides = array<i32>} : memref<4x8x512xf32, #tpu.memory_space<vmem>>, vector<1x1x16xf32>,
        %get3A_654 = vector.shape_cast %get3A_653 : vector<1x1x16xf32> to vector<16xf32>
        %get3A_655 = arith.constant 1 : i32
        %get3A_656 = arith.index_cast %get3A_655 : i32 to index
        %get3A_657 = arith.index_cast %select_n3A_631 : i32 to index
        %get3A_658 = arith.index_cast %mul3A_649 : i32 to index
        %get3A_659 = tpu.vector_load %arg6[%get3A_656, %get3A_657, %get3A_658] {strides = array<i32>} : memref<4x8x512xi32, #tpu.memory_space<vmem>>, vector<1x1x16xi32>,
        %get3A_660 = vector.shape_cast %get3A_659 : vector<1x1x16xi32> to vector<16xi32>
        %broadcast_in_dim3A_661 = arith.constant 1.000000e+00 : f32
        %broadcast_in_dim3A_662 = vector.broadcast %broadcast_in_dim3A_661 : f32 to vector<16xf32>
        %broadcast_in_dim3A_663 = arith.constant 0.000000e+00 : f32
        %broadcast_in_dim3A_664 = vector.broadcast %broadcast_in_dim3A_663 : f32 to vector<16xf32>
        %convert_element_type3A_665 = arith.sitofp %get3A_660 : vector<16xi32> to vector<16xf32>
        %gt3A = arith.constant 5.000000e-01 : f32
        %gt3A_666 = vector.broadcast %gt3A : f32 to vector<16xf32>
        %gt3A_667 = arith.cmpf ogt, %get3A_654, %gt3A_666 : vector<16xf32>
        %select_n3A_668 = arith.select %gt3A_667, %broadcast_in_dim3A_662, %broadcast_in_dim3A_664 : vector<16xi1>, vector<16xf32>
        %mul3A_669 = arith.mulf %select_n3A_668, %convert_element_type3A_665 : vector<16xf32>
        %add3A_670 = arith.addf %scan3A_604, %select_n3A_668 : vector<16xf32>
        %select_n3A_671 = arith.select %gt3A_667, %get3A_654, %broadcast_in_dim3A_664 : vector<16xi1>, vector<16xf32>
        %add3A_672 = arith.addf %scan3A_605, %select_n3A_671 : vector<16xf32>
        %add3A_673 = arith.addf %scan3A_606, %mul3A_669 : vector<16xf32>
        %mul3A_674 = arith.mulf %mul3A_669, %get3A_654 : vector<16xf32>
        %add3A_675 = arith.addf %scan3A_607, %mul3A_674 : vector<16xf32>
        %scan3A_676 = arith.constant 1 : i32
        %scan3A_677 = arith.addi %scan3A_603, %scan3A_676 : i32
        %jit3A_678 = arith.constant 32 : i32
        %div3A_679 = arith.divsi %scan3A_677, %jit3A_678 : i32
        %sign3A_680 = arith.constant 0 : i32
        %sign3A_681 = arith.cmpi sgt, %scan3A_677, %sign3A_680 : i32
        %sign3A_682 = arith.extui %sign3A_681 : i1 to i32
        %sign3A_683 = arith.constant 0 : i32
        %sign3A_684 = arith.cmpi slt, %scan3A_677, %sign3A_683 : i32
        %sign3A_685 = arith.extui %sign3A_684 : i1 to i32
        %sign3A_686 = arith.subi %sign3A_682, %sign3A_685 : i32
        %sign3A_687 = arith.constant 0 : i32
        %sign3A_688 = arith.cmpi sgt, %jit3A_678, %sign3A_687 : i32
        %sign3A_689 = arith.extui %sign3A_688 : i1 to i32
        %sign3A_690 = arith.constant 0 : i32
        %sign3A_691 = arith.cmpi slt, %jit3A_678, %sign3A_690 : i32
        %sign3A_692 = arith.extui %sign3A_691 : i1 to i32
        %sign3A_693 = arith.subi %sign3A_689, %sign3A_692 : i32
        %ne3A_694 = arith.cmpi ne, %sign3A_686, %sign3A_693 : i32
        %rem3A_695 = arith.remsi %scan3A_677, %jit3A_678 : i32
        %ne3A_696 = arith.constant 0 : i32
        %ne3A_697 = arith.cmpi ne, %rem3A_695, %ne3A_696 : i32
        %and3A_698 = arith.andi %ne3A_694, %ne3A_697 : i1
        %sub3A_699 = arith.constant 1 : i32
        %sub3A_700 = arith.subi %div3A_679, %sub3A_699 : i32
        %select_n3A_701 = arith.select %and3A_698, %sub3A_700, %div3A_679 : i32
        %jit3A_702 = arith.constant 32 : i32
        %eq3A_703 = arith.constant 0 : i32
        %eq3A_704 = arith.cmpi eq, %jit3A_702, %eq3A_703 : i32
        %jit3A_705 = arith.constant 1 : i32
        %select_n3A_706 = arith.select %eq3A_704, %jit3A_705, %jit3A_702 : i32
        %rem3A_707 = arith.remsi %scan3A_677, %select_n3A_706 : i32
        %ne3A_708 = arith.constant 0 : i32
        %ne3A_709 = arith.cmpi ne, %rem3A_707, %ne3A_708 : i32
        %lt3A_710 = arith.constant 0 : i32
        %lt3A_711 = arith.cmpi slt, %rem3A_707, %lt3A_710 : i32
        %lt3A_712 = arith.constant 0 : i32
        %lt3A_713 = arith.cmpi slt, %select_n3A_706, %lt3A_712 : i32
        %ne3A_714 = arith.xori %lt3A_711, %lt3A_713 : i1
        %and3A_715 = arith.andi %ne3A_714, %ne3A_709 : i1
        %add3A_716 = arith.addi %rem3A_707, %select_n3A_706 : i32
        %select_n3A_717 = arith.select %and3A_715, %add3A_716, %rem3A_707 : i32
        %mul3A_718 = arith.constant 16 : i32
        %mul3A_719 = arith.muli %select_n3A_717, %mul3A_718 : i32
        %get3A_720 = arith.constant 1 : i32
        %get3A_721 = arith.index_cast %get3A_720 : i32 to index
        %get3A_722 = arith.index_cast %select_n3A_701 : i32 to index
        %get3A_723 = arith.index_cast %mul3A_719 : i32 to index
        %get3A_724 = tpu.vector_load %arg5[%get3A_721, %get3A_722, %get3A_723] {strides = array<i32>} : memref<4x8x512xf32, #tpu.memory_space<vmem>>, vector<1x1x16xf32>,
        %get3A_725 = vector.shape_cast %get3A_724 : vector<1x1x16xf32> to vector<16xf32>
        %get3A_726 = arith.constant 1 : i32
        %get3A_727 = arith.index_cast %get3A_726 : i32 to index
        %get3A_728 = arith.index_cast %select_n3A_701 : i32 to index
        %get3A_729 = arith.index_cast %mul3A_719 : i32 to index
        %get3A_730 = tpu.vector_load %arg6[%get3A_727, %get3A_728, %get3A_729] {strides = array<i32>} : memref<4x8x512xi32, #tpu.memory_space<vmem>>, vector<1x1x16xi32>,
        %get3A_731 = vector.shape_cast %get3A_730 : vector<1x1x16xi32> to vector<16xi32>
        %broadcast_in_dim3A_732 = arith.constant 1.000000e+00 : f32
        %broadcast_in_dim3A_733 = vector.broadcast %broadcast_in_dim3A_732 : f32 to vector<16xf32>
        %broadcast_in_dim3A_734 = arith.constant 0.000000e+00 : f32
        %broadcast_in_dim3A_735 = vector.broadcast %broadcast_in_dim3A_734 : f32 to vector<16xf32>
        %convert_element_type3A_736 = arith.sitofp %get3A_731 : vector<16xi32> to vector<16xf32>
        %gt3A_737 = arith.constant 5.000000e-01 : f32
        %gt3A_738 = vector.broadcast %gt3A_737 : f32 to vector<16xf32>
        %gt3A_739 = arith.cmpf ogt, %get3A_725, %gt3A_738 : vector<16xf32>
        %select_n3A_740 = arith.select %gt3A_739, %broadcast_in_dim3A_733, %broadcast_in_dim3A_735 : vector<16xi1>, vector<16xf32>
        %mul3A_741 = arith.mulf %select_n3A_740, %convert_element_type3A_736 : vector<16xf32>
        %add3A_742 = arith.addf %add3A_670, %select_n3A_740 : vector<16xf32>
        %select_n3A_743 = arith.select %gt3A_739, %get3A_725, %broadcast_in_dim3A_735 : vector<16xi1>, vector<16xf32>
        %add3A_744 = arith.addf %add3A_672, %select_n3A_743 : vector<16xf32>
        %add3A_745 = arith.addf %add3A_673, %mul3A_741 : vector<16xf32>
        %mul3A_746 = arith.mulf %mul3A_741, %get3A_725 : vector<16xf32>
        %add3A_747 = arith.addf %add3A_675, %mul3A_746 : vector<16xf32>
        %scan3A_748 = arith.constant 2 : i32
        %scan3A_749 = arith.addi %scan3A_603, %scan3A_748 : i32
        %jit3A_750 = arith.constant 32 : i32
        %div3A_751 = arith.divsi %scan3A_749, %jit3A_750 : i32
        %sign3A_752 = arith.constant 0 : i32
        %sign3A_753 = arith.cmpi sgt, %scan3A_749, %sign3A_752 : i32
        %sign3A_754 = arith.extui %sign3A_753 : i1 to i32
        %sign3A_755 = arith.constant 0 : i32
        %sign3A_756 = arith.cmpi slt, %scan3A_749, %sign3A_755 : i32
        %sign3A_757 = arith.extui %sign3A_756 : i1 to i32
        %sign3A_758 = arith.subi %sign3A_754, %sign3A_757 : i32
        %sign3A_759 = arith.constant 0 : i32
        %sign3A_760 = arith.cmpi sgt, %jit3A_750, %sign3A_759 : i32
        %sign3A_761 = arith.extui %sign3A_760 : i1 to i32
        %sign3A_762 = arith.constant 0 : i32
        %sign3A_763 = arith.cmpi slt, %jit3A_750, %sign3A_762 : i32
        %sign3A_764 = arith.extui %sign3A_763 : i1 to i32
        %sign3A_765 = arith.subi %sign3A_761, %sign3A_764 : i32
        %ne3A_766 = arith.cmpi ne, %sign3A_758, %sign3A_765 : i32
        %rem3A_767 = arith.remsi %scan3A_749, %jit3A_750 : i32
        %ne3A_768 = arith.constant 0 : i32
        %ne3A_769 = arith.cmpi ne, %rem3A_767, %ne3A_768 : i32
        %and3A_770 = arith.andi %ne3A_766, %ne3A_769 : i1
        %sub3A_771 = arith.constant 1 : i32
        %sub3A_772 = arith.subi %div3A_751, %sub3A_771 : i32
        %select_n3A_773 = arith.select %and3A_770, %sub3A_772, %div3A_751 : i32
        %jit3A_774 = arith.constant 32 : i32
        %eq3A_775 = arith.constant 0 : i32
        %eq3A_776 = arith.cmpi eq, %jit3A_774, %eq3A_775 : i32
        %jit3A_777 = arith.constant 1 : i32
        %select_n3A_778 = arith.select %eq3A_776, %jit3A_777, %jit3A_774 : i32
        %rem3A_779 = arith.remsi %scan3A_749, %select_n3A_778 : i32
        %ne3A_780 = arith.constant 0 : i32
        %ne3A_781 = arith.cmpi ne, %rem3A_779, %ne3A_780 : i32
        %lt3A_782 = arith.constant 0 : i32
        %lt3A_783 = arith.cmpi slt, %rem3A_779, %lt3A_782 : i32
        %lt3A_784 = arith.constant 0 : i32
        %lt3A_785 = arith.cmpi slt, %select_n3A_778, %lt3A_784 : i32
        %ne3A_786 = arith.xori %lt3A_783, %lt3A_785 : i1
        %and3A_787 = arith.andi %ne3A_786, %ne3A_781 : i1
        %add3A_788 = arith.addi %rem3A_779, %select_n3A_778 : i32
        %select_n3A_789 = arith.select %and3A_787, %add3A_788, %rem3A_779 : i32
        %mul3A_790 = arith.constant 16 : i32
        %mul3A_791 = arith.muli %select_n3A_789, %mul3A_790 : i32
        %get3A_792 = arith.constant 1 : i32
        %get3A_793 = arith.index_cast %get3A_792 : i32 to index
        %get3A_794 = arith.index_cast %select_n3A_773 : i32 to index
        %get3A_795 = arith.index_cast %mul3A_791 : i32 to index
        %get3A_796 = tpu.vector_load %arg5[%get3A_793, %get3A_794, %get3A_795] {strides = array<i32>} : memref<4x8x512xf32, #tpu.memory_space<vmem>>, vector<1x1x16xf32>,
        %get3A_797 = vector.shape_cast %get3A_796 : vector<1x1x16xf32> to vector<16xf32>
        %get3A_798 = arith.constant 1 : i32
        %get3A_799 = arith.index_cast %get3A_798 : i32 to index
        %get3A_800 = arith.index_cast %select_n3A_773 : i32 to index
        %get3A_801 = arith.index_cast %mul3A_791 : i32 to index
        %get3A_802 = tpu.vector_load %arg6[%get3A_799, %get3A_800, %get3A_801] {strides = array<i32>} : memref<4x8x512xi32, #tpu.memory_space<vmem>>, vector<1x1x16xi32>,
        %get3A_803 = vector.shape_cast %get3A_802 : vector<1x1x16xi32> to vector<16xi32>
        %broadcast_in_dim3A_804 = arith.constant 1.000000e+00 : f32
        %broadcast_in_dim3A_805 = vector.broadcast %broadcast_in_dim3A_804 : f32 to vector<16xf32>
        %broadcast_in_dim3A_806 = arith.constant 0.000000e+00 : f32
        %broadcast_in_dim3A_807 = vector.broadcast %broadcast_in_dim3A_806 : f32 to vector<16xf32>
        %convert_element_type3A_808 = arith.sitofp %get3A_803 : vector<16xi32> to vector<16xf32>
        %gt3A_809 = arith.constant 5.000000e-01 : f32
        %gt3A_810 = vector.broadcast %gt3A_809 : f32 to vector<16xf32>
        %gt3A_811 = arith.cmpf ogt, %get3A_797, %gt3A_810 : vector<16xf32>
        %select_n3A_812 = arith.select %gt3A_811, %broadcast_in_dim3A_805, %broadcast_in_dim3A_807 : vector<16xi1>, vector<16xf32>
        %mul3A_813 = arith.mulf %select_n3A_812, %convert_element_type3A_808 : vector<16xf32>
        %add3A_814 = arith.addf %add3A_742, %select_n3A_812 : vector<16xf32>
        %select_n3A_815 = arith.select %gt3A_811, %get3A_797, %broadcast_in_dim3A_807 : vector<16xi1>, vector<16xf32>
        %add3A_816 = arith.addf %add3A_744, %select_n3A_815 : vector<16xf32>
        %add3A_817 = arith.addf %add3A_745, %mul3A_813 : vector<16xf32>
        %mul3A_818 = arith.mulf %mul3A_813, %get3A_797 : vector<16xf32>
        %add3A_819 = arith.addf %add3A_747, %mul3A_818 : vector<16xf32>
        %scan3A_820 = arith.constant 3 : i32
        %scan3A_821 = arith.addi %scan3A_603, %scan3A_820 : i32
        %jit3A_822 = arith.constant 32 : i32
        %div3A_823 = arith.divsi %scan3A_821, %jit3A_822 : i32
        %sign3A_824 = arith.constant 0 : i32
        %sign3A_825 = arith.cmpi sgt, %scan3A_821, %sign3A_824 : i32
        %sign3A_826 = arith.extui %sign3A_825 : i1 to i32
        %sign3A_827 = arith.constant 0 : i32
        %sign3A_828 = arith.cmpi slt, %scan3A_821, %sign3A_827 : i32
        %sign3A_829 = arith.extui %sign3A_828 : i1 to i32
        %sign3A_830 = arith.subi %sign3A_826, %sign3A_829 : i32
        %sign3A_831 = arith.constant 0 : i32
        %sign3A_832 = arith.cmpi sgt, %jit3A_822, %sign3A_831 : i32
        %sign3A_833 = arith.extui %sign3A_832 : i1 to i32
        %sign3A_834 = arith.constant 0 : i32
        %sign3A_835 = arith.cmpi slt, %jit3A_822, %sign3A_834 : i32
        %sign3A_836 = arith.extui %sign3A_835 : i1 to i32
        %sign3A_837 = arith.subi %sign3A_833, %sign3A_836 : i32
        %ne3A_838 = arith.cmpi ne, %sign3A_830, %sign3A_837 : i32
        %rem3A_839 = arith.remsi %scan3A_821, %jit3A_822 : i32
        %ne3A_840 = arith.constant 0 : i32
        %ne3A_841 = arith.cmpi ne, %rem3A_839, %ne3A_840 : i32
        %and3A_842 = arith.andi %ne3A_838, %ne3A_841 : i1
        %sub3A_843 = arith.constant 1 : i32
        %sub3A_844 = arith.subi %div3A_823, %sub3A_843 : i32
        %select_n3A_845 = arith.select %and3A_842, %sub3A_844, %div3A_823 : i32
        %jit3A_846 = arith.constant 32 : i32
        %eq3A_847 = arith.constant 0 : i32
        %eq3A_848 = arith.cmpi eq, %jit3A_846, %eq3A_847 : i32
        %jit3A_849 = arith.constant 1 : i32
        %select_n3A_850 = arith.select %eq3A_848, %jit3A_849, %jit3A_846 : i32
        %rem3A_851 = arith.remsi %scan3A_821, %select_n3A_850 : i32
        %ne3A_852 = arith.constant 0 : i32
        %ne3A_853 = arith.cmpi ne, %rem3A_851, %ne3A_852 : i32
        %lt3A_854 = arith.constant 0 : i32
        %lt3A_855 = arith.cmpi slt, %rem3A_851, %lt3A_854 : i32
        %lt3A_856 = arith.constant 0 : i32
        %lt3A_857 = arith.cmpi slt, %select_n3A_850, %lt3A_856 : i32
        %ne3A_858 = arith.xori %lt3A_855, %lt3A_857 : i1
        %and3A_859 = arith.andi %ne3A_858, %ne3A_853 : i1
        %add3A_860 = arith.addi %rem3A_851, %select_n3A_850 : i32
        %select_n3A_861 = arith.select %and3A_859, %add3A_860, %rem3A_851 : i32
        %mul3A_862 = arith.constant 16 : i32
        %mul3A_863 = arith.muli %select_n3A_861, %mul3A_862 : i32
        %get3A_864 = arith.constant 1 : i32
        %get3A_865 = arith.index_cast %get3A_864 : i32 to index
        %get3A_866 = arith.index_cast %select_n3A_845 : i32 to index
        %get3A_867 = arith.index_cast %mul3A_863 : i32 to index
        %get3A_868 = tpu.vector_load %arg5[%get3A_865, %get3A_866, %get3A_867] {strides = array<i32>} : memref<4x8x512xf32, #tpu.memory_space<vmem>>, vector<1x1x16xf32>,
        %get3A_869 = vector.shape_cast %get3A_868 : vector<1x1x16xf32> to vector<16xf32>
        %get3A_870 = arith.constant 1 : i32
        %get3A_871 = arith.index_cast %get3A_870 : i32 to index
        %get3A_872 = arith.index_cast %select_n3A_845 : i32 to index
        %get3A_873 = arith.index_cast %mul3A_863 : i32 to index
        %get3A_874 = tpu.vector_load %arg6[%get3A_871, %get3A_872, %get3A_873] {strides = array<i32>} : memref<4x8x512xi32, #tpu.memory_space<vmem>>, vector<1x1x16xi32>,
        %get3A_875 = vector.shape_cast %get3A_874 : vector<1x1x16xi32> to vector<16xi32>
        %broadcast_in_dim3A_876 = arith.constant 1.000000e+00 : f32
        %broadcast_in_dim3A_877 = vector.broadcast %broadcast_in_dim3A_876 : f32 to vector<16xf32>
        %broadcast_in_dim3A_878 = arith.constant 0.000000e+00 : f32
        %broadcast_in_dim3A_879 = vector.broadcast %broadcast_in_dim3A_878 : f32 to vector<16xf32>
        %convert_element_type3A_880 = arith.sitofp %get3A_875 : vector<16xi32> to vector<16xf32>
        %gt3A_881 = arith.constant 5.000000e-01 : f32
        %gt3A_882 = vector.broadcast %gt3A_881 : f32 to vector<16xf32>
        %gt3A_883 = arith.cmpf ogt, %get3A_869, %gt3A_882 : vector<16xf32>
        %select_n3A_884 = arith.select %gt3A_883, %broadcast_in_dim3A_877, %broadcast_in_dim3A_879 : vector<16xi1>, vector<16xf32>
        %mul3A_885 = arith.mulf %select_n3A_884, %convert_element_type3A_880 : vector<16xf32>
        %add3A_886 = arith.addf %add3A_814, %select_n3A_884 : vector<16xf32>
        %select_n3A_887 = arith.select %gt3A_883, %get3A_869, %broadcast_in_dim3A_879 : vector<16xi1>, vector<16xf32>
        %add3A_888 = arith.addf %add3A_816, %select_n3A_887 : vector<16xf32>
        %add3A_889 = arith.addf %add3A_817, %mul3A_885 : vector<16xf32>
        %mul3A_890 = arith.mulf %mul3A_885, %get3A_869 : vector<16xf32>
        %add3A_891 = arith.addf %add3A_819, %mul3A_890 : vector<16xf32>
        %scan3A_892 = arith.constant 4 : i32
        %scan3A_893 = arith.addi %scan3A_603, %scan3A_892 : i32
        %jit3A_894 = arith.constant 32 : i32
        %div3A_895 = arith.divsi %scan3A_893, %jit3A_894 : i32
        %sign3A_896 = arith.constant 0 : i32
        %sign3A_897 = arith.cmpi sgt, %scan3A_893, %sign3A_896 : i32
        %sign3A_898 = arith.extui %sign3A_897 : i1 to i32
        %sign3A_899 = arith.constant 0 : i32
        %sign3A_900 = arith.cmpi slt, %scan3A_893, %sign3A_899 : i32
        %sign3A_901 = arith.extui %sign3A_900 : i1 to i32
        %sign3A_902 = arith.subi %sign3A_898, %sign3A_901 : i32
        %sign3A_903 = arith.constant 0 : i32
        %sign3A_904 = arith.cmpi sgt, %jit3A_894, %sign3A_903 : i32
        %sign3A_905 = arith.extui %sign3A_904 : i1 to i32
        %sign3A_906 = arith.constant 0 : i32
        %sign3A_907 = arith.cmpi slt, %jit3A_894, %sign3A_906 : i32
        %sign3A_908 = arith.extui %sign3A_907 : i1 to i32
        %sign3A_909 = arith.subi %sign3A_905, %sign3A_908 : i32
        %ne3A_910 = arith.cmpi ne, %sign3A_902, %sign3A_909 : i32
        %rem3A_911 = arith.remsi %scan3A_893, %jit3A_894 : i32
        %ne3A_912 = arith.constant 0 : i32
        %ne3A_913 = arith.cmpi ne, %rem3A_911, %ne3A_912 : i32
        %and3A_914 = arith.andi %ne3A_910, %ne3A_913 : i1
        %sub3A_915 = arith.constant 1 : i32
        %sub3A_916 = arith.subi %div3A_895, %sub3A_915 : i32
        %select_n3A_917 = arith.select %and3A_914, %sub3A_916, %div3A_895 : i32
        %jit3A_918 = arith.constant 32 : i32
        %eq3A_919 = arith.constant 0 : i32
        %eq3A_920 = arith.cmpi eq, %jit3A_918, %eq3A_919 : i32
        %jit3A_921 = arith.constant 1 : i32
        %select_n3A_922 = arith.select %eq3A_920, %jit3A_921, %jit3A_918 : i32
        %rem3A_923 = arith.remsi %scan3A_893, %select_n3A_922 : i32
        %ne3A_924 = arith.constant 0 : i32
        %ne3A_925 = arith.cmpi ne, %rem3A_923, %ne3A_924 : i32
        %lt3A_926 = arith.constant 0 : i32
        %lt3A_927 = arith.cmpi slt, %rem3A_923, %lt3A_926 : i32
        %lt3A_928 = arith.constant 0 : i32
        %lt3A_929 = arith.cmpi slt, %select_n3A_922, %lt3A_928 : i32
        %ne3A_930 = arith.xori %lt3A_927, %lt3A_929 : i1
        %and3A_931 = arith.andi %ne3A_930, %ne3A_925 : i1
        %add3A_932 = arith.addi %rem3A_923, %select_n3A_922 : i32
        %select_n3A_933 = arith.select %and3A_931, %add3A_932, %rem3A_923 : i32
        %mul3A_934 = arith.constant 16 : i32
        %mul3A_935 = arith.muli %select_n3A_933, %mul3A_934 : i32
        %get3A_936 = arith.constant 1 : i32
        %get3A_937 = arith.index_cast %get3A_936 : i32 to index
        %get3A_938 = arith.index_cast %select_n3A_917 : i32 to index
        %get3A_939 = arith.index_cast %mul3A_935 : i32 to index
        %get3A_940 = tpu.vector_load %arg5[%get3A_937, %get3A_938, %get3A_939] {strides = array<i32>} : memref<4x8x512xf32, #tpu.memory_space<vmem>>, vector<1x1x16xf32>,
        %get3A_941 = vector.shape_cast %get3A_940 : vector<1x1x16xf32> to vector<16xf32>
        %get3A_942 = arith.constant 1 : i32
        %get3A_943 = arith.index_cast %get3A_942 : i32 to index
        %get3A_944 = arith.index_cast %select_n3A_917 : i32 to index
        %get3A_945 = arith.index_cast %mul3A_935 : i32 to index
        %get3A_946 = tpu.vector_load %arg6[%get3A_943, %get3A_944, %get3A_945] {strides = array<i32>} : memref<4x8x512xi32, #tpu.memory_space<vmem>>, vector<1x1x16xi32>,
        %get3A_947 = vector.shape_cast %get3A_946 : vector<1x1x16xi32> to vector<16xi32>
        %broadcast_in_dim3A_948 = arith.constant 1.000000e+00 : f32
        %broadcast_in_dim3A_949 = vector.broadcast %broadcast_in_dim3A_948 : f32 to vector<16xf32>
        %broadcast_in_dim3A_950 = arith.constant 0.000000e+00 : f32
        %broadcast_in_dim3A_951 = vector.broadcast %broadcast_in_dim3A_950 : f32 to vector<16xf32>
        %convert_element_type3A_952 = arith.sitofp %get3A_947 : vector<16xi32> to vector<16xf32>
        %gt3A_953 = arith.constant 5.000000e-01 : f32
        %gt3A_954 = vector.broadcast %gt3A_953 : f32 to vector<16xf32>
        %gt3A_955 = arith.cmpf ogt, %get3A_941, %gt3A_954 : vector<16xf32>
        %select_n3A_956 = arith.select %gt3A_955, %broadcast_in_dim3A_949, %broadcast_in_dim3A_951 : vector<16xi1>, vector<16xf32>
        %mul3A_957 = arith.mulf %select_n3A_956, %convert_element_type3A_952 : vector<16xf32>
        %add3A_958 = arith.addf %add3A_886, %select_n3A_956 : vector<16xf32>
        %select_n3A_959 = arith.select %gt3A_955, %get3A_941, %broadcast_in_dim3A_951 : vector<16xi1>, vector<16xf32>
        %add3A_960 = arith.addf %add3A_888, %select_n3A_959 : vector<16xf32>
        %add3A_961 = arith.addf %add3A_889, %mul3A_957 : vector<16xf32>
        %mul3A_962 = arith.mulf %mul3A_957, %get3A_941 : vector<16xf32>
        %add3A_963 = arith.addf %add3A_891, %mul3A_962 : vector<16xf32>
        %scan3A_964 = arith.constant 5 : i32
        %scan3A_965 = arith.addi %scan3A_603, %scan3A_964 : i32
        %jit3A_966 = arith.constant 32 : i32
        %div3A_967 = arith.divsi %scan3A_965, %jit3A_966 : i32
        %sign3A_968 = arith.constant 0 : i32
        %sign3A_969 = arith.cmpi sgt, %scan3A_965, %sign3A_968 : i32
        %sign3A_970 = arith.extui %sign3A_969 : i1 to i32
        %sign3A_971 = arith.constant 0 : i32
        %sign3A_972 = arith.cmpi slt, %scan3A_965, %sign3A_971 : i32
        %sign3A_973 = arith.extui %sign3A_972 : i1 to i32
        %sign3A_974 = arith.subi %sign3A_970, %sign3A_973 : i32
        %sign3A_975 = arith.constant 0 : i32
        %sign3A_976 = arith.cmpi sgt, %jit3A_966, %sign3A_975 : i32
        %sign3A_977 = arith.extui %sign3A_976 : i1 to i32
        %sign3A_978 = arith.constant 0 : i32
        %sign3A_979 = arith.cmpi slt, %jit3A_966, %sign3A_978 : i32
        %sign3A_980 = arith.extui %sign3A_979 : i1 to i32
        %sign3A_981 = arith.subi %sign3A_977, %sign3A_980 : i32
        %ne3A_982 = arith.cmpi ne, %sign3A_974, %sign3A_981 : i32
        %rem3A_983 = arith.remsi %scan3A_965, %jit3A_966 : i32
        %ne3A_984 = arith.constant 0 : i32
        %ne3A_985 = arith.cmpi ne, %rem3A_983, %ne3A_984 : i32
        %and3A_986 = arith.andi %ne3A_982, %ne3A_985 : i1
        %sub3A_987 = arith.constant 1 : i32
        %sub3A_988 = arith.subi %div3A_967, %sub3A_987 : i32
        %select_n3A_989 = arith.select %and3A_986, %sub3A_988, %div3A_967 : i32
        %jit3A_990 = arith.constant 32 : i32
        %eq3A_991 = arith.constant 0 : i32
        %eq3A_992 = arith.cmpi eq, %jit3A_990, %eq3A_991 : i32
        %jit3A_993 = arith.constant 1 : i32
        %select_n3A_994 = arith.select %eq3A_992, %jit3A_993, %jit3A_990 : i32
        %rem3A_995 = arith.remsi %scan3A_965, %select_n3A_994 : i32
        %ne3A_996 = arith.constant 0 : i32
        %ne3A_997 = arith.cmpi ne, %rem3A_995, %ne3A_996 : i32
        %lt3A_998 = arith.constant 0 : i32
        %lt3A_999 = arith.cmpi slt, %rem3A_995, %lt3A_998 : i32
        %lt3A_1000 = arith.constant 0 : i32
        %lt3A_1001 = arith.cmpi slt, %select_n3A_994, %lt3A_1000 : i32
        %ne3A_1002 = arith.xori %lt3A_999, %lt3A_1001 : i1
        %and3A_1003 = arith.andi %ne3A_1002, %ne3A_997 : i1
        %add3A_1004 = arith.addi %rem3A_995, %select_n3A_994 : i32
        %select_n3A_1005 = arith.select %and3A_1003, %add3A_1004, %rem3A_995 : i32
        %mul3A_1006 = arith.constant 16 : i32
        %mul3A_1007 = arith.muli %select_n3A_1005, %mul3A_1006 : i32
        %get3A_1008 = arith.constant 1 : i32
        %get3A_1009 = arith.index_cast %get3A_1008 : i32 to index
        %get3A_1010 = arith.index_cast %select_n3A_989 : i32 to index
        %get3A_1011 = arith.index_cast %mul3A_1007 : i32 to index
        %get3A_1012 = tpu.vector_load %arg5[%get3A_1009, %get3A_1010, %get3A_1011] {strides = array<i32>} : memref<4x8x512xf32, #tpu.memory_space<vmem>>, vector<1x1x16xf32>,
        %get3A_1013 = vector.shape_cast %get3A_1012 : vector<1x1x16xf32> to vector<16xf32>
        %get3A_1014 = arith.constant 1 : i32
        %get3A_1015 = arith.index_cast %get3A_1014 : i32 to index
        %get3A_1016 = arith.index_cast %select_n3A_989 : i32 to index
        %get3A_1017 = arith.index_cast %mul3A_1007 : i32 to index
        %get3A_1018 = tpu.vector_load %arg6[%get3A_1015, %get3A_1016, %get3A_1017] {strides = array<i32>} : memref<4x8x512xi32, #tpu.memory_space<vmem>>, vector<1x1x16xi32>,
        %get3A_1019 = vector.shape_cast %get3A_1018 : vector<1x1x16xi32> to vector<16xi32>
        %broadcast_in_dim3A_1020 = arith.constant 1.000000e+00 : f32
        %broadcast_in_dim3A_1021 = vector.broadcast %broadcast_in_dim3A_1020 : f32 to vector<16xf32>
        %broadcast_in_dim3A_1022 = arith.constant 0.000000e+00 : f32
        %broadcast_in_dim3A_1023 = vector.broadcast %broadcast_in_dim3A_1022 : f32 to vector<16xf32>
        %convert_element_type3A_1024 = arith.sitofp %get3A_1019 : vector<16xi32> to vector<16xf32>
        %gt3A_1025 = arith.constant 5.000000e-01 : f32
        %gt3A_1026 = vector.broadcast %gt3A_1025 : f32 to vector<16xf32>
        %gt3A_1027 = arith.cmpf ogt, %get3A_1013, %gt3A_1026 : vector<16xf32>
        %select_n3A_1028 = arith.select %gt3A_1027, %broadcast_in_dim3A_1021, %broadcast_in_dim3A_1023 : vector<16xi1>, vector<16xf32>
        %mul3A_1029 = arith.mulf %select_n3A_1028, %convert_element_type3A_1024 : vector<16xf32>
        %add3A_1030 = arith.addf %add3A_958, %select_n3A_1028 : vector<16xf32>
        %select_n3A_1031 = arith.select %gt3A_1027, %get3A_1013, %broadcast_in_dim3A_1023 : vector<16xi1>, vector<16xf32>
        %add3A_1032 = arith.addf %add3A_960, %select_n3A_1031 : vector<16xf32>
        %add3A_1033 = arith.addf %add3A_961, %mul3A_1029 : vector<16xf32>
        %mul3A_1034 = arith.mulf %mul3A_1029, %get3A_1013 : vector<16xf32>
        %add3A_1035 = arith.addf %add3A_963, %mul3A_1034 : vector<16xf32>
        %scan3A_1036 = arith.constant 6 : i32
        %scan3A_1037 = arith.addi %scan3A_603, %scan3A_1036 : i32
        %jit3A_1038 = arith.constant 32 : i32
        %div3A_1039 = arith.divsi %scan3A_1037, %jit3A_1038 : i32
        %sign3A_1040 = arith.constant 0 : i32
        %sign3A_1041 = arith.cmpi sgt, %scan3A_1037, %sign3A_1040 : i32
        %sign3A_1042 = arith.extui %sign3A_1041 : i1 to i32
        %sign3A_1043 = arith.constant 0 : i32
        %sign3A_1044 = arith.cmpi slt, %scan3A_1037, %sign3A_1043 : i32
        %sign3A_1045 = arith.extui %sign3A_1044 : i1 to i32
        %sign3A_1046 = arith.subi %sign3A_1042, %sign3A_1045 : i32
        %sign3A_1047 = arith.constant 0 : i32
        %sign3A_1048 = arith.cmpi sgt, %jit3A_1038, %sign3A_1047 : i32
        %sign3A_1049 = arith.extui %sign3A_1048 : i1 to i32
        %sign3A_1050 = arith.constant 0 : i32
        %sign3A_1051 = arith.cmpi slt, %jit3A_1038, %sign3A_1050 : i32
        %sign3A_1052 = arith.extui %sign3A_1051 : i1 to i32
        %sign3A_1053 = arith.subi %sign3A_1049, %sign3A_1052 : i32
        %ne3A_1054 = arith.cmpi ne, %sign3A_1046, %sign3A_1053 : i32
        %rem3A_1055 = arith.remsi %scan3A_1037, %jit3A_1038 : i32
        %ne3A_1056 = arith.constant 0 : i32
        %ne3A_1057 = arith.cmpi ne, %rem3A_1055, %ne3A_1056 : i32
        %and3A_1058 = arith.andi %ne3A_1054, %ne3A_1057 : i1
        %sub3A_1059 = arith.constant 1 : i32
        %sub3A_1060 = arith.subi %div3A_1039, %sub3A_1059 : i32
        %select_n3A_1061 = arith.select %and3A_1058, %sub3A_1060, %div3A_1039 : i32
        %jit3A_1062 = arith.constant 32 : i32
        %eq3A_1063 = arith.constant 0 : i32
        %eq3A_1064 = arith.cmpi eq, %jit3A_1062, %eq3A_1063 : i32
        %jit3A_1065 = arith.constant 1 : i32
        %select_n3A_1066 = arith.select %eq3A_1064, %jit3A_1065, %jit3A_1062 : i32
        %rem3A_1067 = arith.remsi %scan3A_1037, %select_n3A_1066 : i32
        %ne3A_1068 = arith.constant 0 : i32
        %ne3A_1069 = arith.cmpi ne, %rem3A_1067, %ne3A_1068 : i32
        %lt3A_1070 = arith.constant 0 : i32
        %lt3A_1071 = arith.cmpi slt, %rem3A_1067, %lt3A_1070 : i32
        %lt3A_1072 = arith.constant 0 : i32
        %lt3A_1073 = arith.cmpi slt, %select_n3A_1066, %lt3A_1072 : i32
        %ne3A_1074 = arith.xori %lt3A_1071, %lt3A_1073 : i1
        %and3A_1075 = arith.andi %ne3A_1074, %ne3A_1069 : i1
        %add3A_1076 = arith.addi %rem3A_1067, %select_n3A_1066 : i32
        %select_n3A_1077 = arith.select %and3A_1075, %add3A_1076, %rem3A_1067 : i32
        %mul3A_1078 = arith.constant 16 : i32
        %mul3A_1079 = arith.muli %select_n3A_1077, %mul3A_1078 : i32
        %get3A_1080 = arith.constant 1 : i32
        %get3A_1081 = arith.index_cast %get3A_1080 : i32 to index
        %get3A_1082 = arith.index_cast %select_n3A_1061 : i32 to index
        %get3A_1083 = arith.index_cast %mul3A_1079 : i32 to index
        %get3A_1084 = tpu.vector_load %arg5[%get3A_1081, %get3A_1082, %get3A_1083] {strides = array<i32>} : memref<4x8x512xf32, #tpu.memory_space<vmem>>, vector<1x1x16xf32>,
        %get3A_1085 = vector.shape_cast %get3A_1084 : vector<1x1x16xf32> to vector<16xf32>
        %get3A_1086 = arith.constant 1 : i32
        %get3A_1087 = arith.index_cast %get3A_1086 : i32 to index
        %get3A_1088 = arith.index_cast %select_n3A_1061 : i32 to index
        %get3A_1089 = arith.index_cast %mul3A_1079 : i32 to index
        %get3A_1090 = tpu.vector_load %arg6[%get3A_1087, %get3A_1088, %get3A_1089] {strides = array<i32>} : memref<4x8x512xi32, #tpu.memory_space<vmem>>, vector<1x1x16xi32>,
        %get3A_1091 = vector.shape_cast %get3A_1090 : vector<1x1x16xi32> to vector<16xi32>
        %broadcast_in_dim3A_1092 = arith.constant 1.000000e+00 : f32
        %broadcast_in_dim3A_1093 = vector.broadcast %broadcast_in_dim3A_1092 : f32 to vector<16xf32>
        %broadcast_in_dim3A_1094 = arith.constant 0.000000e+00 : f32
        %broadcast_in_dim3A_1095 = vector.broadcast %broadcast_in_dim3A_1094 : f32 to vector<16xf32>
        %convert_element_type3A_1096 = arith.sitofp %get3A_1091 : vector<16xi32> to vector<16xf32>
        %gt3A_1097 = arith.constant 5.000000e-01 : f32
        %gt3A_1098 = vector.broadcast %gt3A_1097 : f32 to vector<16xf32>
        %gt3A_1099 = arith.cmpf ogt, %get3A_1085, %gt3A_1098 : vector<16xf32>
        %select_n3A_1100 = arith.select %gt3A_1099, %broadcast_in_dim3A_1093, %broadcast_in_dim3A_1095 : vector<16xi1>, vector<16xf32>
        %mul3A_1101 = arith.mulf %select_n3A_1100, %convert_element_type3A_1096 : vector<16xf32>
        %add3A_1102 = arith.addf %add3A_1030, %select_n3A_1100 : vector<16xf32>
        %select_n3A_1103 = arith.select %gt3A_1099, %get3A_1085, %broadcast_in_dim3A_1095 : vector<16xi1>, vector<16xf32>
        %add3A_1104 = arith.addf %add3A_1032, %select_n3A_1103 : vector<16xf32>
        %add3A_1105 = arith.addf %add3A_1033, %mul3A_1101 : vector<16xf32>
        %mul3A_1106 = arith.mulf %mul3A_1101, %get3A_1085 : vector<16xf32>
        %add3A_1107 = arith.addf %add3A_1035, %mul3A_1106 : vector<16xf32>
        %scan3A_1108 = arith.constant 7 : i32
        %scan3A_1109 = arith.addi %scan3A_603, %scan3A_1108 : i32
        %jit3A_1110 = arith.constant 32 : i32
        %div3A_1111 = arith.divsi %scan3A_1109, %jit3A_1110 : i32
        %sign3A_1112 = arith.constant 0 : i32
        %sign3A_1113 = arith.cmpi sgt, %scan3A_1109, %sign3A_1112 : i32
        %sign3A_1114 = arith.extui %sign3A_1113 : i1 to i32
        %sign3A_1115 = arith.constant 0 : i32
        %sign3A_1116 = arith.cmpi slt, %scan3A_1109, %sign3A_1115 : i32
        %sign3A_1117 = arith.extui %sign3A_1116 : i1 to i32
        %sign3A_1118 = arith.subi %sign3A_1114, %sign3A_1117 : i32
        %sign3A_1119 = arith.constant 0 : i32
        %sign3A_1120 = arith.cmpi sgt, %jit3A_1110, %sign3A_1119 : i32
        %sign3A_1121 = arith.extui %sign3A_1120 : i1 to i32
        %sign3A_1122 = arith.constant 0 : i32
        %sign3A_1123 = arith.cmpi slt, %jit3A_1110, %sign3A_1122 : i32
        %sign3A_1124 = arith.extui %sign3A_1123 : i1 to i32
        %sign3A_1125 = arith.subi %sign3A_1121, %sign3A_1124 : i32
        %ne3A_1126 = arith.cmpi ne, %sign3A_1118, %sign3A_1125 : i32
        %rem3A_1127 = arith.remsi %scan3A_1109, %jit3A_1110 : i32
        %ne3A_1128 = arith.constant 0 : i32
        %ne3A_1129 = arith.cmpi ne, %rem3A_1127, %ne3A_1128 : i32
        %and3A_1130 = arith.andi %ne3A_1126, %ne3A_1129 : i1
        %sub3A_1131 = arith.constant 1 : i32
        %sub3A_1132 = arith.subi %div3A_1111, %sub3A_1131 : i32
        %select_n3A_1133 = arith.select %and3A_1130, %sub3A_1132, %div3A_1111 : i32
        %jit3A_1134 = arith.constant 32 : i32
        %eq3A_1135 = arith.constant 0 : i32
        %eq3A_1136 = arith.cmpi eq, %jit3A_1134, %eq3A_1135 : i32
        %jit3A_1137 = arith.constant 1 : i32
        %select_n3A_1138 = arith.select %eq3A_1136, %jit3A_1137, %jit3A_1134 : i32
        %rem3A_1139 = arith.remsi %scan3A_1109, %select_n3A_1138 : i32
        %ne3A_1140 = arith.constant 0 : i32
        %ne3A_1141 = arith.cmpi ne, %rem3A_1139, %ne3A_1140 : i32
        %lt3A_1142 = arith.constant 0 : i32
        %lt3A_1143 = arith.cmpi slt, %rem3A_1139, %lt3A_1142 : i32
        %lt3A_1144 = arith.constant 0 : i32
        %lt3A_1145 = arith.cmpi slt, %select_n3A_1138, %lt3A_1144 : i32
        %ne3A_1146 = arith.xori %lt3A_1143, %lt3A_1145 : i1
        %and3A_1147 = arith.andi %ne3A_1146, %ne3A_1141 : i1
        %add3A_1148 = arith.addi %rem3A_1139, %select_n3A_1138 : i32
        %select_n3A_1149 = arith.select %and3A_1147, %add3A_1148, %rem3A_1139 : i32
        %mul3A_1150 = arith.constant 16 : i32
        %mul3A_1151 = arith.muli %select_n3A_1149, %mul3A_1150 : i32
        %get3A_1152 = arith.constant 1 : i32
        %get3A_1153 = arith.index_cast %get3A_1152 : i32 to index
        %get3A_1154 = arith.index_cast %select_n3A_1133 : i32 to index
        %get3A_1155 = arith.index_cast %mul3A_1151 : i32 to index
        %get3A_1156 = tpu.vector_load %arg5[%get3A_1153, %get3A_1154, %get3A_1155] {strides = array<i32>} : memref<4x8x512xf32, #tpu.memory_space<vmem>>, vector<1x1x16xf32>,
        %get3A_1157 = vector.shape_cast %get3A_1156 : vector<1x1x16xf32> to vector<16xf32>
        %get3A_1158 = arith.constant 1 : i32
        %get3A_1159 = arith.index_cast %get3A_1158 : i32 to index
        %get3A_1160 = arith.index_cast %select_n3A_1133 : i32 to index
        %get3A_1161 = arith.index_cast %mul3A_1151 : i32 to index
        %get3A_1162 = tpu.vector_load %arg6[%get3A_1159, %get3A_1160, %get3A_1161] {strides = array<i32>} : memref<4x8x512xi32, #tpu.memory_space<vmem>>, vector<1x1x16xi32>,
        %get3A_1163 = vector.shape_cast %get3A_1162 : vector<1x1x16xi32> to vector<16xi32>
        %broadcast_in_dim3A_1164 = arith.constant 1.000000e+00 : f32
        %broadcast_in_dim3A_1165 = vector.broadcast %broadcast_in_dim3A_1164 : f32 to vector<16xf32>
        %broadcast_in_dim3A_1166 = arith.constant 0.000000e+00 : f32
        %broadcast_in_dim3A_1167 = vector.broadcast %broadcast_in_dim3A_1166 : f32 to vector<16xf32>
        %convert_element_type3A_1168 = arith.sitofp %get3A_1163 : vector<16xi32> to vector<16xf32>
        %gt3A_1169 = arith.constant 5.000000e-01 : f32
        %gt3A_1170 = vector.broadcast %gt3A_1169 : f32 to vector<16xf32>
        %gt3A_1171 = arith.cmpf ogt, %get3A_1157, %gt3A_1170 : vector<16xf32>
        %select_n3A_1172 = arith.select %gt3A_1171, %broadcast_in_dim3A_1165, %broadcast_in_dim3A_1167 : vector<16xi1>, vector<16xf32>
        %mul3A_1173 = arith.mulf %select_n3A_1172, %convert_element_type3A_1168 : vector<16xf32>
        %add3A_1174 = arith.addf %add3A_1102, %select_n3A_1172 : vector<16xf32>
        %select_n3A_1175 = arith.select %gt3A_1171, %get3A_1157, %broadcast_in_dim3A_1167 : vector<16xi1>, vector<16xf32>
        %add3A_1176 = arith.addf %add3A_1104, %select_n3A_1175 : vector<16xf32>
        %add3A_1177 = arith.addf %add3A_1105, %mul3A_1173 : vector<16xf32>
        %mul3A_1178 = arith.mulf %mul3A_1173, %get3A_1157 : vector<16xf32>
        %add3A_1179 = arith.addf %add3A_1107, %mul3A_1178 : vector<16xf32>
        scf.yield %add3A_1174, %add3A_1176, %add3A_1177, %add3A_1179 : vector<16xf32>, vector<16xf32>, vector<16xf32>, vector<16xf32>
      }
      %scan3A_422 = arith.constant 256 : i32
      %add3A_423 = arith.constant 2 : i32
      %add3A_424 = arith.addi %mul3A_245, %add3A_423 : i32
      %mul3A_425 = arith.constant 20 : i32
      %mul3A_426 = arith.muli %add3A, %mul3A_425 : i32
      %add3A_427 = arith.addi %mul3A_426, %add3A_424 : i32
      %jit3A_428 = arith.constant 64 : i32
      %div3A_429 = arith.divsi %add3A_427, %jit3A_428 : i32
      %sign3A_430 = arith.constant 0 : i32
      %sign3A_431 = arith.cmpi sgt, %add3A_427, %sign3A_430 : i32
      %sign3A_432 = arith.extui %sign3A_431 : i1 to i32
      %sign3A_433 = arith.constant 0 : i32
      %sign3A_434 = arith.cmpi slt, %add3A_427, %sign3A_433 : i32
      %sign3A_435 = arith.extui %sign3A_434 : i1 to i32
      %sign3A_436 = arith.subi %sign3A_432, %sign3A_435 : i32
      %sign3A_437 = arith.constant 0 : i32
      %sign3A_438 = arith.cmpi sgt, %jit3A_428, %sign3A_437 : i32
      %sign3A_439 = arith.extui %sign3A_438 : i1 to i32
      %sign3A_440 = arith.constant 0 : i32
      %sign3A_441 = arith.cmpi slt, %jit3A_428, %sign3A_440 : i32
      %sign3A_442 = arith.extui %sign3A_441 : i1 to i32
      %sign3A_443 = arith.subi %sign3A_439, %sign3A_442 : i32
      %ne3A_444 = arith.cmpi ne, %sign3A_436, %sign3A_443 : i32
      %rem3A_445 = arith.remsi %add3A_427, %jit3A_428 : i32
      %ne3A_446 = arith.constant 0 : i32
      %ne3A_447 = arith.cmpi ne, %rem3A_445, %ne3A_446 : i32
      %and3A_448 = arith.andi %ne3A_444, %ne3A_447 : i1
      %sub3A_449 = arith.constant 1 : i32
      %sub3A_450 = arith.subi %div3A_429, %sub3A_449 : i32
      %select_n3A_451 = arith.select %and3A_448, %sub3A_450, %div3A_429 : i32
      %jit3A_452 = arith.constant 64 : i32
      %eq3A_453 = arith.constant 0 : i32
      %eq3A_454 = arith.cmpi eq, %jit3A_452, %eq3A_453 : i32
      %jit3A_455 = arith.constant 1 : i32
      %select_n3A_456 = arith.select %eq3A_454, %jit3A_455, %jit3A_452 : i32
      %rem3A_457 = arith.remsi %add3A_427, %select_n3A_456 : i32
      %ne3A_458 = arith.constant 0 : i32
      %ne3A_459 = arith.cmpi ne, %rem3A_457, %ne3A_458 : i32
      %lt3A_460 = arith.constant 0 : i32
      %lt3A_461 = arith.cmpi slt, %rem3A_457, %lt3A_460 : i32
      %lt3A_462 = arith.constant 0 : i32
      %lt3A_463 = arith.cmpi slt, %select_n3A_456, %lt3A_462 : i32
      %ne3A_464 = arith.xori %lt3A_461, %lt3A_463 : i1
      %and3A_465 = arith.andi %ne3A_464, %ne3A_459 : i1
      %add3A_466 = arith.addi %rem3A_457, %select_n3A_456 : i32
      %select_n3A_467 = arith.select %and3A_465, %add3A_466, %rem3A_457 : i32
      %mul3A_468 = arith.constant 8 : i32
      %mul3A_469 = arith.muli %select_n3A_467, %mul3A_468 : i32
      %dma_wait3A_470 = arith.constant 2 : i32
      %dma_wait3A_471 = arith.constant 0 : i32
      %dma_wait3A_472 = arith.constant 0 : i32
      %dma_wait3A_473 = tpu.memref_slice %arg5[%dma_wait3A_470, %dma_wait3A_471, %dma_wait3A_472] : memref<4x8x512xf32, #tpu.memory_space<vmem>> -> memref<1x8x512xf32, #tpu.memory_space<vmem>>
      %dma_wait3A_474 = tpu.memref_squeeze %dma_wait3A_473 : memref<1x8x512xf32, #tpu.memory_space<vmem>> -> memref<8x512xf32, #tpu.memory_space<vmem>>
      %dma_wait3A_475 = arith.constant 0 : i32
      %dma_wait3A_476 = tpu.memref_slice %arg2[%select_n3A_451, %mul3A_469, %dma_wait3A_475] : memref<16x512x512xf32, #tpu.memory_space<hbm>> -> memref<1x8x512xf32, #tpu.memory_space<hbm>>
      %dma_wait3A_477 = tpu.memref_squeeze %dma_wait3A_476 : memref<1x8x512xf32, #tpu.memory_space<hbm>> -> memref<8x512xf32, #tpu.memory_space<hbm>>
      %dma_wait3A_478 = arith.constant 0 : i32
      %dma_wait3A_479 = arith.constant 0 : i32
      %dma_wait3A_480 = tpu.memref_slice %arg5[%dma_wait3A_470, %dma_wait3A_478, %dma_wait3A_479] : memref<4x8x512xf32, #tpu.memory_space<vmem>> -> memref<1x8x512xf32, #tpu.memory_space<vmem>>
      %dma_wait3A_481 = tpu.memref_squeeze %dma_wait3A_480 : memref<1x8x512xf32, #tpu.memory_space<vmem>> -> memref<8x512xf32, #tpu.memory_space<vmem>>
      %dma_wait3A_482 = arith.constant 0 : i32
      %dma_wait3A_483 = tpu.memref_slice %arg2[%select_n3A_451, %mul3A_469, %dma_wait3A_482] : memref<16x512x512xf32, #tpu.memory_space<hbm>> -> memref<1x8x512xf32, #tpu.memory_space<hbm>>
      %dma_wait3A_484 = tpu.memref_squeeze %dma_wait3A_483 : memref<1x8x512xf32, #tpu.memory_space<hbm>> -> memref<8x512xf32, #tpu.memory_space<hbm>>
      tpu.wait_dma2 semaphore(%arg10 : memref<!tpu.dma_semaphore, #tpu.memory_space<semaphore_mem>>) src(%dma_wait3A_484 : memref<8x512xf32, #tpu.memory_space<hbm>>) dst(%dma_wait3A_481 : memref<8x512xf32, #tpu.memory_space<vmem>>)
      %dma_wait3A_485 = arith.constant 2 : i32
      %dma_wait3A_486 = arith.constant 0 : i32
      %dma_wait3A_487 = arith.constant 0 : i32
      %dma_wait3A_488 = tpu.memref_slice %arg6[%dma_wait3A_485, %dma_wait3A_486, %dma_wait3A_487] : memref<4x8x512xi32, #tpu.memory_space<vmem>> -> memref<1x8x512xi32, #tpu.memory_space<vmem>>
      %dma_wait3A_489 = tpu.memref_squeeze %dma_wait3A_488 : memref<1x8x512xi32, #tpu.memory_space<vmem>> -> memref<8x512xi32, #tpu.memory_space<vmem>>
      %dma_wait3A_490 = arith.constant 0 : i32
      %dma_wait3A_491 = tpu.memref_slice %arg3[%select_n3A_451, %mul3A_469, %dma_wait3A_490] : memref<16x512x512xi32, #tpu.memory_space<hbm>> -> memref<1x8x512xi32, #tpu.memory_space<hbm>>
      %dma_wait3A_492 = tpu.memref_squeeze %dma_wait3A_491 : memref<1x8x512xi32, #tpu.memory_space<hbm>> -> memref<8x512xi32, #tpu.memory_space<hbm>>
      %dma_wait3A_493 = arith.constant 0 : i32
      %dma_wait3A_494 = arith.constant 0 : i32
      %dma_wait3A_495 = tpu.memref_slice %arg6[%dma_wait3A_485, %dma_wait3A_493, %dma_wait3A_494] : memref<4x8x512xi32, #tpu.memory_space<vmem>> -> memref<1x8x512xi32, #tpu.memory_space<vmem>>
      %dma_wait3A_496 = tpu.memref_squeeze %dma_wait3A_495 : memref<1x8x512xi32, #tpu.memory_space<vmem>> -> memref<8x512xi32, #tpu.memory_space<vmem>>
      %dma_wait3A_497 = arith.constant 0 : i32
      %dma_wait3A_498 = tpu.memref_slice %arg3[%select_n3A_451, %mul3A_469, %dma_wait3A_497] : memref<16x512x512xi32, #tpu.memory_space<hbm>> -> memref<1x8x512xi32, #tpu.memory_space<hbm>>
      %dma_wait3A_499 = tpu.memref_squeeze %dma_wait3A_498 : memref<1x8x512xi32, #tpu.memory_space<hbm>> -> memref<8x512xi32, #tpu.memory_space<hbm>>
      tpu.wait_dma2 semaphore(%arg10 : memref<!tpu.dma_semaphore, #tpu.memory_space<semaphore_mem>>) src(%dma_wait3A_499 : memref<8x512xi32, #tpu.memory_space<hbm>>) dst(%dma_wait3A_496 : memref<8x512xi32, #tpu.memory_space<vmem>>)
      %add3A_500 = arith.constant 3 : i32
      %add3A_501 = arith.addi %add3A_424, %add3A_500 : i32
      %lt3A_502 = arith.constant 20 : i32
      %lt3A_503 = arith.cmpi slt, %add3A_501, %lt3A_502 : i32
      %convert_element_type3A_504 = arith.extui %lt3A_503 : i1 to i32
      %cond3A_505 = arith.constant 0 : i32
      %cond3A_506 = arith.cmpi ne, %convert_element_type3A_504, %cond3A_505 : i32
      scf.if %cond3A_506 {
        %add3A_603 = arith.constant 3 : i32
        %add3A_604 = arith.addi %add3A_424, %add3A_603 : i32
        %mul3A_605 = arith.constant 20 : i32
        %mul3A_606 = arith.muli %add3A, %mul3A_605 : i32
        %add3A_607 = arith.addi %mul3A_606, %add3A_604 : i32
        %jit3A_608 = arith.constant 64 : i32
        %div3A_609 = arith.divsi %add3A_607, %jit3A_608 : i32
        %sign3A_610 = arith.constant 0 : i32
        %sign3A_611 = arith.cmpi sgt, %add3A_607, %sign3A_610 : i32
        %sign3A_612 = arith.extui %sign3A_611 : i1 to i32
        %sign3A_613 = arith.constant 0 : i32
        %sign3A_614 = arith.cmpi slt, %add3A_607, %sign3A_613 : i32
        %sign3A_615 = arith.extui %sign3A_614 : i1 to i32
        %sign3A_616 = arith.subi %sign3A_612, %sign3A_615 : i32
        %sign3A_617 = arith.constant 0 : i32
        %sign3A_618 = arith.cmpi sgt, %jit3A_608, %sign3A_617 : i32
        %sign3A_619 = arith.extui %sign3A_618 : i1 to i32
        %sign3A_620 = arith.constant 0 : i32
        %sign3A_621 = arith.cmpi slt, %jit3A_608, %sign3A_620 : i32
        %sign3A_622 = arith.extui %sign3A_621 : i1 to i32
        %sign3A_623 = arith.subi %sign3A_619, %sign3A_622 : i32
        %ne3A_624 = arith.cmpi ne, %sign3A_616, %sign3A_623 : i32
        %rem3A_625 = arith.remsi %add3A_607, %jit3A_608 : i32
        %ne3A_626 = arith.constant 0 : i32
        %ne3A_627 = arith.cmpi ne, %rem3A_625, %ne3A_626 : i32
        %and3A_628 = arith.andi %ne3A_624, %ne3A_627 : i1
        %sub3A_629 = arith.constant 1 : i32
        %sub3A_630 = arith.subi %div3A_609, %sub3A_629 : i32
        %select_n3A_631 = arith.select %and3A_628, %sub3A_630, %div3A_609 : i32
        %jit3A_632 = arith.constant 64 : i32
        %eq3A_633 = arith.constant 0 : i32
        %eq3A_634 = arith.cmpi eq, %jit3A_632, %eq3A_633 : i32
        %jit3A_635 = arith.constant 1 : i32
        %select_n3A_636 = arith.select %eq3A_634, %jit3A_635, %jit3A_632 : i32
        %rem3A_637 = arith.remsi %add3A_607, %select_n3A_636 : i32
        %ne3A_638 = arith.constant 0 : i32
        %ne3A_639 = arith.cmpi ne, %rem3A_637, %ne3A_638 : i32
        %lt3A_640 = arith.constant 0 : i32
        %lt3A_641 = arith.cmpi slt, %rem3A_637, %lt3A_640 : i32
        %lt3A_642 = arith.constant 0 : i32
        %lt3A_643 = arith.cmpi slt, %select_n3A_636, %lt3A_642 : i32
        %ne3A_644 = arith.xori %lt3A_641, %lt3A_643 : i1
        %and3A_645 = arith.andi %ne3A_644, %ne3A_639 : i1
        %add3A_646 = arith.addi %rem3A_637, %select_n3A_636 : i32
        %select_n3A_647 = arith.select %and3A_645, %add3A_646, %rem3A_637 : i32
        %mul3A_648 = arith.constant 8 : i32
        %mul3A_649 = arith.muli %select_n3A_647, %mul3A_648 : i32
        %dma_start3A_650 = arith.constant 1 : i32
        %dma_start3A_651 = arith.constant 0 : i32
        %dma_start3A_652 = arith.constant 0 : i32
        %dma_start3A_653 = tpu.memref_slice %arg5[%dma_start3A_650, %dma_start3A_651, %dma_start3A_652] : memref<4x8x512xf32, #tpu.memory_space<vmem>> -> memref<1x8x512xf32, #tpu.memory_space<vmem>>
        %dma_start3A_654 = tpu.memref_squeeze %dma_start3A_653 : memref<1x8x512xf32, #tpu.memory_space<vmem>> -> memref<8x512xf32, #tpu.memory_space<vmem>>
        %dma_start3A_655 = arith.constant 0 : i32
        %dma_start3A_656 = tpu.memref_slice %arg2[%select_n3A_631, %mul3A_649, %dma_start3A_655] : memref<16x512x512xf32, #tpu.memory_space<hbm>> -> memref<1x8x512xf32, #tpu.memory_space<hbm>>
        %dma_start3A_657 = tpu.memref_squeeze %dma_start3A_656 : memref<1x8x512xf32, #tpu.memory_space<hbm>> -> memref<8x512xf32, #tpu.memory_space<hbm>>
        %dma_start3A_658 = arith.constant 0 : i32
        %dma_start3A_659 = arith.constant 0 : i32
        %dma_start3A_660 = tpu.memref_slice %arg5[%dma_start3A_650, %dma_start3A_658, %dma_start3A_659] : memref<4x8x512xf32, #tpu.memory_space<vmem>> -> memref<1x8x512xf32, #tpu.memory_space<vmem>>
        %dma_start3A_661 = tpu.memref_squeeze %dma_start3A_660 : memref<1x8x512xf32, #tpu.memory_space<vmem>> -> memref<8x512xf32, #tpu.memory_space<vmem>>
        %dma_start3A_662 = arith.constant 0 : i32
        %dma_start3A_663 = tpu.memref_slice %arg2[%select_n3A_631, %mul3A_649, %dma_start3A_662] : memref<16x512x512xf32, #tpu.memory_space<hbm>> -> memref<1x8x512xf32, #tpu.memory_space<hbm>>
        %dma_start3A_664 = tpu.memref_squeeze %dma_start3A_663 : memref<1x8x512xf32, #tpu.memory_space<hbm>> -> memref<8x512xf32, #tpu.memory_space<hbm>>
        tpu.enqueue_dma source(%dma_start3A_664 : memref<8x512xf32, #tpu.memory_space<hbm>>) target(%dma_start3A_661 : memref<8x512xf32, #tpu.memory_space<vmem>>) target_semaphore(%arg9 : memref<!tpu.dma_semaphore, #tpu.memory_space<semaphore_mem>>)
        %dma_start3A_665 = arith.constant 1 : i32
        %dma_start3A_666 = arith.constant 0 : i32
        %dma_start3A_667 = arith.constant 0 : i32
        %dma_start3A_668 = tpu.memref_slice %arg6[%dma_start3A_665, %dma_start3A_666, %dma_start3A_667] : memref<4x8x512xi32, #tpu.memory_space<vmem>> -> memref<1x8x512xi32, #tpu.memory_space<vmem>>
        %dma_start3A_669 = tpu.memref_squeeze %dma_start3A_668 : memref<1x8x512xi32, #tpu.memory_space<vmem>> -> memref<8x512xi32, #tpu.memory_space<vmem>>
        %dma_start3A_670 = arith.constant 0 : i32
        %dma_start3A_671 = tpu.memref_slice %arg3[%select_n3A_631, %mul3A_649, %dma_start3A_670] : memref<16x512x512xi32, #tpu.memory_space<hbm>> -> memref<1x8x512xi32, #tpu.memory_space<hbm>>
        %dma_start3A_672 = tpu.memref_squeeze %dma_start3A_671 : memref<1x8x512xi32, #tpu.memory_space<hbm>> -> memref<8x512xi32, #tpu.memory_space<hbm>>
        %dma_start3A_673 = arith.constant 0 : i32
        %dma_start3A_674 = arith.constant 0 : i32
        %dma_start3A_675 = tpu.memref_slice %arg6[%dma_start3A_665, %dma_start3A_673, %dma_start3A_674] : memref<4x8x512xi32, #tpu.memory_space<vmem>> -> memref<1x8x512xi32, #tpu.memory_space<vmem>>
        %dma_start3A_676 = tpu.memref_squeeze %dma_start3A_675 : memref<1x8x512xi32, #tpu.memory_space<vmem>> -> memref<8x512xi32, #tpu.memory_space<vmem>>
        %dma_start3A_677 = arith.constant 0 : i32
        %dma_start3A_678 = tpu.memref_slice %arg3[%select_n3A_631, %mul3A_649, %dma_start3A_677] : memref<16x512x512xi32, #tpu.memory_space<hbm>> -> memref<1x8x512xi32, #tpu.memory_space<hbm>>
        %dma_start3A_679 = tpu.memref_squeeze %dma_start3A_678 : memref<1x8x512xi32, #tpu.memory_space<hbm>> -> memref<8x512xi32, #tpu.memory_space<hbm>>
        tpu.enqueue_dma source(%dma_start3A_679 : memref<8x512xi32, #tpu.memory_space<hbm>>) target(%dma_start3A_676 : memref<8x512xi32, #tpu.memory_space<vmem>>) target_semaphore(%arg9 : memref<!tpu.dma_semaphore, #tpu.memory_space<semaphore_mem>>)
      } else {
      }
      %scan3A_507 = arith.constant 0 : i32
      %scan3A_508 = arith.constant 256 : i32
      %scan3A_509 = arith.addi %scan3A_507, %scan3A_508 : i32
      %scan3A_510 = arith.constant 8 : i32
      %scan3A_511:4 = scf.for %scan3A_603 = %scan3A_507 to %scan3A_509 step %scan3A_510 iter_args(%scan3A_604 = %scan3A_421#0, %scan3A_605 = %scan3A_421#1, %scan3A_606 = %scan3A_421#2, %scan3A_607 = %scan3A_421#3) -> (vector<16xf32>, vector<16xf32>, vector<16xf32>, vector<16xf32>)  : i32 {
        %jit3A_608 = arith.constant 32 : i32
        %div3A_609 = arith.divsi %scan3A_603, %jit3A_608 : i32
        %sign3A_610 = arith.constant 0 : i32
        %sign3A_611 = arith.cmpi sgt, %scan3A_603, %sign3A_610 : i32
        %sign3A_612 = arith.extui %sign3A_611 : i1 to i32
        %sign3A_613 = arith.constant 0 : i32
        %sign3A_614 = arith.cmpi slt, %scan3A_603, %sign3A_613 : i32
        %sign3A_615 = arith.extui %sign3A_614 : i1 to i32
        %sign3A_616 = arith.subi %sign3A_612, %sign3A_615 : i32
        %sign3A_617 = arith.constant 0 : i32
        %sign3A_618 = arith.cmpi sgt, %jit3A_608, %sign3A_617 : i32
        %sign3A_619 = arith.extui %sign3A_618 : i1 to i32
        %sign3A_620 = arith.constant 0 : i32
        %sign3A_621 = arith.cmpi slt, %jit3A_608, %sign3A_620 : i32
        %sign3A_622 = arith.extui %sign3A_621 : i1 to i32
        %sign3A_623 = arith.subi %sign3A_619, %sign3A_622 : i32
        %ne3A_624 = arith.cmpi ne, %sign3A_616, %sign3A_623 : i32
        %rem3A_625 = arith.remsi %scan3A_603, %jit3A_608 : i32
        %ne3A_626 = arith.constant 0 : i32
        %ne3A_627 = arith.cmpi ne, %rem3A_625, %ne3A_626 : i32
        %and3A_628 = arith.andi %ne3A_624, %ne3A_627 : i1
        %sub3A_629 = arith.constant 1 : i32
        %sub3A_630 = arith.subi %div3A_609, %sub3A_629 : i32
        %select_n3A_631 = arith.select %and3A_628, %sub3A_630, %div3A_609 : i32
        %jit3A_632 = arith.constant 32 : i32
        %eq3A_633 = arith.constant 0 : i32
        %eq3A_634 = arith.cmpi eq, %jit3A_632, %eq3A_633 : i32
        %jit3A_635 = arith.constant 1 : i32
        %select_n3A_636 = arith.select %eq3A_634, %jit3A_635, %jit3A_632 : i32
        %rem3A_637 = arith.remsi %scan3A_603, %select_n3A_636 : i32
        %ne3A_638 = arith.constant 0 : i32
        %ne3A_639 = arith.cmpi ne, %rem3A_637, %ne3A_638 : i32
        %lt3A_640 = arith.constant 0 : i32
        %lt3A_641 = arith.cmpi slt, %rem3A_637, %lt3A_640 : i32
        %lt3A_642 = arith.constant 0 : i32
        %lt3A_643 = arith.cmpi slt, %select_n3A_636, %lt3A_642 : i32
        %ne3A_644 = arith.xori %lt3A_641, %lt3A_643 : i1
        %and3A_645 = arith.andi %ne3A_644, %ne3A_639 : i1
        %add3A_646 = arith.addi %rem3A_637, %select_n3A_636 : i32
        %select_n3A_647 = arith.select %and3A_645, %add3A_646, %rem3A_637 : i32
        %mul3A_648 = arith.constant 16 : i32
        %mul3A_649 = arith.muli %select_n3A_647, %mul3A_648 : i32
        %get3A = arith.constant 2 : i32
        %get3A_650 = arith.index_cast %get3A : i32 to index
        %get3A_651 = arith.index_cast %select_n3A_631 : i32 to index
        %get3A_652 = arith.index_cast %mul3A_649 : i32 to index
        %get3A_653 = tpu.vector_load %arg5[%get3A_650, %get3A_651, %get3A_652] {strides = array<i32>} : memref<4x8x512xf32, #tpu.memory_space<vmem>>, vector<1x1x16xf32>,
        %get3A_654 = vector.shape_cast %get3A_653 : vector<1x1x16xf32> to vector<16xf32>
        %get3A_655 = arith.constant 2 : i32
        %get3A_656 = arith.index_cast %get3A_655 : i32 to index
        %get3A_657 = arith.index_cast %select_n3A_631 : i32 to index
        %get3A_658 = arith.index_cast %mul3A_649 : i32 to index
        %get3A_659 = tpu.vector_load %arg6[%get3A_656, %get3A_657, %get3A_658] {strides = array<i32>} : memref<4x8x512xi32, #tpu.memory_space<vmem>>, vector<1x1x16xi32>,
        %get3A_660 = vector.shape_cast %get3A_659 : vector<1x1x16xi32> to vector<16xi32>
        %broadcast_in_dim3A_661 = arith.constant 1.000000e+00 : f32
        %broadcast_in_dim3A_662 = vector.broadcast %broadcast_in_dim3A_661 : f32 to vector<16xf32>
        %broadcast_in_dim3A_663 = arith.constant 0.000000e+00 : f32
        %broadcast_in_dim3A_664 = vector.broadcast %broadcast_in_dim3A_663 : f32 to vector<16xf32>
        %convert_element_type3A_665 = arith.sitofp %get3A_660 : vector<16xi32> to vector<16xf32>
        %gt3A = arith.constant 5.000000e-01 : f32
        %gt3A_666 = vector.broadcast %gt3A : f32 to vector<16xf32>
        %gt3A_667 = arith.cmpf ogt, %get3A_654, %gt3A_666 : vector<16xf32>
        %select_n3A_668 = arith.select %gt3A_667, %broadcast_in_dim3A_662, %broadcast_in_dim3A_664 : vector<16xi1>, vector<16xf32>
        %mul3A_669 = arith.mulf %select_n3A_668, %convert_element_type3A_665 : vector<16xf32>
        %add3A_670 = arith.addf %scan3A_604, %select_n3A_668 : vector<16xf32>
        %select_n3A_671 = arith.select %gt3A_667, %get3A_654, %broadcast_in_dim3A_664 : vector<16xi1>, vector<16xf32>
        %add3A_672 = arith.addf %scan3A_605, %select_n3A_671 : vector<16xf32>
        %add3A_673 = arith.addf %scan3A_606, %mul3A_669 : vector<16xf32>
        %mul3A_674 = arith.mulf %mul3A_669, %get3A_654 : vector<16xf32>
        %add3A_675 = arith.addf %scan3A_607, %mul3A_674 : vector<16xf32>
        %scan3A_676 = arith.constant 1 : i32
        %scan3A_677 = arith.addi %scan3A_603, %scan3A_676 : i32
        %jit3A_678 = arith.constant 32 : i32
        %div3A_679 = arith.divsi %scan3A_677, %jit3A_678 : i32
        %sign3A_680 = arith.constant 0 : i32
        %sign3A_681 = arith.cmpi sgt, %scan3A_677, %sign3A_680 : i32
        %sign3A_682 = arith.extui %sign3A_681 : i1 to i32
        %sign3A_683 = arith.constant 0 : i32
        %sign3A_684 = arith.cmpi slt, %scan3A_677, %sign3A_683 : i32
        %sign3A_685 = arith.extui %sign3A_684 : i1 to i32
        %sign3A_686 = arith.subi %sign3A_682, %sign3A_685 : i32
        %sign3A_687 = arith.constant 0 : i32
        %sign3A_688 = arith.cmpi sgt, %jit3A_678, %sign3A_687 : i32
        %sign3A_689 = arith.extui %sign3A_688 : i1 to i32
        %sign3A_690 = arith.constant 0 : i32
        %sign3A_691 = arith.cmpi slt, %jit3A_678, %sign3A_690 : i32
        %sign3A_692 = arith.extui %sign3A_691 : i1 to i32
        %sign3A_693 = arith.subi %sign3A_689, %sign3A_692 : i32
        %ne3A_694 = arith.cmpi ne, %sign3A_686, %sign3A_693 : i32
        %rem3A_695 = arith.remsi %scan3A_677, %jit3A_678 : i32
        %ne3A_696 = arith.constant 0 : i32
        %ne3A_697 = arith.cmpi ne, %rem3A_695, %ne3A_696 : i32
        %and3A_698 = arith.andi %ne3A_694, %ne3A_697 : i1
        %sub3A_699 = arith.constant 1 : i32
        %sub3A_700 = arith.subi %div3A_679, %sub3A_699 : i32
        %select_n3A_701 = arith.select %and3A_698, %sub3A_700, %div3A_679 : i32
        %jit3A_702 = arith.constant 32 : i32
        %eq3A_703 = arith.constant 0 : i32
        %eq3A_704 = arith.cmpi eq, %jit3A_702, %eq3A_703 : i32
        %jit3A_705 = arith.constant 1 : i32
        %select_n3A_706 = arith.select %eq3A_704, %jit3A_705, %jit3A_702 : i32
        %rem3A_707 = arith.remsi %scan3A_677, %select_n3A_706 : i32
        %ne3A_708 = arith.constant 0 : i32
        %ne3A_709 = arith.cmpi ne, %rem3A_707, %ne3A_708 : i32
        %lt3A_710 = arith.constant 0 : i32
        %lt3A_711 = arith.cmpi slt, %rem3A_707, %lt3A_710 : i32
        %lt3A_712 = arith.constant 0 : i32
        %lt3A_713 = arith.cmpi slt, %select_n3A_706, %lt3A_712 : i32
        %ne3A_714 = arith.xori %lt3A_711, %lt3A_713 : i1
        %and3A_715 = arith.andi %ne3A_714, %ne3A_709 : i1
        %add3A_716 = arith.addi %rem3A_707, %select_n3A_706 : i32
        %select_n3A_717 = arith.select %and3A_715, %add3A_716, %rem3A_707 : i32
        %mul3A_718 = arith.constant 16 : i32
        %mul3A_719 = arith.muli %select_n3A_717, %mul3A_718 : i32
        %get3A_720 = arith.constant 2 : i32
        %get3A_721 = arith.index_cast %get3A_720 : i32 to index
        %get3A_722 = arith.index_cast %select_n3A_701 : i32 to index
        %get3A_723 = arith.index_cast %mul3A_719 : i32 to index
        %get3A_724 = tpu.vector_load %arg5[%get3A_721, %get3A_722, %get3A_723] {strides = array<i32>} : memref<4x8x512xf32, #tpu.memory_space<vmem>>, vector<1x1x16xf32>,
        %get3A_725 = vector.shape_cast %get3A_724 : vector<1x1x16xf32> to vector<16xf32>
        %get3A_726 = arith.constant 2 : i32
        %get3A_727 = arith.index_cast %get3A_726 : i32 to index
        %get3A_728 = arith.index_cast %select_n3A_701 : i32 to index
        %get3A_729 = arith.index_cast %mul3A_719 : i32 to index
        %get3A_730 = tpu.vector_load %arg6[%get3A_727, %get3A_728, %get3A_729] {strides = array<i32>} : memref<4x8x512xi32, #tpu.memory_space<vmem>>, vector<1x1x16xi32>,
        %get3A_731 = vector.shape_cast %get3A_730 : vector<1x1x16xi32> to vector<16xi32>
        %broadcast_in_dim3A_732 = arith.constant 1.000000e+00 : f32
        %broadcast_in_dim3A_733 = vector.broadcast %broadcast_in_dim3A_732 : f32 to vector<16xf32>
        %broadcast_in_dim3A_734 = arith.constant 0.000000e+00 : f32
        %broadcast_in_dim3A_735 = vector.broadcast %broadcast_in_dim3A_734 : f32 to vector<16xf32>
        %convert_element_type3A_736 = arith.sitofp %get3A_731 : vector<16xi32> to vector<16xf32>
        %gt3A_737 = arith.constant 5.000000e-01 : f32
        %gt3A_738 = vector.broadcast %gt3A_737 : f32 to vector<16xf32>
        %gt3A_739 = arith.cmpf ogt, %get3A_725, %gt3A_738 : vector<16xf32>
        %select_n3A_740 = arith.select %gt3A_739, %broadcast_in_dim3A_733, %broadcast_in_dim3A_735 : vector<16xi1>, vector<16xf32>
        %mul3A_741 = arith.mulf %select_n3A_740, %convert_element_type3A_736 : vector<16xf32>
        %add3A_742 = arith.addf %add3A_670, %select_n3A_740 : vector<16xf32>
        %select_n3A_743 = arith.select %gt3A_739, %get3A_725, %broadcast_in_dim3A_735 : vector<16xi1>, vector<16xf32>
        %add3A_744 = arith.addf %add3A_672, %select_n3A_743 : vector<16xf32>
        %add3A_745 = arith.addf %add3A_673, %mul3A_741 : vector<16xf32>
        %mul3A_746 = arith.mulf %mul3A_741, %get3A_725 : vector<16xf32>
        %add3A_747 = arith.addf %add3A_675, %mul3A_746 : vector<16xf32>
        %scan3A_748 = arith.constant 2 : i32
        %scan3A_749 = arith.addi %scan3A_603, %scan3A_748 : i32
        %jit3A_750 = arith.constant 32 : i32
        %div3A_751 = arith.divsi %scan3A_749, %jit3A_750 : i32
        %sign3A_752 = arith.constant 0 : i32
        %sign3A_753 = arith.cmpi sgt, %scan3A_749, %sign3A_752 : i32
        %sign3A_754 = arith.extui %sign3A_753 : i1 to i32
        %sign3A_755 = arith.constant 0 : i32
        %sign3A_756 = arith.cmpi slt, %scan3A_749, %sign3A_755 : i32
        %sign3A_757 = arith.extui %sign3A_756 : i1 to i32
        %sign3A_758 = arith.subi %sign3A_754, %sign3A_757 : i32
        %sign3A_759 = arith.constant 0 : i32
        %sign3A_760 = arith.cmpi sgt, %jit3A_750, %sign3A_759 : i32
        %sign3A_761 = arith.extui %sign3A_760 : i1 to i32
        %sign3A_762 = arith.constant 0 : i32
        %sign3A_763 = arith.cmpi slt, %jit3A_750, %sign3A_762 : i32
        %sign3A_764 = arith.extui %sign3A_763 : i1 to i32
        %sign3A_765 = arith.subi %sign3A_761, %sign3A_764 : i32
        %ne3A_766 = arith.cmpi ne, %sign3A_758, %sign3A_765 : i32
        %rem3A_767 = arith.remsi %scan3A_749, %jit3A_750 : i32
        %ne3A_768 = arith.constant 0 : i32
        %ne3A_769 = arith.cmpi ne, %rem3A_767, %ne3A_768 : i32
        %and3A_770 = arith.andi %ne3A_766, %ne3A_769 : i1
        %sub3A_771 = arith.constant 1 : i32
        %sub3A_772 = arith.subi %div3A_751, %sub3A_771 : i32
        %select_n3A_773 = arith.select %and3A_770, %sub3A_772, %div3A_751 : i32
        %jit3A_774 = arith.constant 32 : i32
        %eq3A_775 = arith.constant 0 : i32
        %eq3A_776 = arith.cmpi eq, %jit3A_774, %eq3A_775 : i32
        %jit3A_777 = arith.constant 1 : i32
        %select_n3A_778 = arith.select %eq3A_776, %jit3A_777, %jit3A_774 : i32
        %rem3A_779 = arith.remsi %scan3A_749, %select_n3A_778 : i32
        %ne3A_780 = arith.constant 0 : i32
        %ne3A_781 = arith.cmpi ne, %rem3A_779, %ne3A_780 : i32
        %lt3A_782 = arith.constant 0 : i32
        %lt3A_783 = arith.cmpi slt, %rem3A_779, %lt3A_782 : i32
        %lt3A_784 = arith.constant 0 : i32
        %lt3A_785 = arith.cmpi slt, %select_n3A_778, %lt3A_784 : i32
        %ne3A_786 = arith.xori %lt3A_783, %lt3A_785 : i1
        %and3A_787 = arith.andi %ne3A_786, %ne3A_781 : i1
        %add3A_788 = arith.addi %rem3A_779, %select_n3A_778 : i32
        %select_n3A_789 = arith.select %and3A_787, %add3A_788, %rem3A_779 : i32
        %mul3A_790 = arith.constant 16 : i32
        %mul3A_791 = arith.muli %select_n3A_789, %mul3A_790 : i32
        %get3A_792 = arith.constant 2 : i32
        %get3A_793 = arith.index_cast %get3A_792 : i32 to index
        %get3A_794 = arith.index_cast %select_n3A_773 : i32 to index
        %get3A_795 = arith.index_cast %mul3A_791 : i32 to index
        %get3A_796 = tpu.vector_load %arg5[%get3A_793, %get3A_794, %get3A_795] {strides = array<i32>} : memref<4x8x512xf32, #tpu.memory_space<vmem>>, vector<1x1x16xf32>,
        %get3A_797 = vector.shape_cast %get3A_796 : vector<1x1x16xf32> to vector<16xf32>
        %get3A_798 = arith.constant 2 : i32
        %get3A_799 = arith.index_cast %get3A_798 : i32 to index
        %get3A_800 = arith.index_cast %select_n3A_773 : i32 to index
        %get3A_801 = arith.index_cast %mul3A_791 : i32 to index
        %get3A_802 = tpu.vector_load %arg6[%get3A_799, %get3A_800, %get3A_801] {strides = array<i32>} : memref<4x8x512xi32, #tpu.memory_space<vmem>>, vector<1x1x16xi32>,
        %get3A_803 = vector.shape_cast %get3A_802 : vector<1x1x16xi32> to vector<16xi32>
        %broadcast_in_dim3A_804 = arith.constant 1.000000e+00 : f32
        %broadcast_in_dim3A_805 = vector.broadcast %broadcast_in_dim3A_804 : f32 to vector<16xf32>
        %broadcast_in_dim3A_806 = arith.constant 0.000000e+00 : f32
        %broadcast_in_dim3A_807 = vector.broadcast %broadcast_in_dim3A_806 : f32 to vector<16xf32>
        %convert_element_type3A_808 = arith.sitofp %get3A_803 : vector<16xi32> to vector<16xf32>
        %gt3A_809 = arith.constant 5.000000e-01 : f32
        %gt3A_810 = vector.broadcast %gt3A_809 : f32 to vector<16xf32>
        %gt3A_811 = arith.cmpf ogt, %get3A_797, %gt3A_810 : vector<16xf32>
        %select_n3A_812 = arith.select %gt3A_811, %broadcast_in_dim3A_805, %broadcast_in_dim3A_807 : vector<16xi1>, vector<16xf32>
        %mul3A_813 = arith.mulf %select_n3A_812, %convert_element_type3A_808 : vector<16xf32>
        %add3A_814 = arith.addf %add3A_742, %select_n3A_812 : vector<16xf32>
        %select_n3A_815 = arith.select %gt3A_811, %get3A_797, %broadcast_in_dim3A_807 : vector<16xi1>, vector<16xf32>
        %add3A_816 = arith.addf %add3A_744, %select_n3A_815 : vector<16xf32>
        %add3A_817 = arith.addf %add3A_745, %mul3A_813 : vector<16xf32>
        %mul3A_818 = arith.mulf %mul3A_813, %get3A_797 : vector<16xf32>
        %add3A_819 = arith.addf %add3A_747, %mul3A_818 : vector<16xf32>
        %scan3A_820 = arith.constant 3 : i32
        %scan3A_821 = arith.addi %scan3A_603, %scan3A_820 : i32
        %jit3A_822 = arith.constant 32 : i32
        %div3A_823 = arith.divsi %scan3A_821, %jit3A_822 : i32
        %sign3A_824 = arith.constant 0 : i32
        %sign3A_825 = arith.cmpi sgt, %scan3A_821, %sign3A_824 : i32
        %sign3A_826 = arith.extui %sign3A_825 : i1 to i32
        %sign3A_827 = arith.constant 0 : i32
        %sign3A_828 = arith.cmpi slt, %scan3A_821, %sign3A_827 : i32
        %sign3A_829 = arith.extui %sign3A_828 : i1 to i32
        %sign3A_830 = arith.subi %sign3A_826, %sign3A_829 : i32
        %sign3A_831 = arith.constant 0 : i32
        %sign3A_832 = arith.cmpi sgt, %jit3A_822, %sign3A_831 : i32
        %sign3A_833 = arith.extui %sign3A_832 : i1 to i32
        %sign3A_834 = arith.constant 0 : i32
        %sign3A_835 = arith.cmpi slt, %jit3A_822, %sign3A_834 : i32
        %sign3A_836 = arith.extui %sign3A_835 : i1 to i32
        %sign3A_837 = arith.subi %sign3A_833, %sign3A_836 : i32
        %ne3A_838 = arith.cmpi ne, %sign3A_830, %sign3A_837 : i32
        %rem3A_839 = arith.remsi %scan3A_821, %jit3A_822 : i32
        %ne3A_840 = arith.constant 0 : i32
        %ne3A_841 = arith.cmpi ne, %rem3A_839, %ne3A_840 : i32
        %and3A_842 = arith.andi %ne3A_838, %ne3A_841 : i1
        %sub3A_843 = arith.constant 1 : i32
        %sub3A_844 = arith.subi %div3A_823, %sub3A_843 : i32
        %select_n3A_845 = arith.select %and3A_842, %sub3A_844, %div3A_823 : i32
        %jit3A_846 = arith.constant 32 : i32
        %eq3A_847 = arith.constant 0 : i32
        %eq3A_848 = arith.cmpi eq, %jit3A_846, %eq3A_847 : i32
        %jit3A_849 = arith.constant 1 : i32
        %select_n3A_850 = arith.select %eq3A_848, %jit3A_849, %jit3A_846 : i32
        %rem3A_851 = arith.remsi %scan3A_821, %select_n3A_850 : i32
        %ne3A_852 = arith.constant 0 : i32
        %ne3A_853 = arith.cmpi ne, %rem3A_851, %ne3A_852 : i32
        %lt3A_854 = arith.constant 0 : i32
        %lt3A_855 = arith.cmpi slt, %rem3A_851, %lt3A_854 : i32
        %lt3A_856 = arith.constant 0 : i32
        %lt3A_857 = arith.cmpi slt, %select_n3A_850, %lt3A_856 : i32
        %ne3A_858 = arith.xori %lt3A_855, %lt3A_857 : i1
        %and3A_859 = arith.andi %ne3A_858, %ne3A_853 : i1
        %add3A_860 = arith.addi %rem3A_851, %select_n3A_850 : i32
        %select_n3A_861 = arith.select %and3A_859, %add3A_860, %rem3A_851 : i32
        %mul3A_862 = arith.constant 16 : i32
        %mul3A_863 = arith.muli %select_n3A_861, %mul3A_862 : i32
        %get3A_864 = arith.constant 2 : i32
        %get3A_865 = arith.index_cast %get3A_864 : i32 to index
        %get3A_866 = arith.index_cast %select_n3A_845 : i32 to index
        %get3A_867 = arith.index_cast %mul3A_863 : i32 to index
        %get3A_868 = tpu.vector_load %arg5[%get3A_865, %get3A_866, %get3A_867] {strides = array<i32>} : memref<4x8x512xf32, #tpu.memory_space<vmem>>, vector<1x1x16xf32>,
        %get3A_869 = vector.shape_cast %get3A_868 : vector<1x1x16xf32> to vector<16xf32>
        %get3A_870 = arith.constant 2 : i32
        %get3A_871 = arith.index_cast %get3A_870 : i32 to index
        %get3A_872 = arith.index_cast %select_n3A_845 : i32 to index
        %get3A_873 = arith.index_cast %mul3A_863 : i32 to index
        %get3A_874 = tpu.vector_load %arg6[%get3A_871, %get3A_872, %get3A_873] {strides = array<i32>} : memref<4x8x512xi32, #tpu.memory_space<vmem>>, vector<1x1x16xi32>,
        %get3A_875 = vector.shape_cast %get3A_874 : vector<1x1x16xi32> to vector<16xi32>
        %broadcast_in_dim3A_876 = arith.constant 1.000000e+00 : f32
        %broadcast_in_dim3A_877 = vector.broadcast %broadcast_in_dim3A_876 : f32 to vector<16xf32>
        %broadcast_in_dim3A_878 = arith.constant 0.000000e+00 : f32
        %broadcast_in_dim3A_879 = vector.broadcast %broadcast_in_dim3A_878 : f32 to vector<16xf32>
        %convert_element_type3A_880 = arith.sitofp %get3A_875 : vector<16xi32> to vector<16xf32>
        %gt3A_881 = arith.constant 5.000000e-01 : f32
        %gt3A_882 = vector.broadcast %gt3A_881 : f32 to vector<16xf32>
        %gt3A_883 = arith.cmpf ogt, %get3A_869, %gt3A_882 : vector<16xf32>
        %select_n3A_884 = arith.select %gt3A_883, %broadcast_in_dim3A_877, %broadcast_in_dim3A_879 : vector<16xi1>, vector<16xf32>
        %mul3A_885 = arith.mulf %select_n3A_884, %convert_element_type3A_880 : vector<16xf32>
        %add3A_886 = arith.addf %add3A_814, %select_n3A_884 : vector<16xf32>
        %select_n3A_887 = arith.select %gt3A_883, %get3A_869, %broadcast_in_dim3A_879 : vector<16xi1>, vector<16xf32>
        %add3A_888 = arith.addf %add3A_816, %select_n3A_887 : vector<16xf32>
        %add3A_889 = arith.addf %add3A_817, %mul3A_885 : vector<16xf32>
        %mul3A_890 = arith.mulf %mul3A_885, %get3A_869 : vector<16xf32>
        %add3A_891 = arith.addf %add3A_819, %mul3A_890 : vector<16xf32>
        %scan3A_892 = arith.constant 4 : i32
        %scan3A_893 = arith.addi %scan3A_603, %scan3A_892 : i32
        %jit3A_894 = arith.constant 32 : i32
        %div3A_895 = arith.divsi %scan3A_893, %jit3A_894 : i32
        %sign3A_896 = arith.constant 0 : i32
        %sign3A_897 = arith.cmpi sgt, %scan3A_893, %sign3A_896 : i32
        %sign3A_898 = arith.extui %sign3A_897 : i1 to i32
        %sign3A_899 = arith.constant 0 : i32
        %sign3A_900 = arith.cmpi slt, %scan3A_893, %sign3A_899 : i32
        %sign3A_901 = arith.extui %sign3A_900 : i1 to i32
        %sign3A_902 = arith.subi %sign3A_898, %sign3A_901 : i32
        %sign3A_903 = arith.constant 0 : i32
        %sign3A_904 = arith.cmpi sgt, %jit3A_894, %sign3A_903 : i32
        %sign3A_905 = arith.extui %sign3A_904 : i1 to i32
        %sign3A_906 = arith.constant 0 : i32
        %sign3A_907 = arith.cmpi slt, %jit3A_894, %sign3A_906 : i32
        %sign3A_908 = arith.extui %sign3A_907 : i1 to i32
        %sign3A_909 = arith.subi %sign3A_905, %sign3A_908 : i32
        %ne3A_910 = arith.cmpi ne, %sign3A_902, %sign3A_909 : i32
        %rem3A_911 = arith.remsi %scan3A_893, %jit3A_894 : i32
        %ne3A_912 = arith.constant 0 : i32
        %ne3A_913 = arith.cmpi ne, %rem3A_911, %ne3A_912 : i32
        %and3A_914 = arith.andi %ne3A_910, %ne3A_913 : i1
        %sub3A_915 = arith.constant 1 : i32
        %sub3A_916 = arith.subi %div3A_895, %sub3A_915 : i32
        %select_n3A_917 = arith.select %and3A_914, %sub3A_916, %div3A_895 : i32
        %jit3A_918 = arith.constant 32 : i32
        %eq3A_919 = arith.constant 0 : i32
        %eq3A_920 = arith.cmpi eq, %jit3A_918, %eq3A_919 : i32
        %jit3A_921 = arith.constant 1 : i32
        %select_n3A_922 = arith.select %eq3A_920, %jit3A_921, %jit3A_918 : i32
        %rem3A_923 = arith.remsi %scan3A_893, %select_n3A_922 : i32
        %ne3A_924 = arith.constant 0 : i32
        %ne3A_925 = arith.cmpi ne, %rem3A_923, %ne3A_924 : i32
        %lt3A_926 = arith.constant 0 : i32
        %lt3A_927 = arith.cmpi slt, %rem3A_923, %lt3A_926 : i32
        %lt3A_928 = arith.constant 0 : i32
        %lt3A_929 = arith.cmpi slt, %select_n3A_922, %lt3A_928 : i32
        %ne3A_930 = arith.xori %lt3A_927, %lt3A_929 : i1
        %and3A_931 = arith.andi %ne3A_930, %ne3A_925 : i1
        %add3A_932 = arith.addi %rem3A_923, %select_n3A_922 : i32
        %select_n3A_933 = arith.select %and3A_931, %add3A_932, %rem3A_923 : i32
        %mul3A_934 = arith.constant 16 : i32
        %mul3A_935 = arith.muli %select_n3A_933, %mul3A_934 : i32
        %get3A_936 = arith.constant 2 : i32
        %get3A_937 = arith.index_cast %get3A_936 : i32 to index
        %get3A_938 = arith.index_cast %select_n3A_917 : i32 to index
        %get3A_939 = arith.index_cast %mul3A_935 : i32 to index
        %get3A_940 = tpu.vector_load %arg5[%get3A_937, %get3A_938, %get3A_939] {strides = array<i32>} : memref<4x8x512xf32, #tpu.memory_space<vmem>>, vector<1x1x16xf32>,
        %get3A_941 = vector.shape_cast %get3A_940 : vector<1x1x16xf32> to vector<16xf32>
        %get3A_942 = arith.constant 2 : i32
        %get3A_943 = arith.index_cast %get3A_942 : i32 to index
        %get3A_944 = arith.index_cast %select_n3A_917 : i32 to index
        %get3A_945 = arith.index_cast %mul3A_935 : i32 to index
        %get3A_946 = tpu.vector_load %arg6[%get3A_943, %get3A_944, %get3A_945] {strides = array<i32>} : memref<4x8x512xi32, #tpu.memory_space<vmem>>, vector<1x1x16xi32>,
        %get3A_947 = vector.shape_cast %get3A_946 : vector<1x1x16xi32> to vector<16xi32>
        %broadcast_in_dim3A_948 = arith.constant 1.000000e+00 : f32
        %broadcast_in_dim3A_949 = vector.broadcast %broadcast_in_dim3A_948 : f32 to vector<16xf32>
        %broadcast_in_dim3A_950 = arith.constant 0.000000e+00 : f32
        %broadcast_in_dim3A_951 = vector.broadcast %broadcast_in_dim3A_950 : f32 to vector<16xf32>
        %convert_element_type3A_952 = arith.sitofp %get3A_947 : vector<16xi32> to vector<16xf32>
        %gt3A_953 = arith.constant 5.000000e-01 : f32
        %gt3A_954 = vector.broadcast %gt3A_953 : f32 to vector<16xf32>
        %gt3A_955 = arith.cmpf ogt, %get3A_941, %gt3A_954 : vector<16xf32>
        %select_n3A_956 = arith.select %gt3A_955, %broadcast_in_dim3A_949, %broadcast_in_dim3A_951 : vector<16xi1>, vector<16xf32>
        %mul3A_957 = arith.mulf %select_n3A_956, %convert_element_type3A_952 : vector<16xf32>
        %add3A_958 = arith.addf %add3A_886, %select_n3A_956 : vector<16xf32>
        %select_n3A_959 = arith.select %gt3A_955, %get3A_941, %broadcast_in_dim3A_951 : vector<16xi1>, vector<16xf32>
        %add3A_960 = arith.addf %add3A_888, %select_n3A_959 : vector<16xf32>
        %add3A_961 = arith.addf %add3A_889, %mul3A_957 : vector<16xf32>
        %mul3A_962 = arith.mulf %mul3A_957, %get3A_941 : vector<16xf32>
        %add3A_963 = arith.addf %add3A_891, %mul3A_962 : vector<16xf32>
        %scan3A_964 = arith.constant 5 : i32
        %scan3A_965 = arith.addi %scan3A_603, %scan3A_964 : i32
        %jit3A_966 = arith.constant 32 : i32
        %div3A_967 = arith.divsi %scan3A_965, %jit3A_966 : i32
        %sign3A_968 = arith.constant 0 : i32
        %sign3A_969 = arith.cmpi sgt, %scan3A_965, %sign3A_968 : i32
        %sign3A_970 = arith.extui %sign3A_969 : i1 to i32
        %sign3A_971 = arith.constant 0 : i32
        %sign3A_972 = arith.cmpi slt, %scan3A_965, %sign3A_971 : i32
        %sign3A_973 = arith.extui %sign3A_972 : i1 to i32
        %sign3A_974 = arith.subi %sign3A_970, %sign3A_973 : i32
        %sign3A_975 = arith.constant 0 : i32
        %sign3A_976 = arith.cmpi sgt, %jit3A_966, %sign3A_975 : i32
        %sign3A_977 = arith.extui %sign3A_976 : i1 to i32
        %sign3A_978 = arith.constant 0 : i32
        %sign3A_979 = arith.cmpi slt, %jit3A_966, %sign3A_978 : i32
        %sign3A_980 = arith.extui %sign3A_979 : i1 to i32
        %sign3A_981 = arith.subi %sign3A_977, %sign3A_980 : i32
        %ne3A_982 = arith.cmpi ne, %sign3A_974, %sign3A_981 : i32
        %rem3A_983 = arith.remsi %scan3A_965, %jit3A_966 : i32
        %ne3A_984 = arith.constant 0 : i32
        %ne3A_985 = arith.cmpi ne, %rem3A_983, %ne3A_984 : i32
        %and3A_986 = arith.andi %ne3A_982, %ne3A_985 : i1
        %sub3A_987 = arith.constant 1 : i32
        %sub3A_988 = arith.subi %div3A_967, %sub3A_987 : i32
        %select_n3A_989 = arith.select %and3A_986, %sub3A_988, %div3A_967 : i32
        %jit3A_990 = arith.constant 32 : i32
        %eq3A_991 = arith.constant 0 : i32
        %eq3A_992 = arith.cmpi eq, %jit3A_990, %eq3A_991 : i32
        %jit3A_993 = arith.constant 1 : i32
        %select_n3A_994 = arith.select %eq3A_992, %jit3A_993, %jit3A_990 : i32
        %rem3A_995 = arith.remsi %scan3A_965, %select_n3A_994 : i32
        %ne3A_996 = arith.constant 0 : i32
        %ne3A_997 = arith.cmpi ne, %rem3A_995, %ne3A_996 : i32
        %lt3A_998 = arith.constant 0 : i32
        %lt3A_999 = arith.cmpi slt, %rem3A_995, %lt3A_998 : i32
        %lt3A_1000 = arith.constant 0 : i32
        %lt3A_1001 = arith.cmpi slt, %select_n3A_994, %lt3A_1000 : i32
        %ne3A_1002 = arith.xori %lt3A_999, %lt3A_1001 : i1
        %and3A_1003 = arith.andi %ne3A_1002, %ne3A_997 : i1
        %add3A_1004 = arith.addi %rem3A_995, %select_n3A_994 : i32
        %select_n3A_1005 = arith.select %and3A_1003, %add3A_1004, %rem3A_995 : i32
        %mul3A_1006 = arith.constant 16 : i32
        %mul3A_1007 = arith.muli %select_n3A_1005, %mul3A_1006 : i32
        %get3A_1008 = arith.constant 2 : i32
        %get3A_1009 = arith.index_cast %get3A_1008 : i32 to index
        %get3A_1010 = arith.index_cast %select_n3A_989 : i32 to index
        %get3A_1011 = arith.index_cast %mul3A_1007 : i32 to index
        %get3A_1012 = tpu.vector_load %arg5[%get3A_1009, %get3A_1010, %get3A_1011] {strides = array<i32>} : memref<4x8x512xf32, #tpu.memory_space<vmem>>, vector<1x1x16xf32>,
        %get3A_1013 = vector.shape_cast %get3A_1012 : vector<1x1x16xf32> to vector<16xf32>
        %get3A_1014 = arith.constant 2 : i32
        %get3A_1015 = arith.index_cast %get3A_1014 : i32 to index
        %get3A_1016 = arith.index_cast %select_n3A_989 : i32 to index
        %get3A_1017 = arith.index_cast %mul3A_1007 : i32 to index
        %get3A_1018 = tpu.vector_load %arg6[%get3A_1015, %get3A_1016, %get3A_1017] {strides = array<i32>} : memref<4x8x512xi32, #tpu.memory_space<vmem>>, vector<1x1x16xi32>,
        %get3A_1019 = vector.shape_cast %get3A_1018 : vector<1x1x16xi32> to vector<16xi32>
        %broadcast_in_dim3A_1020 = arith.constant 1.000000e+00 : f32
        %broadcast_in_dim3A_1021 = vector.broadcast %broadcast_in_dim3A_1020 : f32 to vector<16xf32>
        %broadcast_in_dim3A_1022 = arith.constant 0.000000e+00 : f32
        %broadcast_in_dim3A_1023 = vector.broadcast %broadcast_in_dim3A_1022 : f32 to vector<16xf32>
        %convert_element_type3A_1024 = arith.sitofp %get3A_1019 : vector<16xi32> to vector<16xf32>
        %gt3A_1025 = arith.constant 5.000000e-01 : f32
        %gt3A_1026 = vector.broadcast %gt3A_1025 : f32 to vector<16xf32>
        %gt3A_1027 = arith.cmpf ogt, %get3A_1013, %gt3A_1026 : vector<16xf32>
        %select_n3A_1028 = arith.select %gt3A_1027, %broadcast_in_dim3A_1021, %broadcast_in_dim3A_1023 : vector<16xi1>, vector<16xf32>
        %mul3A_1029 = arith.mulf %select_n3A_1028, %convert_element_type3A_1024 : vector<16xf32>
        %add3A_1030 = arith.addf %add3A_958, %select_n3A_1028 : vector<16xf32>
        %select_n3A_1031 = arith.select %gt3A_1027, %get3A_1013, %broadcast_in_dim3A_1023 : vector<16xi1>, vector<16xf32>
        %add3A_1032 = arith.addf %add3A_960, %select_n3A_1031 : vector<16xf32>
        %add3A_1033 = arith.addf %add3A_961, %mul3A_1029 : vector<16xf32>
        %mul3A_1034 = arith.mulf %mul3A_1029, %get3A_1013 : vector<16xf32>
        %add3A_1035 = arith.addf %add3A_963, %mul3A_1034 : vector<16xf32>
        %scan3A_1036 = arith.constant 6 : i32
        %scan3A_1037 = arith.addi %scan3A_603, %scan3A_1036 : i32
        %jit3A_1038 = arith.constant 32 : i32
        %div3A_1039 = arith.divsi %scan3A_1037, %jit3A_1038 : i32
        %sign3A_1040 = arith.constant 0 : i32
        %sign3A_1041 = arith.cmpi sgt, %scan3A_1037, %sign3A_1040 : i32
        %sign3A_1042 = arith.extui %sign3A_1041 : i1 to i32
        %sign3A_1043 = arith.constant 0 : i32
        %sign3A_1044 = arith.cmpi slt, %scan3A_1037, %sign3A_1043 : i32
        %sign3A_1045 = arith.extui %sign3A_1044 : i1 to i32
        %sign3A_1046 = arith.subi %sign3A_1042, %sign3A_1045 : i32
        %sign3A_1047 = arith.constant 0 : i32
        %sign3A_1048 = arith.cmpi sgt, %jit3A_1038, %sign3A_1047 : i32
        %sign3A_1049 = arith.extui %sign3A_1048 : i1 to i32
        %sign3A_1050 = arith.constant 0 : i32
        %sign3A_1051 = arith.cmpi slt, %jit3A_1038, %sign3A_1050 : i32
        %sign3A_1052 = arith.extui %sign3A_1051 : i1 to i32
        %sign3A_1053 = arith.subi %sign3A_1049, %sign3A_1052 : i32
        %ne3A_1054 = arith.cmpi ne, %sign3A_1046, %sign3A_1053 : i32
        %rem3A_1055 = arith.remsi %scan3A_1037, %jit3A_1038 : i32
        %ne3A_1056 = arith.constant 0 : i32
        %ne3A_1057 = arith.cmpi ne, %rem3A_1055, %ne3A_1056 : i32
        %and3A_1058 = arith.andi %ne3A_1054, %ne3A_1057 : i1
        %sub3A_1059 = arith.constant 1 : i32
        %sub3A_1060 = arith.subi %div3A_1039, %sub3A_1059 : i32
        %select_n3A_1061 = arith.select %and3A_1058, %sub3A_1060, %div3A_1039 : i32
        %jit3A_1062 = arith.constant 32 : i32
        %eq3A_1063 = arith.constant 0 : i32
        %eq3A_1064 = arith.cmpi eq, %jit3A_1062, %eq3A_1063 : i32
        %jit3A_1065 = arith.constant 1 : i32
        %select_n3A_1066 = arith.select %eq3A_1064, %jit3A_1065, %jit3A_1062 : i32
        %rem3A_1067 = arith.remsi %scan3A_1037, %select_n3A_1066 : i32
        %ne3A_1068 = arith.constant 0 : i32
        %ne3A_1069 = arith.cmpi ne, %rem3A_1067, %ne3A_1068 : i32
        %lt3A_1070 = arith.constant 0 : i32
        %lt3A_1071 = arith.cmpi slt, %rem3A_1067, %lt3A_1070 : i32
        %lt3A_1072 = arith.constant 0 : i32
        %lt3A_1073 = arith.cmpi slt, %select_n3A_1066, %lt3A_1072 : i32
        %ne3A_1074 = arith.xori %lt3A_1071, %lt3A_1073 : i1
        %and3A_1075 = arith.andi %ne3A_1074, %ne3A_1069 : i1
        %add3A_1076 = arith.addi %rem3A_1067, %select_n3A_1066 : i32
        %select_n3A_1077 = arith.select %and3A_1075, %add3A_1076, %rem3A_1067 : i32
        %mul3A_1078 = arith.constant 16 : i32
        %mul3A_1079 = arith.muli %select_n3A_1077, %mul3A_1078 : i32
        %get3A_1080 = arith.constant 2 : i32
        %get3A_1081 = arith.index_cast %get3A_1080 : i32 to index
        %get3A_1082 = arith.index_cast %select_n3A_1061 : i32 to index
        %get3A_1083 = arith.index_cast %mul3A_1079 : i32 to index
        %get3A_1084 = tpu.vector_load %arg5[%get3A_1081, %get3A_1082, %get3A_1083] {strides = array<i32>} : memref<4x8x512xf32, #tpu.memory_space<vmem>>, vector<1x1x16xf32>,
        %get3A_1085 = vector.shape_cast %get3A_1084 : vector<1x1x16xf32> to vector<16xf32>
        %get3A_1086 = arith.constant 2 : i32
        %get3A_1087 = arith.index_cast %get3A_1086 : i32 to index
        %get3A_1088 = arith.index_cast %select_n3A_1061 : i32 to index
        %get3A_1089 = arith.index_cast %mul3A_1079 : i32 to index
        %get3A_1090 = tpu.vector_load %arg6[%get3A_1087, %get3A_1088, %get3A_1089] {strides = array<i32>} : memref<4x8x512xi32, #tpu.memory_space<vmem>>, vector<1x1x16xi32>,
        %get3A_1091 = vector.shape_cast %get3A_1090 : vector<1x1x16xi32> to vector<16xi32>
        %broadcast_in_dim3A_1092 = arith.constant 1.000000e+00 : f32
        %broadcast_in_dim3A_1093 = vector.broadcast %broadcast_in_dim3A_1092 : f32 to vector<16xf32>
        %broadcast_in_dim3A_1094 = arith.constant 0.000000e+00 : f32
        %broadcast_in_dim3A_1095 = vector.broadcast %broadcast_in_dim3A_1094 : f32 to vector<16xf32>
        %convert_element_type3A_1096 = arith.sitofp %get3A_1091 : vector<16xi32> to vector<16xf32>
        %gt3A_1097 = arith.constant 5.000000e-01 : f32
        %gt3A_1098 = vector.broadcast %gt3A_1097 : f32 to vector<16xf32>
        %gt3A_1099 = arith.cmpf ogt, %get3A_1085, %gt3A_1098 : vector<16xf32>
        %select_n3A_1100 = arith.select %gt3A_1099, %broadcast_in_dim3A_1093, %broadcast_in_dim3A_1095 : vector<16xi1>, vector<16xf32>
        %mul3A_1101 = arith.mulf %select_n3A_1100, %convert_element_type3A_1096 : vector<16xf32>
        %add3A_1102 = arith.addf %add3A_1030, %select_n3A_1100 : vector<16xf32>
        %select_n3A_1103 = arith.select %gt3A_1099, %get3A_1085, %broadcast_in_dim3A_1095 : vector<16xi1>, vector<16xf32>
        %add3A_1104 = arith.addf %add3A_1032, %select_n3A_1103 : vector<16xf32>
        %add3A_1105 = arith.addf %add3A_1033, %mul3A_1101 : vector<16xf32>
        %mul3A_1106 = arith.mulf %mul3A_1101, %get3A_1085 : vector<16xf32>
        %add3A_1107 = arith.addf %add3A_1035, %mul3A_1106 : vector<16xf32>
        %scan3A_1108 = arith.constant 7 : i32
        %scan3A_1109 = arith.addi %scan3A_603, %scan3A_1108 : i32
        %jit3A_1110 = arith.constant 32 : i32
        %div3A_1111 = arith.divsi %scan3A_1109, %jit3A_1110 : i32
        %sign3A_1112 = arith.constant 0 : i32
        %sign3A_1113 = arith.cmpi sgt, %scan3A_1109, %sign3A_1112 : i32
        %sign3A_1114 = arith.extui %sign3A_1113 : i1 to i32
        %sign3A_1115 = arith.constant 0 : i32
        %sign3A_1116 = arith.cmpi slt, %scan3A_1109, %sign3A_1115 : i32
        %sign3A_1117 = arith.extui %sign3A_1116 : i1 to i32
        %sign3A_1118 = arith.subi %sign3A_1114, %sign3A_1117 : i32
        %sign3A_1119 = arith.constant 0 : i32
        %sign3A_1120 = arith.cmpi sgt, %jit3A_1110, %sign3A_1119 : i32
        %sign3A_1121 = arith.extui %sign3A_1120 : i1 to i32
        %sign3A_1122 = arith.constant 0 : i32
        %sign3A_1123 = arith.cmpi slt, %jit3A_1110, %sign3A_1122 : i32
        %sign3A_1124 = arith.extui %sign3A_1123 : i1 to i32
        %sign3A_1125 = arith.subi %sign3A_1121, %sign3A_1124 : i32
        %ne3A_1126 = arith.cmpi ne, %sign3A_1118, %sign3A_1125 : i32
        %rem3A_1127 = arith.remsi %scan3A_1109, %jit3A_1110 : i32
        %ne3A_1128 = arith.constant 0 : i32
        %ne3A_1129 = arith.cmpi ne, %rem3A_1127, %ne3A_1128 : i32
        %and3A_1130 = arith.andi %ne3A_1126, %ne3A_1129 : i1
        %sub3A_1131 = arith.constant 1 : i32
        %sub3A_1132 = arith.subi %div3A_1111, %sub3A_1131 : i32
        %select_n3A_1133 = arith.select %and3A_1130, %sub3A_1132, %div3A_1111 : i32
        %jit3A_1134 = arith.constant 32 : i32
        %eq3A_1135 = arith.constant 0 : i32
        %eq3A_1136 = arith.cmpi eq, %jit3A_1134, %eq3A_1135 : i32
        %jit3A_1137 = arith.constant 1 : i32
        %select_n3A_1138 = arith.select %eq3A_1136, %jit3A_1137, %jit3A_1134 : i32
        %rem3A_1139 = arith.remsi %scan3A_1109, %select_n3A_1138 : i32
        %ne3A_1140 = arith.constant 0 : i32
        %ne3A_1141 = arith.cmpi ne, %rem3A_1139, %ne3A_1140 : i32
        %lt3A_1142 = arith.constant 0 : i32
        %lt3A_1143 = arith.cmpi slt, %rem3A_1139, %lt3A_1142 : i32
        %lt3A_1144 = arith.constant 0 : i32
        %lt3A_1145 = arith.cmpi slt, %select_n3A_1138, %lt3A_1144 : i32
        %ne3A_1146 = arith.xori %lt3A_1143, %lt3A_1145 : i1
        %and3A_1147 = arith.andi %ne3A_1146, %ne3A_1141 : i1
        %add3A_1148 = arith.addi %rem3A_1139, %select_n3A_1138 : i32
        %select_n3A_1149 = arith.select %and3A_1147, %add3A_1148, %rem3A_1139 : i32
        %mul3A_1150 = arith.constant 16 : i32
        %mul3A_1151 = arith.muli %select_n3A_1149, %mul3A_1150 : i32
        %get3A_1152 = arith.constant 2 : i32
        %get3A_1153 = arith.index_cast %get3A_1152 : i32 to index
        %get3A_1154 = arith.index_cast %select_n3A_1133 : i32 to index
        %get3A_1155 = arith.index_cast %mul3A_1151 : i32 to index
        %get3A_1156 = tpu.vector_load %arg5[%get3A_1153, %get3A_1154, %get3A_1155] {strides = array<i32>} : memref<4x8x512xf32, #tpu.memory_space<vmem>>, vector<1x1x16xf32>,
        %get3A_1157 = vector.shape_cast %get3A_1156 : vector<1x1x16xf32> to vector<16xf32>
        %get3A_1158 = arith.constant 2 : i32
        %get3A_1159 = arith.index_cast %get3A_1158 : i32 to index
        %get3A_1160 = arith.index_cast %select_n3A_1133 : i32 to index
        %get3A_1161 = arith.index_cast %mul3A_1151 : i32 to index
        %get3A_1162 = tpu.vector_load %arg6[%get3A_1159, %get3A_1160, %get3A_1161] {strides = array<i32>} : memref<4x8x512xi32, #tpu.memory_space<vmem>>, vector<1x1x16xi32>,
        %get3A_1163 = vector.shape_cast %get3A_1162 : vector<1x1x16xi32> to vector<16xi32>
        %broadcast_in_dim3A_1164 = arith.constant 1.000000e+00 : f32
        %broadcast_in_dim3A_1165 = vector.broadcast %broadcast_in_dim3A_1164 : f32 to vector<16xf32>
        %broadcast_in_dim3A_1166 = arith.constant 0.000000e+00 : f32
        %broadcast_in_dim3A_1167 = vector.broadcast %broadcast_in_dim3A_1166 : f32 to vector<16xf32>
        %convert_element_type3A_1168 = arith.sitofp %get3A_1163 : vector<16xi32> to vector<16xf32>
        %gt3A_1169 = arith.constant 5.000000e-01 : f32
        %gt3A_1170 = vector.broadcast %gt3A_1169 : f32 to vector<16xf32>
        %gt3A_1171 = arith.cmpf ogt, %get3A_1157, %gt3A_1170 : vector<16xf32>
        %select_n3A_1172 = arith.select %gt3A_1171, %broadcast_in_dim3A_1165, %broadcast_in_dim3A_1167 : vector<16xi1>, vector<16xf32>
        %mul3A_1173 = arith.mulf %select_n3A_1172, %convert_element_type3A_1168 : vector<16xf32>
        %add3A_1174 = arith.addf %add3A_1102, %select_n3A_1172 : vector<16xf32>
        %select_n3A_1175 = arith.select %gt3A_1171, %get3A_1157, %broadcast_in_dim3A_1167 : vector<16xi1>, vector<16xf32>
        %add3A_1176 = arith.addf %add3A_1104, %select_n3A_1175 : vector<16xf32>
        %add3A_1177 = arith.addf %add3A_1105, %mul3A_1173 : vector<16xf32>
        %mul3A_1178 = arith.mulf %mul3A_1173, %get3A_1157 : vector<16xf32>
        %add3A_1179 = arith.addf %add3A_1107, %mul3A_1178 : vector<16xf32>
        scf.yield %add3A_1174, %add3A_1176, %add3A_1177, %add3A_1179 : vector<16xf32>, vector<16xf32>, vector<16xf32>, vector<16xf32>
      }
      %scan3A_512 = arith.constant 256 : i32
      %add3A_513 = arith.constant 3 : i32
      %add3A_514 = arith.addi %mul3A_245, %add3A_513 : i32
      %mul3A_515 = arith.constant 20 : i32
      %mul3A_516 = arith.muli %add3A, %mul3A_515 : i32
      %add3A_517 = arith.addi %mul3A_516, %add3A_514 : i32
      %jit3A_518 = arith.constant 64 : i32
      %div3A_519 = arith.divsi %add3A_517, %jit3A_518 : i32
      %sign3A_520 = arith.constant 0 : i32
      %sign3A_521 = arith.cmpi sgt, %add3A_517, %sign3A_520 : i32
      %sign3A_522 = arith.extui %sign3A_521 : i1 to i32
      %sign3A_523 = arith.constant 0 : i32
      %sign3A_524 = arith.cmpi slt, %add3A_517, %sign3A_523 : i32
      %sign3A_525 = arith.extui %sign3A_524 : i1 to i32
      %sign3A_526 = arith.subi %sign3A_522, %sign3A_525 : i32
      %sign3A_527 = arith.constant 0 : i32
      %sign3A_528 = arith.cmpi sgt, %jit3A_518, %sign3A_527 : i32
      %sign3A_529 = arith.extui %sign3A_528 : i1 to i32
      %sign3A_530 = arith.constant 0 : i32
      %sign3A_531 = arith.cmpi slt, %jit3A_518, %sign3A_530 : i32
      %sign3A_532 = arith.extui %sign3A_531 : i1 to i32
      %sign3A_533 = arith.subi %sign3A_529, %sign3A_532 : i32
      %ne3A_534 = arith.cmpi ne, %sign3A_526, %sign3A_533 : i32
      %rem3A_535 = arith.remsi %add3A_517, %jit3A_518 : i32
      %ne3A_536 = arith.constant 0 : i32
      %ne3A_537 = arith.cmpi ne, %rem3A_535, %ne3A_536 : i32
      %and3A_538 = arith.andi %ne3A_534, %ne3A_537 : i1
      %sub3A_539 = arith.constant 1 : i32
      %sub3A_540 = arith.subi %div3A_519, %sub3A_539 : i32
      %select_n3A_541 = arith.select %and3A_538, %sub3A_540, %div3A_519 : i32
      %jit3A_542 = arith.constant 64 : i32
      %eq3A_543 = arith.constant 0 : i32
      %eq3A_544 = arith.cmpi eq, %jit3A_542, %eq3A_543 : i32
      %jit3A_545 = arith.constant 1 : i32
      %select_n3A_546 = arith.select %eq3A_544, %jit3A_545, %jit3A_542 : i32
      %rem3A_547 = arith.remsi %add3A_517, %select_n3A_546 : i32
      %ne3A_548 = arith.constant 0 : i32
      %ne3A_549 = arith.cmpi ne, %rem3A_547, %ne3A_548 : i32
      %lt3A_550 = arith.constant 0 : i32
      %lt3A_551 = arith.cmpi slt, %rem3A_547, %lt3A_550 : i32
      %lt3A_552 = arith.constant 0 : i32
      %lt3A_553 = arith.cmpi slt, %select_n3A_546, %lt3A_552 : i32
      %ne3A_554 = arith.xori %lt3A_551, %lt3A_553 : i1
      %and3A_555 = arith.andi %ne3A_554, %ne3A_549 : i1
      %add3A_556 = arith.addi %rem3A_547, %select_n3A_546 : i32
      %select_n3A_557 = arith.select %and3A_555, %add3A_556, %rem3A_547 : i32
      %mul3A_558 = arith.constant 8 : i32
      %mul3A_559 = arith.muli %select_n3A_557, %mul3A_558 : i32
      %dma_wait3A_560 = arith.constant 3 : i32
      %dma_wait3A_561 = arith.constant 0 : i32
      %dma_wait3A_562 = arith.constant 0 : i32
      %dma_wait3A_563 = tpu.memref_slice %arg5[%dma_wait3A_560, %dma_wait3A_561, %dma_wait3A_562] : memref<4x8x512xf32, #tpu.memory_space<vmem>> -> memref<1x8x512xf32, #tpu.memory_space<vmem>>
      %dma_wait3A_564 = tpu.memref_squeeze %dma_wait3A_563 : memref<1x8x512xf32, #tpu.memory_space<vmem>> -> memref<8x512xf32, #tpu.memory_space<vmem>>
      %dma_wait3A_565 = arith.constant 0 : i32
      %dma_wait3A_566 = tpu.memref_slice %arg2[%select_n3A_541, %mul3A_559, %dma_wait3A_565] : memref<16x512x512xf32, #tpu.memory_space<hbm>> -> memref<1x8x512xf32, #tpu.memory_space<hbm>>
      %dma_wait3A_567 = tpu.memref_squeeze %dma_wait3A_566 : memref<1x8x512xf32, #tpu.memory_space<hbm>> -> memref<8x512xf32, #tpu.memory_space<hbm>>
      %dma_wait3A_568 = arith.constant 0 : i32
      %dma_wait3A_569 = arith.constant 0 : i32
      %dma_wait3A_570 = tpu.memref_slice %arg5[%dma_wait3A_560, %dma_wait3A_568, %dma_wait3A_569] : memref<4x8x512xf32, #tpu.memory_space<vmem>> -> memref<1x8x512xf32, #tpu.memory_space<vmem>>
      %dma_wait3A_571 = tpu.memref_squeeze %dma_wait3A_570 : memref<1x8x512xf32, #tpu.memory_space<vmem>> -> memref<8x512xf32, #tpu.memory_space<vmem>>
      %dma_wait3A_572 = arith.constant 0 : i32
      %dma_wait3A_573 = tpu.memref_slice %arg2[%select_n3A_541, %mul3A_559, %dma_wait3A_572] : memref<16x512x512xf32, #tpu.memory_space<hbm>> -> memref<1x8x512xf32, #tpu.memory_space<hbm>>
      %dma_wait3A_574 = tpu.memref_squeeze %dma_wait3A_573 : memref<1x8x512xf32, #tpu.memory_space<hbm>> -> memref<8x512xf32, #tpu.memory_space<hbm>>
      tpu.wait_dma2 semaphore(%arg11 : memref<!tpu.dma_semaphore, #tpu.memory_space<semaphore_mem>>) src(%dma_wait3A_574 : memref<8x512xf32, #tpu.memory_space<hbm>>) dst(%dma_wait3A_571 : memref<8x512xf32, #tpu.memory_space<vmem>>)
      %dma_wait3A_575 = arith.constant 3 : i32
      %dma_wait3A_576 = arith.constant 0 : i32
      %dma_wait3A_577 = arith.constant 0 : i32
      %dma_wait3A_578 = tpu.memref_slice %arg6[%dma_wait3A_575, %dma_wait3A_576, %dma_wait3A_577] : memref<4x8x512xi32, #tpu.memory_space<vmem>> -> memref<1x8x512xi32, #tpu.memory_space<vmem>>
      %dma_wait3A_579 = tpu.memref_squeeze %dma_wait3A_578 : memref<1x8x512xi32, #tpu.memory_space<vmem>> -> memref<8x512xi32, #tpu.memory_space<vmem>>
      %dma_wait3A_580 = arith.constant 0 : i32
      %dma_wait3A_581 = tpu.memref_slice %arg3[%select_n3A_541, %mul3A_559, %dma_wait3A_580] : memref<16x512x512xi32, #tpu.memory_space<hbm>> -> memref<1x8x512xi32, #tpu.memory_space<hbm>>
      %dma_wait3A_582 = tpu.memref_squeeze %dma_wait3A_581 : memref<1x8x512xi32, #tpu.memory_space<hbm>> -> memref<8x512xi32, #tpu.memory_space<hbm>>
      %dma_wait3A_583 = arith.constant 0 : i32
      %dma_wait3A_584 = arith.constant 0 : i32
      %dma_wait3A_585 = tpu.memref_slice %arg6[%dma_wait3A_575, %dma_wait3A_583, %dma_wait3A_584] : memref<4x8x512xi32, #tpu.memory_space<vmem>> -> memref<1x8x512xi32, #tpu.memory_space<vmem>>
      %dma_wait3A_586 = tpu.memref_squeeze %dma_wait3A_585 : memref<1x8x512xi32, #tpu.memory_space<vmem>> -> memref<8x512xi32, #tpu.memory_space<vmem>>
      %dma_wait3A_587 = arith.constant 0 : i32
      %dma_wait3A_588 = tpu.memref_slice %arg3[%select_n3A_541, %mul3A_559, %dma_wait3A_587] : memref<16x512x512xi32, #tpu.memory_space<hbm>> -> memref<1x8x512xi32, #tpu.memory_space<hbm>>
      %dma_wait3A_589 = tpu.memref_squeeze %dma_wait3A_588 : memref<1x8x512xi32, #tpu.memory_space<hbm>> -> memref<8x512xi32, #tpu.memory_space<hbm>>
      tpu.wait_dma2 semaphore(%arg11 : memref<!tpu.dma_semaphore, #tpu.memory_space<semaphore_mem>>) src(%dma_wait3A_589 : memref<8x512xi32, #tpu.memory_space<hbm>>) dst(%dma_wait3A_586 : memref<8x512xi32, #tpu.memory_space<vmem>>)
      %add3A_590 = arith.constant 3 : i32
      %add3A_591 = arith.addi %add3A_514, %add3A_590 : i32
      %lt3A_592 = arith.constant 20 : i32
      %lt3A_593 = arith.cmpi slt, %add3A_591, %lt3A_592 : i32
      %convert_element_type3A_594 = arith.extui %lt3A_593 : i1 to i32
      %cond3A_595 = arith.constant 0 : i32
      %cond3A_596 = arith.cmpi ne, %convert_element_type3A_594, %cond3A_595 : i32
      scf.if %cond3A_596 {
        %add3A_603 = arith.constant 3 : i32
        %add3A_604 = arith.addi %add3A_514, %add3A_603 : i32
        %mul3A_605 = arith.constant 20 : i32
        %mul3A_606 = arith.muli %add3A, %mul3A_605 : i32
        %add3A_607 = arith.addi %mul3A_606, %add3A_604 : i32
        %jit3A_608 = arith.constant 64 : i32
        %div3A_609 = arith.divsi %add3A_607, %jit3A_608 : i32
        %sign3A_610 = arith.constant 0 : i32
        %sign3A_611 = arith.cmpi sgt, %add3A_607, %sign3A_610 : i32
        %sign3A_612 = arith.extui %sign3A_611 : i1 to i32
        %sign3A_613 = arith.constant 0 : i32
        %sign3A_614 = arith.cmpi slt, %add3A_607, %sign3A_613 : i32
        %sign3A_615 = arith.extui %sign3A_614 : i1 to i32
        %sign3A_616 = arith.subi %sign3A_612, %sign3A_615 : i32
        %sign3A_617 = arith.constant 0 : i32
        %sign3A_618 = arith.cmpi sgt, %jit3A_608, %sign3A_617 : i32
        %sign3A_619 = arith.extui %sign3A_618 : i1 to i32
        %sign3A_620 = arith.constant 0 : i32
        %sign3A_621 = arith.cmpi slt, %jit3A_608, %sign3A_620 : i32
        %sign3A_622 = arith.extui %sign3A_621 : i1 to i32
        %sign3A_623 = arith.subi %sign3A_619, %sign3A_622 : i32
        %ne3A_624 = arith.cmpi ne, %sign3A_616, %sign3A_623 : i32
        %rem3A_625 = arith.remsi %add3A_607, %jit3A_608 : i32
        %ne3A_626 = arith.constant 0 : i32
        %ne3A_627 = arith.cmpi ne, %rem3A_625, %ne3A_626 : i32
        %and3A_628 = arith.andi %ne3A_624, %ne3A_627 : i1
        %sub3A_629 = arith.constant 1 : i32
        %sub3A_630 = arith.subi %div3A_609, %sub3A_629 : i32
        %select_n3A_631 = arith.select %and3A_628, %sub3A_630, %div3A_609 : i32
        %jit3A_632 = arith.constant 64 : i32
        %eq3A_633 = arith.constant 0 : i32
        %eq3A_634 = arith.cmpi eq, %jit3A_632, %eq3A_633 : i32
        %jit3A_635 = arith.constant 1 : i32
        %select_n3A_636 = arith.select %eq3A_634, %jit3A_635, %jit3A_632 : i32
        %rem3A_637 = arith.remsi %add3A_607, %select_n3A_636 : i32
        %ne3A_638 = arith.constant 0 : i32
        %ne3A_639 = arith.cmpi ne, %rem3A_637, %ne3A_638 : i32
        %lt3A_640 = arith.constant 0 : i32
        %lt3A_641 = arith.cmpi slt, %rem3A_637, %lt3A_640 : i32
        %lt3A_642 = arith.constant 0 : i32
        %lt3A_643 = arith.cmpi slt, %select_n3A_636, %lt3A_642 : i32
        %ne3A_644 = arith.xori %lt3A_641, %lt3A_643 : i1
        %and3A_645 = arith.andi %ne3A_644, %ne3A_639 : i1
        %add3A_646 = arith.addi %rem3A_637, %select_n3A_636 : i32
        %select_n3A_647 = arith.select %and3A_645, %add3A_646, %rem3A_637 : i32
        %mul3A_648 = arith.constant 8 : i32
        %mul3A_649 = arith.muli %select_n3A_647, %mul3A_648 : i32
        %dma_start3A_650 = arith.constant 2 : i32
        %dma_start3A_651 = arith.constant 0 : i32
        %dma_start3A_652 = arith.constant 0 : i32
        %dma_start3A_653 = tpu.memref_slice %arg5[%dma_start3A_650, %dma_start3A_651, %dma_start3A_652] : memref<4x8x512xf32, #tpu.memory_space<vmem>> -> memref<1x8x512xf32, #tpu.memory_space<vmem>>
        %dma_start3A_654 = tpu.memref_squeeze %dma_start3A_653 : memref<1x8x512xf32, #tpu.memory_space<vmem>> -> memref<8x512xf32, #tpu.memory_space<vmem>>
        %dma_start3A_655 = arith.constant 0 : i32
        %dma_start3A_656 = tpu.memref_slice %arg2[%select_n3A_631, %mul3A_649, %dma_start3A_655] : memref<16x512x512xf32, #tpu.memory_space<hbm>> -> memref<1x8x512xf32, #tpu.memory_space<hbm>>
        %dma_start3A_657 = tpu.memref_squeeze %dma_start3A_656 : memref<1x8x512xf32, #tpu.memory_space<hbm>> -> memref<8x512xf32, #tpu.memory_space<hbm>>
        %dma_start3A_658 = arith.constant 0 : i32
        %dma_start3A_659 = arith.constant 0 : i32
        %dma_start3A_660 = tpu.memref_slice %arg5[%dma_start3A_650, %dma_start3A_658, %dma_start3A_659] : memref<4x8x512xf32, #tpu.memory_space<vmem>> -> memref<1x8x512xf32, #tpu.memory_space<vmem>>
        %dma_start3A_661 = tpu.memref_squeeze %dma_start3A_660 : memref<1x8x512xf32, #tpu.memory_space<vmem>> -> memref<8x512xf32, #tpu.memory_space<vmem>>
        %dma_start3A_662 = arith.constant 0 : i32
        %dma_start3A_663 = tpu.memref_slice %arg2[%select_n3A_631, %mul3A_649, %dma_start3A_662] : memref<16x512x512xf32, #tpu.memory_space<hbm>> -> memref<1x8x512xf32, #tpu.memory_space<hbm>>
        %dma_start3A_664 = tpu.memref_squeeze %dma_start3A_663 : memref<1x8x512xf32, #tpu.memory_space<hbm>> -> memref<8x512xf32, #tpu.memory_space<hbm>>
        tpu.enqueue_dma source(%dma_start3A_664 : memref<8x512xf32, #tpu.memory_space<hbm>>) target(%dma_start3A_661 : memref<8x512xf32, #tpu.memory_space<vmem>>) target_semaphore(%arg10 : memref<!tpu.dma_semaphore, #tpu.memory_space<semaphore_mem>>)
        %dma_start3A_665 = arith.constant 2 : i32
        %dma_start3A_666 = arith.constant 0 : i32
        %dma_start3A_667 = arith.constant 0 : i32
        %dma_start3A_668 = tpu.memref_slice %arg6[%dma_start3A_665, %dma_start3A_666, %dma_start3A_667] : memref<4x8x512xi32, #tpu.memory_space<vmem>> -> memref<1x8x512xi32, #tpu.memory_space<vmem>>
        %dma_start3A_669 = tpu.memref_squeeze %dma_start3A_668 : memref<1x8x512xi32, #tpu.memory_space<vmem>> -> memref<8x512xi32, #tpu.memory_space<vmem>>
        %dma_start3A_670 = arith.constant 0 : i32
        %dma_start3A_671 = tpu.memref_slice %arg3[%select_n3A_631, %mul3A_649, %dma_start3A_670] : memref<16x512x512xi32, #tpu.memory_space<hbm>> -> memref<1x8x512xi32, #tpu.memory_space<hbm>>
        %dma_start3A_672 = tpu.memref_squeeze %dma_start3A_671 : memref<1x8x512xi32, #tpu.memory_space<hbm>> -> memref<8x512xi32, #tpu.memory_space<hbm>>
        %dma_start3A_673 = arith.constant 0 : i32
        %dma_start3A_674 = arith.constant 0 : i32
        %dma_start3A_675 = tpu.memref_slice %arg6[%dma_start3A_665, %dma_start3A_673, %dma_start3A_674] : memref<4x8x512xi32, #tpu.memory_space<vmem>> -> memref<1x8x512xi32, #tpu.memory_space<vmem>>
        %dma_start3A_676 = tpu.memref_squeeze %dma_start3A_675 : memref<1x8x512xi32, #tpu.memory_space<vmem>> -> memref<8x512xi32, #tpu.memory_space<vmem>>
        %dma_start3A_677 = arith.constant 0 : i32
        %dma_start3A_678 = tpu.memref_slice %arg3[%select_n3A_631, %mul3A_649, %dma_start3A_677] : memref<16x512x512xi32, #tpu.memory_space<hbm>> -> memref<1x8x512xi32, #tpu.memory_space<hbm>>
        %dma_start3A_679 = tpu.memref_squeeze %dma_start3A_678 : memref<1x8x512xi32, #tpu.memory_space<hbm>> -> memref<8x512xi32, #tpu.memory_space<hbm>>
        tpu.enqueue_dma source(%dma_start3A_679 : memref<8x512xi32, #tpu.memory_space<hbm>>) target(%dma_start3A_676 : memref<8x512xi32, #tpu.memory_space<vmem>>) target_semaphore(%arg10 : memref<!tpu.dma_semaphore, #tpu.memory_space<semaphore_mem>>)
      } else {
      }
      %scan3A_597 = arith.constant 0 : i32
      %scan3A_598 = arith.constant 256 : i32
      %scan3A_599 = arith.addi %scan3A_597, %scan3A_598 : i32
      %scan3A_600 = arith.constant 8 : i32
      %scan3A_601:4 = scf.for %scan3A_603 = %scan3A_597 to %scan3A_599 step %scan3A_600 iter_args(%scan3A_604 = %scan3A_511#0, %scan3A_605 = %scan3A_511#1, %scan3A_606 = %scan3A_511#2, %scan3A_607 = %scan3A_511#3) -> (vector<16xf32>, vector<16xf32>, vector<16xf32>, vector<16xf32>)  : i32 {
        %jit3A_608 = arith.constant 32 : i32
        %div3A_609 = arith.divsi %scan3A_603, %jit3A_608 : i32
        %sign3A_610 = arith.constant 0 : i32
        %sign3A_611 = arith.cmpi sgt, %scan3A_603, %sign3A_610 : i32
        %sign3A_612 = arith.extui %sign3A_611 : i1 to i32
        %sign3A_613 = arith.constant 0 : i32
        %sign3A_614 = arith.cmpi slt, %scan3A_603, %sign3A_613 : i32
        %sign3A_615 = arith.extui %sign3A_614 : i1 to i32
        %sign3A_616 = arith.subi %sign3A_612, %sign3A_615 : i32
        %sign3A_617 = arith.constant 0 : i32
        %sign3A_618 = arith.cmpi sgt, %jit3A_608, %sign3A_617 : i32
        %sign3A_619 = arith.extui %sign3A_618 : i1 to i32
        %sign3A_620 = arith.constant 0 : i32
        %sign3A_621 = arith.cmpi slt, %jit3A_608, %sign3A_620 : i32
        %sign3A_622 = arith.extui %sign3A_621 : i1 to i32
        %sign3A_623 = arith.subi %sign3A_619, %sign3A_622 : i32
        %ne3A_624 = arith.cmpi ne, %sign3A_616, %sign3A_623 : i32
        %rem3A_625 = arith.remsi %scan3A_603, %jit3A_608 : i32
        %ne3A_626 = arith.constant 0 : i32
        %ne3A_627 = arith.cmpi ne, %rem3A_625, %ne3A_626 : i32
        %and3A_628 = arith.andi %ne3A_624, %ne3A_627 : i1
        %sub3A_629 = arith.constant 1 : i32
        %sub3A_630 = arith.subi %div3A_609, %sub3A_629 : i32
        %select_n3A_631 = arith.select %and3A_628, %sub3A_630, %div3A_609 : i32
        %jit3A_632 = arith.constant 32 : i32
        %eq3A_633 = arith.constant 0 : i32
        %eq3A_634 = arith.cmpi eq, %jit3A_632, %eq3A_633 : i32
        %jit3A_635 = arith.constant 1 : i32
        %select_n3A_636 = arith.select %eq3A_634, %jit3A_635, %jit3A_632 : i32
        %rem3A_637 = arith.remsi %scan3A_603, %select_n3A_636 : i32
        %ne3A_638 = arith.constant 0 : i32
        %ne3A_639 = arith.cmpi ne, %rem3A_637, %ne3A_638 : i32
        %lt3A_640 = arith.constant 0 : i32
        %lt3A_641 = arith.cmpi slt, %rem3A_637, %lt3A_640 : i32
        %lt3A_642 = arith.constant 0 : i32
        %lt3A_643 = arith.cmpi slt, %select_n3A_636, %lt3A_642 : i32
        %ne3A_644 = arith.xori %lt3A_641, %lt3A_643 : i1
        %and3A_645 = arith.andi %ne3A_644, %ne3A_639 : i1
        %add3A_646 = arith.addi %rem3A_637, %select_n3A_636 : i32
        %select_n3A_647 = arith.select %and3A_645, %add3A_646, %rem3A_637 : i32
        %mul3A_648 = arith.constant 16 : i32
        %mul3A_649 = arith.muli %select_n3A_647, %mul3A_648 : i32
        %get3A = arith.constant 3 : i32
        %get3A_650 = arith.index_cast %get3A : i32 to index
        %get3A_651 = arith.index_cast %select_n3A_631 : i32 to index
        %get3A_652 = arith.index_cast %mul3A_649 : i32 to index
        %get3A_653 = tpu.vector_load %arg5[%get3A_650, %get3A_651, %get3A_652] {strides = array<i32>} : memref<4x8x512xf32, #tpu.memory_space<vmem>>, vector<1x1x16xf32>,
        %get3A_654 = vector.shape_cast %get3A_653 : vector<1x1x16xf32> to vector<16xf32>
        %get3A_655 = arith.constant 3 : i32
        %get3A_656 = arith.index_cast %get3A_655 : i32 to index
        %get3A_657 = arith.index_cast %select_n3A_631 : i32 to index
        %get3A_658 = arith.index_cast %mul3A_649 : i32 to index
        %get3A_659 = tpu.vector_load %arg6[%get3A_656, %get3A_657, %get3A_658] {strides = array<i32>} : memref<4x8x512xi32, #tpu.memory_space<vmem>>, vector<1x1x16xi32>,
        %get3A_660 = vector.shape_cast %get3A_659 : vector<1x1x16xi32> to vector<16xi32>
        %broadcast_in_dim3A_661 = arith.constant 1.000000e+00 : f32
        %broadcast_in_dim3A_662 = vector.broadcast %broadcast_in_dim3A_661 : f32 to vector<16xf32>
        %broadcast_in_dim3A_663 = arith.constant 0.000000e+00 : f32
        %broadcast_in_dim3A_664 = vector.broadcast %broadcast_in_dim3A_663 : f32 to vector<16xf32>
        %convert_element_type3A_665 = arith.sitofp %get3A_660 : vector<16xi32> to vector<16xf32>
        %gt3A = arith.constant 5.000000e-01 : f32
        %gt3A_666 = vector.broadcast %gt3A : f32 to vector<16xf32>
        %gt3A_667 = arith.cmpf ogt, %get3A_654, %gt3A_666 : vector<16xf32>
        %select_n3A_668 = arith.select %gt3A_667, %broadcast_in_dim3A_662, %broadcast_in_dim3A_664 : vector<16xi1>, vector<16xf32>
        %mul3A_669 = arith.mulf %select_n3A_668, %convert_element_type3A_665 : vector<16xf32>
        %add3A_670 = arith.addf %scan3A_604, %select_n3A_668 : vector<16xf32>
        %select_n3A_671 = arith.select %gt3A_667, %get3A_654, %broadcast_in_dim3A_664 : vector<16xi1>, vector<16xf32>
        %add3A_672 = arith.addf %scan3A_605, %select_n3A_671 : vector<16xf32>
        %add3A_673 = arith.addf %scan3A_606, %mul3A_669 : vector<16xf32>
        %mul3A_674 = arith.mulf %mul3A_669, %get3A_654 : vector<16xf32>
        %add3A_675 = arith.addf %scan3A_607, %mul3A_674 : vector<16xf32>
        %scan3A_676 = arith.constant 1 : i32
        %scan3A_677 = arith.addi %scan3A_603, %scan3A_676 : i32
        %jit3A_678 = arith.constant 32 : i32
        %div3A_679 = arith.divsi %scan3A_677, %jit3A_678 : i32
        %sign3A_680 = arith.constant 0 : i32
        %sign3A_681 = arith.cmpi sgt, %scan3A_677, %sign3A_680 : i32
        %sign3A_682 = arith.extui %sign3A_681 : i1 to i32
        %sign3A_683 = arith.constant 0 : i32
        %sign3A_684 = arith.cmpi slt, %scan3A_677, %sign3A_683 : i32
        %sign3A_685 = arith.extui %sign3A_684 : i1 to i32
        %sign3A_686 = arith.subi %sign3A_682, %sign3A_685 : i32
        %sign3A_687 = arith.constant 0 : i32
        %sign3A_688 = arith.cmpi sgt, %jit3A_678, %sign3A_687 : i32
        %sign3A_689 = arith.extui %sign3A_688 : i1 to i32
        %sign3A_690 = arith.constant 0 : i32
        %sign3A_691 = arith.cmpi slt, %jit3A_678, %sign3A_690 : i32
        %sign3A_692 = arith.extui %sign3A_691 : i1 to i32
        %sign3A_693 = arith.subi %sign3A_689, %sign3A_692 : i32
        %ne3A_694 = arith.cmpi ne, %sign3A_686, %sign3A_693 : i32
        %rem3A_695 = arith.remsi %scan3A_677, %jit3A_678 : i32
        %ne3A_696 = arith.constant 0 : i32
        %ne3A_697 = arith.cmpi ne, %rem3A_695, %ne3A_696 : i32
        %and3A_698 = arith.andi %ne3A_694, %ne3A_697 : i1
        %sub3A_699 = arith.constant 1 : i32
        %sub3A_700 = arith.subi %div3A_679, %sub3A_699 : i32
        %select_n3A_701 = arith.select %and3A_698, %sub3A_700, %div3A_679 : i32
        %jit3A_702 = arith.constant 32 : i32
        %eq3A_703 = arith.constant 0 : i32
        %eq3A_704 = arith.cmpi eq, %jit3A_702, %eq3A_703 : i32
        %jit3A_705 = arith.constant 1 : i32
        %select_n3A_706 = arith.select %eq3A_704, %jit3A_705, %jit3A_702 : i32
        %rem3A_707 = arith.remsi %scan3A_677, %select_n3A_706 : i32
        %ne3A_708 = arith.constant 0 : i32
        %ne3A_709 = arith.cmpi ne, %rem3A_707, %ne3A_708 : i32
        %lt3A_710 = arith.constant 0 : i32
        %lt3A_711 = arith.cmpi slt, %rem3A_707, %lt3A_710 : i32
        %lt3A_712 = arith.constant 0 : i32
        %lt3A_713 = arith.cmpi slt, %select_n3A_706, %lt3A_712 : i32
        %ne3A_714 = arith.xori %lt3A_711, %lt3A_713 : i1
        %and3A_715 = arith.andi %ne3A_714, %ne3A_709 : i1
        %add3A_716 = arith.addi %rem3A_707, %select_n3A_706 : i32
        %select_n3A_717 = arith.select %and3A_715, %add3A_716, %rem3A_707 : i32
        %mul3A_718 = arith.constant 16 : i32
        %mul3A_719 = arith.muli %select_n3A_717, %mul3A_718 : i32
        %get3A_720 = arith.constant 3 : i32
        %get3A_721 = arith.index_cast %get3A_720 : i32 to index
        %get3A_722 = arith.index_cast %select_n3A_701 : i32 to index
        %get3A_723 = arith.index_cast %mul3A_719 : i32 to index
        %get3A_724 = tpu.vector_load %arg5[%get3A_721, %get3A_722, %get3A_723] {strides = array<i32>} : memref<4x8x512xf32, #tpu.memory_space<vmem>>, vector<1x1x16xf32>,
        %get3A_725 = vector.shape_cast %get3A_724 : vector<1x1x16xf32> to vector<16xf32>
        %get3A_726 = arith.constant 3 : i32
        %get3A_727 = arith.index_cast %get3A_726 : i32 to index
        %get3A_728 = arith.index_cast %select_n3A_701 : i32 to index
        %get3A_729 = arith.index_cast %mul3A_719 : i32 to index
        %get3A_730 = tpu.vector_load %arg6[%get3A_727, %get3A_728, %get3A_729] {strides = array<i32>} : memref<4x8x512xi32, #tpu.memory_space<vmem>>, vector<1x1x16xi32>,
        %get3A_731 = vector.shape_cast %get3A_730 : vector<1x1x16xi32> to vector<16xi32>
        %broadcast_in_dim3A_732 = arith.constant 1.000000e+00 : f32
        %broadcast_in_dim3A_733 = vector.broadcast %broadcast_in_dim3A_732 : f32 to vector<16xf32>
        %broadcast_in_dim3A_734 = arith.constant 0.000000e+00 : f32
        %broadcast_in_dim3A_735 = vector.broadcast %broadcast_in_dim3A_734 : f32 to vector<16xf32>
        %convert_element_type3A_736 = arith.sitofp %get3A_731 : vector<16xi32> to vector<16xf32>
        %gt3A_737 = arith.constant 5.000000e-01 : f32
        %gt3A_738 = vector.broadcast %gt3A_737 : f32 to vector<16xf32>
        %gt3A_739 = arith.cmpf ogt, %get3A_725, %gt3A_738 : vector<16xf32>
        %select_n3A_740 = arith.select %gt3A_739, %broadcast_in_dim3A_733, %broadcast_in_dim3A_735 : vector<16xi1>, vector<16xf32>
        %mul3A_741 = arith.mulf %select_n3A_740, %convert_element_type3A_736 : vector<16xf32>
        %add3A_742 = arith.addf %add3A_670, %select_n3A_740 : vector<16xf32>
        %select_n3A_743 = arith.select %gt3A_739, %get3A_725, %broadcast_in_dim3A_735 : vector<16xi1>, vector<16xf32>
        %add3A_744 = arith.addf %add3A_672, %select_n3A_743 : vector<16xf32>
        %add3A_745 = arith.addf %add3A_673, %mul3A_741 : vector<16xf32>
        %mul3A_746 = arith.mulf %mul3A_741, %get3A_725 : vector<16xf32>
        %add3A_747 = arith.addf %add3A_675, %mul3A_746 : vector<16xf32>
        %scan3A_748 = arith.constant 2 : i32
        %scan3A_749 = arith.addi %scan3A_603, %scan3A_748 : i32
        %jit3A_750 = arith.constant 32 : i32
        %div3A_751 = arith.divsi %scan3A_749, %jit3A_750 : i32
        %sign3A_752 = arith.constant 0 : i32
        %sign3A_753 = arith.cmpi sgt, %scan3A_749, %sign3A_752 : i32
        %sign3A_754 = arith.extui %sign3A_753 : i1 to i32
        %sign3A_755 = arith.constant 0 : i32
        %sign3A_756 = arith.cmpi slt, %scan3A_749, %sign3A_755 : i32
        %sign3A_757 = arith.extui %sign3A_756 : i1 to i32
        %sign3A_758 = arith.subi %sign3A_754, %sign3A_757 : i32
        %sign3A_759 = arith.constant 0 : i32
        %sign3A_760 = arith.cmpi sgt, %jit3A_750, %sign3A_759 : i32
        %sign3A_761 = arith.extui %sign3A_760 : i1 to i32
        %sign3A_762 = arith.constant 0 : i32
        %sign3A_763 = arith.cmpi slt, %jit3A_750, %sign3A_762 : i32
        %sign3A_764 = arith.extui %sign3A_763 : i1 to i32
        %sign3A_765 = arith.subi %sign3A_761, %sign3A_764 : i32
        %ne3A_766 = arith.cmpi ne, %sign3A_758, %sign3A_765 : i32
        %rem3A_767 = arith.remsi %scan3A_749, %jit3A_750 : i32
        %ne3A_768 = arith.constant 0 : i32
        %ne3A_769 = arith.cmpi ne, %rem3A_767, %ne3A_768 : i32
        %and3A_770 = arith.andi %ne3A_766, %ne3A_769 : i1
        %sub3A_771 = arith.constant 1 : i32
        %sub3A_772 = arith.subi %div3A_751, %sub3A_771 : i32
        %select_n3A_773 = arith.select %and3A_770, %sub3A_772, %div3A_751 : i32
        %jit3A_774 = arith.constant 32 : i32
        %eq3A_775 = arith.constant 0 : i32
        %eq3A_776 = arith.cmpi eq, %jit3A_774, %eq3A_775 : i32
        %jit3A_777 = arith.constant 1 : i32
        %select_n3A_778 = arith.select %eq3A_776, %jit3A_777, %jit3A_774 : i32
        %rem3A_779 = arith.remsi %scan3A_749, %select_n3A_778 : i32
        %ne3A_780 = arith.constant 0 : i32
        %ne3A_781 = arith.cmpi ne, %rem3A_779, %ne3A_780 : i32
        %lt3A_782 = arith.constant 0 : i32
        %lt3A_783 = arith.cmpi slt, %rem3A_779, %lt3A_782 : i32
        %lt3A_784 = arith.constant 0 : i32
        %lt3A_785 = arith.cmpi slt, %select_n3A_778, %lt3A_784 : i32
        %ne3A_786 = arith.xori %lt3A_783, %lt3A_785 : i1
        %and3A_787 = arith.andi %ne3A_786, %ne3A_781 : i1
        %add3A_788 = arith.addi %rem3A_779, %select_n3A_778 : i32
        %select_n3A_789 = arith.select %and3A_787, %add3A_788, %rem3A_779 : i32
        %mul3A_790 = arith.constant 16 : i32
        %mul3A_791 = arith.muli %select_n3A_789, %mul3A_790 : i32
        %get3A_792 = arith.constant 3 : i32
        %get3A_793 = arith.index_cast %get3A_792 : i32 to index
        %get3A_794 = arith.index_cast %select_n3A_773 : i32 to index
        %get3A_795 = arith.index_cast %mul3A_791 : i32 to index
        %get3A_796 = tpu.vector_load %arg5[%get3A_793, %get3A_794, %get3A_795] {strides = array<i32>} : memref<4x8x512xf32, #tpu.memory_space<vmem>>, vector<1x1x16xf32>,
        %get3A_797 = vector.shape_cast %get3A_796 : vector<1x1x16xf32> to vector<16xf32>
        %get3A_798 = arith.constant 3 : i32
        %get3A_799 = arith.index_cast %get3A_798 : i32 to index
        %get3A_800 = arith.index_cast %select_n3A_773 : i32 to index
        %get3A_801 = arith.index_cast %mul3A_791 : i32 to index
        %get3A_802 = tpu.vector_load %arg6[%get3A_799, %get3A_800, %get3A_801] {strides = array<i32>} : memref<4x8x512xi32, #tpu.memory_space<vmem>>, vector<1x1x16xi32>,
        %get3A_803 = vector.shape_cast %get3A_802 : vector<1x1x16xi32> to vector<16xi32>
        %broadcast_in_dim3A_804 = arith.constant 1.000000e+00 : f32
        %broadcast_in_dim3A_805 = vector.broadcast %broadcast_in_dim3A_804 : f32 to vector<16xf32>
        %broadcast_in_dim3A_806 = arith.constant 0.000000e+00 : f32
        %broadcast_in_dim3A_807 = vector.broadcast %broadcast_in_dim3A_806 : f32 to vector<16xf32>
        %convert_element_type3A_808 = arith.sitofp %get3A_803 : vector<16xi32> to vector<16xf32>
        %gt3A_809 = arith.constant 5.000000e-01 : f32
        %gt3A_810 = vector.broadcast %gt3A_809 : f32 to vector<16xf32>
        %gt3A_811 = arith.cmpf ogt, %get3A_797, %gt3A_810 : vector<16xf32>
        %select_n3A_812 = arith.select %gt3A_811, %broadcast_in_dim3A_805, %broadcast_in_dim3A_807 : vector<16xi1>, vector<16xf32>
        %mul3A_813 = arith.mulf %select_n3A_812, %convert_element_type3A_808 : vector<16xf32>
        %add3A_814 = arith.addf %add3A_742, %select_n3A_812 : vector<16xf32>
        %select_n3A_815 = arith.select %gt3A_811, %get3A_797, %broadcast_in_dim3A_807 : vector<16xi1>, vector<16xf32>
        %add3A_816 = arith.addf %add3A_744, %select_n3A_815 : vector<16xf32>
        %add3A_817 = arith.addf %add3A_745, %mul3A_813 : vector<16xf32>
        %mul3A_818 = arith.mulf %mul3A_813, %get3A_797 : vector<16xf32>
        %add3A_819 = arith.addf %add3A_747, %mul3A_818 : vector<16xf32>
        %scan3A_820 = arith.constant 3 : i32
        %scan3A_821 = arith.addi %scan3A_603, %scan3A_820 : i32
        %jit3A_822 = arith.constant 32 : i32
        %div3A_823 = arith.divsi %scan3A_821, %jit3A_822 : i32
        %sign3A_824 = arith.constant 0 : i32
        %sign3A_825 = arith.cmpi sgt, %scan3A_821, %sign3A_824 : i32
        %sign3A_826 = arith.extui %sign3A_825 : i1 to i32
        %sign3A_827 = arith.constant 0 : i32
        %sign3A_828 = arith.cmpi slt, %scan3A_821, %sign3A_827 : i32
        %sign3A_829 = arith.extui %sign3A_828 : i1 to i32
        %sign3A_830 = arith.subi %sign3A_826, %sign3A_829 : i32
        %sign3A_831 = arith.constant 0 : i32
        %sign3A_832 = arith.cmpi sgt, %jit3A_822, %sign3A_831 : i32
        %sign3A_833 = arith.extui %sign3A_832 : i1 to i32
        %sign3A_834 = arith.constant 0 : i32
        %sign3A_835 = arith.cmpi slt, %jit3A_822, %sign3A_834 : i32
        %sign3A_836 = arith.extui %sign3A_835 : i1 to i32
        %sign3A_837 = arith.subi %sign3A_833, %sign3A_836 : i32
        %ne3A_838 = arith.cmpi ne, %sign3A_830, %sign3A_837 : i32
        %rem3A_839 = arith.remsi %scan3A_821, %jit3A_822 : i32
        %ne3A_840 = arith.constant 0 : i32
        %ne3A_841 = arith.cmpi ne, %rem3A_839, %ne3A_840 : i32
        %and3A_842 = arith.andi %ne3A_838, %ne3A_841 : i1
        %sub3A_843 = arith.constant 1 : i32
        %sub3A_844 = arith.subi %div3A_823, %sub3A_843 : i32
        %select_n3A_845 = arith.select %and3A_842, %sub3A_844, %div3A_823 : i32
        %jit3A_846 = arith.constant 32 : i32
        %eq3A_847 = arith.constant 0 : i32
        %eq3A_848 = arith.cmpi eq, %jit3A_846, %eq3A_847 : i32
        %jit3A_849 = arith.constant 1 : i32
        %select_n3A_850 = arith.select %eq3A_848, %jit3A_849, %jit3A_846 : i32
        %rem3A_851 = arith.remsi %scan3A_821, %select_n3A_850 : i32
        %ne3A_852 = arith.constant 0 : i32
        %ne3A_853 = arith.cmpi ne, %rem3A_851, %ne3A_852 : i32
        %lt3A_854 = arith.constant 0 : i32
        %lt3A_855 = arith.cmpi slt, %rem3A_851, %lt3A_854 : i32
        %lt3A_856 = arith.constant 0 : i32
        %lt3A_857 = arith.cmpi slt, %select_n3A_850, %lt3A_856 : i32
        %ne3A_858 = arith.xori %lt3A_855, %lt3A_857 : i1
        %and3A_859 = arith.andi %ne3A_858, %ne3A_853 : i1
        %add3A_860 = arith.addi %rem3A_851, %select_n3A_850 : i32
        %select_n3A_861 = arith.select %and3A_859, %add3A_860, %rem3A_851 : i32
        %mul3A_862 = arith.constant 16 : i32
        %mul3A_863 = arith.muli %select_n3A_861, %mul3A_862 : i32
        %get3A_864 = arith.constant 3 : i32
        %get3A_865 = arith.index_cast %get3A_864 : i32 to index
        %get3A_866 = arith.index_cast %select_n3A_845 : i32 to index
        %get3A_867 = arith.index_cast %mul3A_863 : i32 to index
        %get3A_868 = tpu.vector_load %arg5[%get3A_865, %get3A_866, %get3A_867] {strides = array<i32>} : memref<4x8x512xf32, #tpu.memory_space<vmem>>, vector<1x1x16xf32>,
        %get3A_869 = vector.shape_cast %get3A_868 : vector<1x1x16xf32> to vector<16xf32>
        %get3A_870 = arith.constant 3 : i32
        %get3A_871 = arith.index_cast %get3A_870 : i32 to index
        %get3A_872 = arith.index_cast %select_n3A_845 : i32 to index
        %get3A_873 = arith.index_cast %mul3A_863 : i32 to index
        %get3A_874 = tpu.vector_load %arg6[%get3A_871, %get3A_872, %get3A_873] {strides = array<i32>} : memref<4x8x512xi32, #tpu.memory_space<vmem>>, vector<1x1x16xi32>,
        %get3A_875 = vector.shape_cast %get3A_874 : vector<1x1x16xi32> to vector<16xi32>
        %broadcast_in_dim3A_876 = arith.constant 1.000000e+00 : f32
        %broadcast_in_dim3A_877 = vector.broadcast %broadcast_in_dim3A_876 : f32 to vector<16xf32>
        %broadcast_in_dim3A_878 = arith.constant 0.000000e+00 : f32
        %broadcast_in_dim3A_879 = vector.broadcast %broadcast_in_dim3A_878 : f32 to vector<16xf32>
        %convert_element_type3A_880 = arith.sitofp %get3A_875 : vector<16xi32> to vector<16xf32>
        %gt3A_881 = arith.constant 5.000000e-01 : f32
        %gt3A_882 = vector.broadcast %gt3A_881 : f32 to vector<16xf32>
        %gt3A_883 = arith.cmpf ogt, %get3A_869, %gt3A_882 : vector<16xf32>
        %select_n3A_884 = arith.select %gt3A_883, %broadcast_in_dim3A_877, %broadcast_in_dim3A_879 : vector<16xi1>, vector<16xf32>
        %mul3A_885 = arith.mulf %select_n3A_884, %convert_element_type3A_880 : vector<16xf32>
        %add3A_886 = arith.addf %add3A_814, %select_n3A_884 : vector<16xf32>
        %select_n3A_887 = arith.select %gt3A_883, %get3A_869, %broadcast_in_dim3A_879 : vector<16xi1>, vector<16xf32>
        %add3A_888 = arith.addf %add3A_816, %select_n3A_887 : vector<16xf32>
        %add3A_889 = arith.addf %add3A_817, %mul3A_885 : vector<16xf32>
        %mul3A_890 = arith.mulf %mul3A_885, %get3A_869 : vector<16xf32>
        %add3A_891 = arith.addf %add3A_819, %mul3A_890 : vector<16xf32>
        %scan3A_892 = arith.constant 4 : i32
        %scan3A_893 = arith.addi %scan3A_603, %scan3A_892 : i32
        %jit3A_894 = arith.constant 32 : i32
        %div3A_895 = arith.divsi %scan3A_893, %jit3A_894 : i32
        %sign3A_896 = arith.constant 0 : i32
        %sign3A_897 = arith.cmpi sgt, %scan3A_893, %sign3A_896 : i32
        %sign3A_898 = arith.extui %sign3A_897 : i1 to i32
        %sign3A_899 = arith.constant 0 : i32
        %sign3A_900 = arith.cmpi slt, %scan3A_893, %sign3A_899 : i32
        %sign3A_901 = arith.extui %sign3A_900 : i1 to i32
        %sign3A_902 = arith.subi %sign3A_898, %sign3A_901 : i32
        %sign3A_903 = arith.constant 0 : i32
        %sign3A_904 = arith.cmpi sgt, %jit3A_894, %sign3A_903 : i32
        %sign3A_905 = arith.extui %sign3A_904 : i1 to i32
        %sign3A_906 = arith.constant 0 : i32
        %sign3A_907 = arith.cmpi slt, %jit3A_894, %sign3A_906 : i32
        %sign3A_908 = arith.extui %sign3A_907 : i1 to i32
        %sign3A_909 = arith.subi %sign3A_905, %sign3A_908 : i32
        %ne3A_910 = arith.cmpi ne, %sign3A_902, %sign3A_909 : i32
        %rem3A_911 = arith.remsi %scan3A_893, %jit3A_894 : i32
        %ne3A_912 = arith.constant 0 : i32
        %ne3A_913 = arith.cmpi ne, %rem3A_911, %ne3A_912 : i32
        %and3A_914 = arith.andi %ne3A_910, %ne3A_913 : i1
        %sub3A_915 = arith.constant 1 : i32
        %sub3A_916 = arith.subi %div3A_895, %sub3A_915 : i32
        %select_n3A_917 = arith.select %and3A_914, %sub3A_916, %div3A_895 : i32
        %jit3A_918 = arith.constant 32 : i32
        %eq3A_919 = arith.constant 0 : i32
        %eq3A_920 = arith.cmpi eq, %jit3A_918, %eq3A_919 : i32
        %jit3A_921 = arith.constant 1 : i32
        %select_n3A_922 = arith.select %eq3A_920, %jit3A_921, %jit3A_918 : i32
        %rem3A_923 = arith.remsi %scan3A_893, %select_n3A_922 : i32
        %ne3A_924 = arith.constant 0 : i32
        %ne3A_925 = arith.cmpi ne, %rem3A_923, %ne3A_924 : i32
        %lt3A_926 = arith.constant 0 : i32
        %lt3A_927 = arith.cmpi slt, %rem3A_923, %lt3A_926 : i32
        %lt3A_928 = arith.constant 0 : i32
        %lt3A_929 = arith.cmpi slt, %select_n3A_922, %lt3A_928 : i32
        %ne3A_930 = arith.xori %lt3A_927, %lt3A_929 : i1
        %and3A_931 = arith.andi %ne3A_930, %ne3A_925 : i1
        %add3A_932 = arith.addi %rem3A_923, %select_n3A_922 : i32
        %select_n3A_933 = arith.select %and3A_931, %add3A_932, %rem3A_923 : i32
        %mul3A_934 = arith.constant 16 : i32
        %mul3A_935 = arith.muli %select_n3A_933, %mul3A_934 : i32
        %get3A_936 = arith.constant 3 : i32
        %get3A_937 = arith.index_cast %get3A_936 : i32 to index
        %get3A_938 = arith.index_cast %select_n3A_917 : i32 to index
        %get3A_939 = arith.index_cast %mul3A_935 : i32 to index
        %get3A_940 = tpu.vector_load %arg5[%get3A_937, %get3A_938, %get3A_939] {strides = array<i32>} : memref<4x8x512xf32, #tpu.memory_space<vmem>>, vector<1x1x16xf32>,
        %get3A_941 = vector.shape_cast %get3A_940 : vector<1x1x16xf32> to vector<16xf32>
        %get3A_942 = arith.constant 3 : i32
        %get3A_943 = arith.index_cast %get3A_942 : i32 to index
        %get3A_944 = arith.index_cast %select_n3A_917 : i32 to index
        %get3A_945 = arith.index_cast %mul3A_935 : i32 to index
        %get3A_946 = tpu.vector_load %arg6[%get3A_943, %get3A_944, %get3A_945] {strides = array<i32>} : memref<4x8x512xi32, #tpu.memory_space<vmem>>, vector<1x1x16xi32>,
        %get3A_947 = vector.shape_cast %get3A_946 : vector<1x1x16xi32> to vector<16xi32>
        %broadcast_in_dim3A_948 = arith.constant 1.000000e+00 : f32
        %broadcast_in_dim3A_949 = vector.broadcast %broadcast_in_dim3A_948 : f32 to vector<16xf32>
        %broadcast_in_dim3A_950 = arith.constant 0.000000e+00 : f32
        %broadcast_in_dim3A_951 = vector.broadcast %broadcast_in_dim3A_950 : f32 to vector<16xf32>
        %convert_element_type3A_952 = arith.sitofp %get3A_947 : vector<16xi32> to vector<16xf32>
        %gt3A_953 = arith.constant 5.000000e-01 : f32
        %gt3A_954 = vector.broadcast %gt3A_953 : f32 to vector<16xf32>
        %gt3A_955 = arith.cmpf ogt, %get3A_941, %gt3A_954 : vector<16xf32>
        %select_n3A_956 = arith.select %gt3A_955, %broadcast_in_dim3A_949, %broadcast_in_dim3A_951 : vector<16xi1>, vector<16xf32>
        %mul3A_957 = arith.mulf %select_n3A_956, %convert_element_type3A_952 : vector<16xf32>
        %add3A_958 = arith.addf %add3A_886, %select_n3A_956 : vector<16xf32>
        %select_n3A_959 = arith.select %gt3A_955, %get3A_941, %broadcast_in_dim3A_951 : vector<16xi1>, vector<16xf32>
        %add3A_960 = arith.addf %add3A_888, %select_n3A_959 : vector<16xf32>
        %add3A_961 = arith.addf %add3A_889, %mul3A_957 : vector<16xf32>
        %mul3A_962 = arith.mulf %mul3A_957, %get3A_941 : vector<16xf32>
        %add3A_963 = arith.addf %add3A_891, %mul3A_962 : vector<16xf32>
        %scan3A_964 = arith.constant 5 : i32
        %scan3A_965 = arith.addi %scan3A_603, %scan3A_964 : i32
        %jit3A_966 = arith.constant 32 : i32
        %div3A_967 = arith.divsi %scan3A_965, %jit3A_966 : i32
        %sign3A_968 = arith.constant 0 : i32
        %sign3A_969 = arith.cmpi sgt, %scan3A_965, %sign3A_968 : i32
        %sign3A_970 = arith.extui %sign3A_969 : i1 to i32
        %sign3A_971 = arith.constant 0 : i32
        %sign3A_972 = arith.cmpi slt, %scan3A_965, %sign3A_971 : i32
        %sign3A_973 = arith.extui %sign3A_972 : i1 to i32
        %sign3A_974 = arith.subi %sign3A_970, %sign3A_973 : i32
        %sign3A_975 = arith.constant 0 : i32
        %sign3A_976 = arith.cmpi sgt, %jit3A_966, %sign3A_975 : i32
        %sign3A_977 = arith.extui %sign3A_976 : i1 to i32
        %sign3A_978 = arith.constant 0 : i32
        %sign3A_979 = arith.cmpi slt, %jit3A_966, %sign3A_978 : i32
        %sign3A_980 = arith.extui %sign3A_979 : i1 to i32
        %sign3A_981 = arith.subi %sign3A_977, %sign3A_980 : i32
        %ne3A_982 = arith.cmpi ne, %sign3A_974, %sign3A_981 : i32
        %rem3A_983 = arith.remsi %scan3A_965, %jit3A_966 : i32
        %ne3A_984 = arith.constant 0 : i32
        %ne3A_985 = arith.cmpi ne, %rem3A_983, %ne3A_984 : i32
        %and3A_986 = arith.andi %ne3A_982, %ne3A_985 : i1
        %sub3A_987 = arith.constant 1 : i32
        %sub3A_988 = arith.subi %div3A_967, %sub3A_987 : i32
        %select_n3A_989 = arith.select %and3A_986, %sub3A_988, %div3A_967 : i32
        %jit3A_990 = arith.constant 32 : i32
        %eq3A_991 = arith.constant 0 : i32
        %eq3A_992 = arith.cmpi eq, %jit3A_990, %eq3A_991 : i32
        %jit3A_993 = arith.constant 1 : i32
        %select_n3A_994 = arith.select %eq3A_992, %jit3A_993, %jit3A_990 : i32
        %rem3A_995 = arith.remsi %scan3A_965, %select_n3A_994 : i32
        %ne3A_996 = arith.constant 0 : i32
        %ne3A_997 = arith.cmpi ne, %rem3A_995, %ne3A_996 : i32
        %lt3A_998 = arith.constant 0 : i32
        %lt3A_999 = arith.cmpi slt, %rem3A_995, %lt3A_998 : i32
        %lt3A_1000 = arith.constant 0 : i32
        %lt3A_1001 = arith.cmpi slt, %select_n3A_994, %lt3A_1000 : i32
        %ne3A_1002 = arith.xori %lt3A_999, %lt3A_1001 : i1
        %and3A_1003 = arith.andi %ne3A_1002, %ne3A_997 : i1
        %add3A_1004 = arith.addi %rem3A_995, %select_n3A_994 : i32
        %select_n3A_1005 = arith.select %and3A_1003, %add3A_1004, %rem3A_995 : i32
        %mul3A_1006 = arith.constant 16 : i32
        %mul3A_1007 = arith.muli %select_n3A_1005, %mul3A_1006 : i32
        %get3A_1008 = arith.constant 3 : i32
        %get3A_1009 = arith.index_cast %get3A_1008 : i32 to index
        %get3A_1010 = arith.index_cast %select_n3A_989 : i32 to index
        %get3A_1011 = arith.index_cast %mul3A_1007 : i32 to index
        %get3A_1012 = tpu.vector_load %arg5[%get3A_1009, %get3A_1010, %get3A_1011] {strides = array<i32>} : memref<4x8x512xf32, #tpu.memory_space<vmem>>, vector<1x1x16xf32>,
        %get3A_1013 = vector.shape_cast %get3A_1012 : vector<1x1x16xf32> to vector<16xf32>
        %get3A_1014 = arith.constant 3 : i32
        %get3A_1015 = arith.index_cast %get3A_1014 : i32 to index
        %get3A_1016 = arith.index_cast %select_n3A_989 : i32 to index
        %get3A_1017 = arith.index_cast %mul3A_1007 : i32 to index
        %get3A_1018 = tpu.vector_load %arg6[%get3A_1015, %get3A_1016, %get3A_1017] {strides = array<i32>} : memref<4x8x512xi32, #tpu.memory_space<vmem>>, vector<1x1x16xi32>,
        %get3A_1019 = vector.shape_cast %get3A_1018 : vector<1x1x16xi32> to vector<16xi32>
        %broadcast_in_dim3A_1020 = arith.constant 1.000000e+00 : f32
        %broadcast_in_dim3A_1021 = vector.broadcast %broadcast_in_dim3A_1020 : f32 to vector<16xf32>
        %broadcast_in_dim3A_1022 = arith.constant 0.000000e+00 : f32
        %broadcast_in_dim3A_1023 = vector.broadcast %broadcast_in_dim3A_1022 : f32 to vector<16xf32>
        %convert_element_type3A_1024 = arith.sitofp %get3A_1019 : vector<16xi32> to vector<16xf32>
        %gt3A_1025 = arith.constant 5.000000e-01 : f32
        %gt3A_1026 = vector.broadcast %gt3A_1025 : f32 to vector<16xf32>
        %gt3A_1027 = arith.cmpf ogt, %get3A_1013, %gt3A_1026 : vector<16xf32>
        %select_n3A_1028 = arith.select %gt3A_1027, %broadcast_in_dim3A_1021, %broadcast_in_dim3A_1023 : vector<16xi1>, vector<16xf32>
        %mul3A_1029 = arith.mulf %select_n3A_1028, %convert_element_type3A_1024 : vector<16xf32>
        %add3A_1030 = arith.addf %add3A_958, %select_n3A_1028 : vector<16xf32>
        %select_n3A_1031 = arith.select %gt3A_1027, %get3A_1013, %broadcast_in_dim3A_1023 : vector<16xi1>, vector<16xf32>
        %add3A_1032 = arith.addf %add3A_960, %select_n3A_1031 : vector<16xf32>
        %add3A_1033 = arith.addf %add3A_961, %mul3A_1029 : vector<16xf32>
        %mul3A_1034 = arith.mulf %mul3A_1029, %get3A_1013 : vector<16xf32>
        %add3A_1035 = arith.addf %add3A_963, %mul3A_1034 : vector<16xf32>
        %scan3A_1036 = arith.constant 6 : i32
        %scan3A_1037 = arith.addi %scan3A_603, %scan3A_1036 : i32
        %jit3A_1038 = arith.constant 32 : i32
        %div3A_1039 = arith.divsi %scan3A_1037, %jit3A_1038 : i32
        %sign3A_1040 = arith.constant 0 : i32
        %sign3A_1041 = arith.cmpi sgt, %scan3A_1037, %sign3A_1040 : i32
        %sign3A_1042 = arith.extui %sign3A_1041 : i1 to i32
        %sign3A_1043 = arith.constant 0 : i32
        %sign3A_1044 = arith.cmpi slt, %scan3A_1037, %sign3A_1043 : i32
        %sign3A_1045 = arith.extui %sign3A_1044 : i1 to i32
        %sign3A_1046 = arith.subi %sign3A_1042, %sign3A_1045 : i32
        %sign3A_1047 = arith.constant 0 : i32
        %sign3A_1048 = arith.cmpi sgt, %jit3A_1038, %sign3A_1047 : i32
        %sign3A_1049 = arith.extui %sign3A_1048 : i1 to i32
        %sign3A_1050 = arith.constant 0 : i32
        %sign3A_1051 = arith.cmpi slt, %jit3A_1038, %sign3A_1050 : i32
        %sign3A_1052 = arith.extui %sign3A_1051 : i1 to i32
        %sign3A_1053 = arith.subi %sign3A_1049, %sign3A_1052 : i32
        %ne3A_1054 = arith.cmpi ne, %sign3A_1046, %sign3A_1053 : i32
        %rem3A_1055 = arith.remsi %scan3A_1037, %jit3A_1038 : i32
        %ne3A_1056 = arith.constant 0 : i32
        %ne3A_1057 = arith.cmpi ne, %rem3A_1055, %ne3A_1056 : i32
        %and3A_1058 = arith.andi %ne3A_1054, %ne3A_1057 : i1
        %sub3A_1059 = arith.constant 1 : i32
        %sub3A_1060 = arith.subi %div3A_1039, %sub3A_1059 : i32
        %select_n3A_1061 = arith.select %and3A_1058, %sub3A_1060, %div3A_1039 : i32
        %jit3A_1062 = arith.constant 32 : i32
        %eq3A_1063 = arith.constant 0 : i32
        %eq3A_1064 = arith.cmpi eq, %jit3A_1062, %eq3A_1063 : i32
        %jit3A_1065 = arith.constant 1 : i32
        %select_n3A_1066 = arith.select %eq3A_1064, %jit3A_1065, %jit3A_1062 : i32
        %rem3A_1067 = arith.remsi %scan3A_1037, %select_n3A_1066 : i32
        %ne3A_1068 = arith.constant 0 : i32
        %ne3A_1069 = arith.cmpi ne, %rem3A_1067, %ne3A_1068 : i32
        %lt3A_1070 = arith.constant 0 : i32
        %lt3A_1071 = arith.cmpi slt, %rem3A_1067, %lt3A_1070 : i32
        %lt3A_1072 = arith.constant 0 : i32
        %lt3A_1073 = arith.cmpi slt, %select_n3A_1066, %lt3A_1072 : i32
        %ne3A_1074 = arith.xori %lt3A_1071, %lt3A_1073 : i1
        %and3A_1075 = arith.andi %ne3A_1074, %ne3A_1069 : i1
        %add3A_1076 = arith.addi %rem3A_1067, %select_n3A_1066 : i32
        %select_n3A_1077 = arith.select %and3A_1075, %add3A_1076, %rem3A_1067 : i32
        %mul3A_1078 = arith.constant 16 : i32
        %mul3A_1079 = arith.muli %select_n3A_1077, %mul3A_1078 : i32
        %get3A_1080 = arith.constant 3 : i32
        %get3A_1081 = arith.index_cast %get3A_1080 : i32 to index
        %get3A_1082 = arith.index_cast %select_n3A_1061 : i32 to index
        %get3A_1083 = arith.index_cast %mul3A_1079 : i32 to index
        %get3A_1084 = tpu.vector_load %arg5[%get3A_1081, %get3A_1082, %get3A_1083] {strides = array<i32>} : memref<4x8x512xf32, #tpu.memory_space<vmem>>, vector<1x1x16xf32>,
        %get3A_1085 = vector.shape_cast %get3A_1084 : vector<1x1x16xf32> to vector<16xf32>
        %get3A_1086 = arith.constant 3 : i32
        %get3A_1087 = arith.index_cast %get3A_1086 : i32 to index
        %get3A_1088 = arith.index_cast %select_n3A_1061 : i32 to index
        %get3A_1089 = arith.index_cast %mul3A_1079 : i32 to index
        %get3A_1090 = tpu.vector_load %arg6[%get3A_1087, %get3A_1088, %get3A_1089] {strides = array<i32>} : memref<4x8x512xi32, #tpu.memory_space<vmem>>, vector<1x1x16xi32>,
        %get3A_1091 = vector.shape_cast %get3A_1090 : vector<1x1x16xi32> to vector<16xi32>
        %broadcast_in_dim3A_1092 = arith.constant 1.000000e+00 : f32
        %broadcast_in_dim3A_1093 = vector.broadcast %broadcast_in_dim3A_1092 : f32 to vector<16xf32>
        %broadcast_in_dim3A_1094 = arith.constant 0.000000e+00 : f32
        %broadcast_in_dim3A_1095 = vector.broadcast %broadcast_in_dim3A_1094 : f32 to vector<16xf32>
        %convert_element_type3A_1096 = arith.sitofp %get3A_1091 : vector<16xi32> to vector<16xf32>
        %gt3A_1097 = arith.constant 5.000000e-01 : f32
        %gt3A_1098 = vector.broadcast %gt3A_1097 : f32 to vector<16xf32>
        %gt3A_1099 = arith.cmpf ogt, %get3A_1085, %gt3A_1098 : vector<16xf32>
        %select_n3A_1100 = arith.select %gt3A_1099, %broadcast_in_dim3A_1093, %broadcast_in_dim3A_1095 : vector<16xi1>, vector<16xf32>
        %mul3A_1101 = arith.mulf %select_n3A_1100, %convert_element_type3A_1096 : vector<16xf32>
        %add3A_1102 = arith.addf %add3A_1030, %select_n3A_1100 : vector<16xf32>
        %select_n3A_1103 = arith.select %gt3A_1099, %get3A_1085, %broadcast_in_dim3A_1095 : vector<16xi1>, vector<16xf32>
        %add3A_1104 = arith.addf %add3A_1032, %select_n3A_1103 : vector<16xf32>
        %add3A_1105 = arith.addf %add3A_1033, %mul3A_1101 : vector<16xf32>
        %mul3A_1106 = arith.mulf %mul3A_1101, %get3A_1085 : vector<16xf32>
        %add3A_1107 = arith.addf %add3A_1035, %mul3A_1106 : vector<16xf32>
        %scan3A_1108 = arith.constant 7 : i32
        %scan3A_1109 = arith.addi %scan3A_603, %scan3A_1108 : i32
        %jit3A_1110 = arith.constant 32 : i32
        %div3A_1111 = arith.divsi %scan3A_1109, %jit3A_1110 : i32
        %sign3A_1112 = arith.constant 0 : i32
        %sign3A_1113 = arith.cmpi sgt, %scan3A_1109, %sign3A_1112 : i32
        %sign3A_1114 = arith.extui %sign3A_1113 : i1 to i32
        %sign3A_1115 = arith.constant 0 : i32
        %sign3A_1116 = arith.cmpi slt, %scan3A_1109, %sign3A_1115 : i32
        %sign3A_1117 = arith.extui %sign3A_1116 : i1 to i32
        %sign3A_1118 = arith.subi %sign3A_1114, %sign3A_1117 : i32
        %sign3A_1119 = arith.constant 0 : i32
        %sign3A_1120 = arith.cmpi sgt, %jit3A_1110, %sign3A_1119 : i32
        %sign3A_1121 = arith.extui %sign3A_1120 : i1 to i32
        %sign3A_1122 = arith.constant 0 : i32
        %sign3A_1123 = arith.cmpi slt, %jit3A_1110, %sign3A_1122 : i32
        %sign3A_1124 = arith.extui %sign3A_1123 : i1 to i32
        %sign3A_1125 = arith.subi %sign3A_1121, %sign3A_1124 : i32
        %ne3A_1126 = arith.cmpi ne, %sign3A_1118, %sign3A_1125 : i32
        %rem3A_1127 = arith.remsi %scan3A_1109, %jit3A_1110 : i32
        %ne3A_1128 = arith.constant 0 : i32
        %ne3A_1129 = arith.cmpi ne, %rem3A_1127, %ne3A_1128 : i32
        %and3A_1130 = arith.andi %ne3A_1126, %ne3A_1129 : i1
        %sub3A_1131 = arith.constant 1 : i32
        %sub3A_1132 = arith.subi %div3A_1111, %sub3A_1131 : i32
        %select_n3A_1133 = arith.select %and3A_1130, %sub3A_1132, %div3A_1111 : i32
        %jit3A_1134 = arith.constant 32 : i32
        %eq3A_1135 = arith.constant 0 : i32
        %eq3A_1136 = arith.cmpi eq, %jit3A_1134, %eq3A_1135 : i32
        %jit3A_1137 = arith.constant 1 : i32
        %select_n3A_1138 = arith.select %eq3A_1136, %jit3A_1137, %jit3A_1134 : i32
        %rem3A_1139 = arith.remsi %scan3A_1109, %select_n3A_1138 : i32
        %ne3A_1140 = arith.constant 0 : i32
        %ne3A_1141 = arith.cmpi ne, %rem3A_1139, %ne3A_1140 : i32
        %lt3A_1142 = arith.constant 0 : i32
        %lt3A_1143 = arith.cmpi slt, %rem3A_1139, %lt3A_1142 : i32
        %lt3A_1144 = arith.constant 0 : i32
        %lt3A_1145 = arith.cmpi slt, %select_n3A_1138, %lt3A_1144 : i32
        %ne3A_1146 = arith.xori %lt3A_1143, %lt3A_1145 : i1
        %and3A_1147 = arith.andi %ne3A_1146, %ne3A_1141 : i1
        %add3A_1148 = arith.addi %rem3A_1139, %select_n3A_1138 : i32
        %select_n3A_1149 = arith.select %and3A_1147, %add3A_1148, %rem3A_1139 : i32
        %mul3A_1150 = arith.constant 16 : i32
        %mul3A_1151 = arith.muli %select_n3A_1149, %mul3A_1150 : i32
        %get3A_1152 = arith.constant 3 : i32
        %get3A_1153 = arith.index_cast %get3A_1152 : i32 to index
        %get3A_1154 = arith.index_cast %select_n3A_1133 : i32 to index
        %get3A_1155 = arith.index_cast %mul3A_1151 : i32 to index
        %get3A_1156 = tpu.vector_load %arg5[%get3A_1153, %get3A_1154, %get3A_1155] {strides = array<i32>} : memref<4x8x512xf32, #tpu.memory_space<vmem>>, vector<1x1x16xf32>,
        %get3A_1157 = vector.shape_cast %get3A_1156 : vector<1x1x16xf32> to vector<16xf32>
        %get3A_1158 = arith.constant 3 : i32
        %get3A_1159 = arith.index_cast %get3A_1158 : i32 to index
        %get3A_1160 = arith.index_cast %select_n3A_1133 : i32 to index
        %get3A_1161 = arith.index_cast %mul3A_1151 : i32 to index
        %get3A_1162 = tpu.vector_load %arg6[%get3A_1159, %get3A_1160, %get3A_1161] {strides = array<i32>} : memref<4x8x512xi32, #tpu.memory_space<vmem>>, vector<1x1x16xi32>,
        %get3A_1163 = vector.shape_cast %get3A_1162 : vector<1x1x16xi32> to vector<16xi32>
        %broadcast_in_dim3A_1164 = arith.constant 1.000000e+00 : f32
        %broadcast_in_dim3A_1165 = vector.broadcast %broadcast_in_dim3A_1164 : f32 to vector<16xf32>
        %broadcast_in_dim3A_1166 = arith.constant 0.000000e+00 : f32
        %broadcast_in_dim3A_1167 = vector.broadcast %broadcast_in_dim3A_1166 : f32 to vector<16xf32>
        %convert_element_type3A_1168 = arith.sitofp %get3A_1163 : vector<16xi32> to vector<16xf32>
        %gt3A_1169 = arith.constant 5.000000e-01 : f32
        %gt3A_1170 = vector.broadcast %gt3A_1169 : f32 to vector<16xf32>
        %gt3A_1171 = arith.cmpf ogt, %get3A_1157, %gt3A_1170 : vector<16xf32>
        %select_n3A_1172 = arith.select %gt3A_1171, %broadcast_in_dim3A_1165, %broadcast_in_dim3A_1167 : vector<16xi1>, vector<16xf32>
        %mul3A_1173 = arith.mulf %select_n3A_1172, %convert_element_type3A_1168 : vector<16xf32>
        %add3A_1174 = arith.addf %add3A_1102, %select_n3A_1172 : vector<16xf32>
        %select_n3A_1175 = arith.select %gt3A_1171, %get3A_1157, %broadcast_in_dim3A_1167 : vector<16xi1>, vector<16xf32>
        %add3A_1176 = arith.addf %add3A_1104, %select_n3A_1175 : vector<16xf32>
        %add3A_1177 = arith.addf %add3A_1105, %mul3A_1173 : vector<16xf32>
        %mul3A_1178 = arith.mulf %mul3A_1173, %get3A_1157 : vector<16xf32>
        %add3A_1179 = arith.addf %add3A_1107, %mul3A_1178 : vector<16xf32>
        scf.yield %add3A_1174, %add3A_1176, %add3A_1177, %add3A_1179 : vector<16xf32>, vector<16xf32>, vector<16xf32>, vector<16xf32>
      }
      %scan3A_602 = arith.constant 256 : i32
      scf.yield %scan3A_601#0, %scan3A_601#1, %scan3A_601#2, %scan3A_601#3 : vector<16xf32>, vector<16xf32>, vector<16xf32>, vector<16xf32>
    }
    %scan3A_223 = arith.constant 5 : i32
    %swap3A = arith.constant 0 : index
    %swap3A_224 = tpu.vector_load %arg7[%swap3A] {strides = array<i32>} : memref<64xf32, #tpu.memory_space<vmem>>, vector<16xf32>,
    %swap3A_225 = vector.shape_cast %swap3A_224 : vector<16xf32> to vector<16xf32>
    %swap3A_226 = vector.shape_cast %scan3A_222#0 : vector<16xf32> to vector<16xf32>
    tpu.vector_store %arg7[%swap3A], %swap3A_226 {strides = array<i32>} : memref<64xf32, #tpu.memory_space<vmem>>, vector<16xf32>,
    %swap3A_227 = arith.constant 16 : index
    %swap3A_228 = tpu.vector_load %arg7[%swap3A_227] {strides = array<i32>} : memref<64xf32, #tpu.memory_space<vmem>>, vector<16xf32>,
    %swap3A_229 = vector.shape_cast %swap3A_228 : vector<16xf32> to vector<16xf32>
    %swap3A_230 = vector.shape_cast %scan3A_222#1 : vector<16xf32> to vector<16xf32>
    tpu.vector_store %arg7[%swap3A_227], %swap3A_230 {strides = array<i32>} : memref<64xf32, #tpu.memory_space<vmem>>, vector<16xf32>,
    %swap3A_231 = arith.constant 32 : index
    %swap3A_232 = tpu.vector_load %arg7[%swap3A_231] {strides = array<i32>} : memref<64xf32, #tpu.memory_space<vmem>>, vector<16xf32>,
    %swap3A_233 = vector.shape_cast %swap3A_232 : vector<16xf32> to vector<16xf32>
    %swap3A_234 = vector.shape_cast %scan3A_222#2 : vector<16xf32> to vector<16xf32>
    tpu.vector_store %arg7[%swap3A_231], %swap3A_234 {strides = array<i32>} : memref<64xf32, #tpu.memory_space<vmem>>, vector<16xf32>,
    %swap3A_235 = arith.constant 48 : index
    %swap3A_236 = tpu.vector_load %arg7[%swap3A_235] {strides = array<i32>} : memref<64xf32, #tpu.memory_space<vmem>>, vector<16xf32>,
    %swap3A_237 = vector.shape_cast %swap3A_236 : vector<16xf32> to vector<16xf32>
    %swap3A_238 = vector.shape_cast %scan3A_222#3 : vector<16xf32> to vector<16xf32>
    tpu.vector_store %arg7[%swap3A_235], %swap3A_238 {strides = array<i32>} : memref<64xf32, #tpu.memory_space<vmem>>, vector<16xf32>,
    "tpu.region"() ({
      %run_scoped3A = tpu.sem_alloc : memref<!tpu.dma_semaphore, #tpu.memory_space<semaphore_mem>>
      %dma_start3A_239 = arith.constant 0 : i32
      %dma_start3A_240 = tpu.memref_slice %arg4[%add3A, %dma_start3A_239] : memref<32x64xf32, #tpu.memory_space<hbm>> -> memref<1x64xf32, #tpu.memory_space<hbm>>
      %dma_start3A_241 = tpu.memref_squeeze %dma_start3A_240 : memref<1x64xf32, #tpu.memory_space<hbm>> -> memref<64xf32, #tpu.memory_space<hbm>>
      %dma_start3A_242 = arith.constant 0 : i32
      %dma_start3A_243 = tpu.memref_slice %arg4[%add3A, %dma_start3A_242] : memref<32x64xf32, #tpu.memory_space<hbm>> -> memref<1x64xf32, #tpu.memory_space<hbm>>
      %dma_start3A_244 = tpu.memref_squeeze %dma_start3A_243 : memref<1x64xf32, #tpu.memory_space<hbm>> -> memref<64xf32, #tpu.memory_space<hbm>>
      tpu.enqueue_dma source(%arg7 : memref<64xf32, #tpu.memory_space<vmem>>) target(%dma_start3A_244 : memref<64xf32, #tpu.memory_space<hbm>>) target_semaphore(%run_scoped3A : memref<!tpu.dma_semaphore, #tpu.memory_space<semaphore_mem>>)
      %dma_wait3A = arith.constant 0 : i32
      %dma_wait3A_245 = tpu.memref_slice %arg4[%add3A, %dma_wait3A] : memref<32x64xf32, #tpu.memory_space<hbm>> -> memref<1x64xf32, #tpu.memory_space<hbm>>
      %dma_wait3A_246 = tpu.memref_squeeze %dma_wait3A_245 : memref<1x64xf32, #tpu.memory_space<hbm>> -> memref<64xf32, #tpu.memory_space<hbm>>
      %dma_wait3A_247 = arith.constant 0 : i32
      %dma_wait3A_248 = tpu.memref_slice %arg4[%add3A, %dma_wait3A_247] : memref<32x64xf32, #tpu.memory_space<hbm>> -> memref<1x64xf32, #tpu.memory_space<hbm>>
      %dma_wait3A_249 = tpu.memref_squeeze %dma_wait3A_248 : memref<1x64xf32, #tpu.memory_space<hbm>> -> memref<64xf32, #tpu.memory_space<hbm>>
      tpu.wait_dma2 semaphore(%run_scoped3A : memref<!tpu.dma_semaphore, #tpu.memory_space<semaphore_mem>>) src(%arg7 : memref<64xf32, #tpu.memory_space<vmem>>) dst(%dma_wait3A_249 : memref<64xf32, #tpu.memory_space<hbm>>)
      tpu.yield
    }) : () -> ()
    return
  }
}

module attributes {stable_mosaic.version = 14 : i64} {
  func.func @_valid_tc_body(%arg0: memref<16x512x512xi32, #tpu.memory_space<vmem>>, %arg1: memref<1x1xf32, #tpu.memory_space<smem>>) attributes {dimension_semantics = [], scalar_prefetch = 0 : i64, scratch_operands = 0 : i64, tpu.core_type = #tpu.core_type<tc>} {
    %get3A = arith.constant 0 : index
    %get3A_0 = arith.constant 0 : index
    %get3A_1 = arith.constant 0 : index
    %get3A_2 = vector.load %arg0[%get3A, %get3A_0, %get3A_1] : memref<16x512x512xi32, #tpu.memory_space<vmem>>, vector<16x512x512xi32>
    %ne3A = arith.constant 255 : i32
    %ne3A_3 = vector.broadcast %ne3A : i32 to vector<16x512x512xi32>
    %ne3A_4 = arith.cmpi ne, %get3A_2, %ne3A_3 : vector<16x512x512xi32>
    %jit3A = arith.constant 1.000000e+00 : f32
    %jit3A_5 = arith.constant 0.000000e+00 : f32
    %broadcast_in_dim3A = vector.broadcast %jit3A : f32 to vector<16x512x512xf32>
    %broadcast_in_dim3A_6 = vector.broadcast %jit3A_5 : f32 to vector<16x512x512xf32>
    %select_n3A = arith.select %ne3A_4, %broadcast_in_dim3A, %broadcast_in_dim3A_6 : vector<16x512x512xi1>, vector<16x512x512xf32>
    %reduce_sum3A = vector.shape_cast %select_n3A : vector<16x512x512xf32> to vector<1x16x512x512xf32>
    %reduce_sum3A_7 = arith.constant dense<0.000000e+00> : vector<1xf32>
    %reduce_sum3A_8 = vector.multi_reduction <add>, %reduce_sum3A, %reduce_sum3A_7 [1, 2, 3] : vector<1x16x512x512xf32> to vector<1xf32>
    %reduce_sum3A_9 = vector.shape_cast %reduce_sum3A_8 : vector<1xf32> to vector<1x1x1x1xf32>
    %reduce_sum3A_10 = vector.extract %reduce_sum3A_9[0, 0, 0, 0] : f32 from vector<1x1x1x1xf32>
    %swap3A = arith.constant 0 : index
    %swap3A_11 = arith.constant 0 : index
    %swap3A_12 = memref.load %arg1[%swap3A, %swap3A_11] : memref<1x1xf32, #tpu.memory_space<smem>>
    memref.store %reduce_sum3A_10, %arg1[%swap3A, %swap3A_11] : memref<1x1xf32, #tpu.memory_space<smem>>
    return
  }
}

module attributes {stable_mosaic.version = 14 : i64} {
  func.func @_stats_tc_body(%arg0: i32, %arg1: memref<1x512x512xf32, #tpu.memory_space<vmem>>, %arg2: memref<1x512x512xi32, #tpu.memory_space<vmem>>, %arg3: memref<1x1xf32, #tpu.memory_space<smem>>, %arg4: memref<1x1xf32, #tpu.memory_space<smem>>, %arg5: memref<1x1xf32, #tpu.memory_space<smem>>, %arg6: memref<1x1xf32, #tpu.memory_space<smem>>) attributes {dimension_semantics = [#tpu.dimension_semantics<arbitrary>], iteration_bounds = array<i64: 6>, scalar_prefetch = 0 : i64, scratch_operands = 0 : i64, tpu.core_type = #tpu.core_type<tc>, window_params = [{transform_indices = @transform_0, window_bounds = array<i64: 1, 512, 512>}, {transform_indices = @transform_1, window_bounds = array<i64: 1, 512, 512>}, {transform_indices = @transform_2, window_bounds = array<i64: 1, 1>}, {transform_indices = @transform_3, window_bounds = array<i64: 1, 1>}, {transform_indices = @transform_4, window_bounds = array<i64: 1, 1>}, {transform_indices = @transform_5, window_bounds = array<i64: 1, 1>}]} {
    %eq3A = arith.constant 0 : i32
    %eq3A_0 = arith.cmpi eq, %arg0, %eq3A : i32
    %convert_element_type3A = arith.extui %eq3A_0 : i1 to i32
    %cond3A = arith.constant 0 : i32
    %cond3A_1 = arith.cmpi ne, %convert_element_type3A, %cond3A : i32
    scf.if %cond3A_1 {
      %swap3A_65 = arith.constant 0.000000e+00 : f32
      %swap3A_66 = arith.constant 0 : index
      %swap3A_67 = arith.constant 0 : index
      %swap3A_68 = memref.load %arg3[%swap3A_66, %swap3A_67] : memref<1x1xf32, #tpu.memory_space<smem>>
      memref.store %swap3A_65, %arg3[%swap3A_66, %swap3A_67] : memref<1x1xf32, #tpu.memory_space<smem>>
      %swap3A_69 = arith.constant 0.000000e+00 : f32
      %swap3A_70 = arith.constant 0 : index
      %swap3A_71 = arith.constant 0 : index
      %swap3A_72 = memref.load %arg4[%swap3A_70, %swap3A_71] : memref<1x1xf32, #tpu.memory_space<smem>>
      memref.store %swap3A_69, %arg4[%swap3A_70, %swap3A_71] : memref<1x1xf32, #tpu.memory_space<smem>>
      %swap3A_73 = arith.constant 0.000000e+00 : f32
      %swap3A_74 = arith.constant 0 : index
      %swap3A_75 = arith.constant 0 : index
      %swap3A_76 = memref.load %arg5[%swap3A_74, %swap3A_75] : memref<1x1xf32, #tpu.memory_space<smem>>
      memref.store %swap3A_73, %arg5[%swap3A_74, %swap3A_75] : memref<1x1xf32, #tpu.memory_space<smem>>
      %swap3A_77 = arith.constant 0.000000e+00 : f32
      %swap3A_78 = arith.constant 0 : index
      %swap3A_79 = arith.constant 0 : index
      %swap3A_80 = memref.load %arg6[%swap3A_78, %swap3A_79] : memref<1x1xf32, #tpu.memory_space<smem>>
      memref.store %swap3A_77, %arg6[%swap3A_78, %swap3A_79] : memref<1x1xf32, #tpu.memory_space<smem>>
    } else {
    }
    %get3A = arith.constant 0 : index
    %get3A_2 = arith.constant 0 : index
    %get3A_3 = arith.constant 0 : index
    %get3A_4 = vector.load %arg1[%get3A, %get3A_2, %get3A_3] : memref<1x512x512xf32, #tpu.memory_space<vmem>>, vector<1x512x512xf32>
    %get3A_5 = vector.shape_cast %get3A_4 : vector<1x512x512xf32> to vector<512x512xf32>
    %get3A_6 = arith.constant 0 : index
    %get3A_7 = arith.constant 0 : index
    %get3A_8 = arith.constant 0 : index
    %get3A_9 = vector.load %arg2[%get3A_6, %get3A_7, %get3A_8] : memref<1x512x512xi32, #tpu.memory_space<vmem>>, vector<1x512x512xi32>
    %get3A_10 = vector.shape_cast %get3A_9 : vector<1x512x512xi32> to vector<512x512xi32>
    %convert_element_type3A_11 = arith.sitofp %get3A_10 : vector<512x512xi32> to vector<512x512xf32>
    %gt3A = arith.constant 5.000000e-01 : f32
    %gt3A_12 = vector.broadcast %gt3A : f32 to vector<512x512xf32>
    %gt3A_13 = arith.cmpf ogt, %get3A_5, %gt3A_12 : vector<512x512xf32>
    %jit3A = arith.constant 1.000000e+00 : f32
    %jit3A_14 = arith.constant 0.000000e+00 : f32
    %broadcast_in_dim3A = vector.broadcast %jit3A : f32 to vector<512x512xf32>
    %broadcast_in_dim3A_15 = vector.broadcast %jit3A_14 : f32 to vector<512x512xf32>
    %select_n3A = arith.select %gt3A_13, %broadcast_in_dim3A, %broadcast_in_dim3A_15 : vector<512x512xi1>, vector<512x512xf32>
    %mul3A = arith.mulf %select_n3A, %convert_element_type3A_11 : vector<512x512xf32>
    %get3A_16 = arith.constant 0 : index
    %get3A_17 = arith.constant 0 : index
    %get3A_18 = memref.load %arg3[%get3A_16, %get3A_17] : memref<1x1xf32, #tpu.memory_space<smem>>
    %reduce_sum3A = vector.shape_cast %select_n3A : vector<512x512xf32> to vector<1x512x512xf32>
    %reduce_sum3A_19 = arith.constant dense<0.000000e+00> : vector<1xf32>
    %reduce_sum3A_20 = vector.multi_reduction <add>, %reduce_sum3A, %reduce_sum3A_19 [1, 2] : vector<1x512x512xf32> to vector<1xf32>
    %reduce_sum3A_21 = vector.shape_cast %reduce_sum3A_20 : vector<1xf32> to vector<1x1x1xf32>
    %reduce_sum3A_22 = vector.extract %reduce_sum3A_21[0, 0, 0] : f32 from vector<1x1x1xf32>
    %add3A = arith.addf %get3A_18, %reduce_sum3A_22 : f32
    %swap3A = arith.constant 0 : index
    %swap3A_23 = arith.constant 0 : index
    %swap3A_24 = memref.load %arg3[%swap3A, %swap3A_23] : memref<1x1xf32, #tpu.memory_space<smem>>
    memref.store %add3A, %arg3[%swap3A, %swap3A_23] : memref<1x1xf32, #tpu.memory_space<smem>>
    %get3A_25 = arith.constant 0 : index
    %get3A_26 = arith.constant 0 : index
    %get3A_27 = memref.load %arg4[%get3A_25, %get3A_26] : memref<1x1xf32, #tpu.memory_space<smem>>
    %jit3A_28 = arith.constant 0.000000e+00 : f32
    %broadcast_in_dim3A_29 = vector.broadcast %jit3A_28 : f32 to vector<512x512xf32>
    %select_n3A_30 = arith.select %gt3A_13, %get3A_5, %broadcast_in_dim3A_29 : vector<512x512xi1>, vector<512x512xf32>
    %reduce_sum3A_31 = vector.shape_cast %select_n3A_30 : vector<512x512xf32> to vector<1x512x512xf32>
    %reduce_sum3A_32 = arith.constant dense<0.000000e+00> : vector<1xf32>
    %reduce_sum3A_33 = vector.multi_reduction <add>, %reduce_sum3A_31, %reduce_sum3A_32 [1, 2] : vector<1x512x512xf32> to vector<1xf32>
    %reduce_sum3A_34 = vector.shape_cast %reduce_sum3A_33 : vector<1xf32> to vector<1x1x1xf32>
    %reduce_sum3A_35 = vector.extract %reduce_sum3A_34[0, 0, 0] : f32 from vector<1x1x1xf32>
    %add3A_36 = arith.addf %get3A_27, %reduce_sum3A_35 : f32
    %swap3A_37 = arith.constant 0 : index
    %swap3A_38 = arith.constant 0 : index
    %swap3A_39 = memref.load %arg4[%swap3A_37, %swap3A_38] : memref<1x1xf32, #tpu.memory_space<smem>>
    memref.store %add3A_36, %arg4[%swap3A_37, %swap3A_38] : memref<1x1xf32, #tpu.memory_space<smem>>
    %get3A_40 = arith.constant 0 : index
    %get3A_41 = arith.constant 0 : index
    %get3A_42 = memref.load %arg5[%get3A_40, %get3A_41] : memref<1x1xf32, #tpu.memory_space<smem>>
    %reduce_sum3A_43 = vector.shape_cast %mul3A : vector<512x512xf32> to vector<1x512x512xf32>
    %reduce_sum3A_44 = arith.constant dense<0.000000e+00> : vector<1xf32>
    %reduce_sum3A_45 = vector.multi_reduction <add>, %reduce_sum3A_43, %reduce_sum3A_44 [1, 2] : vector<1x512x512xf32> to vector<1xf32>
    %reduce_sum3A_46 = vector.shape_cast %reduce_sum3A_45 : vector<1xf32> to vector<1x1x1xf32>
    %reduce_sum3A_47 = vector.extract %reduce_sum3A_46[0, 0, 0] : f32 from vector<1x1x1xf32>
    %add3A_48 = arith.addf %get3A_42, %reduce_sum3A_47 : f32
    %swap3A_49 = arith.constant 0 : index
    %swap3A_50 = arith.constant 0 : index
    %swap3A_51 = memref.load %arg5[%swap3A_49, %swap3A_50] : memref<1x1xf32, #tpu.memory_space<smem>>
    memref.store %add3A_48, %arg5[%swap3A_49, %swap3A_50] : memref<1x1xf32, #tpu.memory_space<smem>>
    %get3A_52 = arith.constant 0 : index
    %get3A_53 = arith.constant 0 : index
    %get3A_54 = memref.load %arg6[%get3A_52, %get3A_53] : memref<1x1xf32, #tpu.memory_space<smem>>
    %mul3A_55 = arith.mulf %mul3A, %get3A_5 : vector<512x512xf32>
    %reduce_sum3A_56 = vector.shape_cast %mul3A_55 : vector<512x512xf32> to vector<1x512x512xf32>
    %reduce_sum3A_57 = arith.constant dense<0.000000e+00> : vector<1xf32>
    %reduce_sum3A_58 = vector.multi_reduction <add>, %reduce_sum3A_56, %reduce_sum3A_57 [1, 2] : vector<1x512x512xf32> to vector<1xf32>
    %reduce_sum3A_59 = vector.shape_cast %reduce_sum3A_58 : vector<1xf32> to vector<1x1x1xf32>
    %reduce_sum3A_60 = vector.extract %reduce_sum3A_59[0, 0, 0] : f32 from vector<1x1x1xf32>
    %add3A_61 = arith.addf %get3A_54, %reduce_sum3A_60 : f32
    %swap3A_62 = arith.constant 0 : index
    %swap3A_63 = arith.constant 0 : index
    %swap3A_64 = memref.load %arg6[%swap3A_62, %swap3A_63] : memref<1x1xf32, #tpu.memory_space<smem>>
    memref.store %add3A_61, %arg6[%swap3A_62, %swap3A_63] : memref<1x1xf32, #tpu.memory_space<smem>>
    return
  }
  func.func @transform_0(%arg0: i32) -> (i32, i32, i32) {
    %add3A = arith.constant 10 : i32
    %add3A_0 = arith.addi %add3A, %arg0 : i32
    %c0_i32 = arith.constant 0 : i32
    %c0_i32_1 = arith.constant 0 : i32
    %c0_i32_2 = arith.constant 0 : i32
    return %add3A_0, %c0_i32, %c0_i32_1 : i32, i32, i32
  }
  func.func @transform_1(%arg0: i32) -> (i32, i32, i32) {
    %add3A = arith.constant 10 : i32
    %add3A_0 = arith.addi %add3A, %arg0 : i32
    %c0_i32 = arith.constant 0 : i32
    %c0_i32_1 = arith.constant 0 : i32
    %c0_i32_2 = arith.constant 0 : i32
    return %add3A_0, %c0_i32, %c0_i32_1 : i32, i32, i32
  }
  func.func @transform_2(%arg0: i32) -> (i32, i32) {
    %c0_i32 = arith.constant 0 : i32
    %c0_i32_0 = arith.constant 0 : i32
    %c0_i32_1 = arith.constant 0 : i32
    return %c0_i32, %c0_i32_0 : i32, i32
  }
  func.func @transform_3(%arg0: i32) -> (i32, i32) {
    %c0_i32 = arith.constant 0 : i32
    %c0_i32_0 = arith.constant 0 : i32
    %c0_i32_1 = arith.constant 0 : i32
    return %c0_i32, %c0_i32_0 : i32, i32
  }
  func.func @transform_4(%arg0: i32) -> (i32, i32) {
    %c0_i32 = arith.constant 0 : i32
    %c0_i32_0 = arith.constant 0 : i32
    %c0_i32_1 = arith.constant 0 : i32
    return %c0_i32, %c0_i32_0 : i32, i32
  }
  func.func @transform_5(%arg0: i32) -> (i32, i32) {
    %c0_i32 = arith.constant 0 : i32
    %c0_i32_0 = arith.constant 0 : i32
    %c0_i32_1 = arith.constant 0 : i32
    return %c0_i32, %c0_i32_0 : i32, i32
  }
}

</mosaic_0001>

<sc_bundles>
// kernel: branch_1_fun.3.cloned.1.call-start
scs
__scs_entry_jumppad:
0x0: {  	(pc) =	sbr.rel $0x88, $3  }
0x1: {  	(tag) =	ssettag $0x0;
	lr =	simm.s32 $0x1  }
0x2: {  	[smem:$0x3F9E] =	sst lr;
	_ =	strace $0xD0000000  }
0x3: {  	_ = 	snop  }
0x4: {  	_ = 	snop  }
0x5: {  	_ = 	snop  }
0x6: {  	_ = 	snop  }
0x7: {  	_ = 	snop  }
__scs_overlays_trampoline_lowered:
0x8: {  	[smem:$0x3FAD] =	sst s0  }
0x9: {  	[smem:$0x3FAE] =	sst s1  }
0xa: {  	[smem:$0x3FAF] =	sst s2  }
0xb: {  	[smem:$0x3FB0] =	sst s3  }
0xc: {  	[smem:$0x3FB1] =	sst s4  }
0xd: {  	[smem:$0x3FB2] =	sst s5  }
0xe: {  	[smem:$0x3FB3] =	sst s6  }
0xf: {  	[smem:$0x3FB4] =	sst s7  }
0x10: {  	[smem:$0x3FB5] =	sst s8  }
0x11: {  	[smem:$0x3FB6] =	sst s9;
	s0 =	simm.s32 @!p0 $0x0  }
0x12: {  	s1 =	sld [smem:$0x3F9C];
	s0 =	simm.s32 @p0 $0x1  }
0x13: {  	[smem:$0x3FB7] =	sst s0;
	s0 =	simm.s32 @!p1 $0x0  }
0x14: {  	s2 =	sld [smem:$0x3F9B];
	s0 =	simm.s32 @p1 $0x1  }
0x15: {  	[smem:$0x3FB8] =	sst s0;
	s0 =	simm.s32 @!p2 $0x0  }
0x16: {  	s3 =	sld [smem:$0x3FDB];
	s0 =	simm.s32 @p2 $0x1  }
0x17: {  	s4 =	simm.s32 $0x1BF5;
	[smem:$0x3FBA] =	sst s0  }
0x18: {  	s0 =	sld [smem:$0x3F9D];
	_ =	swait.ge [sflag:s4], $0x0  }
0x19: {  	s7 =	sld [smem:$0x3F9E]  }
0x1a: {  	s8 =	sadd.s32 $0xFFFFE003, lr  }
0x1b: {  	s9 =	sadd.s32 $0xFFFFFEF7, lr;
	s5 =	simm.s32 $0xFFFFFFFF;
	p2 =	slt.u32 s8, $0xFFFFF086  }
0x1c: {  	p1 =	slt.u32 s9, $0xF7A;
	s5 =	simm.s32 @!p2 $0x0  }
0x1d: {  	s5 =	simm.s32 @p1 $0x1;
	p0 =	seq.s32 s7, s2  }
0x1e: {  	s7 =	smul.u32 @!p0 $0xF7A, s2;
	p2 =	seq.s32 @!p0 s5, $0x0  }
0x1f: {  	s9 =	smul.u32 $0xF7A, s1;
	s8 =	simm.s32 @!p0 $0x1BF5;
	p2 =	por !p2, p0  }
0x20: {  	[sflag:s8] =	ssyncset.s32 @!p0 $0xFFFFF086;
	s6 =	sadd.s32 @!p0 s3, s7;
	s7 =	simm.s32 @!p0 $0x108  }
0x21: {  	s3 =	sadd.s32 s3, s9;
	s6 =	sadd.s32 @!p0 $0x88, s6;
	s7 =	simm.s32 @p2 $0x1082  }
0x22: {  	[simem:s7], [sflag:s8] =	dma.local @!p0 [hbm:s6], $0xF7A  }
0x23: {  	s9 =	sor.u32 $0xD0000000, s2;
	s6 =	simm.s32 $0x108;
	_ =	swait.ge @!p0 [sflag:s8], $0x0  }
0x24: {  	s3 =	sadd.s32 $0x88, s3;
	s6 =	simm.s32 @!p1 $0x1082;
	[sflag:s4] =	ssyncset.s32 $0xFFFFF086  }
0x25: {  	[simem:s6], [sflag:s4] =	dma.local [hbm:s3], $0xF7A  }
0x26: {  	[smem:$0x3F9E] =	sst s1;
	(tag) =	ssettag s2;
	_ =	strace s9  }
0x27: {  	s1 =	sld [smem:$0x3FAE]  }
0x28: {  	s2 =	sld [smem:$0x3FAF]  }
0x29: {  	s4 =	sld [smem:$0x3FB1]  }
0x2a: {  	p0 =	seq.s32 s5, $0x0;
	s5 =	sld [smem:$0x3FB2]  }
0x2b: {  	s6 =	sld [smem:$0x3FB3]  }
0x2c: {  	s7 =	sld [smem:$0x3FB4]  }
0x2d: {  	s3 =	simm.s32 $0x108;
	s8 =	sld [smem:$0x3FB5]  }
0x2e: {  	s3 =	simm.s32 @!p0 $0x1082;
	s9 =	sld [smem:$0x3FB6]  }
0x2f: {  	lr =	sadd.s32 s0, s3;
	s0 =	sld [smem:$0x3FAD]  }
0x30: {  	s3 =	sld [smem:$0x3FB0]  }
0x31: {  	[smem:$0x3FB9] =	sst s10  }
0x32: {  	s10 =	sld [smem:$0x3FB7];
	_ =	sdelay $0x3  }
0x33: {  	p0 =	seq.s32 s10, $0x1;
	s10 =	sld [smem:$0x3FB9];
	_ =	sdelay $0x3  }
0x34: {  	[smem:$0x3FB9] =	sst s10  }
0x35: {  	s10 =	sld [smem:$0x3FB8];
	_ =	sdelay $0x3  }
0x36: {  	p1 =	seq.s32 s10, $0x1;
	s10 =	sld [smem:$0x3FB9];
	_ =	sdelay $0x3  }
0x37: {  	[smem:$0x3FB9] =	sst s10  }
0x38: {  	s10 =	sld [smem:$0x3FBA]  }
0x39: {  	_ = 	snop;
	(pc) =	sbr.ind lr, $3  }
0x3a: {  	_ = 	snop  }
0x3b: {  	_ = 	snop  }
0x3c: {  	p2 =	seq.s32 s10, $0x1;
	s10 =	sld [smem:$0x3FB9]  }
0x3d: {  	_ =	shalt  }
0x3e: {  	_ =	shalt  }
0x3f: {  	_ =	shalt  }
0x40: {  	_ =	shalt  }
0x41: {  	_ =	shalt  }
0x42: {  	_ =	shalt  }
0x43: {  	_ =	shalt  }
0x44: {  	_ =	shalt  }
0x45: {  	_ =	shalt  }
0x46: {  	_ =	shalt  }
0x47: {  	_ =	shalt  }
0x48: {  	_ =	shalt  }
0x49: {  	_ =	shalt  }
0x4a: {  	_ =	shalt  }
0x4b: {  	_ =	shalt  }
0x4c: {  	_ =	shalt  }
0x4d: {  	_ =	shalt  }
0x4e: {  	_ =	shalt  }
0x4f: {  	_ =	shalt  }
0x50: {  	_ =	shalt  }
0x51: {  	_ =	shalt  }
0x52: {  	_ =	shalt  }
0x53: {  	_ =	shalt  }
0x54: {  	_ =	shalt  }
0x55: {  	_ =	shalt  }
0x56: {  	_ =	shalt  }
0x57: {  	_ =	shalt  }
0x58: {  	_ =	shalt  }
0x59: {  	_ =	shalt  }
0x5a: {  	_ =	shalt  }
0x5b: {  	_ =	shalt  }
0x5c: {  	_ =	shalt  }
0x5d: {  	_ =	shalt  }
0x5e: {  	_ =	shalt  }
0x5f: {  	_ =	shalt  }
0x60: {  	_ =	shalt  }
0x61: {  	_ =	shalt  }
0x62: {  	_ =	shalt  }
0x63: {  	_ =	shalt  }
0x64: {  	_ =	shalt  }
0x65: {  	_ =	shalt  }
0x66: {  	_ =	shalt  }
0x67: {  	_ =	shalt  }
0x68: {  	_ =	shalt  }
0x69: {  	_ =	shalt  }
0x6a: {  	_ =	shalt  }
0x6b: {  	_ =	shalt  }
0x6c: {  	_ =	shalt  }
0x6d: {  	_ =	shalt  }
0x6e: {  	_ =	shalt  }
0x6f: {  	_ =	shalt  }
0x70: {  	_ =	shalt  }
0x71: {  	_ =	shalt  }
0x72: {  	_ =	shalt  }
0x73: {  	_ =	shalt  }
0x74: {  	_ =	shalt  }
0x75: {  	_ =	shalt  }
0x76: {  	_ =	shalt  }
0x77: {  	_ =	shalt  }
0x78: {  	_ =	shalt  }
0x79: {  	_ =	shalt  }
0x7a: {  	_ =	shalt  }
0x7b: {  	_ =	shalt  }
0x7c: {  	_ =	shalt  }
0x7d: {  	_ =	shalt  }
0x7e: {  	_ =	shalt  }
0x7f: {  	_ =	shalt  }
0x80: {  	_ =	shalt  }
0x81: {  	_ =	shalt  }
0x82: {  	_ =	shalt  }
0x83: {  	_ =	shalt  }
0x84: {  	_ =	shalt  }
0x85: {  	_ =	shalt  }
0x86: {  	_ =	shalt  }
0x87: {  	_ =	shalt  }
.Lfunc_end0:
.L_simem_size_0:
called_computation_lowered:
.L_overlay_start_0:
0x88: {  	s2 =	sld [smem:$0x3FD9]  }
0x89: {  	s3 =	sld [smem:$0x3FFE];
	_ =	sdelay $0x1  }
0x8a: {  	s1 =	srdreg.scid  }
0x8b: {  	s0 =	sand.u32 $0x1, s1  }
0x8c: {  	s17 =	sshll.u32 s0, $0xA;
	s2 =	sadd.s32 s3, s2  }
0x8d: {  	s2 =	sadd.s32 s2, s17  }
0x8e: {  	[smem:$0x3FC5] =	sst s2  }
0x8f: {  	_ = 	snop  }
0x90: {  	s2 =	sld [smem:$0x3FC9]  }
0x91: {  	s18 =	sld [smem:$0x3FC7];
	(tm) =	ssettm $0x1  }
0x92: {  	s4 =	sld [smem:$0x3FFB];
	_ =	sdelay $0x3  }
0x93: {  	_ =	strace s4  }
0x94: {  	s4 =	sld [smem:$0x3FFC];
	_ =	sdelay $0x3  }
0x95: {  	_ =	strace s4  }
0x96: {  	s4 =	sld [smem:$0x3FFD];
	_ =	sdelay $0x3  }
0x97: {  	_ =	strace s4  }
0x98: {  	_ =	strace $0x8FFFFFFF  }
0x99: {  	s19 =	sld [smem:$0x3FDB];
	_ =	sdelay $0x1  }
0x9a: {  	s5 =	simm.s32 $_scs_section_size  }
0x9b: {  	s6 =	simm.s32 $_size__tile_overlayer_lowered;
	s7 =	simm.s32 $_tile_overlayer_lowered  }
0x9c: {  	s22 =	simm.s32 $0x1BFF;
	s21 =	sshll.u32 s7, $0x1;
	s4 =	sadd.s32 s5, s19  }
0x9d: {  	s8 =	simm.s32 $0x0;
	s20 =	sshll.u32 s6, $0x1;
	s6 =	sadd.s32 s21, s4  }
0x9e: {  	[timem:s8], [sflag:s22] =	dma.local [hbm:s6], s20  }
0x9f: {  	_ =	swait.ge [sflag:s22], s20  }
0xa0: {  	s5 =	ssub.s32 $0x0, s20;
	[sflag:s22] =	ssyncset.done $0x0  }
0xa1: {  	[sflag:s22] =	ssyncadd.s32 s5;
	_ =	sdelay $0x1  }
0xa2: {  	s23 =	simm.s32 $0x1B8B  }
0xa3: {  	_ =	swait.ge [sflag:s23], $0x1  }
0xa4: {  	[sflag:s23] =	ssyncset.done $0x0  }
0xa5: {  	s25 =	simm.s32 $0x1B8E;
	s24 =	sld [smem:$0x3FFE];
	[sflag:s23] =	ssyncadd.s32 $0xFFFFFFFF  }
0xa6: {  	s26 =	simm.s32 $execute0_lowered;
	[smem:$0x3FD2] =	sst s25  }
0xa7: {  	s6 =	sshll.u32 s26, $0x1;
	_ =	strace $0x80000046;
	[dreg:$0x1] =	wrdreg $0xFFFFFFFF  }
0xa8: {  	s28 =	simm.s32 $_size_execute0_lowered;
	s4 =	sadd.s32 s4, s6;
	[dreg:$0x0] =	wrdreg $0x0  }
0xa9: {  	s6 =	sshll.u32 s28, $0x1;
	[dreg:$0x2] =	wrdreg s4  }
0xaa: {  	[dreg:$0x3] =	wrdreg s6  }
0xab: {  	[dreg:$0x4] =	wrdreg $0xC0  }
0xac: {  	_ =	task [dreg:s8], $0x5FFFF  }
0xad: {  	[dreg:$0x1] =	wrdreg $0xFFFFFFFF  }
0xae: {  	[dreg:$0x0] =	wrdreg $0x60  }
0xaf: {  	[dreg:$0x2] =	wrdreg s2  }
0xb0: {  	[dreg:$0x3] =	wrdreg s18  }
0xb1: {  	[dreg:$0x4] =	wrdreg s24  }
0xb2: {  	[dreg:$0x5] =	wrdreg $0x9  }
0xb3: {  	_ =	task.clear_ibuf [dreg:s8], $0x6FFFF;
	_ =	strace $0x90000046  }
0xb4: {  	s29 =	simm.s32 $0x9;
	_ =	strace $0x80000048  }
0xb5: {  	_ =	swait.ge [sflag:s29], $0x1  }
0xb6: {  	[sflag:s29] =	ssyncadd.s32 $0xFFFFFFFF  }
0xb7: {  	_ =	strace $0x90000048  }
0xb8: {  	_ =	sfence  }
0xb9: {  	s30 =	sld [smem:$0x0];
	_ =	sdelay $0x2  }
0xba: {  	s31 =	sshll.u32 s1, $0xD;
	s1 =	sshrl.u32 s1, $0x2  }
0xbb: {  	s3 =	sand.u32 $0x4000, s31;
	s1 =	sadd.s32 s1, s30  }
0xbc: {  	s0 =	sor.u32 s3, s0;
	s1 =	sshll.u32 s1, $0x11  }
0xbd: {  	s0 =	sor.u32 s1, s0  }
0xbe: {  	s0 =	sadd.s32 $0x8F2B, s0  }
0xbf: {  	[sflag:s0] =	ssyncadd.remote.s32 $0x1  }
0xc0: {  	_ =	sfence.sel $0xFFFF  }
0xc1: {  	[dreg:$0x0] =	wrdreg $0xFFFFFFFF;
	(pc) =	sbr.abs _section_cstart, $3  }
0xc2: {  	[dreg:$0x1] =	wrdreg $0xFFFFFFFF  }
0xc3: {  	_ =	task.clear_ibuf [dreg:s8], $0x2FFFF;
	_ =	strace $0x9FFFFFFF  }
0xc4: {  	(tm) =	ssettm $0x7FFFFFFF  }
0xc5: {  	_ =	shalt  }
tec
execute0_lowered:
.L_overlay_start_1:
0x0: {  	(tag) =	ssettag $0x1  }
0x1: {  	s1 =	rddreg [dreg:$0x0]  }
0x2: {  	s3 =	rddreg [dreg:$0x1]  }
0x3: {  	s5 =	rddreg [dreg:$0x2]  }
0x4: {  	s0 =	rddreg [dreg:$0x3]  }
0x5: {  	s6 =	srdreg.scid;
	s2 =	stileid.u32  }
0x6: {  	s4 =	simm.s32 $0x0;
	s11 =	simm.s32 $0x2000;
	s12 =	simm.s32 $0x2800  }
0x7: {  	s13 =	simm.s32 $0x80;
	s14 =	simm.s32 $0x400;
	s6 =	sand.u32 $0x1, s6  }
0x8: {  	s7 =	sshll.u32 s2, $0x5;
	s8 =	sshll.u32 s2, $0x9;
	[smem:$0x7FF] =	sst s4  }
0x9: {  	s10 =	sshll.u32 s2, $0xF;
	s9 =	sshll.u32 s6, $0x4;
	s7 =	sand.u32 $0x60, s7  }
0xa: {  	s8 =	sand.u32 $0x1800, s8;
	_ =	strace $0x80000047;
	s30 =	ssub.s32 $0x2, s6  }
0xb: {  	s6 =	sshll.u32 s6, $0xE;
	s7 =	sor.u32 s9, s7;
	s31 =	sshrl.u32 s30, $0x1  }
0xc: {  	s9 =	simm.s32 $0x1;
	s7 =	sor.u32 s8, s7;
	s8 =	ssub.s32 s30, s31  }
0xd: {  	s7 =	sadd.s32 s7, s5;
	s5 =	sor.u32 s10, s6;
	s8 =	smax.u32 s8, $0x1  }
0xe: {  	v0 =	vimm.f32 $0.0e+00;
	v1 =	vimm.s32 $0x0;
	v2 =	vimm.f32 $1.000000000e+00;
	s10 =	simm.s32 $0x1000;
	s6 =	sadd.s32 $0x1200, s7;
	s7 =	sadd.s32 $0x3200, s7  }
.LBB2_1:
0xf: {  	s15 =	simm.s32 $0x40;
	s16 =	simm.s32 $0x0  }
.LBB2_2:
0x10: {  	p0 =	sne.s32 s15, $0x1FC0;
	[tilespmem:s16+$0x2000] =	vst v0;
	s17 =	smov.u32 s15;
	s15 =	sadd.s32 $0x40, s15  }
.Ltmp0:
0x11: {  	[tilespmem:s16+$0x2800] =	vst v0;
	(pc) =	sbr.rel @p0 .LBB2_2-.Ltmp0, $2  }
0x12: {  	_ =	sdelay $0x2  }
0x13: {  	s16 =	sshra.s32 s17, $0x2  }
0x14: {  	[tilespmem:s16+$0x2000] =	vst v0  }
0x15: {  	s15 =	simm.s32 $0x0;
	[tilespmem:s16+$0x2800] =	vst v0;
	s16 =	simm.s32 $0x0  }
.LBB2_4:
0x16: {  	s17 =	sshll.u32 s16, $0x9  }
0x17: {  	s17 =	sadd.s32 s5, s17  }
0x18: {  	s18 =	sadd.s32 s1, s17  }
0x19: {  	[tilespmem:s15], [sflag:$0x1] =	stream.linear.gather [hbm4b:s18+s15], $0x1000, $0x38;
	[tilespmem:$0x3000] =	vst v63  }
0x1a: {  	_ =	swait.ge [sflag:s9], $0x1000  }
0x1b: {  	[sflag:s9] =	ssyncset.done $0x0  }
0x1c: {  	s17 =	sadd.s32 s3, s17;
	[sflag:s9] =	ssyncadd.s32 $0xFFFFF000  }
0x1d: {  	[tilespmem:s10], [sflag:$0x1] =	stream.linear.gather [hbm4b:s17+s15], $0x1000, $0x38;
	[tilespmem:$0x3000] =	vst v63  }
0x1e: {  	s28 =	sand.u32 $0xC00, s15;
	s29 =	sand.u32 $0x380, s15;
	_ =	swait.ge [sflag:s9], $0x1000  }
0x1f: {  	s19 =	sand.u32 $0x70, s15;
	s17 =	sor.u32 s29, s28;
	[sflag:s9] =	ssyncset.done $0x0  }
0x20: {  	s17 =	sor.u32 s19, s17;
	[sflag:s9] =	ssyncadd.s32 $0xFFFFF000  }
0x21: {  	v3 =	vld [tilespmem:s17+$0x0];
	_ =	sdelay $0x4  }
0x22: {  	v4 =	vmul.f32 $1.024000000e+03, v3  }
0x23: {  	v5 =	vld [tilespmem:s17+$0x1000]  }
0x24: {  	v4 =	vtrunc.f32 v4  }
0x25: {  	v4 =	vcvt.f32.s32 v4;
	_ =	sdelay $0x1  }
0x26: {  	vm0 =	vgt.s32 v4, $0x0  }
0x27: {  	vm1 =	vgt.s32 v5, $0x0;
	v4 =	vnsel vm0, $0x0, v4  }
0x28: {  	v5 =	vsel vm1, $0x400, v1;
	v4 =	vmin.u32 v4, $0x3FF  }
0x29: {  	v4 =	vor.u32 v5, v4;
	_ =	sdelay $0x2  }
0x2a: {  	s30 =	simm.s32 $0x4;
	s17 =	simm.s32 $0x80  }
0x2b: {  	s21 =	sand.u32 $0x380, s30;
	s18 =	simm.s32 $0x10;
	s31 =	sand.u32 $0xC00, s17  }
0x2c: {  	s20 =	sand.u32 $0x70, s18;
	s19 =	simm.s32 $0x8;
	s21 =	sor.u32 s21, s31;
	[tilespmem:v4+s11+$0x0] =	vst.idx.add.f32.msk $0xffff, v2  }
.LBB2_5:
0x2d: {  	p0 =	sne.s32 s19, $0x3FC;
	s20 =	sor.u32 s20, s21;
	[tilespmem:v4+s12+$0x0] =	vst.idx.add.f32.msk $0xffff, v3  }
0x2e: {  	v3 =	vld [tilespmem:s20+$0x0];
	_ =	sdelay $0x4  }
0x2f: {  	v4 =	vmul.f32 $1.024000000e+03, v3  }
0x30: {  	v5 =	vld [tilespmem:s20+$0x1000]  }
0x31: {  	v4 =	vtrunc.f32 v4  }
0x32: {  	v4 =	vcvt.f32.s32 v4;
	_ =	sdelay $0x1  }
0x33: {  	vm0 =	vgt.s32 v4, $0x0  }
0x34: {  	vm1 =	vgt.s32 v5, $0x0;
	v4 =	vnsel vm0, $0x0, v4  }
0x35: {  	v4 =	vmin.u32 v4, $0x3FF;
	v5 =	vsel vm1, $0x400, v1  }
0x36: {  	v4 =	vor.u32 v5, v4  }
.Ltmp1:
0x37: {  	(pc) =	sbr.rel @p0 .LBB2_5-.Ltmp1, $4  }
0x38: {  	_ = 	snop  }
0x39: {  	s17 =	sadd.s32 $0x80, s17  }
0x3a: {  	s22 =	sand.u32 $0x380, s19;
	s18 =	sadd.s32 $0x10, s18;
	s21 =	sand.u32 $0xC00, s17  }
0x3b: {  	s19 =	sadd.s32 $0x4, s19;
	s21 =	sor.u32 s22, s21;
	s20 =	sand.u32 $0x70, s18;
	[tilespmem:v4+s11+$0x0] =	vst.idx.add.f32.msk $0xffff, v2  }
0x3c: {  	_ =	sdelay $0x3  }
0x3d: {  	s17 =	sor.u32 s20, s21;
	[tilespmem:v4+s12+$0x0] =	vst.idx.add.f32.msk $0xffff, v3  }
0x3e: {  	v3 =	vld [tilespmem:s17+$0x0];
	_ =	sdelay $0x4  }
0x3f: {  	v63 =	vmul.f32 $1.024000000e+03, v3  }
0x40: {  	v5 =	vld [tilespmem:s17+$0x1000]  }
0x41: {  	v4 =	vtrunc.f32 v63  }
0x42: {  	v4 =	vcvt.f32.s32 v4;
	_ =	sdelay $0x1  }
0x43: {  	vm0 =	vgt.s32 v4, $0x0  }
0x44: {  	vm1 =	vgt.s32 v5, $0x0;
	v4 =	vnsel vm0, $0x0, v4  }
0x45: {  	v5 =	vsel vm1, $0x400, v1;
	v4 =	vmin.u32 v4, $0x3FF  }
0x46: {  	s16 =	sadd.s32 $0x1, s16;
	v4 =	vor.u32 v5, v4  }
0x47: {  	p0 =	sne.s32 s16, $0x20  }
.Ltmp2:
0x48: {  	_ = 	snop;
	(pc) =	sbr.rel @p0 .LBB2_4-.Ltmp2, $3  }
0x49: {  	_ =	sdelay $0x1  }
0x4a: {  	[tilespmem:v4+s11+$0x0] =	vst.idx.add.f32.msk $0xffff, v2  }
0x4b: {  	[tilespmem:v4+s12+$0x0] =	vst.idx.add.f32.msk $0xffff, v3  }
0x4c: {  	[hbm4b:s6+s13] =	stream.strided.scatter [tilespmem:s11], [sflag:$0x1], $0x800, s14, s13, $0x38;
	[tilespmem:$0x3000] =	vst v63  }
0x4d: {  	s4 =	sadd.s32 $0x1, s4;
	_ =	swait.ge [sflag:s9], $0x800  }
0x4e: {  	p0 =	sne.s32 s4, s8;
	[sflag:s9] =	ssyncset.done $0x0  }
.Ltmp3:
0x4f: {  	[sflag:s9] =	ssyncadd.s32 $0xFFFFF800;
	(pc) =	sbr.rel @p0 .LBB2_1-.Ltmp3, $4  }
0x50: {  	[hbm4b:s7+s13] =	stream.strided.scatter [tilespmem:s12], [sflag:$0x1], $0x800, s14, s13, $0x38;
	[tilespmem:$0x3000] =	vst v63  }
0x51: {  	_ =	swait.ge [sflag:s9], $0x800  }
0x52: {  	[sflag:s9] =	ssyncset.done $0x0  }
0x53: {  	[sflag:s9] =	ssyncadd.s32 $0xFFFFF800  }
0x54: {  	_ =	sfence.sel $0x180000  }
0x55: {  	[bflag:$0x0] =	sbarrier.arrive $0xFFFF  }
0x56: {  	p0 =	sne.s32 s2, $0x0;
	_ =	strace $0x90000047  }
0x57: {  	s0 =	sadd.s32 @!p0 $0x100000, s0;
	[bflag:$0x2] =	sbarrier.arrive $0xFFFF  }
0x58: {  	[sflag:s0] =	ssyncadd.tile.s32 @!p0 $0x1;
	_ =	shalt  }
.Lfunc_end2:
_tile_overlayer_lowered:
.L_overlay_start_2:
0x59: {  	(tag) =	ssettag $0x2  }
0x5a: {  	s0 =	rddreg [dreg:$0x0];
	s2 =	stileid.u32  }
0x5b: {  	s1 =	rddreg [dreg:$0x1];
	p0 =	sne.s32 s2, $0x0  }
0x5c: {  	s3 =	rddreg [dreg:$0x2];
	[bflag:$0x3] =	sbarrier.arrive $0xFFFF;
	s2 =	simm.s32 @!p0 $0x1C01  }
0x5d: {  	[timem:s3], [sflag:s2] =	dma.local @!p0 [hbm:s0], s1  }
0x5e: {  	s0 =	simm.s32 @!p0 $0x1  }
0x5f: {  	_ =	swait.ge @!p0 [sflag:s0], s1  }
0x60: {  	s1 =	ssub.s32 @!p0 $0x0, s1;
	[sflag:s0] =	ssyncset.done @!p0 $0x0  }
0x61: {  	[sflag:s0] =	ssyncadd.s32 @!p0 s1  }
0x62: {  	[bflag:$0x3] =	sbarrier.arrive $0xFFFF  }
0x63: {  	_ =	shalt  }

// kernel: kernel.5.cloned.1.call-start
scs
__scs_entry_jumppad:
0x0: {  	(pc) =	sbr.rel $0x88, $3  }
0x1: {  	(tag) =	ssettag $0x0;
	lr =	simm.s32 $0x1  }
0x2: {  	[smem:$0x3F9E] =	sst lr;
	_ =	strace $0xD0000000  }
0x3: {  	_ = 	snop  }
0x4: {  	_ = 	snop  }
0x5: {  	_ = 	snop  }
0x6: {  	_ = 	snop  }
0x7: {  	_ = 	snop  }
__scs_overlays_trampoline_lowered:
0x8: {  	[smem:$0x3FAD] =	sst s0  }
0x9: {  	[smem:$0x3FAE] =	sst s1  }
0xa: {  	[smem:$0x3FAF] =	sst s2  }
0xb: {  	[smem:$0x3FB0] =	sst s3  }
0xc: {  	[smem:$0x3FB1] =	sst s4  }
0xd: {  	[smem:$0x3FB2] =	sst s5  }
0xe: {  	[smem:$0x3FB3] =	sst s6  }
0xf: {  	[smem:$0x3FB4] =	sst s7  }
0x10: {  	[smem:$0x3FB5] =	sst s8  }
0x11: {  	[smem:$0x3FB6] =	sst s9;
	s0 =	simm.s32 @!p0 $0x0  }
0x12: {  	s1 =	sld [smem:$0x3F9C];
	s0 =	simm.s32 @p0 $0x1  }
0x13: {  	[smem:$0x3FB7] =	sst s0;
	s0 =	simm.s32 @!p1 $0x0  }
0x14: {  	s2 =	sld [smem:$0x3F9B];
	s0 =	simm.s32 @p1 $0x1  }
0x15: {  	[smem:$0x3FB8] =	sst s0;
	s0 =	simm.s32 @!p2 $0x0  }
0x16: {  	s3 =	sld [smem:$0x3FDB];
	s0 =	simm.s32 @p2 $0x1  }
0x17: {  	s4 =	simm.s32 $0x1BF5;
	[smem:$0x3FBA] =	sst s0  }
0x18: {  	s0 =	sld [smem:$0x3F9D];
	_ =	swait.ge [sflag:s4], $0x0  }
0x19: {  	s7 =	sld [smem:$0x3F9E]  }
0x1a: {  	s8 =	sadd.s32 $0xFFFFE003, lr  }
0x1b: {  	s9 =	sadd.s32 $0xFFFFFEF7, lr;
	s5 =	simm.s32 $0xFFFFFFFF;
	p2 =	slt.u32 s8, $0xFFFFF086  }
0x1c: {  	p1 =	slt.u32 s9, $0xF7A;
	s5 =	simm.s32 @!p2 $0x0  }
0x1d: {  	s5 =	simm.s32 @p1 $0x1;
	p0 =	seq.s32 s7, s2  }
0x1e: {  	s7 =	smul.u32 @!p0 $0xF7A, s2;
	p2 =	seq.s32 @!p0 s5, $0x0  }
0x1f: {  	s9 =	smul.u32 $0xF7A, s1;
	s8 =	simm.s32 @!p0 $0x1BF5;
	p2 =	por !p2, p0  }
0x20: {  	[sflag:s8] =	ssyncset.s32 @!p0 $0xFFFFF086;
	s6 =	sadd.s32 @!p0 s3, s7;
	s7 =	simm.s32 @!p0 $0x108  }
0x21: {  	s3 =	sadd.s32 s3, s9;
	s6 =	sadd.s32 @!p0 $0x88, s6;
	s7 =	simm.s32 @p2 $0x1082  }
0x22: {  	[simem:s7], [sflag:s8] =	dma.local @!p0 [hbm:s6], $0xF7A  }
0x23: {  	s9 =	sor.u32 $0xD0000000, s2;
	s6 =	simm.s32 $0x108;
	_ =	swait.ge @!p0 [sflag:s8], $0x0  }
0x24: {  	s3 =	sadd.s32 $0x88, s3;
	s6 =	simm.s32 @!p1 $0x1082;
	[sflag:s4] =	ssyncset.s32 $0xFFFFF086  }
0x25: {  	[simem:s6], [sflag:s4] =	dma.local [hbm:s3], $0xF7A  }
0x26: {  	[smem:$0x3F9E] =	sst s1;
	(tag) =	ssettag s2;
	_ =	strace s9  }
0x27: {  	s1 =	sld [smem:$0x3FAE]  }
0x28: {  	s2 =	sld [smem:$0x3FAF]  }
0x29: {  	s4 =	sld [smem:$0x3FB1]  }
0x2a: {  	p0 =	seq.s32 s5, $0x0;
	s5 =	sld [smem:$0x3FB2]  }
0x2b: {  	s6 =	sld [smem:$0x3FB3]  }
0x2c: {  	s7 =	sld [smem:$0x3FB4]  }
0x2d: {  	s3 =	simm.s32 $0x108;
	s8 =	sld [smem:$0x3FB5]  }
0x2e: {  	s3 =	simm.s32 @!p0 $0x1082;
	s9 =	sld [smem:$0x3FB6]  }
0x2f: {  	lr =	sadd.s32 s0, s3;
	s0 =	sld [smem:$0x3FAD]  }
0x30: {  	s3 =	sld [smem:$0x3FB0]  }
0x31: {  	[smem:$0x3FB9] =	sst s10  }
0x32: {  	s10 =	sld [smem:$0x3FB7];
	_ =	sdelay $0x3  }
0x33: {  	p0 =	seq.s32 s10, $0x1;
	s10 =	sld [smem:$0x3FB9];
	_ =	sdelay $0x3  }
0x34: {  	[smem:$0x3FB9] =	sst s10  }
0x35: {  	s10 =	sld [smem:$0x3FB8];
	_ =	sdelay $0x3  }
0x36: {  	p1 =	seq.s32 s10, $0x1;
	s10 =	sld [smem:$0x3FB9];
	_ =	sdelay $0x3  }
0x37: {  	[smem:$0x3FB9] =	sst s10  }
0x38: {  	s10 =	sld [smem:$0x3FBA]  }
0x39: {  	_ = 	snop;
	(pc) =	sbr.ind lr, $3  }
0x3a: {  	_ = 	snop  }
0x3b: {  	_ = 	snop  }
0x3c: {  	p2 =	seq.s32 s10, $0x1;
	s10 =	sld [smem:$0x3FB9]  }
0x3d: {  	_ =	shalt  }
0x3e: {  	_ =	shalt  }
0x3f: {  	_ =	shalt  }
0x40: {  	_ =	shalt  }
0x41: {  	_ =	shalt  }
0x42: {  	_ =	shalt  }
0x43: {  	_ =	shalt  }
0x44: {  	_ =	shalt  }
0x45: {  	_ =	shalt  }
0x46: {  	_ =	shalt  }
0x47: {  	_ =	shalt  }
0x48: {  	_ =	shalt  }
0x49: {  	_ =	shalt  }
0x4a: {  	_ =	shalt  }
0x4b: {  	_ =	shalt  }
0x4c: {  	_ =	shalt  }
0x4d: {  	_ =	shalt  }
0x4e: {  	_ =	shalt  }
0x4f: {  	_ =	shalt  }
0x50: {  	_ =	shalt  }
0x51: {  	_ =	shalt  }
0x52: {  	_ =	shalt  }
0x53: {  	_ =	shalt  }
0x54: {  	_ =	shalt  }
0x55: {  	_ =	shalt  }
0x56: {  	_ =	shalt  }
0x57: {  	_ =	shalt  }
0x58: {  	_ =	shalt  }
0x59: {  	_ =	shalt  }
0x5a: {  	_ =	shalt  }
0x5b: {  	_ =	shalt  }
0x5c: {  	_ =	shalt  }
0x5d: {  	_ =	shalt  }
0x5e: {  	_ =	shalt  }
0x5f: {  	_ =	shalt  }
0x60: {  	_ =	shalt  }
0x61: {  	_ =	shalt  }
0x62: {  	_ =	shalt  }
0x63: {  	_ =	shalt  }
0x64: {  	_ =	shalt  }
0x65: {  	_ =	shalt  }
0x66: {  	_ =	shalt  }
0x67: {  	_ =	shalt  }
0x68: {  	_ =	shalt  }
0x69: {  	_ =	shalt  }
0x6a: {  	_ =	shalt  }
0x6b: {  	_ =	shalt  }
0x6c: {  	_ =	shalt  }
0x6d: {  	_ =	shalt  }
0x6e: {  	_ =	shalt  }
0x6f: {  	_ =	shalt  }
0x70: {  	_ =	shalt  }
0x71: {  	_ =	shalt  }
0x72: {  	_ =	shalt  }
0x73: {  	_ =	shalt  }
0x74: {  	_ =	shalt  }
0x75: {  	_ =	shalt  }
0x76: {  	_ =	shalt  }
0x77: {  	_ =	shalt  }
0x78: {  	_ =	shalt  }
0x79: {  	_ =	shalt  }
0x7a: {  	_ =	shalt  }
0x7b: {  	_ =	shalt  }
0x7c: {  	_ =	shalt  }
0x7d: {  	_ =	shalt  }
0x7e: {  	_ =	shalt  }
0x7f: {  	_ =	shalt  }
0x80: {  	_ =	shalt  }
0x81: {  	_ =	shalt  }
0x82: {  	_ =	shalt  }
0x83: {  	_ =	shalt  }
0x84: {  	_ =	shalt  }
0x85: {  	_ =	shalt  }
0x86: {  	_ =	shalt  }
0x87: {  	_ =	shalt  }
.Lfunc_end0:
.L_simem_size_0:
called_computation.1_lowered:
.L_overlay_start_0:
0x88: {  	s2 =	sld [smem:$0x3FD9]  }
0x89: {  	s3 =	sld [smem:$0x3FFE];
	_ =	sdelay $0x1  }
0x8a: {  	s1 =	srdreg.scid  }
0x8b: {  	s0 =	sand.u32 $0x1, s1  }
0x8c: {  	s17 =	sshll.u32 s0, $0xA;
	s2 =	sadd.s32 s3, s2  }
0x8d: {  	s2 =	sadd.s32 s2, s17  }
0x8e: {  	[smem:$0x3FC5] =	sst s2  }
0x8f: {  	_ = 	snop  }
0x90: {  	s2 =	sld [smem:$0x3FC9]  }
0x91: {  	s18 =	sld [smem:$0x3FC7];
	(tm) =	ssettm $0x1  }
0x92: {  	s4 =	sld [smem:$0x3FFB];
	_ =	sdelay $0x3  }
0x93: {  	_ =	strace s4  }
0x94: {  	s4 =	sld [smem:$0x3FFC];
	_ =	sdelay $0x3  }
0x95: {  	_ =	strace s4  }
0x96: {  	s4 =	sld [smem:$0x3FFD];
	_ =	sdelay $0x3  }
0x97: {  	_ =	strace s4  }
0x98: {  	_ =	strace $0x8FFFFFFF  }
0x99: {  	s19 =	sld [smem:$0x3FDB];
	_ =	sdelay $0x1  }
0x9a: {  	s5 =	simm.s32 $_scs_section_size  }
0x9b: {  	s6 =	simm.s32 $_size__tile_overlayer_lowered;
	s7 =	simm.s32 $_tile_overlayer_lowered  }
0x9c: {  	s22 =	simm.s32 $0x1BFF;
	s21 =	sshll.u32 s7, $0x1;
	s4 =	sadd.s32 s5, s19  }
0x9d: {  	s8 =	simm.s32 $0x0;
	s20 =	sshll.u32 s6, $0x1;
	s6 =	sadd.s32 s21, s4  }
0x9e: {  	[timem:s8], [sflag:s22] =	dma.local [hbm:s6], s20  }
0x9f: {  	_ =	swait.ge [sflag:s22], s20  }
0xa0: {  	s5 =	ssub.s32 $0x0, s20;
	[sflag:s22] =	ssyncset.done $0x0  }
0xa1: {  	[sflag:s22] =	ssyncadd.s32 s5;
	_ =	sdelay $0x1  }
0xa2: {  	s23 =	simm.s32 $0x1B8B  }
0xa3: {  	_ =	swait.ge [sflag:s23], $0x1  }
0xa4: {  	[sflag:s23] =	ssyncset.done $0x0  }
0xa5: {  	s25 =	simm.s32 $0x1B8E;
	s24 =	sld [smem:$0x3FFE];
	[sflag:s23] =	ssyncadd.s32 $0xFFFFFFFF  }
0xa6: {  	s26 =	simm.s32 $execute0_lowered;
	[smem:$0x3FD2] =	sst s25  }
0xa7: {  	s6 =	sshll.u32 s26, $0x1;
	_ =	strace $0x80000049;
	[dreg:$0x1] =	wrdreg $0xFFFFFFFF  }
0xa8: {  	s28 =	simm.s32 $_size_execute0_lowered;
	s4 =	sadd.s32 s4, s6;
	[dreg:$0x0] =	wrdreg $0x0  }
0xa9: {  	s6 =	sshll.u32 s28, $0x1;
	[dreg:$0x2] =	wrdreg s4  }
0xaa: {  	[dreg:$0x3] =	wrdreg s6  }
0xab: {  	[dreg:$0x4] =	wrdreg $0xC0  }
0xac: {  	_ =	task [dreg:s8], $0x5FFFF  }
0xad: {  	[dreg:$0x1] =	wrdreg $0xFFFFFFFF  }
0xae: {  	[dreg:$0x0] =	wrdreg $0x60  }
0xaf: {  	[dreg:$0x2] =	wrdreg s2  }
0xb0: {  	[dreg:$0x3] =	wrdreg s18  }
0xb1: {  	[dreg:$0x4] =	wrdreg s24  }
0xb2: {  	[dreg:$0x5] =	wrdreg $0x9  }
0xb3: {  	_ =	task.clear_ibuf [dreg:s8], $0x6FFFF;
	_ =	strace $0x90000049  }
0xb4: {  	s29 =	simm.s32 $0x9;
	_ =	strace $0x8000004B  }
0xb5: {  	_ =	swait.ge [sflag:s29], $0x1  }
0xb6: {  	[sflag:s29] =	ssyncadd.s32 $0xFFFFFFFF  }
0xb7: {  	_ =	strace $0x9000004B  }
0xb8: {  	_ =	sfence  }
0xb9: {  	s30 =	sld [smem:$0x0];
	_ =	sdelay $0x2  }
0xba: {  	s31 =	sshll.u32 s1, $0xD;
	s1 =	sshrl.u32 s1, $0x2  }
0xbb: {  	s3 =	sand.u32 $0x4000, s31;
	s1 =	sadd.s32 s1, s30  }
0xbc: {  	s0 =	sor.u32 s3, s0;
	s1 =	sshll.u32 s1, $0x11  }
0xbd: {  	s0 =	sor.u32 s1, s0  }
0xbe: {  	s0 =	sadd.s32 $0x8F2B, s0  }
0xbf: {  	[sflag:s0] =	ssyncadd.remote.s32 $0x1  }
0xc0: {  	_ =	sfence.sel $0xFFFF  }
0xc1: {  	[dreg:$0x0] =	wrdreg $0xFFFFFFFF;
	(pc) =	sbr.abs _section_cstart, $3  }
0xc2: {  	[dreg:$0x1] =	wrdreg $0xFFFFFFFF  }
0xc3: {  	_ =	task.clear_ibuf [dreg:s8], $0x2FFFF;
	_ =	strace $0x9FFFFFFF  }
0xc4: {  	(tm) =	ssettm $0x7FFFFFFF  }
0xc5: {  	_ =	shalt  }
tec
execute0_lowered:
.L_overlay_start_1:
0x0: {  	(tag) =	ssettag $0x1  }
0x1: {  	s2 =	rddreg [dreg:$0x0]  }
0x2: {  	s3 =	rddreg [dreg:$0x1]  }
0x3: {  	s0 =	rddreg [dreg:$0x2]  }
0x4: {  	s1 =	srdreg.scid;
	s4 =	stileid.u32;
	s22 =	simm.s32 $0x1  }
0x5: {  	s23 =	simm.s32 $0x3000;
	s24 =	simm.s32 $0x7000;
	s25 =	simm.s32 $0x2  }
0x6: {  	s26 =	simm.s32 $0x3;
	s28 =	simm.s32 $0x4;
	s30 =	simm.s32 $0x5  }
0x7: {  	s31 =	simm.s32 $0x0;
	s1 =	sand.u32 $0x1, s1;
	s5 =	sshll.u32 s4, $0x1  }
0x8: {  	s4 =	simm.s32 $0x0;
	s6 =	ssub.s32 $0x2, s1;
	s1 =	sor.u32 s1, s5  }
0x9: {  	[smem:$0x7FF] =	sst s4;
	s29 =	sshrl.u32 s6, $0x1;
	s8 =	smul.u32 $0x2800, s1  }
0xa: {  	_ =	strace $0x8000004A;
	s14 =	smul.u32 $0x14, s1;
	s1 =	sshll.u32 s1, $0x4  }
0xb: {  	s16 =	ssub.s32 s6, s29;
	s15 =	sadd.s32 s0, s1;
	s5 =	sadd.s32 s2, s8  }
0xc: {  	s9 =	sor.u32 $0x200, s8;
	s6 =	sadd.s32 s3, s8;
	s10 =	sor.u32 $0x400, s8  }
0xd: {  	s11 =	sor.u32 $0x3, s14;
	s12 =	sadd.s32 $0x4, s14;
	s13 =	sadd.s32 $0x5, s14  }
0xe: {  	s14 =	sadd.s32 $0x6, s14;
	s16 =	smax.u32 s16, $0x1;
	s7 =	sadd.s32 s2, s9  }
0xf: {  	v0 =	vimm.f32 $0.0e+00;
	s8 =	sadd.s32 s3, s9;
	s9 =	sadd.s32 s2, s10;
	s10 =	sadd.s32 s3, s10  }
.LBB2_1:
0x10: {  	[tilespmem:s4], [sflag:$0x1] =	stream.linear.gather [hbm4b:s5+s4], $0x1000, $0x38;
	[tilespmem:$0x8080] =	vst v63  }
0x11: {  	s0 =	simm.s32 $0x4000  }
0x12: {  	[tilespmem:s0], [sflag:$0x1] =	stream.linear.gather [hbm4b:s6+s4], $0x1000, $0x38;
	[tilespmem:$0x8080] =	vst v63  }
0x13: {  	s19 =	simm.s32 $0x1000  }
0x14: {  	[tilespmem:s19], [sflag:$0x2] =	stream.linear.gather [hbm4b:s7+s4], $0x1000, $0x38;
	[tilespmem:$0x8080] =	vst v63  }
0x15: {  	s20 =	simm.s32 $0x5000  }
0x16: {  	[tilespmem:s20], [sflag:$0x2] =	stream.linear.gather [hbm4b:s8+s4], $0x1000, $0x38;
	[tilespmem:$0x8080] =	vst v63  }
0x17: {  	s21 =	simm.s32 $0x2000  }
0x18: {  	[tilespmem:s21], [sflag:$0x3] =	stream.linear.gather [hbm4b:s9+s4], $0x1000, $0x38;
	[tilespmem:$0x8080] =	vst v63  }
0x19: {  	s29 =	simm.s32 $0x6000;
	v7 =	vimm.f32 $0.0e+00;
	s0 =	simm.s32 $0x0  }
0x1a: {  	v8 =	vimm.f32 $0.0e+00;
	v24 =	vimm.f32 $0.0e+00;
	v25 =	vimm.f32 $0.0e+00;
	[tilespmem:s29], [sflag:$0x3] =	stream.linear.gather [hbm4b:s10+s4], $0x1000, $0x38;
	[tilespmem:$0x8080] =	vst v63  }
.LBB2_2:
0x1b: {  	_ =	swait.ge [sflag:s22], $0x1000  }
0x1c: {  	s1 =	sshll.u32 s0, $0x2;
	[sflag:s22] =	ssyncset.done $0x0  }
0x1d: {  	s17 =	sadd.s32 s1, s11;
	[sflag:s22] =	ssyncadd.s32 $0xFFFFF000  }
0x1e: {  	s17 =	sshll.u32 s17, $0x9;
	_ =	swait.ge [sflag:s22], $0x1000  }
0x1f: {  	s18 =	sand.u32 $0xFFFFE00, s17;
	[sflag:s22] =	ssyncset.done $0x0  }
0x20: {  	s17 =	simm.s32 $0x0;
	s19 =	sadd.s32 s2, s18;
	[sflag:s22] =	ssyncadd.s32 $0xFFFFF000  }
0x21: {  	[tilespmem:s23], [sflag:$0x4] =	stream.linear.gather [hbm4b:s19+s17], $0x1000, $0x38;
	[tilespmem:$0x8080] =	vst v63  }
0x22: {  	s18 =	sadd.s32 s3, s18;
	s21 =	sand.u32 $0xC00, s17;
	s29 =	sand.u32 $0x380, s17  }
0x23: {  	[tilespmem:s24], [sflag:$0x4] =	stream.linear.gather [hbm4b:s18+s17], $0x1000, $0x38;
	[tilespmem:$0x8080] =	vst v63  }
0x24: {  	s18 =	sor.u32 s29, s21  }
0x25: {  	v2 =	vld [tilespmem:s18+$0x50]  }
0x26: {  	v5 =	vld [tilespmem:s18+$0x4050]  }
0x27: {  	v4 =	vld [tilespmem:s18+$0x40]  }
0x28: {  	v6 =	vld [tilespmem:s18+$0x4040]  }
0x29: {  	v3 =	vld [tilespmem:s18+$0x30]  }
0x2a: {  	v9 =	vld [tilespmem:s18+$0x4030]  }
0x2b: {  	v1 =	vld [tilespmem:s18+$0x20]  }
0x2c: {  	v10 =	vld [tilespmem:s18+$0x4020]  }
0x2d: {  	v11 =	vld [tilespmem:s18+$0x10]  }
0x2e: {  	v12 =	vld [tilespmem:s18+$0x4010]  }
0x2f: {  	v27 =	vld [tilespmem:s18+$0x0]  }
0x30: {  	s20 =	sand.u32 $0x3, s17;
	v13 =	vld [tilespmem:s18+$0x4000]  }
0x31: {  	s21 =	sshll.u32 s20, $0xA;
	v14 =	vcvt.s32.f32 v5  }
0x32: {  	s18 =	sadd.s32 $0x0, s21;
	v18 =	vcvt.s32.f32 v6;
	vm0 =	vgt.f32 v4, $5.000000000e-01;
	vm1 =	vgt.f32 v2, $5.000000000e-01  }
0x33: {  	s29 =	sor.u32 $0x70, s18;
	v31 =	vcvt.s32.f32 v10;
	v21 =	vcvt.s32.f32 v9;
	vm2 =	vgt.f32 v3, $5.000000000e-01  }
0x34: {  	s18 =	sor.u32 $0x60, s18;
	v17 =	vld [tilespmem:s29+$0x4000];
	v30 =	vcvt.s32.f32 v12;
	vm3 =	vgt.f32 v11, $5.000000000e-01;
	vm4 =	vgt.f32 v1, $5.000000000e-01  }
0x35: {  	v29 =	vld [tilespmem:s18+$0x4000];
	v26 =	vcvt.s32.f32 v13;
	vm5 =	vgt.f32 v27, $5.000000000e-01;
	v6 =	vnsel vm1, $0x0, v2  }
0x36: {  	v16 =	vnsel vm2, $0x0, v3;
	v13 =	vnsel vm0, $0x0, v4;
	v10 =	vsel vm1, $0x3F800000, v0  }
0x37: {  	v5 =	vld [tilespmem:s29+$0x0];
	v23 =	vnsel vm3, $0x0, v11;
	v20 =	vnsel vm4, $0x0, v1;
	v15 =	vsel vm0, $0x3F800000, v0  }
0x38: {  	v9 =	vld [tilespmem:s18+$0x0];
	v32 =	vnsel vm5, $0x0, v27;
	v22 =	vsel vm4, $0x3F800000, v0;
	v19 =	vsel vm2, $0x3F800000, v0  }
0x39: {  	v33 =	vsel vm5, $0x3F800000, v0;
	v12 =	vmul.f32 v14, v10;
	v14 =	vcvt.s32.f32 v17  }
0x3a: {  	v28 =	vmul.f32 v26, v33;
	v26 =	vsel vm3, $0x3F800000, v0;
	v17 =	vcvt.s32.f32 v29  }
0x3b: {  	v21 =	vmul.f32 v21, v19;
	v18 =	vmul.f32 v18, v15;
	v25 =	vadd.f32 v33, v25  }
0x3c: {  	v29 =	vmul.f32 v28, v27;
	v27 =	vmul.f32 v30, v26;
	v30 =	vadd.f32 v32, v24  }
0x3d: {  	s19 =	simm.s32 $0x400;
	s20 =	simm.s32 $0x20;
	s18 =	simm.s32 $0x0;
	v24 =	vmul.f32 v31, v22;
	vm0 =	vgt.f32 v5, $5.000000000e-01;
	vm1 =	vgt.f32 v9, $5.000000000e-01  }
.LBB2_3:
0x3e: {  	s21 =	sand.u32 $0xC00, s19;
	s29 =	sand.u32 $0x380, s20;
	v8 =	vadd.f32 v28, v8;
	v7 =	vadd.f32 v29, v7;
	v11 =	vmul.f32 v27, v11  }
0x3f: {  	s21 =	sor.u32 s29, s21;
	v25 =	vadd.f32 v26, v25;
	v23 =	vadd.f32 v23, v30;
	v26 =	vnsel vm1, $0x0, v9  }
0x40: {  	v1 =	vmul.f32 v24, v1;
	v28 =	vld [tilespmem:s21+$0x50];
	v8 =	vadd.f32 v27, v8;
	v7 =	vadd.f32 v11, v7  }
0x41: {  	v27 =	vld [tilespmem:s21+$0x4050];
	v11 =	vadd.f32 v22, v25;
	v20 =	vadd.f32 v20, v23;
	v22 =	vsel vm0, $0x3F800000, v0  }
0x42: {  	v23 =	vld [tilespmem:s21+$0x40];
	v8 =	vadd.f32 v24, v8;
	v1 =	vadd.f32 v1, v7;
	v7 =	vmul.f32 v21, v3  }
0x43: {  	v24 =	vld [tilespmem:s21+$0x4040];
	v11 =	vadd.f32 v19, v11;
	v16 =	vadd.f32 v16, v20;
	v19 =	vsel vm1, $0x3F800000, v0  }
0x44: {  	v3 =	vld [tilespmem:s21+$0x30];
	v8 =	vadd.f32 v21, v8;
	v7 =	vadd.f32 v7, v1;
	v21 =	vmul.f32 v18, v4  }
0x45: {  	v20 =	vld [tilespmem:s21+$0x4030];
	v11 =	vadd.f32 v15, v11;
	v13 =	vadd.f32 v13, v16;
	v15 =	vmul.f32 v12, v2;
	v2 =	vmovc v28  }
0x46: {  	v16 =	vmul.f32 v17, v19;
	v1 =	vld [tilespmem:s21+$0x20];
	v8 =	vadd.f32 v18, v8;
	v7 =	vadd.f32 v21, v7  }
0x47: {  	v17 =	vld [tilespmem:s21+$0x4020];
	v10 =	vadd.f32 v10, v11;
	v6 =	vadd.f32 v6, v13;
	v13 =	vmul.f32 v14, v22;
	v4 =	vmovc v23  }
0x48: {  	v9 =	vmul.f32 v16, v9;
	v11 =	vld [tilespmem:s21+$0x10];
	v8 =	vadd.f32 v12, v8;
	v7 =	vadd.f32 v15, v7  }
0x49: {  	v14 =	vnsel vm0, $0x0, v5;
	v12 =	vld [tilespmem:s21+$0x4010];
	v10 =	vadd.f32 v19, v10;
	v6 =	vadd.f32 v26, v6  }
0x4a: {  	s17 =	sadd.s32 $0x1, s17;
	v5 =	vmul.f32 v13, v5;
	v25 =	vld [tilespmem:s21+$0x0];
	v8 =	vadd.f32 v16, v8;
	v7 =	vadd.f32 v9, v7  }
0x4b: {  	s29 =	sand.u32 $0x3, s17;
	v9 =	vld [tilespmem:s21+$0x4000];
	v30 =	vadd.f32 v22, v10;
	v31 =	vadd.f32 v14, v6  }
0x4c: {  	s18 =	sadd.s32 $0x8, s18;
	s21 =	sshll.u32 s29, $0xA;
	v14 =	vcvt.s32.f32 v27;
	v8 =	vadd.f32 v13, v8;
	v7 =	vadd.f32 v5, v7  }
0x4d: {  	p0 =	slt.u32 s18, $0xF8;
	vm1 =	vgt.f32 v2, $5.000000000e-01;
	v18 =	vcvt.s32.f32 v24;
	vm0 =	vgt.f32 v4, $5.000000000e-01;
	s21 =	sadd.s32 s21, s20  }
0x4e: {  	vm2 =	vgt.f32 v3, $5.000000000e-01;
	v21 =	vcvt.s32.f32 v20;
	v24 =	vcvt.s32.f32 v17;
	s29 =	sor.u32 $0x70, s21  }
0x4f: {  	vm4 =	vgt.f32 v1, $5.000000000e-01;
	vm3 =	vgt.f32 v11, $5.000000000e-01;
	s21 =	sor.u32 $0x60, s21;
	v27 =	vcvt.s32.f32 v12;
	v17 =	vld [tilespmem:s29+$0x4000]  }
0x50: {  	v6 =	vnsel vm1, $0x0, v2;
	vm5 =	vgt.f32 v25, $5.000000000e-01;
	v26 =	vcvt.s32.f32 v9;
	v29 =	vld [tilespmem:s21+$0x4000]  }
0x51: {  	v16 =	vnsel vm2, $0x0, v3;
	v10 =	vsel vm1, $0x3F800000, v0;
	v13 =	vnsel vm0, $0x0, v4;
	v5 =	vld [tilespmem:s29+$0x0]  }
0x52: {  	v15 =	vsel vm0, $0x3F800000, v0;
	v20 =	vnsel vm4, $0x0, v1;
	v23 =	vnsel vm3, $0x0, v11;
	v9 =	vld [tilespmem:s21+$0x0]  }
0x53: {  	v19 =	vsel vm2, $0x3F800000, v0;
	v22 =	vsel vm4, $0x3F800000, v0;
	v32 =	vnsel vm5, $0x0, v25  }
.Ltmp0:
0x54: {  	v12 =	vmul.f32 v14, v10;
	v33 =	vsel vm5, $0x3F800000, v0;
	v14 =	vcvt.s32.f32 v17;
	(pc) =	sbr.rel @p0 .LBB2_3-.Ltmp0, $4  }
0x55: {  	v28 =	vmul.f32 v26, v33;
	v26 =	vsel vm3, $0x3F800000, v0;
	v17 =	vcvt.s32.f32 v29  }
0x56: {  	v18 =	vmul.f32 v18, v15;
	v21 =	vmul.f32 v21, v19;
	vm0 =	vgt.f32 v5, $5.000000000e-01  }
0x57: {  	v27 =	vmul.f32 v27, v26;
	v29 =	vmul.f32 v28, v25;
	vm1 =	vgt.f32 v9, $5.000000000e-01  }
0x58: {  	s19 =	sadd.s32 $0x400, s19;
	s20 =	sadd.s32 $0x20, s20;
	v24 =	vmul.f32 v24, v22;
	v25 =	vadd.f32 v33, v30;
	v30 =	vadd.f32 v32, v31  }
0x59: {  	_ =	swait.ge [sflag:s25], $0x1000  }
0x5a: {  	p0 =	seq.s32 s0, $0x4;
	[sflag:s25] =	ssyncset.done $0x0  }
0x5b: {  	s17 =	sadd.s32 @!p0 s1, s12;
	[sflag:s25] =	ssyncadd.s32 $0xFFFFF000  }
0x5c: {  	s17 =	sshll.u32 @!p0 s17, $0x9;
	_ =	swait.ge [sflag:s25], $0x1000  }
0x5d: {  	s17 =	sand.u32 @!p0 $0xFFFF800, s17;
	[sflag:s25] =	ssyncset.done $0x0  }
0x5e: {  	s19 =	simm.s32 @!p0 $0x0;
	s18 =	sadd.s32 @!p0 s2, s17;
	[sflag:s25] =	ssyncadd.s32 $0xFFFFF000  }
0x5f: {  	[tilespmem:s19], [sflag:$0x1] =	stream.linear.gather @!p0 [hbm4b:s18+s19], $0x1000, $0x38;
	[tilespmem:$0x8080] =	vst v63  }
0x60: {  	s17 =	sadd.s32 @!p0 s3, s17;
	s18 =	simm.s32 @!p0 $0x4000  }
0x61: {  	[tilespmem:s18], [sflag:$0x1] =	stream.linear.gather @!p0 [hbm4b:s17+s19], $0x1000, $0x38;
	[tilespmem:$0x8080] =	vst v63  }
0x62: {  	v8 =	vadd.f32 v28, v8;
	v7 =	vadd.f32 v29, v7;
	v11 =	vmul.f32 v27, v11;
	s17 =	simm.s32 $0x0  }
0x63: {  	v25 =	vadd.f32 v26, v25;
	v23 =	vadd.f32 v23, v30;
	v26 =	vnsel vm1, $0x0, v9;
	s21 =	sand.u32 $0xC00, s17;
	s29 =	sand.u32 $0x380, s17  }
0x64: {  	v8 =	vadd.f32 v27, v8;
	v7 =	vadd.f32 v11, v7;
	v11 =	vmul.f32 v24, v1;
	s18 =	sor.u32 s29, s21  }
0x65: {  	v22 =	vadd.f32 v22, v25;
	v20 =	vadd.f32 v20, v23;
	v23 =	vsel vm0, $0x3F800000, v0;
	v1 =	vld [tilespmem:s18+$0x1050]  }
0x66: {  	v8 =	vadd.f32 v24, v8;
	v7 =	vadd.f32 v11, v7;
	v11 =	vmul.f32 v21, v3;
	v25 =	vld [tilespmem:s18+$0x5050]  }
0x67: {  	v19 =	vadd.f32 v19, v22;
	v16 =	vadd.f32 v16, v20;
	v20 =	vsel vm1, $0x3F800000, v0;
	v3 =	vld [tilespmem:s18+$0x1040]  }
0x68: {  	v8 =	vadd.f32 v21, v8;
	v7 =	vadd.f32 v11, v7;
	v11 =	vmul.f32 v18, v4;
	v22 =	vld [tilespmem:s18+$0x5040]  }
0x69: {  	v15 =	vadd.f32 v15, v19;
	v13 =	vadd.f32 v13, v16;
	v16 =	vmul.f32 v12, v2;
	v4 =	vld [tilespmem:s18+$0x1030]  }
0x6a: {  	v8 =	vadd.f32 v18, v8;
	v7 =	vadd.f32 v11, v7;
	v11 =	vmul.f32 v17, v20;
	v19 =	vld [tilespmem:s18+$0x5030]  }
0x6b: {  	v10 =	vadd.f32 v10, v15;
	v6 =	vadd.f32 v6, v13;
	v13 =	vmul.f32 v14, v23;
	v2 =	vld [tilespmem:s18+$0x1020]  }
0x6c: {  	v8 =	vadd.f32 v12, v8;
	v12 =	vadd.f32 v16, v7;
	v9 =	vmul.f32 v11, v9;
	v14 =	vld [tilespmem:s18+$0x5020]  }
0x6d: {  	v15 =	vnsel vm0, $0x0, v5;
	v7 =	vld [tilespmem:s18+$0x1010];
	v10 =	vadd.f32 v20, v10;
	v6 =	vadd.f32 v26, v6  }
0x6e: {  	v17 =	vld [tilespmem:s18+$0x5010];
	v5 =	vmul.f32 v13, v5;
	v8 =	vadd.f32 v11, v8;
	v9 =	vadd.f32 v9, v12  }
0x6f: {  	v24 =	vld [tilespmem:s18+$0x1000];
	v29 =	vadd.f32 v23, v10;
	v30 =	vadd.f32 v15, v6  }
0x70: {  	s20 =	sand.u32 $0x3, s17;
	v15 =	vadd.f32 v13, v8;
	v16 =	vadd.f32 v5, v9;
	v10 =	vcvt.s32.f32 v25  }
0x71: {  	s21 =	sshll.u32 s20, $0xA;
	v18 =	vcvt.s32.f32 v22;
	vm0 =	vgt.f32 v3, $5.000000000e-01;
	vm1 =	vgt.f32 v1, $5.000000000e-01  }
0x72: {  	v6 =	vld [tilespmem:s18+$0x5000];
	s18 =	sadd.s32 $0x0, s21;
	v31 =	vcvt.s32.f32 v14;
	v21 =	vcvt.s32.f32 v19;
	vm2 =	vgt.f32 v4, $5.000000000e-01  }
0x73: {  	s29 =	sor.u32 $0x1070, s18;
	v26 =	vcvt.s32.f32 v17;
	vm3 =	vgt.f32 v7, $5.000000000e-01;
	vm4 =	vgt.f32 v2, $5.000000000e-01  }
0x74: {  	s18 =	sor.u32 $0x1060, s18;
	v12 =	vld [tilespmem:s29+$0x4000];
	vm5 =	vgt.f32 v24, $5.000000000e-01;
	v14 =	vnsel vm2, $0x0, v4;
	v11 =	vnsel vm0, $0x0, v3  }
0x75: {  	v28 =	vld [tilespmem:s18+$0x4000];
	v9 =	vsel vm1, $0x3F800000, v0;
	v23 =	vnsel vm3, $0x0, v7;
	v20 =	vnsel vm4, $0x0, v2  }
0x76: {  	v5 =	vld [tilespmem:s29+$0x0];
	v13 =	vsel vm0, $0x3F800000, v0;
	v32 =	vnsel vm5, $0x0, v24;
	v22 =	vsel vm4, $0x3F800000, v0  }
0x77: {  	v8 =	vld [tilespmem:s18+$0x0];
	v19 =	vsel vm2, $0x3F800000, v0;
	v33 =	vsel vm5, $0x3F800000, v0;
	v17 =	vcvt.s32.f32 v6  }
0x78: {  	v25 =	vsel vm3, $0x3F800000, v0;
	v10 =	vmul.f32 v10, v9;
	v21 =	vmul.f32 v21, v19  }
0x79: {  	v6 =	vnsel vm1, $0x0, v1;
	v18 =	vmul.f32 v18, v13;
	v27 =	vmul.f32 v17, v33  }
0x7a: {  	v26 =	vmul.f32 v26, v25;
	v29 =	vadd.f32 v33, v29;
	v12 =	vcvt.s32.f32 v12  }
0x7b: {  	v30 =	vadd.f32 v32, v30;
	v17 =	vcvt.s32.f32 v28;
	v28 =	vmul.f32 v27, v24  }
0x7c: {  	s19 =	simm.s32 $0x400;
	s20 =	simm.s32 $0x20;
	s18 =	simm.s32 $0x0;
	vm0 =	vgt.f32 v5, $5.000000000e-01;
	vm1 =	vgt.f32 v8, $5.000000000e-01;
	v24 =	vmul.f32 v31, v22  }
.LBB2_5:
0x7d: {  	s21 =	sand.u32 $0xC00, s19;
	s29 =	sand.u32 $0x380, s20;
	v15 =	vadd.f32 v27, v15;
	v16 =	vadd.f32 v28, v16;
	v7 =	vmul.f32 v26, v7  }
0x7e: {  	v27 =	vnsel vm1, $0x0, v8;
	s21 =	sor.u32 s29, s21;
	v25 =	vadd.f32 v25, v29;
	v23 =	vadd.f32 v23, v30  }
0x7f: {  	v2 =	vmul.f32 v24, v2;
	v28 =	vld [tilespmem:s21+$0x1050];
	v15 =	vadd.f32 v26, v15;
	v7 =	vadd.f32 v7, v16  }
0x80: {  	v16 =	vld [tilespmem:s21+$0x5050];
	v22 =	vadd.f32 v22, v25;
	v20 =	vadd.f32 v20, v23;
	v23 =	vsel vm0, $0x3F800000, v0  }
0x81: {  	v25 =	vld [tilespmem:s21+$0x1040];
	v15 =	vadd.f32 v24, v15;
	v2 =	vadd.f32 v2, v7;
	v7 =	vmul.f32 v21, v4  }
0x82: {  	v24 =	vld [tilespmem:s21+$0x5040];
	v19 =	vadd.f32 v19, v22;
	v14 =	vadd.f32 v14, v20;
	v20 =	vsel vm1, $0x3F800000, v0  }
0x83: {  	v22 =	vmul.f32 v18, v3;
	v4 =	vld [tilespmem:s21+$0x1030];
	v15 =	vadd.f32 v21, v15;
	v7 =	vadd.f32 v7, v2  }
0x84: {  	v21 =	vld [tilespmem:s21+$0x5030];
	v13 =	vadd.f32 v13, v19;
	v11 =	vadd.f32 v11, v14;
	v14 =	vmul.f32 v10, v1;
	v1 =	vmovc v28  }
0x85: {  	v17 =	vmul.f32 v17, v20;
	v2 =	vld [tilespmem:s21+$0x1020];
	v15 =	vadd.f32 v18, v15;
	v18 =	vadd.f32 v22, v7  }
0x86: {  	v19 =	vld [tilespmem:s21+$0x5020];
	v9 =	vadd.f32 v9, v13;
	v6 =	vadd.f32 v6, v11;
	v11 =	vmul.f32 v12, v23;
	v3 =	vmovc v25  }
0x87: {  	v8 =	vmul.f32 v17, v8;
	v7 =	vld [tilespmem:s21+$0x1010];
	v10 =	vadd.f32 v10, v15;
	v12 =	vadd.f32 v14, v18  }
0x88: {  	v14 =	vnsel vm0, $0x0, v5;
	v13 =	vld [tilespmem:s21+$0x5010];
	v9 =	vadd.f32 v20, v9;
	v6 =	vadd.f32 v27, v6  }
0x89: {  	s17 =	sadd.s32 $0x1, s17;
	v5 =	vmul.f32 v11, v5;
	v26 =	vld [tilespmem:s21+$0x1000];
	v10 =	vadd.f32 v17, v10;
	v8 =	vadd.f32 v8, v12  }
0x8a: {  	s29 =	sand.u32 $0x3, s17;
	v12 =	vld [tilespmem:s21+$0x5000];
	v29 =	vadd.f32 v23, v9;
	v30 =	vadd.f32 v14, v6  }
0x8b: {  	s18 =	sadd.s32 $0x8, s18;
	v17 =	vcvt.s32.f32 v16;
	s21 =	sshll.u32 s29, $0xA;
	v15 =	vadd.f32 v11, v10;
	v16 =	vadd.f32 v5, v8  }
0x8c: {  	p1 =	slt.u32 s18, $0xF8;
	vm1 =	vgt.f32 v1, $5.000000000e-01;
	v18 =	vcvt.s32.f32 v24;
	vm0 =	vgt.f32 v3, $5.000000000e-01;
	s21 =	sadd.s32 s21, s20  }
0x8d: {  	vm2 =	vgt.f32 v4, $5.000000000e-01;
	v21 =	vcvt.s32.f32 v21;
	v24 =	vcvt.s32.f32 v19;
	s29 =	sor.u32 $0x1070, s21  }
0x8e: {  	vm4 =	vgt.f32 v2, $5.000000000e-01;
	vm3 =	vgt.f32 v7, $5.000000000e-01;
	s21 =	sor.u32 $0x1060, s21;
	v31 =	vcvt.s32.f32 v13;
	v25 =	vld [tilespmem:s29+$0x4000]  }
0x8f: {  	v6 =	vnsel vm1, $0x0, v1;
	vm5 =	vgt.f32 v26, $5.000000000e-01;
	v27 =	vcvt.s32.f32 v12;
	v28 =	vld [tilespmem:s21+$0x4000]  }
0x90: {  	v14 =	vnsel vm2, $0x0, v4;
	v9 =	vsel vm1, $0x3F800000, v0;
	v11 =	vnsel vm0, $0x0, v3;
	v5 =	vld [tilespmem:s29+$0x0]  }
0x91: {  	v20 =	vnsel vm4, $0x0, v2;
	v23 =	vnsel vm3, $0x0, v7;
	v13 =	vsel vm0, $0x3F800000, v0;
	v8 =	vld [tilespmem:s21+$0x0]  }
0x92: {  	v22 =	vsel vm4, $0x3F800000, v0;
	v19 =	vsel vm2, $0x3F800000, v0;
	v32 =	vnsel vm5, $0x0, v26  }
.Ltmp1:
0x93: {  	v10 =	vmul.f32 v17, v9;
	v33 =	vsel vm5, $0x3F800000, v0;
	v12 =	vcvt.s32.f32 v25;
	(pc) =	sbr.rel @p1 .LBB2_5-.Ltmp1, $4  }
0x94: {  	v27 =	vmul.f32 v27, v33;
	v25 =	vsel vm3, $0x3F800000, v0;
	v17 =	vcvt.s32.f32 v28  }
0x95: {  	v21 =	vmul.f32 v21, v19;
	v18 =	vmul.f32 v18, v13;
	vm0 =	vgt.f32 v5, $5.000000000e-01  }
0x96: {  	v28 =	vmul.f32 v27, v26;
	v26 =	vmul.f32 v31, v25;
	vm1 =	vgt.f32 v8, $5.000000000e-01  }
0x97: {  	s19 =	sadd.s32 $0x400, s19;
	s20 =	sadd.s32 $0x20, s20;
	v24 =	vmul.f32 v24, v22;
	v29 =	vadd.f32 v33, v29;
	v30 =	vadd.f32 v32, v30  }
0x98: {  	_ =	swait.ge [sflag:s26], $0x1000  }
0x99: {  	[sflag:s26] =	ssyncset.done $0x0  }
0x9a: {  	s17 =	sadd.s32 @!p0 s1, s13;
	[sflag:s26] =	ssyncadd.s32 $0xFFFFF000  }
0x9b: {  	s17 =	sshll.u32 @!p0 s17, $0x9;
	_ =	swait.ge [sflag:s26], $0x1000  }
0x9c: {  	s19 =	simm.s32 @!p0 $0x0;
	s17 =	sand.u32 @!p0 $0xFFFFA00, s17;
	[sflag:s26] =	ssyncset.done $0x0  }
0x9d: {  	s20 =	simm.s32 @!p0 $0x1000;
	s18 =	sadd.s32 @!p0 s2, s17;
	[sflag:s26] =	ssyncadd.s32 $0xFFFFF000  }
0x9e: {  	[tilespmem:s20], [sflag:$0x2] =	stream.linear.gather @!p0 [hbm4b:s18+s19], $0x1000, $0x38;
	[tilespmem:$0x8080] =	vst v63  }
0x9f: {  	s17 =	sadd.s32 @!p0 s3, s17;
	s18 =	simm.s32 @!p0 $0x5000  }
0xa0: {  	[tilespmem:s18], [sflag:$0x2] =	stream.linear.gather @!p0 [hbm4b:s17+s19], $0x1000, $0x38;
	[tilespmem:$0x8080] =	vst v63  }
0xa1: {  	v15 =	vadd.f32 v27, v15;
	v16 =	vadd.f32 v28, v16;
	v7 =	vmul.f32 v26, v7;
	s17 =	simm.s32 $0x0  }
0xa2: {  	v27 =	vnsel vm1, $0x0, v8;
	v25 =	vadd.f32 v25, v29;
	v23 =	vadd.f32 v23, v30;
	s21 =	sand.u32 $0xC00, s17;
	s29 =	sand.u32 $0x380, s17  }
0xa3: {  	v15 =	vadd.f32 v26, v15;
	v7 =	vadd.f32 v7, v16;
	v16 =	vmul.f32 v24, v2;
	s18 =	sor.u32 s29, s21  }
0xa4: {  	v22 =	vadd.f32 v22, v25;
	v20 =	vadd.f32 v20, v23;
	v23 =	vsel vm0, $0x3F800000, v0;
	v2 =	vld [tilespmem:s18+$0x2050]  }
0xa5: {  	v15 =	vadd.f32 v24, v15;
	v7 =	vadd.f32 v16, v7;
	v16 =	vmul.f32 v21, v4;
	v25 =	vld [tilespmem:s18+$0x6050]  }
0xa6: {  	v19 =	vadd.f32 v19, v22;
	v14 =	vadd.f32 v14, v20;
	v20 =	vsel vm1, $0x3F800000, v0;
	v4 =	vld [tilespmem:s18+$0x2040]  }
0xa7: {  	v15 =	vadd.f32 v21, v15;
	v7 =	vadd.f32 v16, v7;
	v16 =	vmul.f32 v18, v3;
	v22 =	vld [tilespmem:s18+$0x6040]  }
0xa8: {  	v13 =	vadd.f32 v13, v19;
	v11 =	vadd.f32 v11, v14;
	v14 =	vmul.f32 v10, v1;
	v3 =	vld [tilespmem:s18+$0x2030]  }
0xa9: {  	v15 =	vadd.f32 v18, v15;
	v7 =	vadd.f32 v16, v7;
	v16 =	vmul.f32 v17, v20;
	v19 =	vld [tilespmem:s18+$0x6030]  }
0xaa: {  	v9 =	vadd.f32 v9, v13;
	v6 =	vadd.f32 v6, v11;
	v11 =	vmul.f32 v12, v23;
	v1 =	vld [tilespmem:s18+$0x2020]  }
0xab: {  	v10 =	vadd.f32 v10, v15;
	v13 =	vadd.f32 v14, v7;
	v8 =	vmul.f32 v16, v8;
	v12 =	vld [tilespmem:s18+$0x6020]  }
0xac: {  	v14 =	vnsel vm0, $0x0, v5;
	v7 =	vld [tilespmem:s18+$0x2010];
	v9 =	vadd.f32 v20, v9;
	v6 =	vadd.f32 v27, v6  }
0xad: {  	v17 =	vld [tilespmem:s18+$0x6010];
	v5 =	vmul.f32 v11, v5;
	v10 =	vadd.f32 v16, v10;
	v8 =	vadd.f32 v8, v13  }
0xae: {  	v24 =	vld [tilespmem:s18+$0x2000];
	v29 =	vadd.f32 v23, v9;
	v30 =	vadd.f32 v14, v6  }
0xaf: {  	s20 =	sand.u32 $0x3, s17;
	v15 =	vadd.f32 v11, v10;
	v16 =	vadd.f32 v5, v8;
	v10 =	vcvt.s32.f32 v25  }
0xb0: {  	s21 =	sshll.u32 s20, $0xA;
	v18 =	vcvt.s32.f32 v22;
	vm0 =	vgt.f32 v4, $5.000000000e-01;
	vm1 =	vgt.f32 v2, $5.000000000e-01  }
0xb1: {  	v6 =	vld [tilespmem:s18+$0x6000];
	s18 =	sadd.s32 $0x0, s21;
	v31 =	vcvt.s32.f32 v12;
	v21 =	vcvt.s32.f32 v19;
	vm2 =	vgt.f32 v3, $5.000000000e-01  }
0xb2: {  	s29 =	sor.u32 $0x2070, s18;
	s18 =	sor.u32 $0x2060, s18;
	v26 =	vcvt.s32.f32 v17;
	vm3 =	vgt.f32 v7, $5.000000000e-01;
	vm4 =	vgt.f32 v1, $5.000000000e-01  }
0xb3: {  	v28 =	vld [tilespmem:s18+$0x4000];
	vm5 =	vgt.f32 v24, $5.000000000e-01;
	v14 =	vnsel vm2, $0x0, v3;
	v11 =	vnsel vm0, $0x0, v4  }
0xb4: {  	v5 =	vld [tilespmem:s29+$0x0];
	v9 =	vsel vm1, $0x3F800000, v0;
	v23 =	vnsel vm3, $0x0, v7;
	v20 =	vnsel vm4, $0x0, v1  }
0xb5: {  	v8 =	vld [tilespmem:s18+$0x0];
	v13 =	vsel vm0, $0x3F800000, v0;
	v32 =	vnsel vm5, $0x0, v24;
	v22 =	vsel vm4, $0x3F800000, v0  }
0xb6: {  	v12 =	vld [tilespmem:s29+$0x4000];
	v19 =	vsel vm2, $0x3F800000, v0;
	v33 =	vsel vm5, $0x3F800000, v0;
	v17 =	vcvt.s32.f32 v6  }
0xb7: {  	v25 =	vsel vm3, $0x3F800000, v0;
	v10 =	vmul.f32 v10, v9;
	v21 =	vmul.f32 v21, v19  }
0xb8: {  	v6 =	vnsel vm1, $0x0, v2;
	v18 =	vmul.f32 v18, v13;
	v27 =	vmul.f32 v17, v33  }
0xb9: {  	v26 =	vmul.f32 v26, v25;
	v29 =	vadd.f32 v33, v29;
	v30 =	vadd.f32 v32, v30  }
0xba: {  	v17 =	vcvt.s32.f32 v28;
	vm0 =	vgt.f32 v5, $5.000000000e-01;
	v28 =	vmul.f32 v27, v24  }
0xbb: {  	s19 =	simm.s32 $0x400;
	s20 =	simm.s32 $0x20;
	s18 =	simm.s32 $0x0;
	vm1 =	vgt.f32 v8, $5.000000000e-01;
	v12 =	vcvt.s32.f32 v12;
	v24 =	vmul.f32 v31, v22  }
.LBB2_7:
0xbc: {  	s21 =	sand.u32 $0xC00, s19;
	s29 =	sand.u32 $0x380, s20;
	v15 =	vadd.f32 v27, v15;
	v16 =	vadd.f32 v28, v16;
	v7 =	vmul.f32 v26, v7  }
0xbd: {  	v27 =	vnsel vm1, $0x0, v8;
	s21 =	sor.u32 s29, s21;
	v25 =	vadd.f32 v25, v29;
	v23 =	vadd.f32 v23, v30  }
0xbe: {  	v1 =	vmul.f32 v24, v1;
	v28 =	vld [tilespmem:s21+$0x2050];
	v15 =	vadd.f32 v26, v15;
	v7 =	vadd.f32 v7, v16  }
0xbf: {  	v16 =	vld [tilespmem:s21+$0x6050];
	v22 =	vadd.f32 v22, v25;
	v20 =	vadd.f32 v20, v23;
	v23 =	vsel vm0, $0x3F800000, v0  }
0xc0: {  	v25 =	vld [tilespmem:s21+$0x2040];
	v15 =	vadd.f32 v24, v15;
	v1 =	vadd.f32 v1, v7;
	v7 =	vmul.f32 v21, v3  }
0xc1: {  	v24 =	vld [tilespmem:s21+$0x6040];
	v19 =	vadd.f32 v19, v22;
	v14 =	vadd.f32 v14, v20;
	v20 =	vsel vm1, $0x3F800000, v0  }
0xc2: {  	v22 =	vmul.f32 v18, v4;
	v3 =	vld [tilespmem:s21+$0x2030];
	v15 =	vadd.f32 v21, v15;
	v7 =	vadd.f32 v7, v1  }
0xc3: {  	v21 =	vld [tilespmem:s21+$0x6030];
	v13 =	vadd.f32 v13, v19;
	v11 =	vadd.f32 v11, v14;
	v14 =	vmul.f32 v10, v2;
	v2 =	vmovc v28  }
0xc4: {  	v17 =	vmul.f32 v17, v20;
	v1 =	vld [tilespmem:s21+$0x2020];
	v15 =	vadd.f32 v18, v15;
	v18 =	vadd.f32 v22, v7  }
0xc5: {  	v19 =	vld [tilespmem:s21+$0x6020];
	v9 =	vadd.f32 v9, v13;
	v6 =	vadd.f32 v6, v11;
	v11 =	vmul.f32 v12, v23;
	v4 =	vmovc v25  }
0xc6: {  	v8 =	vmul.f32 v17, v8;
	v7 =	vld [tilespmem:s21+$0x2010];
	v10 =	vadd.f32 v10, v15;
	v12 =	vadd.f32 v14, v18  }
0xc7: {  	v14 =	vnsel vm0, $0x0, v5;
	v13 =	vld [tilespmem:s21+$0x6010];
	v9 =	vadd.f32 v20, v9;
	v6 =	vadd.f32 v27, v6  }
0xc8: {  	s17 =	sadd.s32 $0x1, s17;
	v5 =	vmul.f32 v11, v5;
	v26 =	vld [tilespmem:s21+$0x2000];
	v10 =	vadd.f32 v17, v10;
	v8 =	vadd.f32 v8, v12  }
0xc9: {  	s29 =	sand.u32 $0x3, s17;
	v12 =	vld [tilespmem:s21+$0x6000];
	v29 =	vadd.f32 v23, v9;
	v30 =	vadd.f32 v14, v6  }
0xca: {  	s18 =	sadd.s32 $0x8, s18;
	v17 =	vcvt.s32.f32 v16;
	s21 =	sshll.u32 s29, $0xA;
	v15 =	vadd.f32 v11, v10;
	v16 =	vadd.f32 v5, v8  }
0xcb: {  	p1 =	slt.u32 s18, $0xF8;
	vm1 =	vgt.f32 v2, $5.000000000e-01;
	v18 =	vcvt.s32.f32 v24;
	vm0 =	vgt.f32 v4, $5.000000000e-01;
	s21 =	sadd.s32 s21, s20  }
0xcc: {  	vm2 =	vgt.f32 v3, $5.000000000e-01;
	v21 =	vcvt.s32.f32 v21;
	v24 =	vcvt.s32.f32 v19;
	s29 =	sor.u32 $0x2070, s21  }
0xcd: {  	vm4 =	vgt.f32 v1, $5.000000000e-01;
	vm3 =	vgt.f32 v7, $5.000000000e-01;
	s21 =	sor.u32 $0x2060, s21;
	v31 =	vcvt.s32.f32 v13;
	v25 =	vld [tilespmem:s29+$0x4000]  }
0xce: {  	v6 =	vnsel vm1, $0x0, v2;
	vm5 =	vgt.f32 v26, $5.000000000e-01;
	v27 =	vcvt.s32.f32 v12;
	v28 =	vld [tilespmem:s21+$0x4000]  }
0xcf: {  	v14 =	vnsel vm2, $0x0, v3;
	v9 =	vsel vm1, $0x3F800000, v0;
	v11 =	vnsel vm0, $0x0, v4;
	v5 =	vld [tilespmem:s29+$0x0]  }
0xd0: {  	v20 =	vnsel vm4, $0x0, v1;
	v23 =	vnsel vm3, $0x0, v7;
	v13 =	vsel vm0, $0x3F800000, v0;
	v8 =	vld [tilespmem:s21+$0x0]  }
0xd1: {  	v22 =	vsel vm4, $0x3F800000, v0;
	v19 =	vsel vm2, $0x3F800000, v0;
	v32 =	vnsel vm5, $0x0, v26  }
.Ltmp2:
0xd2: {  	v10 =	vmul.f32 v17, v9;
	v33 =	vsel vm5, $0x3F800000, v0;
	v12 =	vcvt.s32.f32 v25;
	(pc) =	sbr.rel @p1 .LBB2_7-.Ltmp2, $4  }
0xd3: {  	v27 =	vmul.f32 v27, v33;
	v25 =	vsel vm3, $0x3F800000, v0;
	v17 =	vcvt.s32.f32 v28  }
0xd4: {  	v21 =	vmul.f32 v21, v19;
	v18 =	vmul.f32 v18, v13;
	vm0 =	vgt.f32 v5, $5.000000000e-01  }
0xd5: {  	v28 =	vmul.f32 v27, v26;
	v26 =	vmul.f32 v31, v25;
	vm1 =	vgt.f32 v8, $5.000000000e-01  }
0xd6: {  	s19 =	sadd.s32 $0x400, s19;
	s20 =	sadd.s32 $0x20, s20;
	v24 =	vmul.f32 v24, v22;
	v29 =	vadd.f32 v33, v29;
	v30 =	vadd.f32 v32, v30  }
0xd7: {  	_ =	swait.ge [sflag:s28], $0x1000  }
0xd8: {  	[sflag:s28] =	ssyncset.done $0x0  }
0xd9: {  	s1 =	sadd.s32 @!p0 s1, s14;
	[sflag:s28] =	ssyncadd.s32 $0xFFFFF000  }
0xda: {  	s1 =	sshll.u32 @!p0 s1, $0x9;
	_ =	swait.ge [sflag:s28], $0x1000  }
0xdb: {  	s18 =	simm.s32 @!p0 $0x0;
	s1 =	sand.u32 @!p0 $0xFFFFC00, s1;
	[sflag:s28] =	ssyncset.done $0x0  }
0xdc: {  	s19 =	simm.s32 @!p0 $0x2000;
	s17 =	sadd.s32 @!p0 s2, s1;
	[sflag:s28] =	ssyncadd.s32 $0xFFFFF000  }
0xdd: {  	[tilespmem:s19], [sflag:$0x3] =	stream.linear.gather @!p0 [hbm4b:s17+s18], $0x1000, $0x38;
	[tilespmem:$0x8080] =	vst v63  }
0xde: {  	s1 =	sadd.s32 @!p0 s3, s1;
	s17 =	simm.s32 @!p0 $0x6000  }
0xdf: {  	[tilespmem:s17], [sflag:$0x3] =	stream.linear.gather @!p0 [hbm4b:s1+s18], $0x1000, $0x38;
	[tilespmem:$0x8080] =	vst v63  }
0xe0: {  	s1 =	simm.s32 $0x0  }
0xe1: {  	v15 =	vadd.f32 v27, v15;
	v16 =	vadd.f32 v28, v16;
	v7 =	vmul.f32 v26, v7;
	s18 =	sand.u32 $0xC00, s1;
	s19 =	sand.u32 $0x380, s1  }
0xe2: {  	v27 =	vnsel vm1, $0x0, v8;
	v25 =	vadd.f32 v25, v29;
	v23 =	vadd.f32 v23, v30;
	s17 =	sor.u32 s19, s18  }
0xe3: {  	v15 =	vadd.f32 v26, v15;
	v7 =	vadd.f32 v7, v16;
	v16 =	vmul.f32 v24, v1;
	v1 =	vld [tilespmem:s17+$0x3050]  }
0xe4: {  	v22 =	vadd.f32 v22, v25;
	v20 =	vadd.f32 v20, v23;
	v23 =	vsel vm0, $0x3F800000, v0;
	v25 =	vld [tilespmem:s17+$0x7050]  }
0xe5: {  	v15 =	vadd.f32 v24, v15;
	v7 =	vadd.f32 v16, v7;
	v16 =	vmul.f32 v21, v3;
	v3 =	vld [tilespmem:s17+$0x3040]  }
0xe6: {  	v19 =	vadd.f32 v19, v22;
	v14 =	vadd.f32 v14, v20;
	v20 =	vsel vm1, $0x3F800000, v0;
	v22 =	vld [tilespmem:s17+$0x7040]  }
0xe7: {  	v15 =	vadd.f32 v21, v15;
	v7 =	vadd.f32 v16, v7;
	v16 =	vmul.f32 v18, v4;
	v4 =	vld [tilespmem:s17+$0x3030]  }
0xe8: {  	v13 =	vadd.f32 v13, v19;
	v11 =	vadd.f32 v11, v14;
	v14 =	vmul.f32 v10, v2;
	v19 =	vld [tilespmem:s17+$0x7030]  }
0xe9: {  	v15 =	vadd.f32 v18, v15;
	v7 =	vadd.f32 v16, v7;
	v16 =	vmul.f32 v17, v20;
	v2 =	vld [tilespmem:s17+$0x3020]  }
0xea: {  	v12 =	vmul.f32 v12, v23;
	v9 =	vadd.f32 v9, v13;
	v11 =	vadd.f32 v6, v11;
	v17 =	vld [tilespmem:s17+$0x7020]  }
0xeb: {  	v10 =	vadd.f32 v10, v15;
	v7 =	vadd.f32 v14, v7;
	v8 =	vmul.f32 v16, v8;
	v6 =	vld [tilespmem:s17+$0x3010]  }
0xec: {  	v13 =	vnsel vm0, $0x0, v5;
	v9 =	vadd.f32 v20, v9;
	v11 =	vadd.f32 v27, v11;
	v15 =	vld [tilespmem:s17+$0x7010]  }
0xed: {  	v5 =	vmul.f32 v12, v5;
	v27 =	vld [tilespmem:s17+$0x3000];
	v10 =	vadd.f32 v16, v10;
	v7 =	vadd.f32 v8, v7  }
0xee: {  	v8 =	vld [tilespmem:s17+$0x7000];
	v29 =	vadd.f32 v23, v9;
	v30 =	vadd.f32 v13, v11  }
0xef: {  	s20 =	sand.u32 $0x3, s1;
	v13 =	vadd.f32 v12, v10;
	v14 =	vadd.f32 v5, v7;
	v11 =	vcvt.s32.f32 v25  }
0xf0: {  	s21 =	sshll.u32 s20, $0xA;
	v18 =	vcvt.s32.f32 v22;
	vm0 =	vgt.f32 v3, $5.000000000e-01;
	vm1 =	vgt.f32 v1, $5.000000000e-01  }
0xf1: {  	s17 =	sadd.s32 $0x0, s21;
	v25 =	vcvt.s32.f32 v17;
	v21 =	vcvt.s32.f32 v19;
	vm2 =	vgt.f32 v4, $5.000000000e-01  }
0xf2: {  	s29 =	sor.u32 $0x3070, s17;
	v31 =	vcvt.s32.f32 v15;
	vm3 =	vgt.f32 v6, $5.000000000e-01;
	vm4 =	vgt.f32 v2, $5.000000000e-01  }
0xf3: {  	s17 =	sor.u32 $0x3060, s17;
	v12 =	vld [tilespmem:s29+$0x4000];
	vm5 =	vgt.f32 v27, $5.000000000e-01;
	v17 =	vcvt.s32.f32 v8;
	v7 =	vnsel vm1, $0x0, v1  }
0xf4: {  	v28 =	vld [tilespmem:s17+$0x4000];
	v16 =	vnsel vm2, $0x0, v4;
	v10 =	vnsel vm0, $0x0, v3;
	v9 =	vsel vm1, $0x3F800000, v0  }
0xf5: {  	v5 =	vld [tilespmem:s29+$0x0];
	v23 =	vnsel vm3, $0x0, v6;
	v20 =	vnsel vm4, $0x0, v2;
	v15 =	vsel vm0, $0x3F800000, v0  }
0xf6: {  	v8 =	vld [tilespmem:s17+$0x0];
	v32 =	vnsel vm5, $0x0, v27;
	v22 =	vsel vm4, $0x3F800000, v0;
	v19 =	vsel vm2, $0x3F800000, v0  }
0xf7: {  	v33 =	vsel vm5, $0x3F800000, v0;
	v11 =	vmul.f32 v11, v9;
	v21 =	vmul.f32 v21, v19  }
0xf8: {  	v24 =	vsel vm3, $0x3F800000, v0;
	v18 =	vmul.f32 v18, v15;
	v26 =	vmul.f32 v17, v33  }
0xf9: {  	v29 =	vadd.f32 v33, v29;
	v25 =	vmul.f32 v25, v22;
	v17 =	vcvt.s32.f32 v28  }
0xfa: {  	v30 =	vadd.f32 v32, v30;
	v28 =	vmul.f32 v26, v27;
	v27 =	vmul.f32 v31, v24  }
0xfb: {  	s18 =	simm.s32 $0x400;
	s19 =	simm.s32 $0x20;
	s17 =	simm.s32 $0x0;
	v12 =	vcvt.s32.f32 v12;
	vm0 =	vgt.f32 v5, $5.000000000e-01;
	vm1 =	vgt.f32 v8, $5.000000000e-01  }
.LBB2_9:
0xfc: {  	s20 =	sand.u32 $0xC00, s18;
	s21 =	sand.u32 $0x380, s19;
	v13 =	vadd.f32 v26, v13;
	v14 =	vadd.f32 v28, v14;
	v6 =	vmul.f32 v27, v6  }
0xfd: {  	v26 =	vnsel vm1, $0x0, v8;
	s20 =	sor.u32 s21, s20;
	v24 =	vadd.f32 v24, v29;
	v23 =	vadd.f32 v23, v30  }
0xfe: {  	v2 =	vmul.f32 v25, v2;
	v28 =	vld [tilespmem:s20+$0x3050];
	v13 =	vadd.f32 v27, v13;
	v6 =	vadd.f32 v6, v14  }
0xff: {  	v14 =	vld [tilespmem:s20+$0x7050];
	v22 =	vadd.f32 v22, v24;
	v20 =	vadd.f32 v20, v23;
	v23 =	vsel vm0, $0x3F800000, v0  }
0x100: {  	v24 =	vld [tilespmem:s20+$0x3040];
	v13 =	vadd.f32 v25, v13;
	v2 =	vadd.f32 v2, v6;
	v6 =	vmul.f32 v21, v4  }
0x101: {  	v25 =	vld [tilespmem:s20+$0x7040];
	v19 =	vadd.f32 v19, v22;
	v16 =	vadd.f32 v16, v20;
	v20 =	vsel vm1, $0x3F800000, v0  }
0x102: {  	v22 =	vmul.f32 v18, v3;
	v4 =	vld [tilespmem:s20+$0x3030];
	v13 =	vadd.f32 v21, v13;
	v6 =	vadd.f32 v6, v2  }
0x103: {  	v21 =	vld [tilespmem:s20+$0x7030];
	v15 =	vadd.f32 v15, v19;
	v10 =	vadd.f32 v10, v16;
	v16 =	vmul.f32 v11, v1;
	v1 =	vmovc v28  }
0x104: {  	v17 =	vmul.f32 v17, v20;
	v2 =	vld [tilespmem:s20+$0x3020];
	v13 =	vadd.f32 v18, v13;
	v18 =	vadd.f32 v22, v6  }
0x105: {  	v19 =	vld [tilespmem:s20+$0x7020];
	v9 =	vadd.f32 v9, v15;
	v7 =	vadd.f32 v7, v10;
	v10 =	vmul.f32 v12, v23;
	v3 =	vmovc v24  }
0x106: {  	v8 =	vmul.f32 v17, v8;
	v6 =	vld [tilespmem:s20+$0x3010];
	v11 =	vadd.f32 v11, v13;
	v12 =	vadd.f32 v16, v18  }
0x107: {  	v13 =	vnsel vm0, $0x0, v5;
	v15 =	vld [tilespmem:s20+$0x7010];
	v9 =	vadd.f32 v20, v9;
	v7 =	vadd.f32 v26, v7  }
0x108: {  	s1 =	sadd.s32 $0x1, s1;
	v5 =	vmul.f32 v10, v5;
	v27 =	vld [tilespmem:s20+$0x3000];
	v11 =	vadd.f32 v17, v11;
	v8 =	vadd.f32 v8, v12  }
0x109: {  	s21 =	sand.u32 $0x3, s1;
	v12 =	vld [tilespmem:s20+$0x7000];
	v29 =	vadd.f32 v23, v9;
	v30 =	vadd.f32 v13, v7  }
0x10a: {  	s17 =	sadd.s32 $0x8, s17;
	v17 =	vcvt.s32.f32 v14;
	s20 =	sshll.u32 s21, $0xA;
	v13 =	vadd.f32 v10, v11;
	v14 =	vadd.f32 v5, v8  }
0x10b: {  	p0 =	slt.u32 s17, $0xF8;
	vm1 =	vgt.f32 v1, $5.000000000e-01;
	v18 =	vcvt.s32.f32 v25;
	vm0 =	vgt.f32 v3, $5.000000000e-01;
	s20 =	sadd.s32 s20, s19  }
0x10c: {  	vm2 =	vgt.f32 v4, $5.000000000e-01;
	v21 =	vcvt.s32.f32 v21;
	v25 =	vcvt.s32.f32 v19;
	s21 =	sor.u32 $0x3070, s20  }
0x10d: {  	vm4 =	vgt.f32 v2, $5.000000000e-01;
	vm3 =	vgt.f32 v6, $5.000000000e-01;
	s20 =	sor.u32 $0x3060, s20;
	v31 =	vcvt.s32.f32 v15;
	v24 =	vld [tilespmem:s21+$0x4000]  }
0x10e: {  	v7 =	vnsel vm1, $0x0, v1;
	vm5 =	vgt.f32 v27, $5.000000000e-01;
	v26 =	vcvt.s32.f32 v12;
	v28 =	vld [tilespmem:s20+$0x4000]  }
0x10f: {  	v16 =	vnsel vm2, $0x0, v4;
	v9 =	vsel vm1, $0x3F800000, v0;
	v10 =	vnsel vm0, $0x0, v3;
	v5 =	vld [tilespmem:s21+$0x0]  }
0x110: {  	v20 =	vnsel vm4, $0x0, v2;
	v23 =	vnsel vm3, $0x0, v6;
	v15 =	vsel vm0, $0x3F800000, v0;
	v8 =	vld [tilespmem:s20+$0x0]  }
0x111: {  	v22 =	vsel vm4, $0x3F800000, v0;
	v19 =	vsel vm2, $0x3F800000, v0;
	v32 =	vnsel vm5, $0x0, v27  }
.Ltmp3:
0x112: {  	v11 =	vmul.f32 v17, v9;
	v33 =	vsel vm5, $0x3F800000, v0;
	v12 =	vcvt.s32.f32 v24;
	(pc) =	sbr.rel @p0 .LBB2_9-.Ltmp3, $4  }
0x113: {  	v26 =	vmul.f32 v26, v33;
	v24 =	vsel vm3, $0x3F800000, v0;
	v17 =	vcvt.s32.f32 v28  }
0x114: {  	v21 =	vmul.f32 v21, v19;
	v18 =	vmul.f32 v18, v15;
	vm0 =	vgt.f32 v5, $5.000000000e-01  }
0x115: {  	v28 =	vmul.f32 v26, v27;
	v27 =	vmul.f32 v31, v24;
	vm1 =	vgt.f32 v8, $5.000000000e-01  }
0x116: {  	s18 =	sadd.s32 $0x400, s18;
	s19 =	sadd.s32 $0x20, s19;
	v25 =	vmul.f32 v25, v22;
	v29 =	vadd.f32 v33, v29;
	v30 =	vadd.f32 v32, v30  }
0x117: {  	v13 =	vadd.f32 v26, v13;
	v14 =	vadd.f32 v28, v14;
	v6 =	vmul.f32 v27, v6  }
0x118: {  	v26 =	vnsel vm1, $0x0, v8;
	v24 =	vadd.f32 v24, v29;
	v23 =	vadd.f32 v23, v30  }
0x119: {  	v2 =	vmul.f32 v25, v2;
	v13 =	vadd.f32 v27, v13;
	v6 =	vadd.f32 v6, v14  }
0x11a: {  	v61 =	vsel vm0, $0x3F800000, v0;
	v60 =	vadd.f32 v22, v24;
	v20 =	vadd.f32 v20, v23  }
0x11b: {  	v4 =	vmul.f32 v21, v4;
	v13 =	vadd.f32 v25, v13;
	v2 =	vadd.f32 v2, v6  }
0x11c: {  	v63 =	vsel vm1, $0x3F800000, v0;
	v6 =	vadd.f32 v19, v60;
	v62 =	vadd.f32 v16, v20  }
0x11d: {  	v3 =	vmul.f32 v18, v3;
	v13 =	vadd.f32 v21, v13;
	v2 =	vadd.f32 v4, v2  }
0x11e: {  	v1 =	vmul.f32 v11, v1;
	v4 =	vadd.f32 v15, v6;
	v6 =	vadd.f32 v10, v62  }
0x11f: {  	v10 =	vadd.f32 v18, v13;
	v2 =	vadd.f32 v3, v2;
	v3 =	vmul.f32 v17, v63  }
0x120: {  	s0 =	sadd.s32 $0x1, s0;
	v4 =	vadd.f32 v9, v4;
	v6 =	vadd.f32 v7, v6;
	v7 =	vmul.f32 v12, v61  }
0x121: {  	p0 =	sne.s32 s0, $0x5;
	v9 =	vadd.f32 v11, v10;
	v1 =	vadd.f32 v1, v2;
	v2 =	vmul.f32 v3, v8  }
.Ltmp4:
0x122: {  	v8 =	vnsel vm0, $0x0, v5;
	v6 =	vadd.f32 v26, v6;
	(pc) =	sbr.rel @p0 .LBB2_2-.Ltmp4, $4  }
0x123: {  	v3 =	vadd.f32 v3, v9;
	v1 =	vadd.f32 v2, v1;
	v2 =	vmul.f32 v7, v5  }
0x124: {  	v4 =	vadd.f32 v63, v4;
	v24 =	vadd.f32 v8, v6  }
0x125: {  	v8 =	vadd.f32 v7, v3;
	v7 =	vadd.f32 v2, v1  }
0x126: {  	v25 =	vadd.f32 v61, v4  }
0x127: {  	[tilespmem:$0x8010] =	vst v24  }
0x128: {  	[tilespmem:$0x8020] =	vst v8;
	s31 =	sadd.s32 $0x1, s31  }
0x129: {  	[tilespmem:$0x8030] =	vst v7;
	p0 =	sne.s32 s31, s16  }
.Ltmp5:
0x12a: {  	s0 =	simm.s32 $0x8000;
	[tilespmem:$0x8000] =	vst v25;
	(pc) =	sbr.rel @p0 .LBB2_1-.Ltmp5, $4  }
0x12b: {  	[hbm4b:s15+s4] =	stream.linear.scatter [tilespmem:s0], [sflag:$0x5], $0x80, $0x38;
	[tilespmem:$0x8080] =	vst v63  }
0x12c: {  	_ =	swait.ge [sflag:s30], $0x80  }
0x12d: {  	[sflag:s30] =	ssyncset.done $0x0  }
0x12e: {  	[sflag:s30] =	ssyncadd.s32 $0xFFFFFF80  }
0x12f: {  	_ =	sfence.sel $0x180000  }
0x130: {  	[bflag:$0x0] =	sbarrier.arrive $0xFFFF  }
0x131: {  	_ =	strace $0x9000004A  }
0x132: {  	s0 =	stileid.u32;
	[bflag:$0x2] =	sbarrier.arrive $0xFFFF  }
0x133: {  	p0 =	sne.s32 s0, $0x0;
	s0 =	rddreg [dreg:$0x3]  }
0x134: {  	s0 =	sadd.s32 @!p0 $0x100000, s0  }
0x135: {  	[sflag:s0] =	ssyncadd.tile.s32 @!p0 $0x1;
	_ =	shalt  }
.Lfunc_end2:
_tile_overlayer_lowered:
.L_overlay_start_2:
0x136: {  	(tag) =	ssettag $0x2  }
0x137: {  	s0 =	rddreg [dreg:$0x0];
	s2 =	stileid.u32  }
0x138: {  	s1 =	rddreg [dreg:$0x1];
	p0 =	sne.s32 s2, $0x0  }
0x139: {  	s3 =	rddreg [dreg:$0x2];
	[bflag:$0x3] =	sbarrier.arrive $0xFFFF;
	s2 =	simm.s32 @!p0 $0x1C05  }
0x13a: {  	[timem:s3], [sflag:s2] =	dma.local @!p0 [hbm:s0], s1  }
0x13b: {  	s0 =	simm.s32 @!p0 $0x5  }
0x13c: {  	_ =	swait.ge @!p0 [sflag:s0], s1  }
0x13d: {  	s1 =	ssub.s32 @!p0 $0x0, s1;
	[sflag:s0] =	ssyncset.done @!p0 $0x0  }
0x13e: {  	[sflag:s0] =	ssyncadd.s32 @!p0 s1  }
0x13f: {  	[bflag:$0x3] =	sbarrier.arrive $0xFFFF  }
0x140: {  	_ =	shalt  }

</sc_bundles>
